<compile_context>
chip_gen: v7x
topology: tpu7x:2x2x1
jax: 0.10.2.dev20260603
libtpu: 0.0.44.dev20260713+nightly
codegen_flags: <defaults>
</compile_context>

<pallas_src>
import functools

import jax
import jax.numpy as jnp
from jax import lax
from jax.experimental import pallas as pl
from jax.experimental.pallas import tpu as pltpu
from jax.experimental.pallas import tpu_sc as plsc

VOCAB = 49408
D = 512
N_CLS = 48
N_CTX = 8
MAX_SEG = 12
MAX_LEN = 256
IGNORE = -100
CLIP = 512

TAB_ROWS = 672
CTX_OFF = TAB_ROWS
PREFIX_ROW = CTX_OFF + N_CLS * N_CTX
ZERO_ROW = PREFIX_ROW + 1
SUFFIX_ROW = PREFIX_ROW + 2
NSRC = 1064


def _prep_body(labels_ref, table_ref, ctx_ref, pre_ref, suf_ref,
               gid_ref, s_ref):
    B, n = labels_ref.shape
    labels = labels_ref[...]
    lab_f = labels.astype(jnp.float32)

    km = lax.broadcasted_iota(jnp.int32, (n, n), 0)
    kn = lax.broadcasted_iota(jnp.int32, (n, n), 1)
    shift = (km == kn - 1).astype(jnp.float32)
    prev_f = jnp.dot(lab_f, shift, preferred_element_type=jnp.float32)

    pos = lax.broadcasted_iota(jnp.int32, (B, n), 1)
    chg = jnp.where(pos == 0, 1.0,
                    jnp.where(lab_f != prev_f, 1.0, 0.0))
    tri = (km <= kn).astype(jnp.float32)
    csum = jnp.dot(chg, tri, preferred_element_type=jnp.float32)

    idxs = [jnp.sum((csum <= float(j)).astype(jnp.int32), axis=1, keepdims=True)
            for j in range(MAX_SEG + 1)]
    labs, cnts = [], []
    for i in range(MAX_SEG):
        sel = (pos == idxs[i])
        labs.append(jnp.sum(jnp.where(sel, labels, 0), axis=1, keepdims=True))
        cnts.append(jnp.where(idxs[i] < n, idxs[i + 1] - idxs[i], 0))
    has_ign = jnp.sum((labels == IGNORE).astype(jnp.int32),
                      axis=1, keepdims=True) > 0

    p = lax.broadcasted_iota(jnp.int32, (B, MAX_LEN), 1)
    ps = jnp.clip(p - 1, 0, MAX_SEG * 21 - 1)
    seg = ps // 21
    r = ps - seg * 21
    cnt_sel = jnp.zeros((B, MAX_LEN), jnp.int32)
    lab_sel = jnp.zeros((B, MAX_LEN), jnp.int32)
    for i in range(MAX_SEG):
        mi = (seg == i)
        cnt_sel = jnp.where(mi, jnp.broadcast_to(cnts[i], (B, MAX_LEN)), cnt_sel)
        lab_sel = jnp.where(mi, jnp.broadcast_to(labs[i], (B, MAX_LEN)), lab_sel)
    gid = jnp.where(r < 10, r + seg * 13 + cnt_sel,
                    jnp.where(r < 10 + N_CTX,
                              CTX_OFF + lab_sel * N_CTX + (r - 10),
                              (r - 18) + lab_sel * 7 + 1))
    gid = jnp.where(p == 0, PREFIX_ROW, gid)
    gid = jnp.where(p >= 1 + MAX_SEG * 21, ZERO_ROW, gid)
    gid = jnp.where(has_ign, SUFFIX_ROW, gid)
    gid_ref[...] = gid

    s_ref[0:TAB_ROWS, :] = table_ref[...]
    s_ref[CTX_OFF:PREFIX_ROW, :] = ctx_ref[...].reshape(N_CLS * N_CTX, D)
    s_ref[PREFIX_ROW:NSRC, :] = jnp.zeros((NSRC - PREFIX_ROW, D), jnp.float32)
    s_ref[PREFIX_ROW:PREFIX_ROW + 1, :] = pre_ref[...]
    s_ref[SUFFIX_ROW:SUFFIX_ROW + 1, :] = suf_ref[...]


def _prep(labels, table, ctx, pre, suf):
    B = labels.shape[0]
    return pl.pallas_call(
        _prep_body,
        grid=(1,),
        out_shape=[
            jax.ShapeDtypeStruct((B, MAX_LEN), jnp.int32),
            jax.ShapeDtypeStruct((NSRC, D), jnp.float32),
        ],
        in_specs=[
            pl.BlockSpec((B, CLIP), lambda i: (0, 0)),
            pl.BlockSpec((TAB_ROWS, D), lambda i: (0, 0)),
            pl.BlockSpec((N_CLS, N_CTX, D), lambda i: (0, 0, 0)),
            pl.BlockSpec((1, D), lambda i: (0, 0)),
            pl.BlockSpec((1, D), lambda i: (0, 0)),
        ],
        out_specs=[
            pl.BlockSpec((B, MAX_LEN), lambda i: (0, 0)),
            pl.BlockSpec((NSRC, D), lambda i: (0, 0)),
        ],
    )(labels, table, ctx, pre, suf)


CH = 64
MH = 32


@functools.lru_cache(maxsize=None)
def _make_gather(nrows):
    info = plsc.get_sparse_core_info()
    nc = info.num_cores
    ns = info.num_subcores
    rp = nrows // (nc * ns)
    nch = rp // CH
    mesh = plsc.VectorSubcoreMesh(core_axis_name="c", subcore_axis_name="s")

    scratch = ([pltpu.VMEM((rp,), jnp.int32)]
               + [pltpu.VMEM((CH, D), jnp.float32) for _ in range(2)]
               + [pltpu.VMEM((MH, D), jnp.float32) for _ in range(2)]
               + [pltpu.SemaphoreType.DMA for _ in range(6)])

    @functools.partial(
        pl.kernel, mesh=mesh,
        out_type=[jax.ShapeDtypeStruct((nrows, D), jnp.float32),
                  jax.ShapeDtypeStruct((nrows, D), jnp.float32)],
        scratch_types=scratch,
    )
    def gather_k(s_hbm, gid_hbm, outp, outm, idx_v, *bs):
        sbufs = bs[:2]
        mbufs = bs[2:4]
        gsems = bs[4:6]
        psems = bs[6:8]
        msems = bs[8:10]
        wid = lax.axis_index("s") * nc + lax.axis_index("c")
        base = wid * rp
        pltpu.sync_copy(
            gid_hbm.at[wid // 2, pl.ds(pl.multiple_of((wid % 2) * rp, 8), rp)],
            idx_v)

        def gcopy(j):
            return pltpu.make_async_copy(
                s_hbm.at[idx_v.at[pl.ds(j * CH, CH)]],
                sbufs[j], gsems[j])

        def wpcopy(j):
            return pltpu.make_async_copy(
                sbufs[j],
                outp.at[pl.ds(base + j * CH, CH)], psems[j])

        def wmcopy(j, h):
            return pltpu.make_async_copy(
                mbufs[h],
                outm.at[pl.ds(base + j * CH + h * MH, MH)], msems[h])

        for j in range(nch):
            gcopy(j).start()
        for j in range(nch):
            gcopy(j).wait()
            wpcopy(j).start()
            for h in range(CH // MH):
                if j > 0:
                    wmcopy(j - 1, h).wait()

                def row_mask(r, _, sb=sbufs[j], mb=mbufs[h], off=h * MH):
                    for v in range(D // 16):
                        x = sb[off + r, pl.ds(v * 16, 16)]
                        mb[r, pl.ds(v * 16, 16)] = jnp.where(
                            x != 0.0, jnp.full((16,), 1.0, jnp.float32),
                            jnp.full((16,), 0.0, jnp.float32))
                    return _

                lax.fori_loop(0, MH, row_mask, 0)
                wmcopy(j, h).start()
        for j in range(nch):
            wpcopy(j).wait()
        for h in range(CH // MH):
            wmcopy(nch - 1, h).wait()

    return gather_k


def kernel(last_clip_labels, batch_size, table, ctx, token_prefix, token_suffix):
    B = last_clip_labels.shape[0]
    labels = last_clip_labels.astype(jnp.int32)
    pre = token_prefix.reshape(1, D).astype(jnp.float32)
    suf = token_suffix.reshape(1, D).astype(jnp.float32)
    gid, src = _prep(labels, table, ctx, pre, suf)
    prompts, masks = _make_gather(B * MAX_LEN)(src, gid)
    return prompts.reshape(B, MAX_LEN, D), masks.reshape(B, MAX_LEN, D)

# --- scband reference (transcript-rebuilt; emitter-appended) ---
"""Pipeline reference for scband-learner-text-encoder-54228257080103 (READ-ONLY COPY).

The authoritative reference and input builder live on the scoring server;
editing this copy changes nothing except your own understanding.
"""

import jax, jax.numpy as jnp
import numpy as np

VOCAB = 49408
D = 512
N_CLS = 48
N_CTX = 8
MAX_SEG = 12
MAX_LEN = 256
IGNORE = -100
BATCH = 16
CLIP_LEN = 512


def setup_inputs(seed: int = 0) -> dict:
    key = jax.random.key(seed)
    k1, k2, k3, k4, k5 = jax.random.split(key, 5)
    last_clip_labels = jax.random.randint(k1, (BATCH, CLIP_LEN), 0, N_CLS)
    table = jax.random.normal(k2, (VOCAB, D), jnp.float32) * 0.02
    ctx = jax.random.normal(k3, (N_CLS, N_CTX, D), jnp.float32) * 0.02
    token_prefix = jax.random.normal(k4, (1, 1, D), jnp.float32) * 0.02
    token_suffix = jax.random.normal(k5, (1, 1, D), jnp.float32) * 0.02
    return {
        'last_clip_labels': last_clip_labels,
        'batch_size': BATCH,
        'table': table,
        'ctx': ctx,
        'token_prefix': token_prefix,
        'token_suffix': token_suffix,
    }


def _convert_id_to_prompt(labels, table, ctx, token_prefix):
    # unique_consecutive on the label track (tokenizer replaced by a
    # deterministic id map so the embedding-gather pattern is preserved)
    n = labels.shape[0]
    change = jnp.concatenate([jnp.ones((1,), dtype=bool), labels[1:] != labels[:-1]])
    csum = jnp.cumsum(change)
    idxs = []
    for j in range(MAX_SEG + 1):
        match = csum == (j + 1)
        idxs.append(jnp.where(jnp.any(match), jnp.argmax(match), n))
    parts = [token_prefix]
    for i in range(MAX_SEG):
        valid = idxs[i] < n
        lab = jnp.where(valid, labels[idxs[i]], 0)
        cnt = jnp.where(valid, idxs[i + 1] - idxs[i], 0)
        # 10 order-prefix tokens -> embedding gather
        prefix_ids = (jnp.arange(10) + i * 13 + cnt) % VOCAB
        # 3 class-name tokens -> embedding gather
        label_ids = (jnp.arange(3) + lab * 7 + 1) % VOCAB
        pe = jnp.take(table, prefix_ids, axis=0)[None]
        le = jnp.take(table, label_ids, axis=0)[None]
        learner = jnp.take(ctx, lab, axis=0)[None]
        parts.append(jnp.concatenate([pe, learner, le], axis=1))
    return jnp.concatenate(parts, axis=1)


def reference(last_clip_labels, batch_size, table, ctx, token_prefix, token_suffix):
    n_rows = last_clip_labels.shape[0]
    d = token_suffix.shape[-1]
    rows = []
    for b in range(n_rows):
        labels = last_clip_labels[b]
        has_ign = jnp.any(labels == IGNORE)
        emb = _convert_id_to_prompt(labels, table, ctx, token_prefix)[0]
        emb = jnp.pad(emb, ((0, MAX_LEN - emb.shape[0]), (0, 0)))
        ign = jnp.broadcast_to(token_suffix, (1, MAX_LEN, d))[0]
        rows.append(jnp.where(has_ign, ign, emb))
    prompts = jnp.stack(rows, axis=0)
    prompts = prompts + jnp.asarray(batch_size).astype(prompts.dtype) * 0
    pad_masks = jnp.where(prompts != 0.0, jnp.ones_like(prompts), jnp.zeros_like(prompts))
    return prompts, pad_masks

if __name__ == "__main__":
    import jax
    _d = setup_inputs()
    print(jax.jit(kernel)(*tuple(_d.values())))

</pallas_src>

<mosaic_0001>
#map = affine_map<(d0, d1) -> (0, 0)>
module attributes {stable_mosaic.version = 14 : i64} {
  func.func @gather_k(%arg0: i32, %arg1: i32, %arg2: memref<1064x512xf32, #tpu.memory_space<hbm>>, %arg3: memref<16x256xi32, #tpu.memory_space<hbm>>, %arg4: memref<4096x512xf32, #tpu.memory_space<hbm>>, %arg5: memref<4096x512xf32, #tpu.memory_space<hbm>>, %arg6: memref<128xi32, #tpu.memory_space<vmem>>, %arg7: memref<64x512xf32, #tpu.memory_space<vmem>>, %arg8: memref<64x512xf32, #tpu.memory_space<vmem>>, %arg9: memref<32x512xf32, #tpu.memory_space<vmem>>, %arg10: memref<32x512xf32, #tpu.memory_space<vmem>>, %arg11: memref<!tpu.dma_semaphore, #tpu.memory_space<semaphore_mem>>, %arg12: memref<!tpu.dma_semaphore, #tpu.memory_space<semaphore_mem>>, %arg13: memref<!tpu.dma_semaphore, #tpu.memory_space<semaphore_mem>>, %arg14: memref<!tpu.dma_semaphore, #tpu.memory_space<semaphore_mem>>, %arg15: memref<!tpu.dma_semaphore, #tpu.memory_space<semaphore_mem>>, %arg16: memref<!tpu.dma_semaphore, #tpu.memory_space<semaphore_mem>>) attributes {dimension_semantics = [#tpu.dimension_semantics<core_parallel>, #tpu.dimension_semantics<subcore_parallel>], iteration_bounds = array<i64: 2, 16>, scalar_prefetch = 0 : i64, scratch_operands = 11 : i64, tpu.core_type = #tpu.core_type<sc_vector_subcore>, window_params = [{transform_indices = #map}, {transform_indices = #map}, {transform_indices = #map}, {transform_indices = #map}]} {
    %mul3A = arith.constant 2 : i32
    %mul3A_0 = arith.muli %arg1, %mul3A : i32
    %add3A = arith.addi %mul3A_0, %arg0 : i32
    %mul3A_1 = arith.constant 128 : i32
    %mul3A_2 = arith.muli %add3A, %mul3A_1 : i32
    %jit3A = arith.constant 2 : i32
    %div3A = arith.divsi %add3A, %jit3A : i32
    %sign3A = arith.constant 0 : i32
    %sign3A_3 = arith.cmpi sgt, %add3A, %sign3A : i32
    %sign3A_4 = arith.extui %sign3A_3 : i1 to i32
    %sign3A_5 = arith.constant 0 : i32
    %sign3A_6 = arith.cmpi slt, %add3A, %sign3A_5 : i32
    %sign3A_7 = arith.extui %sign3A_6 : i1 to i32
    %sign3A_8 = arith.subi %sign3A_4, %sign3A_7 : i32
    %sign3A_9 = arith.constant 0 : i32
    %sign3A_10 = arith.cmpi sgt, %jit3A, %sign3A_9 : i32
    %sign3A_11 = arith.extui %sign3A_10 : i1 to i32
    %sign3A_12 = arith.constant 0 : i32
    %sign3A_13 = arith.cmpi slt, %jit3A, %sign3A_12 : i32
    %sign3A_14 = arith.extui %sign3A_13 : i1 to i32
    %sign3A_15 = arith.subi %sign3A_11, %sign3A_14 : i32
    %ne3A = arith.cmpi ne, %sign3A_8, %sign3A_15 : i32
    %rem3A = arith.remsi %add3A, %jit3A : i32
    %ne3A_16 = arith.constant 0 : i32
    %ne3A_17 = arith.cmpi ne, %rem3A, %ne3A_16 : i32
    %and3A = arith.andi %ne3A, %ne3A_17 : i1
    %sub3A = arith.constant 1 : i32
    %sub3A_18 = arith.subi %div3A, %sub3A : i32
    %select_n3A = arith.select %and3A, %sub3A_18, %div3A : i32
    %jit3A_19 = arith.constant 2 : i32
    %eq3A = arith.constant 0 : i32
    %eq3A_20 = arith.cmpi eq, %jit3A_19, %eq3A : i32
    %jit3A_21 = arith.constant 1 : i32
    %select_n3A_22 = arith.select %eq3A_20, %jit3A_21, %jit3A_19 : i32
    %rem3A_23 = arith.remsi %add3A, %select_n3A_22 : i32
    %ne3A_24 = arith.constant 0 : i32
    %ne3A_25 = arith.cmpi ne, %rem3A_23, %ne3A_24 : i32
    %lt3A = arith.constant 0 : i32
    %lt3A_26 = arith.cmpi slt, %rem3A_23, %lt3A : i32
    %lt3A_27 = arith.constant 0 : i32
    %lt3A_28 = arith.cmpi slt, %select_n3A_22, %lt3A_27 : i32
    %ne3A_29 = arith.xori %lt3A_26, %lt3A_28 : i1
    %and3A_30 = arith.andi %ne3A_29, %ne3A_25 : i1
    %add3A_31 = arith.addi %rem3A_23, %select_n3A_22 : i32
    %select_n3A_32 = arith.select %and3A_30, %add3A_31, %rem3A_23 : i32
    %mul3A_33 = arith.constant 128 : i32
    %mul3A_34 = arith.muli %select_n3A_32, %mul3A_33 : i32
    %multiple_of3A = tpu.assume_multiple %mul3A_34, 8 : i32
    "tpu.region"() ({
      %run_scoped3A = tpu.sem_alloc : memref<!tpu.dma_semaphore, #tpu.memory_space<semaphore_mem>>
      %dma_start3A_164 = tpu.memref_slice %arg3[%select_n3A, %multiple_of3A] : memref<16x256xi32, #tpu.memory_space<hbm>> -> memref<1x128xi32, #tpu.memory_space<hbm>>
      %dma_start3A_165 = tpu.memref_squeeze %dma_start3A_164 : memref<1x128xi32, #tpu.memory_space<hbm>> -> memref<128xi32, #tpu.memory_space<hbm>>
      %dma_start3A_166 = tpu.memref_slice %arg3[%select_n3A, %multiple_of3A] : memref<16x256xi32, #tpu.memory_space<hbm>> -> memref<1x128xi32, #tpu.memory_space<hbm>>
      %dma_start3A_167 = tpu.memref_squeeze %dma_start3A_166 : memref<1x128xi32, #tpu.memory_space<hbm>> -> memref<128xi32, #tpu.memory_space<hbm>>
      tpu.enqueue_dma source(%dma_start3A_167 : memref<128xi32, #tpu.memory_space<hbm>>) target(%arg6 : memref<128xi32, #tpu.memory_space<vmem>>) target_semaphore(%run_scoped3A : memref<!tpu.dma_semaphore, #tpu.memory_space<semaphore_mem>>)
      %dma_wait3A_168 = tpu.memref_slice %arg3[%select_n3A, %multiple_of3A] : memref<16x256xi32, #tpu.memory_space<hbm>> -> memref<1x128xi32, #tpu.memory_space<hbm>>
      %dma_wait3A_169 = tpu.memref_squeeze %dma_wait3A_168 : memref<1x128xi32, #tpu.memory_space<hbm>> -> memref<128xi32, #tpu.memory_space<hbm>>
      %dma_wait3A_170 = tpu.memref_slice %arg3[%select_n3A, %multiple_of3A] : memref<16x256xi32, #tpu.memory_space<hbm>> -> memref<1x128xi32, #tpu.memory_space<hbm>>
      %dma_wait3A_171 = tpu.memref_squeeze %dma_wait3A_170 : memref<1x128xi32, #tpu.memory_space<hbm>> -> memref<128xi32, #tpu.memory_space<hbm>>
      tpu.wait_dma2 semaphore(%run_scoped3A : memref<!tpu.dma_semaphore, #tpu.memory_space<semaphore_mem>>) src(%dma_wait3A_171 : memref<128xi32, #tpu.memory_space<hbm>>) dst(%arg6 : memref<128xi32, #tpu.memory_space<vmem>>)
      tpu.yield
    }) : () -> ()
    %dma_start3A = arith.constant 0 : i32
    %dma_start3A_35 = tpu.memref_slice %arg6[%dma_start3A] : memref<128xi32, #tpu.memory_space<vmem>> -> memref<64xi32, #tpu.memory_space<vmem>>
    %dma_start3A_36 = arith.constant 0 : i32
    %dma_start3A_37 = arith.constant 0 : i32
    %dma_start3A_38 = tpu.memref_slice %arg2[%dma_start3A_36, %dma_start3A_37] : memref<1064x512xf32, #tpu.memory_space<hbm>> -> memref<1064x512xf32, #tpu.memory_space<hbm>>
    tpu.enqueue_indirect_dma source(%dma_start3A_38 : memref<1064x512xf32, #tpu.memory_space<hbm>>) target(%arg7 : memref<64x512xf32, #tpu.memory_space<vmem>>) offsets(%dma_start3A_35 : memref<64xi32, #tpu.memory_space<vmem>>) semaphore(%arg11 : memref<!tpu.dma_semaphore, #tpu.memory_space<semaphore_mem>>)
    %dma_start3A_39 = arith.constant 64 : i32
    %dma_start3A_40 = tpu.memref_slice %arg6[%dma_start3A_39] : memref<128xi32, #tpu.memory_space<vmem>> -> memref<64xi32, #tpu.memory_space<vmem>>
    %dma_start3A_41 = arith.constant 0 : i32
    %dma_start3A_42 = arith.constant 0 : i32
    %dma_start3A_43 = tpu.memref_slice %arg2[%dma_start3A_41, %dma_start3A_42] : memref<1064x512xf32, #tpu.memory_space<hbm>> -> memref<1064x512xf32, #tpu.memory_space<hbm>>
    tpu.enqueue_indirect_dma source(%dma_start3A_43 : memref<1064x512xf32, #tpu.memory_space<hbm>>) target(%arg8 : memref<64x512xf32, #tpu.memory_space<vmem>>) offsets(%dma_start3A_40 : memref<64xi32, #tpu.memory_space<vmem>>) semaphore(%arg12 : memref<!tpu.dma_semaphore, #tpu.memory_space<semaphore_mem>>)
    %dma_wait3A = arith.constant 0 : i32
    %dma_wait3A_44 = tpu.memref_slice %arg6[%dma_wait3A] : memref<128xi32, #tpu.memory_space<vmem>> -> memref<64xi32, #tpu.memory_space<vmem>>
    %dma_wait3A_45 = arith.constant 0 : i32
    %dma_wait3A_46 = arith.constant 0 : i32
    %dma_wait3A_47 = tpu.memref_slice %arg2[%dma_wait3A_45, %dma_wait3A_46] : memref<1064x512xf32, #tpu.memory_space<hbm>> -> memref<1064x512xf32, #tpu.memory_space<hbm>>
    tpu.wait_indirect_dma semaphore(%arg11 : memref<!tpu.dma_semaphore, #tpu.memory_space<semaphore_mem>>) src(%dma_wait3A_47 : memref<1064x512xf32, #tpu.memory_space<hbm>>) dst(%arg7 : memref<64x512xf32, #tpu.memory_space<vmem>>)
    %add3A_48 = arith.constant 0 : i32
    %add3A_49 = arith.addi %mul3A_2, %add3A_48 : i32
    %dma_start3A_50 = arith.constant 0 : i32
    %dma_start3A_51 = tpu.memref_slice %arg4[%add3A_49, %dma_start3A_50] : memref<4096x512xf32, #tpu.memory_space<hbm>> -> memref<64x512xf32, #tpu.memory_space<hbm>>
    %dma_start3A_52 = arith.constant 0 : i32
    %dma_start3A_53 = tpu.memref_slice %arg4[%add3A_49, %dma_start3A_52] : memref<4096x512xf32, #tpu.memory_space<hbm>> -> memref<64x512xf32, #tpu.memory_space<hbm>>
    tpu.enqueue_dma source(%arg7 : memref<64x512xf32, #tpu.memory_space<vmem>>) target(%dma_start3A_53 : memref<64x512xf32, #tpu.memory_space<hbm>>) target_semaphore(%arg13 : memref<!tpu.dma_semaphore, #tpu.memory_space<semaphore_mem>>)
    %scan3A = arith.constant 0 : i32
    %scan3A_54 = arith.constant 0 : i32
    %scan3A_55 = arith.constant 32 : i32
    %scan3A_56 = arith.addi %scan3A_54, %scan3A_55 : i32
    %scan3A_57 = arith.constant 1 : i32
    scf.for %scan3A_164 = %scan3A_54 to %scan3A_56 step %scan3A_57  : i32 {
      %add3A_165 = arith.constant 0 : i32
      %add3A_166 = arith.addi %add3A_165, %scan3A_164 : i32
      %get3A = arith.index_cast %add3A_166 : i32 to index
      %get3A_167 = arith.constant 0 : index
      %get3A_168 = tpu.vector_load %arg7[%get3A, %get3A_167] {strides = array<i32>} : memref<64x512xf32, #tpu.memory_space<vmem>>, vector<1x16xf32>,
      %get3A_169 = vector.shape_cast %get3A_168 : vector<1x16xf32> to vector<16xf32>
      %ne3A_170 = arith.constant 0.000000e+00 : f32
      %ne3A_171 = vector.broadcast %ne3A_170 : f32 to vector<16xf32>
      %ne3A_172 = arith.cmpf one, %get3A_169, %ne3A_171 : vector<16xf32>
      %broadcast_in_dim3A = arith.constant 1.000000e+00 : f32
      %broadcast_in_dim3A_173 = vector.broadcast %broadcast_in_dim3A : f32 to vector<16xf32>
      %broadcast_in_dim3A_174 = arith.constant 0.000000e+00 : f32
      %broadcast_in_dim3A_175 = vector.broadcast %broadcast_in_dim3A_174 : f32 to vector<16xf32>
      %select_n3A_176 = arith.select %ne3A_172, %broadcast_in_dim3A_173, %broadcast_in_dim3A_175 : vector<16xi1>, vector<16xf32>
      %swap3A = arith.index_cast %scan3A_164 : i32 to index
      %swap3A_177 = arith.constant 0 : index
      %swap3A_178 = tpu.vector_load %arg9[%swap3A, %swap3A_177] {strides = array<i32>} : memref<32x512xf32, #tpu.memory_space<vmem>>, vector<1x16xf32>,
      %swap3A_179 = vector.shape_cast %swap3A_178 : vector<1x16xf32> to vector<16xf32>
      %swap3A_180 = vector.shape_cast %select_n3A_176 : vector<16xf32> to vector<1x16xf32>
      tpu.vector_store %arg9[%swap3A, %swap3A_177], %swap3A_180 {strides = array<i32>} : memref<32x512xf32, #tpu.memory_space<vmem>>, vector<1x16xf32>,
      %add3A_181 = arith.constant 0 : i32
      %add3A_182 = arith.addi %add3A_181, %scan3A_164 : i32
      %get3A_183 = arith.index_cast %add3A_182 : i32 to index
      %get3A_184 = arith.constant 16 : index
      %get3A_185 = tpu.vector_load %arg7[%get3A_183, %get3A_184] {strides = array<i32>} : memref<64x512xf32, #tpu.memory_space<vmem>>, vector<1x16xf32>,
      %get3A_186 = vector.shape_cast %get3A_185 : vector<1x16xf32> to vector<16xf32>
      %ne3A_187 = arith.constant 0.000000e+00 : f32
      %ne3A_188 = vector.broadcast %ne3A_187 : f32 to vector<16xf32>
      %ne3A_189 = arith.cmpf one, %get3A_186, %ne3A_188 : vector<16xf32>
      %broadcast_in_dim3A_190 = arith.constant 1.000000e+00 : f32
      %broadcast_in_dim3A_191 = vector.broadcast %broadcast_in_dim3A_190 : f32 to vector<16xf32>
      %broadcast_in_dim3A_192 = arith.constant 0.000000e+00 : f32
      %broadcast_in_dim3A_193 = vector.broadcast %broadcast_in_dim3A_192 : f32 to vector<16xf32>
      %select_n3A_194 = arith.select %ne3A_189, %broadcast_in_dim3A_191, %broadcast_in_dim3A_193 : vector<16xi1>, vector<16xf32>
      %swap3A_195 = arith.index_cast %scan3A_164 : i32 to index
      %swap3A_196 = arith.constant 16 : index
      %swap3A_197 = tpu.vector_load %arg9[%swap3A_195, %swap3A_196] {strides = array<i32>} : memref<32x512xf32, #tpu.memory_space<vmem>>, vector<1x16xf32>,
      %swap3A_198 = vector.shape_cast %swap3A_197 : vector<1x16xf32> to vector<16xf32>
      %swap3A_199 = vector.shape_cast %select_n3A_194 : vector<16xf32> to vector<1x16xf32>
      tpu.vector_store %arg9[%swap3A_195, %swap3A_196], %swap3A_199 {strides = array<i32>} : memref<32x512xf32, #tpu.memory_space<vmem>>, vector<1x16xf32>,
      %add3A_200 = arith.constant 0 : i32
      %add3A_201 = arith.addi %add3A_200, %scan3A_164 : i32
      %get3A_202 = arith.index_cast %add3A_201 : i32 to index
      %get3A_203 = arith.constant 32 : index
      %get3A_204 = tpu.vector_load %arg7[%get3A_202, %get3A_203] {strides = array<i32>} : memref<64x512xf32, #tpu.memory_space<vmem>>, vector<1x16xf32>,
      %get3A_205 = vector.shape_cast %get3A_204 : vector<1x16xf32> to vector<16xf32>
      %ne3A_206 = arith.constant 0.000000e+00 : f32
      %ne3A_207 = vector.broadcast %ne3A_206 : f32 to vector<16xf32>
      %ne3A_208 = arith.cmpf one, %get3A_205, %ne3A_207 : vector<16xf32>
      %broadcast_in_dim3A_209 = arith.constant 1.000000e+00 : f32
      %broadcast_in_dim3A_210 = vector.broadcast %broadcast_in_dim3A_209 : f32 to vector<16xf32>
      %broadcast_in_dim3A_211 = arith.constant 0.000000e+00 : f32
      %broadcast_in_dim3A_212 = vector.broadcast %broadcast_in_dim3A_211 : f32 to vector<16xf32>
      %select_n3A_213 = arith.select %ne3A_208, %broadcast_in_dim3A_210, %broadcast_in_dim3A_212 : vector<16xi1>, vector<16xf32>
      %swap3A_214 = arith.index_cast %scan3A_164 : i32 to index
      %swap3A_215 = arith.constant 32 : index
      %swap3A_216 = tpu.vector_load %arg9[%swap3A_214, %swap3A_215] {strides = array<i32>} : memref<32x512xf32, #tpu.memory_space<vmem>>, vector<1x16xf32>,
      %swap3A_217 = vector.shape_cast %swap3A_216 : vector<1x16xf32> to vector<16xf32>
      %swap3A_218 = vector.shape_cast %select_n3A_213 : vector<16xf32> to vector<1x16xf32>
      tpu.vector_store %arg9[%swap3A_214, %swap3A_215], %swap3A_218 {strides = array<i32>} : memref<32x512xf32, #tpu.memory_space<vmem>>, vector<1x16xf32>,
      %add3A_219 = arith.constant 0 : i32
      %add3A_220 = arith.addi %add3A_219, %scan3A_164 : i32
      %get3A_221 = arith.index_cast %add3A_220 : i32 to index
      %get3A_222 = arith.constant 48 : index
      %get3A_223 = tpu.vector_load %arg7[%get3A_221, %get3A_222] {strides = array<i32>} : memref<64x512xf32, #tpu.memory_space<vmem>>, vector<1x16xf32>,
      %get3A_224 = vector.shape_cast %get3A_223 : vector<1x16xf32> to vector<16xf32>
      %ne3A_225 = arith.constant 0.000000e+00 : f32
      %ne3A_226 = vector.broadcast %ne3A_225 : f32 to vector<16xf32>
      %ne3A_227 = arith.cmpf one, %get3A_224, %ne3A_226 : vector<16xf32>
      %broadcast_in_dim3A_228 = arith.constant 1.000000e+00 : f32
      %broadcast_in_dim3A_229 = vector.broadcast %broadcast_in_dim3A_228 : f32 to vector<16xf32>
      %broadcast_in_dim3A_230 = arith.constant 0.000000e+00 : f32
      %broadcast_in_dim3A_231 = vector.broadcast %broadcast_in_dim3A_230 : f32 to vector<16xf32>
      %select_n3A_232 = arith.select %ne3A_227, %broadcast_in_dim3A_229, %broadcast_in_dim3A_231 : vector<16xi1>, vector<16xf32>
      %swap3A_233 = arith.index_cast %scan3A_164 : i32 to index
      %swap3A_234 = arith.constant 48 : index
      %swap3A_235 = tpu.vector_load %arg9[%swap3A_233, %swap3A_234] {strides = array<i32>} : memref<32x512xf32, #tpu.memory_space<vmem>>, vector<1x16xf32>,
      %swap3A_236 = vector.shape_cast %swap3A_235 : vector<1x16xf32> to vector<16xf32>
      %swap3A_237 = vector.shape_cast %select_n3A_232 : vector<16xf32> to vector<1x16xf32>
      tpu.vector_store %arg9[%swap3A_233, %swap3A_234], %swap3A_237 {strides = array<i32>} : memref<32x512xf32, #tpu.memory_space<vmem>>, vector<1x16xf32>,
      %add3A_238 = arith.constant 0 : i32
      %add3A_239 = arith.addi %add3A_238, %scan3A_164 : i32
      %get3A_240 = arith.index_cast %add3A_239 : i32 to index
      %get3A_241 = arith.constant 64 : index
      %get3A_242 = tpu.vector_load %arg7[%get3A_240, %get3A_241] {strides = array<i32>} : memref<64x512xf32, #tpu.memory_space<vmem>>, vector<1x16xf32>,
      %get3A_243 = vector.shape_cast %get3A_242 : vector<1x16xf32> to vector<16xf32>
      %ne3A_244 = arith.constant 0.000000e+00 : f32
      %ne3A_245 = vector.broadcast %ne3A_244 : f32 to vector<16xf32>
      %ne3A_246 = arith.cmpf one, %get3A_243, %ne3A_245 : vector<16xf32>
      %broadcast_in_dim3A_247 = arith.constant 1.000000e+00 : f32
      %broadcast_in_dim3A_248 = vector.broadcast %broadcast_in_dim3A_247 : f32 to vector<16xf32>
      %broadcast_in_dim3A_249 = arith.constant 0.000000e+00 : f32
      %broadcast_in_dim3A_250 = vector.broadcast %broadcast_in_dim3A_249 : f32 to vector<16xf32>
      %select_n3A_251 = arith.select %ne3A_246, %broadcast_in_dim3A_248, %broadcast_in_dim3A_250 : vector<16xi1>, vector<16xf32>
      %swap3A_252 = arith.index_cast %scan3A_164 : i32 to index
      %swap3A_253 = arith.constant 64 : index
      %swap3A_254 = tpu.vector_load %arg9[%swap3A_252, %swap3A_253] {strides = array<i32>} : memref<32x512xf32, #tpu.memory_space<vmem>>, vector<1x16xf32>,
      %swap3A_255 = vector.shape_cast %swap3A_254 : vector<1x16xf32> to vector<16xf32>
      %swap3A_256 = vector.shape_cast %select_n3A_251 : vector<16xf32> to vector<1x16xf32>
      tpu.vector_store %arg9[%swap3A_252, %swap3A_253], %swap3A_256 {strides = array<i32>} : memref<32x512xf32, #tpu.memory_space<vmem>>, vector<1x16xf32>,
      %add3A_257 = arith.constant 0 : i32
      %add3A_258 = arith.addi %add3A_257, %scan3A_164 : i32
      %get3A_259 = arith.index_cast %add3A_258 : i32 to index
      %get3A_260 = arith.constant 80 : index
      %get3A_261 = tpu.vector_load %arg7[%get3A_259, %get3A_260] {strides = array<i32>} : memref<64x512xf32, #tpu.memory_space<vmem>>, vector<1x16xf32>,
      %get3A_262 = vector.shape_cast %get3A_261 : vector<1x16xf32> to vector<16xf32>
      %ne3A_263 = arith.constant 0.000000e+00 : f32
      %ne3A_264 = vector.broadcast %ne3A_263 : f32 to vector<16xf32>
      %ne3A_265 = arith.cmpf one, %get3A_262, %ne3A_264 : vector<16xf32>
      %broadcast_in_dim3A_266 = arith.constant 1.000000e+00 : f32
      %broadcast_in_dim3A_267 = vector.broadcast %broadcast_in_dim3A_266 : f32 to vector<16xf32>
      %broadcast_in_dim3A_268 = arith.constant 0.000000e+00 : f32
      %broadcast_in_dim3A_269 = vector.broadcast %broadcast_in_dim3A_268 : f32 to vector<16xf32>
      %select_n3A_270 = arith.select %ne3A_265, %broadcast_in_dim3A_267, %broadcast_in_dim3A_269 : vector<16xi1>, vector<16xf32>
      %swap3A_271 = arith.index_cast %scan3A_164 : i32 to index
      %swap3A_272 = arith.constant 80 : index
      %swap3A_273 = tpu.vector_load %arg9[%swap3A_271, %swap3A_272] {strides = array<i32>} : memref<32x512xf32, #tpu.memory_space<vmem>>, vector<1x16xf32>,
      %swap3A_274 = vector.shape_cast %swap3A_273 : vector<1x16xf32> to vector<16xf32>
      %swap3A_275 = vector.shape_cast %select_n3A_270 : vector<16xf32> to vector<1x16xf32>
      tpu.vector_store %arg9[%swap3A_271, %swap3A_272], %swap3A_275 {strides = array<i32>} : memref<32x512xf32, #tpu.memory_space<vmem>>, vector<1x16xf32>,
      %add3A_276 = arith.constant 0 : i32
      %add3A_277 = arith.addi %add3A_276, %scan3A_164 : i32
      %get3A_278 = arith.index_cast %add3A_277 : i32 to index
      %get3A_279 = arith.constant 96 : index
      %get3A_280 = tpu.vector_load %arg7[%get3A_278, %get3A_279] {strides = array<i32>} : memref<64x512xf32, #tpu.memory_space<vmem>>, vector<1x16xf32>,
      %get3A_281 = vector.shape_cast %get3A_280 : vector<1x16xf32> to vector<16xf32>
      %ne3A_282 = arith.constant 0.000000e+00 : f32
      %ne3A_283 = vector.broadcast %ne3A_282 : f32 to vector<16xf32>
      %ne3A_284 = arith.cmpf one, %get3A_281, %ne3A_283 : vector<16xf32>
      %broadcast_in_dim3A_285 = arith.constant 1.000000e+00 : f32
      %broadcast_in_dim3A_286 = vector.broadcast %broadcast_in_dim3A_285 : f32 to vector<16xf32>
      %broadcast_in_dim3A_287 = arith.constant 0.000000e+00 : f32
      %broadcast_in_dim3A_288 = vector.broadcast %broadcast_in_dim3A_287 : f32 to vector<16xf32>
      %select_n3A_289 = arith.select %ne3A_284, %broadcast_in_dim3A_286, %broadcast_in_dim3A_288 : vector<16xi1>, vector<16xf32>
      %swap3A_290 = arith.index_cast %scan3A_164 : i32 to index
      %swap3A_291 = arith.constant 96 : index
      %swap3A_292 = tpu.vector_load %arg9[%swap3A_290, %swap3A_291] {strides = array<i32>} : memref<32x512xf32, #tpu.memory_space<vmem>>, vector<1x16xf32>,
      %swap3A_293 = vector.shape_cast %swap3A_292 : vector<1x16xf32> to vector<16xf32>
      %swap3A_294 = vector.shape_cast %select_n3A_289 : vector<16xf32> to vector<1x16xf32>
      tpu.vector_store %arg9[%swap3A_290, %swap3A_291], %swap3A_294 {strides = array<i32>} : memref<32x512xf32, #tpu.memory_space<vmem>>, vector<1x16xf32>,
      %add3A_295 = arith.constant 0 : i32
      %add3A_296 = arith.addi %add3A_295, %scan3A_164 : i32
      %get3A_297 = arith.index_cast %add3A_296 : i32 to index
      %get3A_298 = arith.constant 112 : index
      %get3A_299 = tpu.vector_load %arg7[%get3A_297, %get3A_298] {strides = array<i32>} : memref<64x512xf32, #tpu.memory_space<vmem>>, vector<1x16xf32>,
      %get3A_300 = vector.shape_cast %get3A_299 : vector<1x16xf32> to vector<16xf32>
      %ne3A_301 = arith.constant 0.000000e+00 : f32
      %ne3A_302 = vector.broadcast %ne3A_301 : f32 to vector<16xf32>
      %ne3A_303 = arith.cmpf one, %get3A_300, %ne3A_302 : vector<16xf32>
      %broadcast_in_dim3A_304 = arith.constant 1.000000e+00 : f32
      %broadcast_in_dim3A_305 = vector.broadcast %broadcast_in_dim3A_304 : f32 to vector<16xf32>
      %broadcast_in_dim3A_306 = arith.constant 0.000000e+00 : f32
      %broadcast_in_dim3A_307 = vector.broadcast %broadcast_in_dim3A_306 : f32 to vector<16xf32>
      %select_n3A_308 = arith.select %ne3A_303, %broadcast_in_dim3A_305, %broadcast_in_dim3A_307 : vector<16xi1>, vector<16xf32>
      %swap3A_309 = arith.index_cast %scan3A_164 : i32 to index
      %swap3A_310 = arith.constant 112 : index
      %swap3A_311 = tpu.vector_load %arg9[%swap3A_309, %swap3A_310] {strides = array<i32>} : memref<32x512xf32, #tpu.memory_space<vmem>>, vector<1x16xf32>,
      %swap3A_312 = vector.shape_cast %swap3A_311 : vector<1x16xf32> to vector<16xf32>
      %swap3A_313 = vector.shape_cast %select_n3A_308 : vector<16xf32> to vector<1x16xf32>
      tpu.vector_store %arg9[%swap3A_309, %swap3A_310], %swap3A_313 {strides = array<i32>} : memref<32x512xf32, #tpu.memory_space<vmem>>, vector<1x16xf32>,
      %add3A_314 = arith.constant 0 : i32
      %add3A_315 = arith.addi %add3A_314, %scan3A_164 : i32
      %get3A_316 = arith.index_cast %add3A_315 : i32 to index
      %get3A_317 = arith.constant 128 : index
      %get3A_318 = tpu.vector_load %arg7[%get3A_316, %get3A_317] {strides = array<i32>} : memref<64x512xf32, #tpu.memory_space<vmem>>, vector<1x16xf32>,
      %get3A_319 = vector.shape_cast %get3A_318 : vector<1x16xf32> to vector<16xf32>
      %ne3A_320 = arith.constant 0.000000e+00 : f32
      %ne3A_321 = vector.broadcast %ne3A_320 : f32 to vector<16xf32>
      %ne3A_322 = arith.cmpf one, %get3A_319, %ne3A_321 : vector<16xf32>
      %broadcast_in_dim3A_323 = arith.constant 1.000000e+00 : f32
      %broadcast_in_dim3A_324 = vector.broadcast %broadcast_in_dim3A_323 : f32 to vector<16xf32>
      %broadcast_in_dim3A_325 = arith.constant 0.000000e+00 : f32
      %broadcast_in_dim3A_326 = vector.broadcast %broadcast_in_dim3A_325 : f32 to vector<16xf32>
      %select_n3A_327 = arith.select %ne3A_322, %broadcast_in_dim3A_324, %broadcast_in_dim3A_326 : vector<16xi1>, vector<16xf32>
      %swap3A_328 = arith.index_cast %scan3A_164 : i32 to index
      %swap3A_329 = arith.constant 128 : index
      %swap3A_330 = tpu.vector_load %arg9[%swap3A_328, %swap3A_329] {strides = array<i32>} : memref<32x512xf32, #tpu.memory_space<vmem>>, vector<1x16xf32>,
      %swap3A_331 = vector.shape_cast %swap3A_330 : vector<1x16xf32> to vector<16xf32>
      %swap3A_332 = vector.shape_cast %select_n3A_327 : vector<16xf32> to vector<1x16xf32>
      tpu.vector_store %arg9[%swap3A_328, %swap3A_329], %swap3A_332 {strides = array<i32>} : memref<32x512xf32, #tpu.memory_space<vmem>>, vector<1x16xf32>,
      %add3A_333 = arith.constant 0 : i32
      %add3A_334 = arith.addi %add3A_333, %scan3A_164 : i32
      %get3A_335 = arith.index_cast %add3A_334 : i32 to index
      %get3A_336 = arith.constant 144 : index
      %get3A_337 = tpu.vector_load %arg7[%get3A_335, %get3A_336] {strides = array<i32>} : memref<64x512xf32, #tpu.memory_space<vmem>>, vector<1x16xf32>,
      %get3A_338 = vector.shape_cast %get3A_337 : vector<1x16xf32> to vector<16xf32>
      %ne3A_339 = arith.constant 0.000000e+00 : f32
      %ne3A_340 = vector.broadcast %ne3A_339 : f32 to vector<16xf32>
      %ne3A_341 = arith.cmpf one, %get3A_338, %ne3A_340 : vector<16xf32>
      %broadcast_in_dim3A_342 = arith.constant 1.000000e+00 : f32
      %broadcast_in_dim3A_343 = vector.broadcast %broadcast_in_dim3A_342 : f32 to vector<16xf32>
      %broadcast_in_dim3A_344 = arith.constant 0.000000e+00 : f32
      %broadcast_in_dim3A_345 = vector.broadcast %broadcast_in_dim3A_344 : f32 to vector<16xf32>
      %select_n3A_346 = arith.select %ne3A_341, %broadcast_in_dim3A_343, %broadcast_in_dim3A_345 : vector<16xi1>, vector<16xf32>
      %swap3A_347 = arith.index_cast %scan3A_164 : i32 to index
      %swap3A_348 = arith.constant 144 : index
      %swap3A_349 = tpu.vector_load %arg9[%swap3A_347, %swap3A_348] {strides = array<i32>} : memref<32x512xf32, #tpu.memory_space<vmem>>, vector<1x16xf32>,
      %swap3A_350 = vector.shape_cast %swap3A_349 : vector<1x16xf32> to vector<16xf32>
      %swap3A_351 = vector.shape_cast %select_n3A_346 : vector<16xf32> to vector<1x16xf32>
      tpu.vector_store %arg9[%swap3A_347, %swap3A_348], %swap3A_351 {strides = array<i32>} : memref<32x512xf32, #tpu.memory_space<vmem>>, vector<1x16xf32>,
      %add3A_352 = arith.constant 0 : i32
      %add3A_353 = arith.addi %add3A_352, %scan3A_164 : i32
      %get3A_354 = arith.index_cast %add3A_353 : i32 to index
      %get3A_355 = arith.constant 160 : index
      %get3A_356 = tpu.vector_load %arg7[%get3A_354, %get3A_355] {strides = array<i32>} : memref<64x512xf32, #tpu.memory_space<vmem>>, vector<1x16xf32>,
      %get3A_357 = vector.shape_cast %get3A_356 : vector<1x16xf32> to vector<16xf32>
      %ne3A_358 = arith.constant 0.000000e+00 : f32
      %ne3A_359 = vector.broadcast %ne3A_358 : f32 to vector<16xf32>
      %ne3A_360 = arith.cmpf one, %get3A_357, %ne3A_359 : vector<16xf32>
      %broadcast_in_dim3A_361 = arith.constant 1.000000e+00 : f32
      %broadcast_in_dim3A_362 = vector.broadcast %broadcast_in_dim3A_361 : f32 to vector<16xf32>
      %broadcast_in_dim3A_363 = arith.constant 0.000000e+00 : f32
      %broadcast_in_dim3A_364 = vector.broadcast %broadcast_in_dim3A_363 : f32 to vector<16xf32>
      %select_n3A_365 = arith.select %ne3A_360, %broadcast_in_dim3A_362, %broadcast_in_dim3A_364 : vector<16xi1>, vector<16xf32>
      %swap3A_366 = arith.index_cast %scan3A_164 : i32 to index
      %swap3A_367 = arith.constant 160 : index
      %swap3A_368 = tpu.vector_load %arg9[%swap3A_366, %swap3A_367] {strides = array<i32>} : memref<32x512xf32, #tpu.memory_space<vmem>>, vector<1x16xf32>,
      %swap3A_369 = vector.shape_cast %swap3A_368 : vector<1x16xf32> to vector<16xf32>
      %swap3A_370 = vector.shape_cast %select_n3A_365 : vector<16xf32> to vector<1x16xf32>
      tpu.vector_store %arg9[%swap3A_366, %swap3A_367], %swap3A_370 {strides = array<i32>} : memref<32x512xf32, #tpu.memory_space<vmem>>, vector<1x16xf32>,
      %add3A_371 = arith.constant 0 : i32
      %add3A_372 = arith.addi %add3A_371, %scan3A_164 : i32
      %get3A_373 = arith.index_cast %add3A_372 : i32 to index
      %get3A_374 = arith.constant 176 : index
      %get3A_375 = tpu.vector_load %arg7[%get3A_373, %get3A_374] {strides = array<i32>} : memref<64x512xf32, #tpu.memory_space<vmem>>, vector<1x16xf32>,
      %get3A_376 = vector.shape_cast %get3A_375 : vector<1x16xf32> to vector<16xf32>
      %ne3A_377 = arith.constant 0.000000e+00 : f32
      %ne3A_378 = vector.broadcast %ne3A_377 : f32 to vector<16xf32>
      %ne3A_379 = arith.cmpf one, %get3A_376, %ne3A_378 : vector<16xf32>
      %broadcast_in_dim3A_380 = arith.constant 1.000000e+00 : f32
      %broadcast_in_dim3A_381 = vector.broadcast %broadcast_in_dim3A_380 : f32 to vector<16xf32>
      %broadcast_in_dim3A_382 = arith.constant 0.000000e+00 : f32
      %broadcast_in_dim3A_383 = vector.broadcast %broadcast_in_dim3A_382 : f32 to vector<16xf32>
      %select_n3A_384 = arith.select %ne3A_379, %broadcast_in_dim3A_381, %broadcast_in_dim3A_383 : vector<16xi1>, vector<16xf32>
      %swap3A_385 = arith.index_cast %scan3A_164 : i32 to index
      %swap3A_386 = arith.constant 176 : index
      %swap3A_387 = tpu.vector_load %arg9[%swap3A_385, %swap3A_386] {strides = array<i32>} : memref<32x512xf32, #tpu.memory_space<vmem>>, vector<1x16xf32>,
      %swap3A_388 = vector.shape_cast %swap3A_387 : vector<1x16xf32> to vector<16xf32>
      %swap3A_389 = vector.shape_cast %select_n3A_384 : vector<16xf32> to vector<1x16xf32>
      tpu.vector_store %arg9[%swap3A_385, %swap3A_386], %swap3A_389 {strides = array<i32>} : memref<32x512xf32, #tpu.memory_space<vmem>>, vector<1x16xf32>,
      %add3A_390 = arith.constant 0 : i32
      %add3A_391 = arith.addi %add3A_390, %scan3A_164 : i32
      %get3A_392 = arith.index_cast %add3A_391 : i32 to index
      %get3A_393 = arith.constant 192 : index
      %get3A_394 = tpu.vector_load %arg7[%get3A_392, %get3A_393] {strides = array<i32>} : memref<64x512xf32, #tpu.memory_space<vmem>>, vector<1x16xf32>,
      %get3A_395 = vector.shape_cast %get3A_394 : vector<1x16xf32> to vector<16xf32>
      %ne3A_396 = arith.constant 0.000000e+00 : f32
      %ne3A_397 = vector.broadcast %ne3A_396 : f32 to vector<16xf32>
      %ne3A_398 = arith.cmpf one, %get3A_395, %ne3A_397 : vector<16xf32>
      %broadcast_in_dim3A_399 = arith.constant 1.000000e+00 : f32
      %broadcast_in_dim3A_400 = vector.broadcast %broadcast_in_dim3A_399 : f32 to vector<16xf32>
      %broadcast_in_dim3A_401 = arith.constant 0.000000e+00 : f32
      %broadcast_in_dim3A_402 = vector.broadcast %broadcast_in_dim3A_401 : f32 to vector<16xf32>
      %select_n3A_403 = arith.select %ne3A_398, %broadcast_in_dim3A_400, %broadcast_in_dim3A_402 : vector<16xi1>, vector<16xf32>
      %swap3A_404 = arith.index_cast %scan3A_164 : i32 to index
      %swap3A_405 = arith.constant 192 : index
      %swap3A_406 = tpu.vector_load %arg9[%swap3A_404, %swap3A_405] {strides = array<i32>} : memref<32x512xf32, #tpu.memory_space<vmem>>, vector<1x16xf32>,
      %swap3A_407 = vector.shape_cast %swap3A_406 : vector<1x16xf32> to vector<16xf32>
      %swap3A_408 = vector.shape_cast %select_n3A_403 : vector<16xf32> to vector<1x16xf32>
      tpu.vector_store %arg9[%swap3A_404, %swap3A_405], %swap3A_408 {strides = array<i32>} : memref<32x512xf32, #tpu.memory_space<vmem>>, vector<1x16xf32>,
      %add3A_409 = arith.constant 0 : i32
      %add3A_410 = arith.addi %add3A_409, %scan3A_164 : i32
      %get3A_411 = arith.index_cast %add3A_410 : i32 to index
      %get3A_412 = arith.constant 208 : index
      %get3A_413 = tpu.vector_load %arg7[%get3A_411, %get3A_412] {strides = array<i32>} : memref<64x512xf32, #tpu.memory_space<vmem>>, vector<1x16xf32>,
      %get3A_414 = vector.shape_cast %get3A_413 : vector<1x16xf32> to vector<16xf32>
      %ne3A_415 = arith.constant 0.000000e+00 : f32
      %ne3A_416 = vector.broadcast %ne3A_415 : f32 to vector<16xf32>
      %ne3A_417 = arith.cmpf one, %get3A_414, %ne3A_416 : vector<16xf32>
      %broadcast_in_dim3A_418 = arith.constant 1.000000e+00 : f32
      %broadcast_in_dim3A_419 = vector.broadcast %broadcast_in_dim3A_418 : f32 to vector<16xf32>
      %broadcast_in_dim3A_420 = arith.constant 0.000000e+00 : f32
      %broadcast_in_dim3A_421 = vector.broadcast %broadcast_in_dim3A_420 : f32 to vector<16xf32>
      %select_n3A_422 = arith.select %ne3A_417, %broadcast_in_dim3A_419, %broadcast_in_dim3A_421 : vector<16xi1>, vector<16xf32>
      %swap3A_423 = arith.index_cast %scan3A_164 : i32 to index
      %swap3A_424 = arith.constant 208 : index
      %swap3A_425 = tpu.vector_load %arg9[%swap3A_423, %swap3A_424] {strides = array<i32>} : memref<32x512xf32, #tpu.memory_space<vmem>>, vector<1x16xf32>,
      %swap3A_426 = vector.shape_cast %swap3A_425 : vector<1x16xf32> to vector<16xf32>
      %swap3A_427 = vector.shape_cast %select_n3A_422 : vector<16xf32> to vector<1x16xf32>
      tpu.vector_store %arg9[%swap3A_423, %swap3A_424], %swap3A_427 {strides = array<i32>} : memref<32x512xf32, #tpu.memory_space<vmem>>, vector<1x16xf32>,
      %add3A_428 = arith.constant 0 : i32
      %add3A_429 = arith.addi %add3A_428, %scan3A_164 : i32
      %get3A_430 = arith.index_cast %add3A_429 : i32 to index
      %get3A_431 = arith.constant 224 : index
      %get3A_432 = tpu.vector_load %arg7[%get3A_430, %get3A_431] {strides = array<i32>} : memref<64x512xf32, #tpu.memory_space<vmem>>, vector<1x16xf32>,
      %get3A_433 = vector.shape_cast %get3A_432 : vector<1x16xf32> to vector<16xf32>
      %ne3A_434 = arith.constant 0.000000e+00 : f32
      %ne3A_435 = vector.broadcast %ne3A_434 : f32 to vector<16xf32>
      %ne3A_436 = arith.cmpf one, %get3A_433, %ne3A_435 : vector<16xf32>
      %broadcast_in_dim3A_437 = arith.constant 1.000000e+00 : f32
      %broadcast_in_dim3A_438 = vector.broadcast %broadcast_in_dim3A_437 : f32 to vector<16xf32>
      %broadcast_in_dim3A_439 = arith.constant 0.000000e+00 : f32
      %broadcast_in_dim3A_440 = vector.broadcast %broadcast_in_dim3A_439 : f32 to vector<16xf32>
      %select_n3A_441 = arith.select %ne3A_436, %broadcast_in_dim3A_438, %broadcast_in_dim3A_440 : vector<16xi1>, vector<16xf32>
      %swap3A_442 = arith.index_cast %scan3A_164 : i32 to index
      %swap3A_443 = arith.constant 224 : index
      %swap3A_444 = tpu.vector_load %arg9[%swap3A_442, %swap3A_443] {strides = array<i32>} : memref<32x512xf32, #tpu.memory_space<vmem>>, vector<1x16xf32>,
      %swap3A_445 = vector.shape_cast %swap3A_444 : vector<1x16xf32> to vector<16xf32>
      %swap3A_446 = vector.shape_cast %select_n3A_441 : vector<16xf32> to vector<1x16xf32>
      tpu.vector_store %arg9[%swap3A_442, %swap3A_443], %swap3A_446 {strides = array<i32>} : memref<32x512xf32, #tpu.memory_space<vmem>>, vector<1x16xf32>,
      %add3A_447 = arith.constant 0 : i32
      %add3A_448 = arith.addi %add3A_447, %scan3A_164 : i32
      %get3A_449 = arith.index_cast %add3A_448 : i32 to index
      %get3A_450 = arith.constant 240 : index
      %get3A_451 = tpu.vector_load %arg7[%get3A_449, %get3A_450] {strides = array<i32>} : memref<64x512xf32, #tpu.memory_space<vmem>>, vector<1x16xf32>,
      %get3A_452 = vector.shape_cast %get3A_451 : vector<1x16xf32> to vector<16xf32>
      %ne3A_453 = arith.constant 0.000000e+00 : f32
      %ne3A_454 = vector.broadcast %ne3A_453 : f32 to vector<16xf32>
      %ne3A_455 = arith.cmpf one, %get3A_452, %ne3A_454 : vector<16xf32>
      %broadcast_in_dim3A_456 = arith.constant 1.000000e+00 : f32
      %broadcast_in_dim3A_457 = vector.broadcast %broadcast_in_dim3A_456 : f32 to vector<16xf32>
      %broadcast_in_dim3A_458 = arith.constant 0.000000e+00 : f32
      %broadcast_in_dim3A_459 = vector.broadcast %broadcast_in_dim3A_458 : f32 to vector<16xf32>
      %select_n3A_460 = arith.select %ne3A_455, %broadcast_in_dim3A_457, %broadcast_in_dim3A_459 : vector<16xi1>, vector<16xf32>
      %swap3A_461 = arith.index_cast %scan3A_164 : i32 to index
      %swap3A_462 = arith.constant 240 : index
      %swap3A_463 = tpu.vector_load %arg9[%swap3A_461, %swap3A_462] {strides = array<i32>} : memref<32x512xf32, #tpu.memory_space<vmem>>, vector<1x16xf32>,
      %swap3A_464 = vector.shape_cast %swap3A_463 : vector<1x16xf32> to vector<16xf32>
      %swap3A_465 = vector.shape_cast %select_n3A_460 : vector<16xf32> to vector<1x16xf32>
      tpu.vector_store %arg9[%swap3A_461, %swap3A_462], %swap3A_465 {strides = array<i32>} : memref<32x512xf32, #tpu.memory_space<vmem>>, vector<1x16xf32>,
      %add3A_466 = arith.constant 0 : i32
      %add3A_467 = arith.addi %add3A_466, %scan3A_164 : i32
      %get3A_468 = arith.index_cast %add3A_467 : i32 to index
      %get3A_469 = arith.constant 256 : index
      %get3A_470 = tpu.vector_load %arg7[%get3A_468, %get3A_469] {strides = array<i32>} : memref<64x512xf32, #tpu.memory_space<vmem>>, vector<1x16xf32>,
      %get3A_471 = vector.shape_cast %get3A_470 : vector<1x16xf32> to vector<16xf32>
      %ne3A_472 = arith.constant 0.000000e+00 : f32
      %ne3A_473 = vector.broadcast %ne3A_472 : f32 to vector<16xf32>
      %ne3A_474 = arith.cmpf one, %get3A_471, %ne3A_473 : vector<16xf32>
      %broadcast_in_dim3A_475 = arith.constant 1.000000e+00 : f32
      %broadcast_in_dim3A_476 = vector.broadcast %broadcast_in_dim3A_475 : f32 to vector<16xf32>
      %broadcast_in_dim3A_477 = arith.constant 0.000000e+00 : f32
      %broadcast_in_dim3A_478 = vector.broadcast %broadcast_in_dim3A_477 : f32 to vector<16xf32>
      %select_n3A_479 = arith.select %ne3A_474, %broadcast_in_dim3A_476, %broadcast_in_dim3A_478 : vector<16xi1>, vector<16xf32>
      %swap3A_480 = arith.index_cast %scan3A_164 : i32 to index
      %swap3A_481 = arith.constant 256 : index
      %swap3A_482 = tpu.vector_load %arg9[%swap3A_480, %swap3A_481] {strides = array<i32>} : memref<32x512xf32, #tpu.memory_space<vmem>>, vector<1x16xf32>,
      %swap3A_483 = vector.shape_cast %swap3A_482 : vector<1x16xf32> to vector<16xf32>
      %swap3A_484 = vector.shape_cast %select_n3A_479 : vector<16xf32> to vector<1x16xf32>
      tpu.vector_store %arg9[%swap3A_480, %swap3A_481], %swap3A_484 {strides = array<i32>} : memref<32x512xf32, #tpu.memory_space<vmem>>, vector<1x16xf32>,
      %add3A_485 = arith.constant 0 : i32
      %add3A_486 = arith.addi %add3A_485, %scan3A_164 : i32
      %get3A_487 = arith.index_cast %add3A_486 : i32 to index
      %get3A_488 = arith.constant 272 : index
      %get3A_489 = tpu.vector_load %arg7[%get3A_487, %get3A_488] {strides = array<i32>} : memref<64x512xf32, #tpu.memory_space<vmem>>, vector<1x16xf32>,
      %get3A_490 = vector.shape_cast %get3A_489 : vector<1x16xf32> to vector<16xf32>
      %ne3A_491 = arith.constant 0.000000e+00 : f32
      %ne3A_492 = vector.broadcast %ne3A_491 : f32 to vector<16xf32>
      %ne3A_493 = arith.cmpf one, %get3A_490, %ne3A_492 : vector<16xf32>
      %broadcast_in_dim3A_494 = arith.constant 1.000000e+00 : f32
      %broadcast_in_dim3A_495 = vector.broadcast %broadcast_in_dim3A_494 : f32 to vector<16xf32>
      %broadcast_in_dim3A_496 = arith.constant 0.000000e+00 : f32
      %broadcast_in_dim3A_497 = vector.broadcast %broadcast_in_dim3A_496 : f32 to vector<16xf32>
      %select_n3A_498 = arith.select %ne3A_493, %broadcast_in_dim3A_495, %broadcast_in_dim3A_497 : vector<16xi1>, vector<16xf32>
      %swap3A_499 = arith.index_cast %scan3A_164 : i32 to index
      %swap3A_500 = arith.constant 272 : index
      %swap3A_501 = tpu.vector_load %arg9[%swap3A_499, %swap3A_500] {strides = array<i32>} : memref<32x512xf32, #tpu.memory_space<vmem>>, vector<1x16xf32>,
      %swap3A_502 = vector.shape_cast %swap3A_501 : vector<1x16xf32> to vector<16xf32>
      %swap3A_503 = vector.shape_cast %select_n3A_498 : vector<16xf32> to vector<1x16xf32>
      tpu.vector_store %arg9[%swap3A_499, %swap3A_500], %swap3A_503 {strides = array<i32>} : memref<32x512xf32, #tpu.memory_space<vmem>>, vector<1x16xf32>,
      %add3A_504 = arith.constant 0 : i32
      %add3A_505 = arith.addi %add3A_504, %scan3A_164 : i32
      %get3A_506 = arith.index_cast %add3A_505 : i32 to index
      %get3A_507 = arith.constant 288 : index
      %get3A_508 = tpu.vector_load %arg7[%get3A_506, %get3A_507] {strides = array<i32>} : memref<64x512xf32, #tpu.memory_space<vmem>>, vector<1x16xf32>,
      %get3A_509 = vector.shape_cast %get3A_508 : vector<1x16xf32> to vector<16xf32>
      %ne3A_510 = arith.constant 0.000000e+00 : f32
      %ne3A_511 = vector.broadcast %ne3A_510 : f32 to vector<16xf32>
      %ne3A_512 = arith.cmpf one, %get3A_509, %ne3A_511 : vector<16xf32>
      %broadcast_in_dim3A_513 = arith.constant 1.000000e+00 : f32
      %broadcast_in_dim3A_514 = vector.broadcast %broadcast_in_dim3A_513 : f32 to vector<16xf32>
      %broadcast_in_dim3A_515 = arith.constant 0.000000e+00 : f32
      %broadcast_in_dim3A_516 = vector.broadcast %broadcast_in_dim3A_515 : f32 to vector<16xf32>
      %select_n3A_517 = arith.select %ne3A_512, %broadcast_in_dim3A_514, %broadcast_in_dim3A_516 : vector<16xi1>, vector<16xf32>
      %swap3A_518 = arith.index_cast %scan3A_164 : i32 to index
      %swap3A_519 = arith.constant 288 : index
      %swap3A_520 = tpu.vector_load %arg9[%swap3A_518, %swap3A_519] {strides = array<i32>} : memref<32x512xf32, #tpu.memory_space<vmem>>, vector<1x16xf32>,
      %swap3A_521 = vector.shape_cast %swap3A_520 : vector<1x16xf32> to vector<16xf32>
      %swap3A_522 = vector.shape_cast %select_n3A_517 : vector<16xf32> to vector<1x16xf32>
      tpu.vector_store %arg9[%swap3A_518, %swap3A_519], %swap3A_522 {strides = array<i32>} : memref<32x512xf32, #tpu.memory_space<vmem>>, vector<1x16xf32>,
      %add3A_523 = arith.constant 0 : i32
      %add3A_524 = arith.addi %add3A_523, %scan3A_164 : i32
      %get3A_525 = arith.index_cast %add3A_524 : i32 to index
      %get3A_526 = arith.constant 304 : index
      %get3A_527 = tpu.vector_load %arg7[%get3A_525, %get3A_526] {strides = array<i32>} : memref<64x512xf32, #tpu.memory_space<vmem>>, vector<1x16xf32>,
      %get3A_528 = vector.shape_cast %get3A_527 : vector<1x16xf32> to vector<16xf32>
      %ne3A_529 = arith.constant 0.000000e+00 : f32
      %ne3A_530 = vector.broadcast %ne3A_529 : f32 to vector<16xf32>
      %ne3A_531 = arith.cmpf one, %get3A_528, %ne3A_530 : vector<16xf32>
      %broadcast_in_dim3A_532 = arith.constant 1.000000e+00 : f32
      %broadcast_in_dim3A_533 = vector.broadcast %broadcast_in_dim3A_532 : f32 to vector<16xf32>
      %broadcast_in_dim3A_534 = arith.constant 0.000000e+00 : f32
      %broadcast_in_dim3A_535 = vector.broadcast %broadcast_in_dim3A_534 : f32 to vector<16xf32>
      %select_n3A_536 = arith.select %ne3A_531, %broadcast_in_dim3A_533, %broadcast_in_dim3A_535 : vector<16xi1>, vector<16xf32>
      %swap3A_537 = arith.index_cast %scan3A_164 : i32 to index
      %swap3A_538 = arith.constant 304 : index
      %swap3A_539 = tpu.vector_load %arg9[%swap3A_537, %swap3A_538] {strides = array<i32>} : memref<32x512xf32, #tpu.memory_space<vmem>>, vector<1x16xf32>,
      %swap3A_540 = vector.shape_cast %swap3A_539 : vector<1x16xf32> to vector<16xf32>
      %swap3A_541 = vector.shape_cast %select_n3A_536 : vector<16xf32> to vector<1x16xf32>
      tpu.vector_store %arg9[%swap3A_537, %swap3A_538], %swap3A_541 {strides = array<i32>} : memref<32x512xf32, #tpu.memory_space<vmem>>, vector<1x16xf32>,
      %add3A_542 = arith.constant 0 : i32
      %add3A_543 = arith.addi %add3A_542, %scan3A_164 : i32
      %get3A_544 = arith.index_cast %add3A_543 : i32 to index
      %get3A_545 = arith.constant 320 : index
      %get3A_546 = tpu.vector_load %arg7[%get3A_544, %get3A_545] {strides = array<i32>} : memref<64x512xf32, #tpu.memory_space<vmem>>, vector<1x16xf32>,
      %get3A_547 = vector.shape_cast %get3A_546 : vector<1x16xf32> to vector<16xf32>
      %ne3A_548 = arith.constant 0.000000e+00 : f32
      %ne3A_549 = vector.broadcast %ne3A_548 : f32 to vector<16xf32>
      %ne3A_550 = arith.cmpf one, %get3A_547, %ne3A_549 : vector<16xf32>
      %broadcast_in_dim3A_551 = arith.constant 1.000000e+00 : f32
      %broadcast_in_dim3A_552 = vector.broadcast %broadcast_in_dim3A_551 : f32 to vector<16xf32>
      %broadcast_in_dim3A_553 = arith.constant 0.000000e+00 : f32
      %broadcast_in_dim3A_554 = vector.broadcast %broadcast_in_dim3A_553 : f32 to vector<16xf32>
      %select_n3A_555 = arith.select %ne3A_550, %broadcast_in_dim3A_552, %broadcast_in_dim3A_554 : vector<16xi1>, vector<16xf32>
      %swap3A_556 = arith.index_cast %scan3A_164 : i32 to index
      %swap3A_557 = arith.constant 320 : index
      %swap3A_558 = tpu.vector_load %arg9[%swap3A_556, %swap3A_557] {strides = array<i32>} : memref<32x512xf32, #tpu.memory_space<vmem>>, vector<1x16xf32>,
      %swap3A_559 = vector.shape_cast %swap3A_558 : vector<1x16xf32> to vector<16xf32>
      %swap3A_560 = vector.shape_cast %select_n3A_555 : vector<16xf32> to vector<1x16xf32>
      tpu.vector_store %arg9[%swap3A_556, %swap3A_557], %swap3A_560 {strides = array<i32>} : memref<32x512xf32, #tpu.memory_space<vmem>>, vector<1x16xf32>,
      %add3A_561 = arith.constant 0 : i32
      %add3A_562 = arith.addi %add3A_561, %scan3A_164 : i32
      %get3A_563 = arith.index_cast %add3A_562 : i32 to index
      %get3A_564 = arith.constant 336 : index
      %get3A_565 = tpu.vector_load %arg7[%get3A_563, %get3A_564] {strides = array<i32>} : memref<64x512xf32, #tpu.memory_space<vmem>>, vector<1x16xf32>,
      %get3A_566 = vector.shape_cast %get3A_565 : vector<1x16xf32> to vector<16xf32>
      %ne3A_567 = arith.constant 0.000000e+00 : f32
      %ne3A_568 = vector.broadcast %ne3A_567 : f32 to vector<16xf32>
      %ne3A_569 = arith.cmpf one, %get3A_566, %ne3A_568 : vector<16xf32>
      %broadcast_in_dim3A_570 = arith.constant 1.000000e+00 : f32
      %broadcast_in_dim3A_571 = vector.broadcast %broadcast_in_dim3A_570 : f32 to vector<16xf32>
      %broadcast_in_dim3A_572 = arith.constant 0.000000e+00 : f32
      %broadcast_in_dim3A_573 = vector.broadcast %broadcast_in_dim3A_572 : f32 to vector<16xf32>
      %select_n3A_574 = arith.select %ne3A_569, %broadcast_in_dim3A_571, %broadcast_in_dim3A_573 : vector<16xi1>, vector<16xf32>
      %swap3A_575 = arith.index_cast %scan3A_164 : i32 to index
      %swap3A_576 = arith.constant 336 : index
      %swap3A_577 = tpu.vector_load %arg9[%swap3A_575, %swap3A_576] {strides = array<i32>} : memref<32x512xf32, #tpu.memory_space<vmem>>, vector<1x16xf32>,
      %swap3A_578 = vector.shape_cast %swap3A_577 : vector<1x16xf32> to vector<16xf32>
      %swap3A_579 = vector.shape_cast %select_n3A_574 : vector<16xf32> to vector<1x16xf32>
      tpu.vector_store %arg9[%swap3A_575, %swap3A_576], %swap3A_579 {strides = array<i32>} : memref<32x512xf32, #tpu.memory_space<vmem>>, vector<1x16xf32>,
      %add3A_580 = arith.constant 0 : i32
      %add3A_581 = arith.addi %add3A_580, %scan3A_164 : i32
      %get3A_582 = arith.index_cast %add3A_581 : i32 to index
      %get3A_583 = arith.constant 352 : index
      %get3A_584 = tpu.vector_load %arg7[%get3A_582, %get3A_583] {strides = array<i32>} : memref<64x512xf32, #tpu.memory_space<vmem>>, vector<1x16xf32>,
      %get3A_585 = vector.shape_cast %get3A_584 : vector<1x16xf32> to vector<16xf32>
      %ne3A_586 = arith.constant 0.000000e+00 : f32
      %ne3A_587 = vector.broadcast %ne3A_586 : f32 to vector<16xf32>
      %ne3A_588 = arith.cmpf one, %get3A_585, %ne3A_587 : vector<16xf32>
      %broadcast_in_dim3A_589 = arith.constant 1.000000e+00 : f32
      %broadcast_in_dim3A_590 = vector.broadcast %broadcast_in_dim3A_589 : f32 to vector<16xf32>
      %broadcast_in_dim3A_591 = arith.constant 0.000000e+00 : f32
      %broadcast_in_dim3A_592 = vector.broadcast %broadcast_in_dim3A_591 : f32 to vector<16xf32>
      %select_n3A_593 = arith.select %ne3A_588, %broadcast_in_dim3A_590, %broadcast_in_dim3A_592 : vector<16xi1>, vector<16xf32>
      %swap3A_594 = arith.index_cast %scan3A_164 : i32 to index
      %swap3A_595 = arith.constant 352 : index
      %swap3A_596 = tpu.vector_load %arg9[%swap3A_594, %swap3A_595] {strides = array<i32>} : memref<32x512xf32, #tpu.memory_space<vmem>>, vector<1x16xf32>,
      %swap3A_597 = vector.shape_cast %swap3A_596 : vector<1x16xf32> to vector<16xf32>
      %swap3A_598 = vector.shape_cast %select_n3A_593 : vector<16xf32> to vector<1x16xf32>
      tpu.vector_store %arg9[%swap3A_594, %swap3A_595], %swap3A_598 {strides = array<i32>} : memref<32x512xf32, #tpu.memory_space<vmem>>, vector<1x16xf32>,
      %add3A_599 = arith.constant 0 : i32
      %add3A_600 = arith.addi %add3A_599, %scan3A_164 : i32
      %get3A_601 = arith.index_cast %add3A_600 : i32 to index
      %get3A_602 = arith.constant 368 : index
      %get3A_603 = tpu.vector_load %arg7[%get3A_601, %get3A_602] {strides = array<i32>} : memref<64x512xf32, #tpu.memory_space<vmem>>, vector<1x16xf32>,
      %get3A_604 = vector.shape_cast %get3A_603 : vector<1x16xf32> to vector<16xf32>
      %ne3A_605 = arith.constant 0.000000e+00 : f32
      %ne3A_606 = vector.broadcast %ne3A_605 : f32 to vector<16xf32>
      %ne3A_607 = arith.cmpf one, %get3A_604, %ne3A_606 : vector<16xf32>
      %broadcast_in_dim3A_608 = arith.constant 1.000000e+00 : f32
      %broadcast_in_dim3A_609 = vector.broadcast %broadcast_in_dim3A_608 : f32 to vector<16xf32>
      %broadcast_in_dim3A_610 = arith.constant 0.000000e+00 : f32
      %broadcast_in_dim3A_611 = vector.broadcast %broadcast_in_dim3A_610 : f32 to vector<16xf32>
      %select_n3A_612 = arith.select %ne3A_607, %broadcast_in_dim3A_609, %broadcast_in_dim3A_611 : vector<16xi1>, vector<16xf32>
      %swap3A_613 = arith.index_cast %scan3A_164 : i32 to index
      %swap3A_614 = arith.constant 368 : index
      %swap3A_615 = tpu.vector_load %arg9[%swap3A_613, %swap3A_614] {strides = array<i32>} : memref<32x512xf32, #tpu.memory_space<vmem>>, vector<1x16xf32>,
      %swap3A_616 = vector.shape_cast %swap3A_615 : vector<1x16xf32> to vector<16xf32>
      %swap3A_617 = vector.shape_cast %select_n3A_612 : vector<16xf32> to vector<1x16xf32>
      tpu.vector_store %arg9[%swap3A_613, %swap3A_614], %swap3A_617 {strides = array<i32>} : memref<32x512xf32, #tpu.memory_space<vmem>>, vector<1x16xf32>,
      %add3A_618 = arith.constant 0 : i32
      %add3A_619 = arith.addi %add3A_618, %scan3A_164 : i32
      %get3A_620 = arith.index_cast %add3A_619 : i32 to index
      %get3A_621 = arith.constant 384 : index
      %get3A_622 = tpu.vector_load %arg7[%get3A_620, %get3A_621] {strides = array<i32>} : memref<64x512xf32, #tpu.memory_space<vmem>>, vector<1x16xf32>,
      %get3A_623 = vector.shape_cast %get3A_622 : vector<1x16xf32> to vector<16xf32>
      %ne3A_624 = arith.constant 0.000000e+00 : f32
      %ne3A_625 = vector.broadcast %ne3A_624 : f32 to vector<16xf32>
      %ne3A_626 = arith.cmpf one, %get3A_623, %ne3A_625 : vector<16xf32>
      %broadcast_in_dim3A_627 = arith.constant 1.000000e+00 : f32
      %broadcast_in_dim3A_628 = vector.broadcast %broadcast_in_dim3A_627 : f32 to vector<16xf32>
      %broadcast_in_dim3A_629 = arith.constant 0.000000e+00 : f32
      %broadcast_in_dim3A_630 = vector.broadcast %broadcast_in_dim3A_629 : f32 to vector<16xf32>
      %select_n3A_631 = arith.select %ne3A_626, %broadcast_in_dim3A_628, %broadcast_in_dim3A_630 : vector<16xi1>, vector<16xf32>
      %swap3A_632 = arith.index_cast %scan3A_164 : i32 to index
      %swap3A_633 = arith.constant 384 : index
      %swap3A_634 = tpu.vector_load %arg9[%swap3A_632, %swap3A_633] {strides = array<i32>} : memref<32x512xf32, #tpu.memory_space<vmem>>, vector<1x16xf32>,
      %swap3A_635 = vector.shape_cast %swap3A_634 : vector<1x16xf32> to vector<16xf32>
      %swap3A_636 = vector.shape_cast %select_n3A_631 : vector<16xf32> to vector<1x16xf32>
      tpu.vector_store %arg9[%swap3A_632, %swap3A_633], %swap3A_636 {strides = array<i32>} : memref<32x512xf32, #tpu.memory_space<vmem>>, vector<1x16xf32>,
      %add3A_637 = arith.constant 0 : i32
      %add3A_638 = arith.addi %add3A_637, %scan3A_164 : i32
      %get3A_639 = arith.index_cast %add3A_638 : i32 to index
      %get3A_640 = arith.constant 400 : index
      %get3A_641 = tpu.vector_load %arg7[%get3A_639, %get3A_640] {strides = array<i32>} : memref<64x512xf32, #tpu.memory_space<vmem>>, vector<1x16xf32>,
      %get3A_642 = vector.shape_cast %get3A_641 : vector<1x16xf32> to vector<16xf32>
      %ne3A_643 = arith.constant 0.000000e+00 : f32
      %ne3A_644 = vector.broadcast %ne3A_643 : f32 to vector<16xf32>
      %ne3A_645 = arith.cmpf one, %get3A_642, %ne3A_644 : vector<16xf32>
      %broadcast_in_dim3A_646 = arith.constant 1.000000e+00 : f32
      %broadcast_in_dim3A_647 = vector.broadcast %broadcast_in_dim3A_646 : f32 to vector<16xf32>
      %broadcast_in_dim3A_648 = arith.constant 0.000000e+00 : f32
      %broadcast_in_dim3A_649 = vector.broadcast %broadcast_in_dim3A_648 : f32 to vector<16xf32>
      %select_n3A_650 = arith.select %ne3A_645, %broadcast_in_dim3A_647, %broadcast_in_dim3A_649 : vector<16xi1>, vector<16xf32>
      %swap3A_651 = arith.index_cast %scan3A_164 : i32 to index
      %swap3A_652 = arith.constant 400 : index
      %swap3A_653 = tpu.vector_load %arg9[%swap3A_651, %swap3A_652] {strides = array<i32>} : memref<32x512xf32, #tpu.memory_space<vmem>>, vector<1x16xf32>,
      %swap3A_654 = vector.shape_cast %swap3A_653 : vector<1x16xf32> to vector<16xf32>
      %swap3A_655 = vector.shape_cast %select_n3A_650 : vector<16xf32> to vector<1x16xf32>
      tpu.vector_store %arg9[%swap3A_651, %swap3A_652], %swap3A_655 {strides = array<i32>} : memref<32x512xf32, #tpu.memory_space<vmem>>, vector<1x16xf32>,
      %add3A_656 = arith.constant 0 : i32
      %add3A_657 = arith.addi %add3A_656, %scan3A_164 : i32
      %get3A_658 = arith.index_cast %add3A_657 : i32 to index
      %get3A_659 = arith.constant 416 : index
      %get3A_660 = tpu.vector_load %arg7[%get3A_658, %get3A_659] {strides = array<i32>} : memref<64x512xf32, #tpu.memory_space<vmem>>, vector<1x16xf32>,
      %get3A_661 = vector.shape_cast %get3A_660 : vector<1x16xf32> to vector<16xf32>
      %ne3A_662 = arith.constant 0.000000e+00 : f32
      %ne3A_663 = vector.broadcast %ne3A_662 : f32 to vector<16xf32>
      %ne3A_664 = arith.cmpf one, %get3A_661, %ne3A_663 : vector<16xf32>
      %broadcast_in_dim3A_665 = arith.constant 1.000000e+00 : f32
      %broadcast_in_dim3A_666 = vector.broadcast %broadcast_in_dim3A_665 : f32 to vector<16xf32>
      %broadcast_in_dim3A_667 = arith.constant 0.000000e+00 : f32
      %broadcast_in_dim3A_668 = vector.broadcast %broadcast_in_dim3A_667 : f32 to vector<16xf32>
      %select_n3A_669 = arith.select %ne3A_664, %broadcast_in_dim3A_666, %broadcast_in_dim3A_668 : vector<16xi1>, vector<16xf32>
      %swap3A_670 = arith.index_cast %scan3A_164 : i32 to index
      %swap3A_671 = arith.constant 416 : index
      %swap3A_672 = tpu.vector_load %arg9[%swap3A_670, %swap3A_671] {strides = array<i32>} : memref<32x512xf32, #tpu.memory_space<vmem>>, vector<1x16xf32>,
      %swap3A_673 = vector.shape_cast %swap3A_672 : vector<1x16xf32> to vector<16xf32>
      %swap3A_674 = vector.shape_cast %select_n3A_669 : vector<16xf32> to vector<1x16xf32>
      tpu.vector_store %arg9[%swap3A_670, %swap3A_671], %swap3A_674 {strides = array<i32>} : memref<32x512xf32, #tpu.memory_space<vmem>>, vector<1x16xf32>,
      %add3A_675 = arith.constant 0 : i32
      %add3A_676 = arith.addi %add3A_675, %scan3A_164 : i32
      %get3A_677 = arith.index_cast %add3A_676 : i32 to index
      %get3A_678 = arith.constant 432 : index
      %get3A_679 = tpu.vector_load %arg7[%get3A_677, %get3A_678] {strides = array<i32>} : memref<64x512xf32, #tpu.memory_space<vmem>>, vector<1x16xf32>,
      %get3A_680 = vector.shape_cast %get3A_679 : vector<1x16xf32> to vector<16xf32>
      %ne3A_681 = arith.constant 0.000000e+00 : f32
      %ne3A_682 = vector.broadcast %ne3A_681 : f32 to vector<16xf32>
      %ne3A_683 = arith.cmpf one, %get3A_680, %ne3A_682 : vector<16xf32>
      %broadcast_in_dim3A_684 = arith.constant 1.000000e+00 : f32
      %broadcast_in_dim3A_685 = vector.broadcast %broadcast_in_dim3A_684 : f32 to vector<16xf32>
      %broadcast_in_dim3A_686 = arith.constant 0.000000e+00 : f32
      %broadcast_in_dim3A_687 = vector.broadcast %broadcast_in_dim3A_686 : f32 to vector<16xf32>
      %select_n3A_688 = arith.select %ne3A_683, %broadcast_in_dim3A_685, %broadcast_in_dim3A_687 : vector<16xi1>, vector<16xf32>
      %swap3A_689 = arith.index_cast %scan3A_164 : i32 to index
      %swap3A_690 = arith.constant 432 : index
      %swap3A_691 = tpu.vector_load %arg9[%swap3A_689, %swap3A_690] {strides = array<i32>} : memref<32x512xf32, #tpu.memory_space<vmem>>, vector<1x16xf32>,
      %swap3A_692 = vector.shape_cast %swap3A_691 : vector<1x16xf32> to vector<16xf32>
      %swap3A_693 = vector.shape_cast %select_n3A_688 : vector<16xf32> to vector<1x16xf32>
      tpu.vector_store %arg9[%swap3A_689, %swap3A_690], %swap3A_693 {strides = array<i32>} : memref<32x512xf32, #tpu.memory_space<vmem>>, vector<1x16xf32>,
      %add3A_694 = arith.constant 0 : i32
      %add3A_695 = arith.addi %add3A_694, %scan3A_164 : i32
      %get3A_696 = arith.index_cast %add3A_695 : i32 to index
      %get3A_697 = arith.constant 448 : index
      %get3A_698 = tpu.vector_load %arg7[%get3A_696, %get3A_697] {strides = array<i32>} : memref<64x512xf32, #tpu.memory_space<vmem>>, vector<1x16xf32>,
      %get3A_699 = vector.shape_cast %get3A_698 : vector<1x16xf32> to vector<16xf32>
      %ne3A_700 = arith.constant 0.000000e+00 : f32
      %ne3A_701 = vector.broadcast %ne3A_700 : f32 to vector<16xf32>
      %ne3A_702 = arith.cmpf one, %get3A_699, %ne3A_701 : vector<16xf32>
      %broadcast_in_dim3A_703 = arith.constant 1.000000e+00 : f32
      %broadcast_in_dim3A_704 = vector.broadcast %broadcast_in_dim3A_703 : f32 to vector<16xf32>
      %broadcast_in_dim3A_705 = arith.constant 0.000000e+00 : f32
      %broadcast_in_dim3A_706 = vector.broadcast %broadcast_in_dim3A_705 : f32 to vector<16xf32>
      %select_n3A_707 = arith.select %ne3A_702, %broadcast_in_dim3A_704, %broadcast_in_dim3A_706 : vector<16xi1>, vector<16xf32>
      %swap3A_708 = arith.index_cast %scan3A_164 : i32 to index
      %swap3A_709 = arith.constant 448 : index
      %swap3A_710 = tpu.vector_load %arg9[%swap3A_708, %swap3A_709] {strides = array<i32>} : memref<32x512xf32, #tpu.memory_space<vmem>>, vector<1x16xf32>,
      %swap3A_711 = vector.shape_cast %swap3A_710 : vector<1x16xf32> to vector<16xf32>
      %swap3A_712 = vector.shape_cast %select_n3A_707 : vector<16xf32> to vector<1x16xf32>
      tpu.vector_store %arg9[%swap3A_708, %swap3A_709], %swap3A_712 {strides = array<i32>} : memref<32x512xf32, #tpu.memory_space<vmem>>, vector<1x16xf32>,
      %add3A_713 = arith.constant 0 : i32
      %add3A_714 = arith.addi %add3A_713, %scan3A_164 : i32
      %get3A_715 = arith.index_cast %add3A_714 : i32 to index
      %get3A_716 = arith.constant 464 : index
      %get3A_717 = tpu.vector_load %arg7[%get3A_715, %get3A_716] {strides = array<i32>} : memref<64x512xf32, #tpu.memory_space<vmem>>, vector<1x16xf32>,
      %get3A_718 = vector.shape_cast %get3A_717 : vector<1x16xf32> to vector<16xf32>
      %ne3A_719 = arith.constant 0.000000e+00 : f32
      %ne3A_720 = vector.broadcast %ne3A_719 : f32 to vector<16xf32>
      %ne3A_721 = arith.cmpf one, %get3A_718, %ne3A_720 : vector<16xf32>
      %broadcast_in_dim3A_722 = arith.constant 1.000000e+00 : f32
      %broadcast_in_dim3A_723 = vector.broadcast %broadcast_in_dim3A_722 : f32 to vector<16xf32>
      %broadcast_in_dim3A_724 = arith.constant 0.000000e+00 : f32
      %broadcast_in_dim3A_725 = vector.broadcast %broadcast_in_dim3A_724 : f32 to vector<16xf32>
      %select_n3A_726 = arith.select %ne3A_721, %broadcast_in_dim3A_723, %broadcast_in_dim3A_725 : vector<16xi1>, vector<16xf32>
      %swap3A_727 = arith.index_cast %scan3A_164 : i32 to index
      %swap3A_728 = arith.constant 464 : index
      %swap3A_729 = tpu.vector_load %arg9[%swap3A_727, %swap3A_728] {strides = array<i32>} : memref<32x512xf32, #tpu.memory_space<vmem>>, vector<1x16xf32>,
      %swap3A_730 = vector.shape_cast %swap3A_729 : vector<1x16xf32> to vector<16xf32>
      %swap3A_731 = vector.shape_cast %select_n3A_726 : vector<16xf32> to vector<1x16xf32>
      tpu.vector_store %arg9[%swap3A_727, %swap3A_728], %swap3A_731 {strides = array<i32>} : memref<32x512xf32, #tpu.memory_space<vmem>>, vector<1x16xf32>,
      %add3A_732 = arith.constant 0 : i32
      %add3A_733 = arith.addi %add3A_732, %scan3A_164 : i32
      %get3A_734 = arith.index_cast %add3A_733 : i32 to index
      %get3A_735 = arith.constant 480 : index
      %get3A_736 = tpu.vector_load %arg7[%get3A_734, %get3A_735] {strides = array<i32>} : memref<64x512xf32, #tpu.memory_space<vmem>>, vector<1x16xf32>,
      %get3A_737 = vector.shape_cast %get3A_736 : vector<1x16xf32> to vector<16xf32>
      %ne3A_738 = arith.constant 0.000000e+00 : f32
      %ne3A_739 = vector.broadcast %ne3A_738 : f32 to vector<16xf32>
      %ne3A_740 = arith.cmpf one, %get3A_737, %ne3A_739 : vector<16xf32>
      %broadcast_in_dim3A_741 = arith.constant 1.000000e+00 : f32
      %broadcast_in_dim3A_742 = vector.broadcast %broadcast_in_dim3A_741 : f32 to vector<16xf32>
      %broadcast_in_dim3A_743 = arith.constant 0.000000e+00 : f32
      %broadcast_in_dim3A_744 = vector.broadcast %broadcast_in_dim3A_743 : f32 to vector<16xf32>
      %select_n3A_745 = arith.select %ne3A_740, %broadcast_in_dim3A_742, %broadcast_in_dim3A_744 : vector<16xi1>, vector<16xf32>
      %swap3A_746 = arith.index_cast %scan3A_164 : i32 to index
      %swap3A_747 = arith.constant 480 : index
      %swap3A_748 = tpu.vector_load %arg9[%swap3A_746, %swap3A_747] {strides = array<i32>} : memref<32x512xf32, #tpu.memory_space<vmem>>, vector<1x16xf32>,
      %swap3A_749 = vector.shape_cast %swap3A_748 : vector<1x16xf32> to vector<16xf32>
      %swap3A_750 = vector.shape_cast %select_n3A_745 : vector<16xf32> to vector<1x16xf32>
      tpu.vector_store %arg9[%swap3A_746, %swap3A_747], %swap3A_750 {strides = array<i32>} : memref<32x512xf32, #tpu.memory_space<vmem>>, vector<1x16xf32>,
      %add3A_751 = arith.constant 0 : i32
      %add3A_752 = arith.addi %add3A_751, %scan3A_164 : i32
      %get3A_753 = arith.index_cast %add3A_752 : i32 to index
      %get3A_754 = arith.constant 496 : index
      %get3A_755 = tpu.vector_load %arg7[%get3A_753, %get3A_754] {strides = array<i32>} : memref<64x512xf32, #tpu.memory_space<vmem>>, vector<1x16xf32>,
      %get3A_756 = vector.shape_cast %get3A_755 : vector<1x16xf32> to vector<16xf32>
      %ne3A_757 = arith.constant 0.000000e+00 : f32
      %ne3A_758 = vector.broadcast %ne3A_757 : f32 to vector<16xf32>
      %ne3A_759 = arith.cmpf one, %get3A_756, %ne3A_758 : vector<16xf32>
      %broadcast_in_dim3A_760 = arith.constant 1.000000e+00 : f32
      %broadcast_in_dim3A_761 = vector.broadcast %broadcast_in_dim3A_760 : f32 to vector<16xf32>
      %broadcast_in_dim3A_762 = arith.constant 0.000000e+00 : f32
      %broadcast_in_dim3A_763 = vector.broadcast %broadcast_in_dim3A_762 : f32 to vector<16xf32>
      %select_n3A_764 = arith.select %ne3A_759, %broadcast_in_dim3A_761, %broadcast_in_dim3A_763 : vector<16xi1>, vector<16xf32>
      %swap3A_765 = arith.index_cast %scan3A_164 : i32 to index
      %swap3A_766 = arith.constant 496 : index
      %swap3A_767 = tpu.vector_load %arg9[%swap3A_765, %swap3A_766] {strides = array<i32>} : memref<32x512xf32, #tpu.memory_space<vmem>>, vector<1x16xf32>,
      %swap3A_768 = vector.shape_cast %swap3A_767 : vector<1x16xf32> to vector<16xf32>
      %swap3A_769 = vector.shape_cast %select_n3A_764 : vector<16xf32> to vector<1x16xf32>
      tpu.vector_store %arg9[%swap3A_765, %swap3A_766], %swap3A_769 {strides = array<i32>} : memref<32x512xf32, #tpu.memory_space<vmem>>, vector<1x16xf32>,
    }
    %scan3A_58 = arith.constant 32 : i32
    %add3A_59 = arith.constant 0 : i32
    %add3A_60 = arith.addi %mul3A_2, %add3A_59 : i32
    %add3A_61 = arith.constant 0 : i32
    %add3A_62 = arith.addi %add3A_60, %add3A_61 : i32
    %dma_start3A_63 = arith.constant 0 : i32
    %dma_start3A_64 = tpu.memref_slice %arg5[%add3A_62, %dma_start3A_63] : memref<4096x512xf32, #tpu.memory_space<hbm>> -> memref<32x512xf32, #tpu.memory_space<hbm>>
    %dma_start3A_65 = arith.constant 0 : i32
    %dma_start3A_66 = tpu.memref_slice %arg5[%add3A_62, %dma_start3A_65] : memref<4096x512xf32, #tpu.memory_space<hbm>> -> memref<32x512xf32, #tpu.memory_space<hbm>>
    tpu.enqueue_dma source(%arg9 : memref<32x512xf32, #tpu.memory_space<vmem>>) target(%dma_start3A_66 : memref<32x512xf32, #tpu.memory_space<hbm>>) target_semaphore(%arg15 : memref<!tpu.dma_semaphore, #tpu.memory_space<semaphore_mem>>)
    %scan3A_67 = arith.constant 0 : i32
    %scan3A_68 = arith.constant 0 : i32
    %scan3A_69 = arith.constant 32 : i32
    %scan3A_70 = arith.addi %scan3A_68, %scan3A_69 : i32
    %scan3A_71 = arith.constant 1 : i32
    scf.for %scan3A_164 = %scan3A_68 to %scan3A_70 step %scan3A_71  : i32 {
      %add3A_165 = arith.constant 32 : i32
      %add3A_166 = arith.addi %add3A_165, %scan3A_164 : i32
      %get3A = arith.index_cast %add3A_166 : i32 to index
      %get3A_167 = arith.constant 0 : index
      %get3A_168 = tpu.vector_load %arg7[%get3A, %get3A_167] {strides = array<i32>} : memref<64x512xf32, #tpu.memory_space<vmem>>, vector<1x16xf32>,
      %get3A_169 = vector.shape_cast %get3A_168 : vector<1x16xf32> to vector<16xf32>
      %ne3A_170 = arith.constant 0.000000e+00 : f32
      %ne3A_171 = vector.broadcast %ne3A_170 : f32 to vector<16xf32>
      %ne3A_172 = arith.cmpf one, %get3A_169, %ne3A_171 : vector<16xf32>
      %broadcast_in_dim3A = arith.constant 1.000000e+00 : f32
      %broadcast_in_dim3A_173 = vector.broadcast %broadcast_in_dim3A : f32 to vector<16xf32>
      %broadcast_in_dim3A_174 = arith.constant 0.000000e+00 : f32
      %broadcast_in_dim3A_175 = vector.broadcast %broadcast_in_dim3A_174 : f32 to vector<16xf32>
      %select_n3A_176 = arith.select %ne3A_172, %broadcast_in_dim3A_173, %broadcast_in_dim3A_175 : vector<16xi1>, vector<16xf32>
      %swap3A = arith.index_cast %scan3A_164 : i32 to index
      %swap3A_177 = arith.constant 0 : index
      %swap3A_178 = tpu.vector_load %arg10[%swap3A, %swap3A_177] {strides = array<i32>} : memref<32x512xf32, #tpu.memory_space<vmem>>, vector<1x16xf32>,
      %swap3A_179 = vector.shape_cast %swap3A_178 : vector<1x16xf32> to vector<16xf32>
      %swap3A_180 = vector.shape_cast %select_n3A_176 : vector<16xf32> to vector<1x16xf32>
      tpu.vector_store %arg10[%swap3A, %swap3A_177], %swap3A_180 {strides = array<i32>} : memref<32x512xf32, #tpu.memory_space<vmem>>, vector<1x16xf32>,
      %add3A_181 = arith.constant 32 : i32
      %add3A_182 = arith.addi %add3A_181, %scan3A_164 : i32
      %get3A_183 = arith.index_cast %add3A_182 : i32 to index
      %get3A_184 = arith.constant 16 : index
      %get3A_185 = tpu.vector_load %arg7[%get3A_183, %get3A_184] {strides = array<i32>} : memref<64x512xf32, #tpu.memory_space<vmem>>, vector<1x16xf32>,
      %get3A_186 = vector.shape_cast %get3A_185 : vector<1x16xf32> to vector<16xf32>
      %ne3A_187 = arith.constant 0.000000e+00 : f32
      %ne3A_188 = vector.broadcast %ne3A_187 : f32 to vector<16xf32>
      %ne3A_189 = arith.cmpf one, %get3A_186, %ne3A_188 : vector<16xf32>
      %broadcast_in_dim3A_190 = arith.constant 1.000000e+00 : f32
      %broadcast_in_dim3A_191 = vector.broadcast %broadcast_in_dim3A_190 : f32 to vector<16xf32>
      %broadcast_in_dim3A_192 = arith.constant 0.000000e+00 : f32
      %broadcast_in_dim3A_193 = vector.broadcast %broadcast_in_dim3A_192 : f32 to vector<16xf32>
      %select_n3A_194 = arith.select %ne3A_189, %broadcast_in_dim3A_191, %broadcast_in_dim3A_193 : vector<16xi1>, vector<16xf32>
      %swap3A_195 = arith.index_cast %scan3A_164 : i32 to index
      %swap3A_196 = arith.constant 16 : index
      %swap3A_197 = tpu.vector_load %arg10[%swap3A_195, %swap3A_196] {strides = array<i32>} : memref<32x512xf32, #tpu.memory_space<vmem>>, vector<1x16xf32>,
      %swap3A_198 = vector.shape_cast %swap3A_197 : vector<1x16xf32> to vector<16xf32>
      %swap3A_199 = vector.shape_cast %select_n3A_194 : vector<16xf32> to vector<1x16xf32>
      tpu.vector_store %arg10[%swap3A_195, %swap3A_196], %swap3A_199 {strides = array<i32>} : memref<32x512xf32, #tpu.memory_space<vmem>>, vector<1x16xf32>,
      %add3A_200 = arith.constant 32 : i32
      %add3A_201 = arith.addi %add3A_200, %scan3A_164 : i32
      %get3A_202 = arith.index_cast %add3A_201 : i32 to index
      %get3A_203 = arith.constant 32 : index
      %get3A_204 = tpu.vector_load %arg7[%get3A_202, %get3A_203] {strides = array<i32>} : memref<64x512xf32, #tpu.memory_space<vmem>>, vector<1x16xf32>,
      %get3A_205 = vector.shape_cast %get3A_204 : vector<1x16xf32> to vector<16xf32>
      %ne3A_206 = arith.constant 0.000000e+00 : f32
      %ne3A_207 = vector.broadcast %ne3A_206 : f32 to vector<16xf32>
      %ne3A_208 = arith.cmpf one, %get3A_205, %ne3A_207 : vector<16xf32>
      %broadcast_in_dim3A_209 = arith.constant 1.000000e+00 : f32
      %broadcast_in_dim3A_210 = vector.broadcast %broadcast_in_dim3A_209 : f32 to vector<16xf32>
      %broadcast_in_dim3A_211 = arith.constant 0.000000e+00 : f32
      %broadcast_in_dim3A_212 = vector.broadcast %broadcast_in_dim3A_211 : f32 to vector<16xf32>
      %select_n3A_213 = arith.select %ne3A_208, %broadcast_in_dim3A_210, %broadcast_in_dim3A_212 : vector<16xi1>, vector<16xf32>
      %swap3A_214 = arith.index_cast %scan3A_164 : i32 to index
      %swap3A_215 = arith.constant 32 : index
      %swap3A_216 = tpu.vector_load %arg10[%swap3A_214, %swap3A_215] {strides = array<i32>} : memref<32x512xf32, #tpu.memory_space<vmem>>, vector<1x16xf32>,
      %swap3A_217 = vector.shape_cast %swap3A_216 : vector<1x16xf32> to vector<16xf32>
      %swap3A_218 = vector.shape_cast %select_n3A_213 : vector<16xf32> to vector<1x16xf32>
      tpu.vector_store %arg10[%swap3A_214, %swap3A_215], %swap3A_218 {strides = array<i32>} : memref<32x512xf32, #tpu.memory_space<vmem>>, vector<1x16xf32>,
      %add3A_219 = arith.constant 32 : i32
      %add3A_220 = arith.addi %add3A_219, %scan3A_164 : i32
      %get3A_221 = arith.index_cast %add3A_220 : i32 to index
      %get3A_222 = arith.constant 48 : index
      %get3A_223 = tpu.vector_load %arg7[%get3A_221, %get3A_222] {strides = array<i32>} : memref<64x512xf32, #tpu.memory_space<vmem>>, vector<1x16xf32>,
      %get3A_224 = vector.shape_cast %get3A_223 : vector<1x16xf32> to vector<16xf32>
      %ne3A_225 = arith.constant 0.000000e+00 : f32
      %ne3A_226 = vector.broadcast %ne3A_225 : f32 to vector<16xf32>
      %ne3A_227 = arith.cmpf one, %get3A_224, %ne3A_226 : vector<16xf32>
      %broadcast_in_dim3A_228 = arith.constant 1.000000e+00 : f32
      %broadcast_in_dim3A_229 = vector.broadcast %broadcast_in_dim3A_228 : f32 to vector<16xf32>
      %broadcast_in_dim3A_230 = arith.constant 0.000000e+00 : f32
      %broadcast_in_dim3A_231 = vector.broadcast %broadcast_in_dim3A_230 : f32 to vector<16xf32>
      %select_n3A_232 = arith.select %ne3A_227, %broadcast_in_dim3A_229, %broadcast_in_dim3A_231 : vector<16xi1>, vector<16xf32>
      %swap3A_233 = arith.index_cast %scan3A_164 : i32 to index
      %swap3A_234 = arith.constant 48 : index
      %swap3A_235 = tpu.vector_load %arg10[%swap3A_233, %swap3A_234] {strides = array<i32>} : memref<32x512xf32, #tpu.memory_space<vmem>>, vector<1x16xf32>,
      %swap3A_236 = vector.shape_cast %swap3A_235 : vector<1x16xf32> to vector<16xf32>
      %swap3A_237 = vector.shape_cast %select_n3A_232 : vector<16xf32> to vector<1x16xf32>
      tpu.vector_store %arg10[%swap3A_233, %swap3A_234], %swap3A_237 {strides = array<i32>} : memref<32x512xf32, #tpu.memory_space<vmem>>, vector<1x16xf32>,
      %add3A_238 = arith.constant 32 : i32
      %add3A_239 = arith.addi %add3A_238, %scan3A_164 : i32
      %get3A_240 = arith.index_cast %add3A_239 : i32 to index
      %get3A_241 = arith.constant 64 : index
      %get3A_242 = tpu.vector_load %arg7[%get3A_240, %get3A_241] {strides = array<i32>} : memref<64x512xf32, #tpu.memory_space<vmem>>, vector<1x16xf32>,
      %get3A_243 = vector.shape_cast %get3A_242 : vector<1x16xf32> to vector<16xf32>
      %ne3A_244 = arith.constant 0.000000e+00 : f32
      %ne3A_245 = vector.broadcast %ne3A_244 : f32 to vector<16xf32>
      %ne3A_246 = arith.cmpf one, %get3A_243, %ne3A_245 : vector<16xf32>
      %broadcast_in_dim3A_247 = arith.constant 1.000000e+00 : f32
      %broadcast_in_dim3A_248 = vector.broadcast %broadcast_in_dim3A_247 : f32 to vector<16xf32>
      %broadcast_in_dim3A_249 = arith.constant 0.000000e+00 : f32
      %broadcast_in_dim3A_250 = vector.broadcast %broadcast_in_dim3A_249 : f32 to vector<16xf32>
      %select_n3A_251 = arith.select %ne3A_246, %broadcast_in_dim3A_248, %broadcast_in_dim3A_250 : vector<16xi1>, vector<16xf32>
      %swap3A_252 = arith.index_cast %scan3A_164 : i32 to index
      %swap3A_253 = arith.constant 64 : index
      %swap3A_254 = tpu.vector_load %arg10[%swap3A_252, %swap3A_253] {strides = array<i32>} : memref<32x512xf32, #tpu.memory_space<vmem>>, vector<1x16xf32>,
      %swap3A_255 = vector.shape_cast %swap3A_254 : vector<1x16xf32> to vector<16xf32>
      %swap3A_256 = vector.shape_cast %select_n3A_251 : vector<16xf32> to vector<1x16xf32>
      tpu.vector_store %arg10[%swap3A_252, %swap3A_253], %swap3A_256 {strides = array<i32>} : memref<32x512xf32, #tpu.memory_space<vmem>>, vector<1x16xf32>,
      %add3A_257 = arith.constant 32 : i32
      %add3A_258 = arith.addi %add3A_257, %scan3A_164 : i32
      %get3A_259 = arith.index_cast %add3A_258 : i32 to index
      %get3A_260 = arith.constant 80 : index
      %get3A_261 = tpu.vector_load %arg7[%get3A_259, %get3A_260] {strides = array<i32>} : memref<64x512xf32, #tpu.memory_space<vmem>>, vector<1x16xf32>,
      %get3A_262 = vector.shape_cast %get3A_261 : vector<1x16xf32> to vector<16xf32>
      %ne3A_263 = arith.constant 0.000000e+00 : f32
      %ne3A_264 = vector.broadcast %ne3A_263 : f32 to vector<16xf32>
      %ne3A_265 = arith.cmpf one, %get3A_262, %ne3A_264 : vector<16xf32>
      %broadcast_in_dim3A_266 = arith.constant 1.000000e+00 : f32
      %broadcast_in_dim3A_267 = vector.broadcast %broadcast_in_dim3A_266 : f32 to vector<16xf32>
      %broadcast_in_dim3A_268 = arith.constant 0.000000e+00 : f32
      %broadcast_in_dim3A_269 = vector.broadcast %broadcast_in_dim3A_268 : f32 to vector<16xf32>
      %select_n3A_270 = arith.select %ne3A_265, %broadcast_in_dim3A_267, %broadcast_in_dim3A_269 : vector<16xi1>, vector<16xf32>
      %swap3A_271 = arith.index_cast %scan3A_164 : i32 to index
      %swap3A_272 = arith.constant 80 : index
      %swap3A_273 = tpu.vector_load %arg10[%swap3A_271, %swap3A_272] {strides = array<i32>} : memref<32x512xf32, #tpu.memory_space<vmem>>, vector<1x16xf32>,
      %swap3A_274 = vector.shape_cast %swap3A_273 : vector<1x16xf32> to vector<16xf32>
      %swap3A_275 = vector.shape_cast %select_n3A_270 : vector<16xf32> to vector<1x16xf32>
      tpu.vector_store %arg10[%swap3A_271, %swap3A_272], %swap3A_275 {strides = array<i32>} : memref<32x512xf32, #tpu.memory_space<vmem>>, vector<1x16xf32>,
      %add3A_276 = arith.constant 32 : i32
      %add3A_277 = arith.addi %add3A_276, %scan3A_164 : i32
      %get3A_278 = arith.index_cast %add3A_277 : i32 to index
      %get3A_279 = arith.constant 96 : index
      %get3A_280 = tpu.vector_load %arg7[%get3A_278, %get3A_279] {strides = array<i32>} : memref<64x512xf32, #tpu.memory_space<vmem>>, vector<1x16xf32>,
      %get3A_281 = vector.shape_cast %get3A_280 : vector<1x16xf32> to vector<16xf32>
      %ne3A_282 = arith.constant 0.000000e+00 : f32
      %ne3A_283 = vector.broadcast %ne3A_282 : f32 to vector<16xf32>
      %ne3A_284 = arith.cmpf one, %get3A_281, %ne3A_283 : vector<16xf32>
      %broadcast_in_dim3A_285 = arith.constant 1.000000e+00 : f32
      %broadcast_in_dim3A_286 = vector.broadcast %broadcast_in_dim3A_285 : f32 to vector<16xf32>
      %broadcast_in_dim3A_287 = arith.constant 0.000000e+00 : f32
      %broadcast_in_dim3A_288 = vector.broadcast %broadcast_in_dim3A_287 : f32 to vector<16xf32>
      %select_n3A_289 = arith.select %ne3A_284, %broadcast_in_dim3A_286, %broadcast_in_dim3A_288 : vector<16xi1>, vector<16xf32>
      %swap3A_290 = arith.index_cast %scan3A_164 : i32 to index
      %swap3A_291 = arith.constant 96 : index
      %swap3A_292 = tpu.vector_load %arg10[%swap3A_290, %swap3A_291] {strides = array<i32>} : memref<32x512xf32, #tpu.memory_space<vmem>>, vector<1x16xf32>,
      %swap3A_293 = vector.shape_cast %swap3A_292 : vector<1x16xf32> to vector<16xf32>
      %swap3A_294 = vector.shape_cast %select_n3A_289 : vector<16xf32> to vector<1x16xf32>
      tpu.vector_store %arg10[%swap3A_290, %swap3A_291], %swap3A_294 {strides = array<i32>} : memref<32x512xf32, #tpu.memory_space<vmem>>, vector<1x16xf32>,
      %add3A_295 = arith.constant 32 : i32
      %add3A_296 = arith.addi %add3A_295, %scan3A_164 : i32
      %get3A_297 = arith.index_cast %add3A_296 : i32 to index
      %get3A_298 = arith.constant 112 : index
      %get3A_299 = tpu.vector_load %arg7[%get3A_297, %get3A_298] {strides = array<i32>} : memref<64x512xf32, #tpu.memory_space<vmem>>, vector<1x16xf32>,
      %get3A_300 = vector.shape_cast %get3A_299 : vector<1x16xf32> to vector<16xf32>
      %ne3A_301 = arith.constant 0.000000e+00 : f32
      %ne3A_302 = vector.broadcast %ne3A_301 : f32 to vector<16xf32>
      %ne3A_303 = arith.cmpf one, %get3A_300, %ne3A_302 : vector<16xf32>
      %broadcast_in_dim3A_304 = arith.constant 1.000000e+00 : f32
      %broadcast_in_dim3A_305 = vector.broadcast %broadcast_in_dim3A_304 : f32 to vector<16xf32>
      %broadcast_in_dim3A_306 = arith.constant 0.000000e+00 : f32
      %broadcast_in_dim3A_307 = vector.broadcast %broadcast_in_dim3A_306 : f32 to vector<16xf32>
      %select_n3A_308 = arith.select %ne3A_303, %broadcast_in_dim3A_305, %broadcast_in_dim3A_307 : vector<16xi1>, vector<16xf32>
      %swap3A_309 = arith.index_cast %scan3A_164 : i32 to index
      %swap3A_310 = arith.constant 112 : index
      %swap3A_311 = tpu.vector_load %arg10[%swap3A_309, %swap3A_310] {strides = array<i32>} : memref<32x512xf32, #tpu.memory_space<vmem>>, vector<1x16xf32>,
      %swap3A_312 = vector.shape_cast %swap3A_311 : vector<1x16xf32> to vector<16xf32>
      %swap3A_313 = vector.shape_cast %select_n3A_308 : vector<16xf32> to vector<1x16xf32>
      tpu.vector_store %arg10[%swap3A_309, %swap3A_310], %swap3A_313 {strides = array<i32>} : memref<32x512xf32, #tpu.memory_space<vmem>>, vector<1x16xf32>,
      %add3A_314 = arith.constant 32 : i32
      %add3A_315 = arith.addi %add3A_314, %scan3A_164 : i32
      %get3A_316 = arith.index_cast %add3A_315 : i32 to index
      %get3A_317 = arith.constant 128 : index
      %get3A_318 = tpu.vector_load %arg7[%get3A_316, %get3A_317] {strides = array<i32>} : memref<64x512xf32, #tpu.memory_space<vmem>>, vector<1x16xf32>,
      %get3A_319 = vector.shape_cast %get3A_318 : vector<1x16xf32> to vector<16xf32>
      %ne3A_320 = arith.constant 0.000000e+00 : f32
      %ne3A_321 = vector.broadcast %ne3A_320 : f32 to vector<16xf32>
      %ne3A_322 = arith.cmpf one, %get3A_319, %ne3A_321 : vector<16xf32>
      %broadcast_in_dim3A_323 = arith.constant 1.000000e+00 : f32
      %broadcast_in_dim3A_324 = vector.broadcast %broadcast_in_dim3A_323 : f32 to vector<16xf32>
      %broadcast_in_dim3A_325 = arith.constant 0.000000e+00 : f32
      %broadcast_in_dim3A_326 = vector.broadcast %broadcast_in_dim3A_325 : f32 to vector<16xf32>
      %select_n3A_327 = arith.select %ne3A_322, %broadcast_in_dim3A_324, %broadcast_in_dim3A_326 : vector<16xi1>, vector<16xf32>
      %swap3A_328 = arith.index_cast %scan3A_164 : i32 to index
      %swap3A_329 = arith.constant 128 : index
      %swap3A_330 = tpu.vector_load %arg10[%swap3A_328, %swap3A_329] {strides = array<i32>} : memref<32x512xf32, #tpu.memory_space<vmem>>, vector<1x16xf32>,
      %swap3A_331 = vector.shape_cast %swap3A_330 : vector<1x16xf32> to vector<16xf32>
      %swap3A_332 = vector.shape_cast %select_n3A_327 : vector<16xf32> to vector<1x16xf32>
      tpu.vector_store %arg10[%swap3A_328, %swap3A_329], %swap3A_332 {strides = array<i32>} : memref<32x512xf32, #tpu.memory_space<vmem>>, vector<1x16xf32>,
      %add3A_333 = arith.constant 32 : i32
      %add3A_334 = arith.addi %add3A_333, %scan3A_164 : i32
      %get3A_335 = arith.index_cast %add3A_334 : i32 to index
      %get3A_336 = arith.constant 144 : index
      %get3A_337 = tpu.vector_load %arg7[%get3A_335, %get3A_336] {strides = array<i32>} : memref<64x512xf32, #tpu.memory_space<vmem>>, vector<1x16xf32>,
      %get3A_338 = vector.shape_cast %get3A_337 : vector<1x16xf32> to vector<16xf32>
      %ne3A_339 = arith.constant 0.000000e+00 : f32
      %ne3A_340 = vector.broadcast %ne3A_339 : f32 to vector<16xf32>
      %ne3A_341 = arith.cmpf one, %get3A_338, %ne3A_340 : vector<16xf32>
      %broadcast_in_dim3A_342 = arith.constant 1.000000e+00 : f32
      %broadcast_in_dim3A_343 = vector.broadcast %broadcast_in_dim3A_342 : f32 to vector<16xf32>
      %broadcast_in_dim3A_344 = arith.constant 0.000000e+00 : f32
      %broadcast_in_dim3A_345 = vector.broadcast %broadcast_in_dim3A_344 : f32 to vector<16xf32>
      %select_n3A_346 = arith.select %ne3A_341, %broadcast_in_dim3A_343, %broadcast_in_dim3A_345 : vector<16xi1>, vector<16xf32>
      %swap3A_347 = arith.index_cast %scan3A_164 : i32 to index
      %swap3A_348 = arith.constant 144 : index
      %swap3A_349 = tpu.vector_load %arg10[%swap3A_347, %swap3A_348] {strides = array<i32>} : memref<32x512xf32, #tpu.memory_space<vmem>>, vector<1x16xf32>,
      %swap3A_350 = vector.shape_cast %swap3A_349 : vector<1x16xf32> to vector<16xf32>
      %swap3A_351 = vector.shape_cast %select_n3A_346 : vector<16xf32> to vector<1x16xf32>
      tpu.vector_store %arg10[%swap3A_347, %swap3A_348], %swap3A_351 {strides = array<i32>} : memref<32x512xf32, #tpu.memory_space<vmem>>, vector<1x16xf32>,
      %add3A_352 = arith.constant 32 : i32
      %add3A_353 = arith.addi %add3A_352, %scan3A_164 : i32
      %get3A_354 = arith.index_cast %add3A_353 : i32 to index
      %get3A_355 = arith.constant 160 : index
      %get3A_356 = tpu.vector_load %arg7[%get3A_354, %get3A_355] {strides = array<i32>} : memref<64x512xf32, #tpu.memory_space<vmem>>, vector<1x16xf32>,
      %get3A_357 = vector.shape_cast %get3A_356 : vector<1x16xf32> to vector<16xf32>
      %ne3A_358 = arith.constant 0.000000e+00 : f32
      %ne3A_359 = vector.broadcast %ne3A_358 : f32 to vector<16xf32>
      %ne3A_360 = arith.cmpf one, %get3A_357, %ne3A_359 : vector<16xf32>
      %broadcast_in_dim3A_361 = arith.constant 1.000000e+00 : f32
      %broadcast_in_dim3A_362 = vector.broadcast %broadcast_in_dim3A_361 : f32 to vector<16xf32>
      %broadcast_in_dim3A_363 = arith.constant 0.000000e+00 : f32
      %broadcast_in_dim3A_364 = vector.broadcast %broadcast_in_dim3A_363 : f32 to vector<16xf32>
      %select_n3A_365 = arith.select %ne3A_360, %broadcast_in_dim3A_362, %broadcast_in_dim3A_364 : vector<16xi1>, vector<16xf32>
      %swap3A_366 = arith.index_cast %scan3A_164 : i32 to index
      %swap3A_367 = arith.constant 160 : index
      %swap3A_368 = tpu.vector_load %arg10[%swap3A_366, %swap3A_367] {strides = array<i32>} : memref<32x512xf32, #tpu.memory_space<vmem>>, vector<1x16xf32>,
      %swap3A_369 = vector.shape_cast %swap3A_368 : vector<1x16xf32> to vector<16xf32>
      %swap3A_370 = vector.shape_cast %select_n3A_365 : vector<16xf32> to vector<1x16xf32>
      tpu.vector_store %arg10[%swap3A_366, %swap3A_367], %swap3A_370 {strides = array<i32>} : memref<32x512xf32, #tpu.memory_space<vmem>>, vector<1x16xf32>,
      %add3A_371 = arith.constant 32 : i32
      %add3A_372 = arith.addi %add3A_371, %scan3A_164 : i32
      %get3A_373 = arith.index_cast %add3A_372 : i32 to index
      %get3A_374 = arith.constant 176 : index
      %get3A_375 = tpu.vector_load %arg7[%get3A_373, %get3A_374] {strides = array<i32>} : memref<64x512xf32, #tpu.memory_space<vmem>>, vector<1x16xf32>,
      %get3A_376 = vector.shape_cast %get3A_375 : vector<1x16xf32> to vector<16xf32>
      %ne3A_377 = arith.constant 0.000000e+00 : f32
      %ne3A_378 = vector.broadcast %ne3A_377 : f32 to vector<16xf32>
      %ne3A_379 = arith.cmpf one, %get3A_376, %ne3A_378 : vector<16xf32>
      %broadcast_in_dim3A_380 = arith.constant 1.000000e+00 : f32
      %broadcast_in_dim3A_381 = vector.broadcast %broadcast_in_dim3A_380 : f32 to vector<16xf32>
      %broadcast_in_dim3A_382 = arith.constant 0.000000e+00 : f32
      %broadcast_in_dim3A_383 = vector.broadcast %broadcast_in_dim3A_382 : f32 to vector<16xf32>
      %select_n3A_384 = arith.select %ne3A_379, %broadcast_in_dim3A_381, %broadcast_in_dim3A_383 : vector<16xi1>, vector<16xf32>
      %swap3A_385 = arith.index_cast %scan3A_164 : i32 to index
      %swap3A_386 = arith.constant 176 : index
      %swap3A_387 = tpu.vector_load %arg10[%swap3A_385, %swap3A_386] {strides = array<i32>} : memref<32x512xf32, #tpu.memory_space<vmem>>, vector<1x16xf32>,
      %swap3A_388 = vector.shape_cast %swap3A_387 : vector<1x16xf32> to vector<16xf32>
      %swap3A_389 = vector.shape_cast %select_n3A_384 : vector<16xf32> to vector<1x16xf32>
      tpu.vector_store %arg10[%swap3A_385, %swap3A_386], %swap3A_389 {strides = array<i32>} : memref<32x512xf32, #tpu.memory_space<vmem>>, vector<1x16xf32>,
      %add3A_390 = arith.constant 32 : i32
      %add3A_391 = arith.addi %add3A_390, %scan3A_164 : i32
      %get3A_392 = arith.index_cast %add3A_391 : i32 to index
      %get3A_393 = arith.constant 192 : index
      %get3A_394 = tpu.vector_load %arg7[%get3A_392, %get3A_393] {strides = array<i32>} : memref<64x512xf32, #tpu.memory_space<vmem>>, vector<1x16xf32>,
      %get3A_395 = vector.shape_cast %get3A_394 : vector<1x16xf32> to vector<16xf32>
      %ne3A_396 = arith.constant 0.000000e+00 : f32
      %ne3A_397 = vector.broadcast %ne3A_396 : f32 to vector<16xf32>
      %ne3A_398 = arith.cmpf one, %get3A_395, %ne3A_397 : vector<16xf32>
      %broadcast_in_dim3A_399 = arith.constant 1.000000e+00 : f32
      %broadcast_in_dim3A_400 = vector.broadcast %broadcast_in_dim3A_399 : f32 to vector<16xf32>
      %broadcast_in_dim3A_401 = arith.constant 0.000000e+00 : f32
      %broadcast_in_dim3A_402 = vector.broadcast %broadcast_in_dim3A_401 : f32 to vector<16xf32>
      %select_n3A_403 = arith.select %ne3A_398, %broadcast_in_dim3A_400, %broadcast_in_dim3A_402 : vector<16xi1>, vector<16xf32>
      %swap3A_404 = arith.index_cast %scan3A_164 : i32 to index
      %swap3A_405 = arith.constant 192 : index
      %swap3A_406 = tpu.vector_load %arg10[%swap3A_404, %swap3A_405] {strides = array<i32>} : memref<32x512xf32, #tpu.memory_space<vmem>>, vector<1x16xf32>,
      %swap3A_407 = vector.shape_cast %swap3A_406 : vector<1x16xf32> to vector<16xf32>
      %swap3A_408 = vector.shape_cast %select_n3A_403 : vector<16xf32> to vector<1x16xf32>
      tpu.vector_store %arg10[%swap3A_404, %swap3A_405], %swap3A_408 {strides = array<i32>} : memref<32x512xf32, #tpu.memory_space<vmem>>, vector<1x16xf32>,
      %add3A_409 = arith.constant 32 : i32
      %add3A_410 = arith.addi %add3A_409, %scan3A_164 : i32
      %get3A_411 = arith.index_cast %add3A_410 : i32 to index
      %get3A_412 = arith.constant 208 : index
      %get3A_413 = tpu.vector_load %arg7[%get3A_411, %get3A_412] {strides = array<i32>} : memref<64x512xf32, #tpu.memory_space<vmem>>, vector<1x16xf32>,
      %get3A_414 = vector.shape_cast %get3A_413 : vector<1x16xf32> to vector<16xf32>
      %ne3A_415 = arith.constant 0.000000e+00 : f32
      %ne3A_416 = vector.broadcast %ne3A_415 : f32 to vector<16xf32>
      %ne3A_417 = arith.cmpf one, %get3A_414, %ne3A_416 : vector<16xf32>
      %broadcast_in_dim3A_418 = arith.constant 1.000000e+00 : f32
      %broadcast_in_dim3A_419 = vector.broadcast %broadcast_in_dim3A_418 : f32 to vector<16xf32>
      %broadcast_in_dim3A_420 = arith.constant 0.000000e+00 : f32
      %broadcast_in_dim3A_421 = vector.broadcast %broadcast_in_dim3A_420 : f32 to vector<16xf32>
      %select_n3A_422 = arith.select %ne3A_417, %broadcast_in_dim3A_419, %broadcast_in_dim3A_421 : vector<16xi1>, vector<16xf32>
      %swap3A_423 = arith.index_cast %scan3A_164 : i32 to index
      %swap3A_424 = arith.constant 208 : index
      %swap3A_425 = tpu.vector_load %arg10[%swap3A_423, %swap3A_424] {strides = array<i32>} : memref<32x512xf32, #tpu.memory_space<vmem>>, vector<1x16xf32>,
      %swap3A_426 = vector.shape_cast %swap3A_425 : vector<1x16xf32> to vector<16xf32>
      %swap3A_427 = vector.shape_cast %select_n3A_422 : vector<16xf32> to vector<1x16xf32>
      tpu.vector_store %arg10[%swap3A_423, %swap3A_424], %swap3A_427 {strides = array<i32>} : memref<32x512xf32, #tpu.memory_space<vmem>>, vector<1x16xf32>,
      %add3A_428 = arith.constant 32 : i32
      %add3A_429 = arith.addi %add3A_428, %scan3A_164 : i32
      %get3A_430 = arith.index_cast %add3A_429 : i32 to index
      %get3A_431 = arith.constant 224 : index
      %get3A_432 = tpu.vector_load %arg7[%get3A_430, %get3A_431] {strides = array<i32>} : memref<64x512xf32, #tpu.memory_space<vmem>>, vector<1x16xf32>,
      %get3A_433 = vector.shape_cast %get3A_432 : vector<1x16xf32> to vector<16xf32>
      %ne3A_434 = arith.constant 0.000000e+00 : f32
      %ne3A_435 = vector.broadcast %ne3A_434 : f32 to vector<16xf32>
      %ne3A_436 = arith.cmpf one, %get3A_433, %ne3A_435 : vector<16xf32>
      %broadcast_in_dim3A_437 = arith.constant 1.000000e+00 : f32
      %broadcast_in_dim3A_438 = vector.broadcast %broadcast_in_dim3A_437 : f32 to vector<16xf32>
      %broadcast_in_dim3A_439 = arith.constant 0.000000e+00 : f32
      %broadcast_in_dim3A_440 = vector.broadcast %broadcast_in_dim3A_439 : f32 to vector<16xf32>
      %select_n3A_441 = arith.select %ne3A_436, %broadcast_in_dim3A_438, %broadcast_in_dim3A_440 : vector<16xi1>, vector<16xf32>
      %swap3A_442 = arith.index_cast %scan3A_164 : i32 to index
      %swap3A_443 = arith.constant 224 : index
      %swap3A_444 = tpu.vector_load %arg10[%swap3A_442, %swap3A_443] {strides = array<i32>} : memref<32x512xf32, #tpu.memory_space<vmem>>, vector<1x16xf32>,
      %swap3A_445 = vector.shape_cast %swap3A_444 : vector<1x16xf32> to vector<16xf32>
      %swap3A_446 = vector.shape_cast %select_n3A_441 : vector<16xf32> to vector<1x16xf32>
      tpu.vector_store %arg10[%swap3A_442, %swap3A_443], %swap3A_446 {strides = array<i32>} : memref<32x512xf32, #tpu.memory_space<vmem>>, vector<1x16xf32>,
      %add3A_447 = arith.constant 32 : i32
      %add3A_448 = arith.addi %add3A_447, %scan3A_164 : i32
      %get3A_449 = arith.index_cast %add3A_448 : i32 to index
      %get3A_450 = arith.constant 240 : index
      %get3A_451 = tpu.vector_load %arg7[%get3A_449, %get3A_450] {strides = array<i32>} : memref<64x512xf32, #tpu.memory_space<vmem>>, vector<1x16xf32>,
      %get3A_452 = vector.shape_cast %get3A_451 : vector<1x16xf32> to vector<16xf32>
      %ne3A_453 = arith.constant 0.000000e+00 : f32
      %ne3A_454 = vector.broadcast %ne3A_453 : f32 to vector<16xf32>
      %ne3A_455 = arith.cmpf one, %get3A_452, %ne3A_454 : vector<16xf32>
      %broadcast_in_dim3A_456 = arith.constant 1.000000e+00 : f32
      %broadcast_in_dim3A_457 = vector.broadcast %broadcast_in_dim3A_456 : f32 to vector<16xf32>
      %broadcast_in_dim3A_458 = arith.constant 0.000000e+00 : f32
      %broadcast_in_dim3A_459 = vector.broadcast %broadcast_in_dim3A_458 : f32 to vector<16xf32>
      %select_n3A_460 = arith.select %ne3A_455, %broadcast_in_dim3A_457, %broadcast_in_dim3A_459 : vector<16xi1>, vector<16xf32>
      %swap3A_461 = arith.index_cast %scan3A_164 : i32 to index
      %swap3A_462 = arith.constant 240 : index
      %swap3A_463 = tpu.vector_load %arg10[%swap3A_461, %swap3A_462] {strides = array<i32>} : memref<32x512xf32, #tpu.memory_space<vmem>>, vector<1x16xf32>,
      %swap3A_464 = vector.shape_cast %swap3A_463 : vector<1x16xf32> to vector<16xf32>
      %swap3A_465 = vector.shape_cast %select_n3A_460 : vector<16xf32> to vector<1x16xf32>
      tpu.vector_store %arg10[%swap3A_461, %swap3A_462], %swap3A_465 {strides = array<i32>} : memref<32x512xf32, #tpu.memory_space<vmem>>, vector<1x16xf32>,
      %add3A_466 = arith.constant 32 : i32
      %add3A_467 = arith.addi %add3A_466, %scan3A_164 : i32
      %get3A_468 = arith.index_cast %add3A_467 : i32 to index
      %get3A_469 = arith.constant 256 : index
      %get3A_470 = tpu.vector_load %arg7[%get3A_468, %get3A_469] {strides = array<i32>} : memref<64x512xf32, #tpu.memory_space<vmem>>, vector<1x16xf32>,
      %get3A_471 = vector.shape_cast %get3A_470 : vector<1x16xf32> to vector<16xf32>
      %ne3A_472 = arith.constant 0.000000e+00 : f32
      %ne3A_473 = vector.broadcast %ne3A_472 : f32 to vector<16xf32>
      %ne3A_474 = arith.cmpf one, %get3A_471, %ne3A_473 : vector<16xf32>
      %broadcast_in_dim3A_475 = arith.constant 1.000000e+00 : f32
      %broadcast_in_dim3A_476 = vector.broadcast %broadcast_in_dim3A_475 : f32 to vector<16xf32>
      %broadcast_in_dim3A_477 = arith.constant 0.000000e+00 : f32
      %broadcast_in_dim3A_478 = vector.broadcast %broadcast_in_dim3A_477 : f32 to vector<16xf32>
      %select_n3A_479 = arith.select %ne3A_474, %broadcast_in_dim3A_476, %broadcast_in_dim3A_478 : vector<16xi1>, vector<16xf32>
      %swap3A_480 = arith.index_cast %scan3A_164 : i32 to index
      %swap3A_481 = arith.constant 256 : index
      %swap3A_482 = tpu.vector_load %arg10[%swap3A_480, %swap3A_481] {strides = array<i32>} : memref<32x512xf32, #tpu.memory_space<vmem>>, vector<1x16xf32>,
      %swap3A_483 = vector.shape_cast %swap3A_482 : vector<1x16xf32> to vector<16xf32>
      %swap3A_484 = vector.shape_cast %select_n3A_479 : vector<16xf32> to vector<1x16xf32>
      tpu.vector_store %arg10[%swap3A_480, %swap3A_481], %swap3A_484 {strides = array<i32>} : memref<32x512xf32, #tpu.memory_space<vmem>>, vector<1x16xf32>,
      %add3A_485 = arith.constant 32 : i32
      %add3A_486 = arith.addi %add3A_485, %scan3A_164 : i32
      %get3A_487 = arith.index_cast %add3A_486 : i32 to index
      %get3A_488 = arith.constant 272 : index
      %get3A_489 = tpu.vector_load %arg7[%get3A_487, %get3A_488] {strides = array<i32>} : memref<64x512xf32, #tpu.memory_space<vmem>>, vector<1x16xf32>,
      %get3A_490 = vector.shape_cast %get3A_489 : vector<1x16xf32> to vector<16xf32>
      %ne3A_491 = arith.constant 0.000000e+00 : f32
      %ne3A_492 = vector.broadcast %ne3A_491 : f32 to vector<16xf32>
      %ne3A_493 = arith.cmpf one, %get3A_490, %ne3A_492 : vector<16xf32>
      %broadcast_in_dim3A_494 = arith.constant 1.000000e+00 : f32
      %broadcast_in_dim3A_495 = vector.broadcast %broadcast_in_dim3A_494 : f32 to vector<16xf32>
      %broadcast_in_dim3A_496 = arith.constant 0.000000e+00 : f32
      %broadcast_in_dim3A_497 = vector.broadcast %broadcast_in_dim3A_496 : f32 to vector<16xf32>
      %select_n3A_498 = arith.select %ne3A_493, %broadcast_in_dim3A_495, %broadcast_in_dim3A_497 : vector<16xi1>, vector<16xf32>
      %swap3A_499 = arith.index_cast %scan3A_164 : i32 to index
      %swap3A_500 = arith.constant 272 : index
      %swap3A_501 = tpu.vector_load %arg10[%swap3A_499, %swap3A_500] {strides = array<i32>} : memref<32x512xf32, #tpu.memory_space<vmem>>, vector<1x16xf32>,
      %swap3A_502 = vector.shape_cast %swap3A_501 : vector<1x16xf32> to vector<16xf32>
      %swap3A_503 = vector.shape_cast %select_n3A_498 : vector<16xf32> to vector<1x16xf32>
      tpu.vector_store %arg10[%swap3A_499, %swap3A_500], %swap3A_503 {strides = array<i32>} : memref<32x512xf32, #tpu.memory_space<vmem>>, vector<1x16xf32>,
      %add3A_504 = arith.constant 32 : i32
      %add3A_505 = arith.addi %add3A_504, %scan3A_164 : i32
      %get3A_506 = arith.index_cast %add3A_505 : i32 to index
      %get3A_507 = arith.constant 288 : index
      %get3A_508 = tpu.vector_load %arg7[%get3A_506, %get3A_507] {strides = array<i32>} : memref<64x512xf32, #tpu.memory_space<vmem>>, vector<1x16xf32>,
      %get3A_509 = vector.shape_cast %get3A_508 : vector<1x16xf32> to vector<16xf32>
      %ne3A_510 = arith.constant 0.000000e+00 : f32
      %ne3A_511 = vector.broadcast %ne3A_510 : f32 to vector<16xf32>
      %ne3A_512 = arith.cmpf one, %get3A_509, %ne3A_511 : vector<16xf32>
      %broadcast_in_dim3A_513 = arith.constant 1.000000e+00 : f32
      %broadcast_in_dim3A_514 = vector.broadcast %broadcast_in_dim3A_513 : f32 to vector<16xf32>
      %broadcast_in_dim3A_515 = arith.constant 0.000000e+00 : f32
      %broadcast_in_dim3A_516 = vector.broadcast %broadcast_in_dim3A_515 : f32 to vector<16xf32>
      %select_n3A_517 = arith.select %ne3A_512, %broadcast_in_dim3A_514, %broadcast_in_dim3A_516 : vector<16xi1>, vector<16xf32>
      %swap3A_518 = arith.index_cast %scan3A_164 : i32 to index
      %swap3A_519 = arith.constant 288 : index
      %swap3A_520 = tpu.vector_load %arg10[%swap3A_518, %swap3A_519] {strides = array<i32>} : memref<32x512xf32, #tpu.memory_space<vmem>>, vector<1x16xf32>,
      %swap3A_521 = vector.shape_cast %swap3A_520 : vector<1x16xf32> to vector<16xf32>
      %swap3A_522 = vector.shape_cast %select_n3A_517 : vector<16xf32> to vector<1x16xf32>
      tpu.vector_store %arg10[%swap3A_518, %swap3A_519], %swap3A_522 {strides = array<i32>} : memref<32x512xf32, #tpu.memory_space<vmem>>, vector<1x16xf32>,
      %add3A_523 = arith.constant 32 : i32
      %add3A_524 = arith.addi %add3A_523, %scan3A_164 : i32
      %get3A_525 = arith.index_cast %add3A_524 : i32 to index
      %get3A_526 = arith.constant 304 : index
      %get3A_527 = tpu.vector_load %arg7[%get3A_525, %get3A_526] {strides = array<i32>} : memref<64x512xf32, #tpu.memory_space<vmem>>, vector<1x16xf32>,
      %get3A_528 = vector.shape_cast %get3A_527 : vector<1x16xf32> to vector<16xf32>
      %ne3A_529 = arith.constant 0.000000e+00 : f32
      %ne3A_530 = vector.broadcast %ne3A_529 : f32 to vector<16xf32>
      %ne3A_531 = arith.cmpf one, %get3A_528, %ne3A_530 : vector<16xf32>
      %broadcast_in_dim3A_532 = arith.constant 1.000000e+00 : f32
      %broadcast_in_dim3A_533 = vector.broadcast %broadcast_in_dim3A_532 : f32 to vector<16xf32>
      %broadcast_in_dim3A_534 = arith.constant 0.000000e+00 : f32
      %broadcast_in_dim3A_535 = vector.broadcast %broadcast_in_dim3A_534 : f32 to vector<16xf32>
      %select_n3A_536 = arith.select %ne3A_531, %broadcast_in_dim3A_533, %broadcast_in_dim3A_535 : vector<16xi1>, vector<16xf32>
      %swap3A_537 = arith.index_cast %scan3A_164 : i32 to index
      %swap3A_538 = arith.constant 304 : index
      %swap3A_539 = tpu.vector_load %arg10[%swap3A_537, %swap3A_538] {strides = array<i32>} : memref<32x512xf32, #tpu.memory_space<vmem>>, vector<1x16xf32>,
      %swap3A_540 = vector.shape_cast %swap3A_539 : vector<1x16xf32> to vector<16xf32>
      %swap3A_541 = vector.shape_cast %select_n3A_536 : vector<16xf32> to vector<1x16xf32>
      tpu.vector_store %arg10[%swap3A_537, %swap3A_538], %swap3A_541 {strides = array<i32>} : memref<32x512xf32, #tpu.memory_space<vmem>>, vector<1x16xf32>,
      %add3A_542 = arith.constant 32 : i32
      %add3A_543 = arith.addi %add3A_542, %scan3A_164 : i32
      %get3A_544 = arith.index_cast %add3A_543 : i32 to index
      %get3A_545 = arith.constant 320 : index
      %get3A_546 = tpu.vector_load %arg7[%get3A_544, %get3A_545] {strides = array<i32>} : memref<64x512xf32, #tpu.memory_space<vmem>>, vector<1x16xf32>,
      %get3A_547 = vector.shape_cast %get3A_546 : vector<1x16xf32> to vector<16xf32>
      %ne3A_548 = arith.constant 0.000000e+00 : f32
      %ne3A_549 = vector.broadcast %ne3A_548 : f32 to vector<16xf32>
      %ne3A_550 = arith.cmpf one, %get3A_547, %ne3A_549 : vector<16xf32>
      %broadcast_in_dim3A_551 = arith.constant 1.000000e+00 : f32
      %broadcast_in_dim3A_552 = vector.broadcast %broadcast_in_dim3A_551 : f32 to vector<16xf32>
      %broadcast_in_dim3A_553 = arith.constant 0.000000e+00 : f32
      %broadcast_in_dim3A_554 = vector.broadcast %broadcast_in_dim3A_553 : f32 to vector<16xf32>
      %select_n3A_555 = arith.select %ne3A_550, %broadcast_in_dim3A_552, %broadcast_in_dim3A_554 : vector<16xi1>, vector<16xf32>
      %swap3A_556 = arith.index_cast %scan3A_164 : i32 to index
      %swap3A_557 = arith.constant 320 : index
      %swap3A_558 = tpu.vector_load %arg10[%swap3A_556, %swap3A_557] {strides = array<i32>} : memref<32x512xf32, #tpu.memory_space<vmem>>, vector<1x16xf32>,
      %swap3A_559 = vector.shape_cast %swap3A_558 : vector<1x16xf32> to vector<16xf32>
      %swap3A_560 = vector.shape_cast %select_n3A_555 : vector<16xf32> to vector<1x16xf32>
      tpu.vector_store %arg10[%swap3A_556, %swap3A_557], %swap3A_560 {strides = array<i32>} : memref<32x512xf32, #tpu.memory_space<vmem>>, vector<1x16xf32>,
      %add3A_561 = arith.constant 32 : i32
      %add3A_562 = arith.addi %add3A_561, %scan3A_164 : i32
      %get3A_563 = arith.index_cast %add3A_562 : i32 to index
      %get3A_564 = arith.constant 336 : index
      %get3A_565 = tpu.vector_load %arg7[%get3A_563, %get3A_564] {strides = array<i32>} : memref<64x512xf32, #tpu.memory_space<vmem>>, vector<1x16xf32>,
      %get3A_566 = vector.shape_cast %get3A_565 : vector<1x16xf32> to vector<16xf32>
      %ne3A_567 = arith.constant 0.000000e+00 : f32
      %ne3A_568 = vector.broadcast %ne3A_567 : f32 to vector<16xf32>
      %ne3A_569 = arith.cmpf one, %get3A_566, %ne3A_568 : vector<16xf32>
      %broadcast_in_dim3A_570 = arith.constant 1.000000e+00 : f32
      %broadcast_in_dim3A_571 = vector.broadcast %broadcast_in_dim3A_570 : f32 to vector<16xf32>
      %broadcast_in_dim3A_572 = arith.constant 0.000000e+00 : f32
      %broadcast_in_dim3A_573 = vector.broadcast %broadcast_in_dim3A_572 : f32 to vector<16xf32>
      %select_n3A_574 = arith.select %ne3A_569, %broadcast_in_dim3A_571, %broadcast_in_dim3A_573 : vector<16xi1>, vector<16xf32>
      %swap3A_575 = arith.index_cast %scan3A_164 : i32 to index
      %swap3A_576 = arith.constant 336 : index
      %swap3A_577 = tpu.vector_load %arg10[%swap3A_575, %swap3A_576] {strides = array<i32>} : memref<32x512xf32, #tpu.memory_space<vmem>>, vector<1x16xf32>,
      %swap3A_578 = vector.shape_cast %swap3A_577 : vector<1x16xf32> to vector<16xf32>
      %swap3A_579 = vector.shape_cast %select_n3A_574 : vector<16xf32> to vector<1x16xf32>
      tpu.vector_store %arg10[%swap3A_575, %swap3A_576], %swap3A_579 {strides = array<i32>} : memref<32x512xf32, #tpu.memory_space<vmem>>, vector<1x16xf32>,
      %add3A_580 = arith.constant 32 : i32
      %add3A_581 = arith.addi %add3A_580, %scan3A_164 : i32
      %get3A_582 = arith.index_cast %add3A_581 : i32 to index
      %get3A_583 = arith.constant 352 : index
      %get3A_584 = tpu.vector_load %arg7[%get3A_582, %get3A_583] {strides = array<i32>} : memref<64x512xf32, #tpu.memory_space<vmem>>, vector<1x16xf32>,
      %get3A_585 = vector.shape_cast %get3A_584 : vector<1x16xf32> to vector<16xf32>
      %ne3A_586 = arith.constant 0.000000e+00 : f32
      %ne3A_587 = vector.broadcast %ne3A_586 : f32 to vector<16xf32>
      %ne3A_588 = arith.cmpf one, %get3A_585, %ne3A_587 : vector<16xf32>
      %broadcast_in_dim3A_589 = arith.constant 1.000000e+00 : f32
      %broadcast_in_dim3A_590 = vector.broadcast %broadcast_in_dim3A_589 : f32 to vector<16xf32>
      %broadcast_in_dim3A_591 = arith.constant 0.000000e+00 : f32
      %broadcast_in_dim3A_592 = vector.broadcast %broadcast_in_dim3A_591 : f32 to vector<16xf32>
      %select_n3A_593 = arith.select %ne3A_588, %broadcast_in_dim3A_590, %broadcast_in_dim3A_592 : vector<16xi1>, vector<16xf32>
      %swap3A_594 = arith.index_cast %scan3A_164 : i32 to index
      %swap3A_595 = arith.constant 352 : index
      %swap3A_596 = tpu.vector_load %arg10[%swap3A_594, %swap3A_595] {strides = array<i32>} : memref<32x512xf32, #tpu.memory_space<vmem>>, vector<1x16xf32>,
      %swap3A_597 = vector.shape_cast %swap3A_596 : vector<1x16xf32> to vector<16xf32>
      %swap3A_598 = vector.shape_cast %select_n3A_593 : vector<16xf32> to vector<1x16xf32>
      tpu.vector_store %arg10[%swap3A_594, %swap3A_595], %swap3A_598 {strides = array<i32>} : memref<32x512xf32, #tpu.memory_space<vmem>>, vector<1x16xf32>,
      %add3A_599 = arith.constant 32 : i32
      %add3A_600 = arith.addi %add3A_599, %scan3A_164 : i32
      %get3A_601 = arith.index_cast %add3A_600 : i32 to index
      %get3A_602 = arith.constant 368 : index
      %get3A_603 = tpu.vector_load %arg7[%get3A_601, %get3A_602] {strides = array<i32>} : memref<64x512xf32, #tpu.memory_space<vmem>>, vector<1x16xf32>,
      %get3A_604 = vector.shape_cast %get3A_603 : vector<1x16xf32> to vector<16xf32>
      %ne3A_605 = arith.constant 0.000000e+00 : f32
      %ne3A_606 = vector.broadcast %ne3A_605 : f32 to vector<16xf32>
      %ne3A_607 = arith.cmpf one, %get3A_604, %ne3A_606 : vector<16xf32>
      %broadcast_in_dim3A_608 = arith.constant 1.000000e+00 : f32
      %broadcast_in_dim3A_609 = vector.broadcast %broadcast_in_dim3A_608 : f32 to vector<16xf32>
      %broadcast_in_dim3A_610 = arith.constant 0.000000e+00 : f32
      %broadcast_in_dim3A_611 = vector.broadcast %broadcast_in_dim3A_610 : f32 to vector<16xf32>
      %select_n3A_612 = arith.select %ne3A_607, %broadcast_in_dim3A_609, %broadcast_in_dim3A_611 : vector<16xi1>, vector<16xf32>
      %swap3A_613 = arith.index_cast %scan3A_164 : i32 to index
      %swap3A_614 = arith.constant 368 : index
      %swap3A_615 = tpu.vector_load %arg10[%swap3A_613, %swap3A_614] {strides = array<i32>} : memref<32x512xf32, #tpu.memory_space<vmem>>, vector<1x16xf32>,
      %swap3A_616 = vector.shape_cast %swap3A_615 : vector<1x16xf32> to vector<16xf32>
      %swap3A_617 = vector.shape_cast %select_n3A_612 : vector<16xf32> to vector<1x16xf32>
      tpu.vector_store %arg10[%swap3A_613, %swap3A_614], %swap3A_617 {strides = array<i32>} : memref<32x512xf32, #tpu.memory_space<vmem>>, vector<1x16xf32>,
      %add3A_618 = arith.constant 32 : i32
      %add3A_619 = arith.addi %add3A_618, %scan3A_164 : i32
      %get3A_620 = arith.index_cast %add3A_619 : i32 to index
      %get3A_621 = arith.constant 384 : index
      %get3A_622 = tpu.vector_load %arg7[%get3A_620, %get3A_621] {strides = array<i32>} : memref<64x512xf32, #tpu.memory_space<vmem>>, vector<1x16xf32>,
      %get3A_623 = vector.shape_cast %get3A_622 : vector<1x16xf32> to vector<16xf32>
      %ne3A_624 = arith.constant 0.000000e+00 : f32
      %ne3A_625 = vector.broadcast %ne3A_624 : f32 to vector<16xf32>
      %ne3A_626 = arith.cmpf one, %get3A_623, %ne3A_625 : vector<16xf32>
      %broadcast_in_dim3A_627 = arith.constant 1.000000e+00 : f32
      %broadcast_in_dim3A_628 = vector.broadcast %broadcast_in_dim3A_627 : f32 to vector<16xf32>
      %broadcast_in_dim3A_629 = arith.constant 0.000000e+00 : f32
      %broadcast_in_dim3A_630 = vector.broadcast %broadcast_in_dim3A_629 : f32 to vector<16xf32>
      %select_n3A_631 = arith.select %ne3A_626, %broadcast_in_dim3A_628, %broadcast_in_dim3A_630 : vector<16xi1>, vector<16xf32>
      %swap3A_632 = arith.index_cast %scan3A_164 : i32 to index
      %swap3A_633 = arith.constant 384 : index
      %swap3A_634 = tpu.vector_load %arg10[%swap3A_632, %swap3A_633] {strides = array<i32>} : memref<32x512xf32, #tpu.memory_space<vmem>>, vector<1x16xf32>,
      %swap3A_635 = vector.shape_cast %swap3A_634 : vector<1x16xf32> to vector<16xf32>
      %swap3A_636 = vector.shape_cast %select_n3A_631 : vector<16xf32> to vector<1x16xf32>
      tpu.vector_store %arg10[%swap3A_632, %swap3A_633], %swap3A_636 {strides = array<i32>} : memref<32x512xf32, #tpu.memory_space<vmem>>, vector<1x16xf32>,
      %add3A_637 = arith.constant 32 : i32
      %add3A_638 = arith.addi %add3A_637, %scan3A_164 : i32
      %get3A_639 = arith.index_cast %add3A_638 : i32 to index
      %get3A_640 = arith.constant 400 : index
      %get3A_641 = tpu.vector_load %arg7[%get3A_639, %get3A_640] {strides = array<i32>} : memref<64x512xf32, #tpu.memory_space<vmem>>, vector<1x16xf32>,
      %get3A_642 = vector.shape_cast %get3A_641 : vector<1x16xf32> to vector<16xf32>
      %ne3A_643 = arith.constant 0.000000e+00 : f32
      %ne3A_644 = vector.broadcast %ne3A_643 : f32 to vector<16xf32>
      %ne3A_645 = arith.cmpf one, %get3A_642, %ne3A_644 : vector<16xf32>
      %broadcast_in_dim3A_646 = arith.constant 1.000000e+00 : f32
      %broadcast_in_dim3A_647 = vector.broadcast %broadcast_in_dim3A_646 : f32 to vector<16xf32>
      %broadcast_in_dim3A_648 = arith.constant 0.000000e+00 : f32
      %broadcast_in_dim3A_649 = vector.broadcast %broadcast_in_dim3A_648 : f32 to vector<16xf32>
      %select_n3A_650 = arith.select %ne3A_645, %broadcast_in_dim3A_647, %broadcast_in_dim3A_649 : vector<16xi1>, vector<16xf32>
      %swap3A_651 = arith.index_cast %scan3A_164 : i32 to index
      %swap3A_652 = arith.constant 400 : index
      %swap3A_653 = tpu.vector_load %arg10[%swap3A_651, %swap3A_652] {strides = array<i32>} : memref<32x512xf32, #tpu.memory_space<vmem>>, vector<1x16xf32>,
      %swap3A_654 = vector.shape_cast %swap3A_653 : vector<1x16xf32> to vector<16xf32>
      %swap3A_655 = vector.shape_cast %select_n3A_650 : vector<16xf32> to vector<1x16xf32>
      tpu.vector_store %arg10[%swap3A_651, %swap3A_652], %swap3A_655 {strides = array<i32>} : memref<32x512xf32, #tpu.memory_space<vmem>>, vector<1x16xf32>,
      %add3A_656 = arith.constant 32 : i32
      %add3A_657 = arith.addi %add3A_656, %scan3A_164 : i32
      %get3A_658 = arith.index_cast %add3A_657 : i32 to index
      %get3A_659 = arith.constant 416 : index
      %get3A_660 = tpu.vector_load %arg7[%get3A_658, %get3A_659] {strides = array<i32>} : memref<64x512xf32, #tpu.memory_space<vmem>>, vector<1x16xf32>,
      %get3A_661 = vector.shape_cast %get3A_660 : vector<1x16xf32> to vector<16xf32>
      %ne3A_662 = arith.constant 0.000000e+00 : f32
      %ne3A_663 = vector.broadcast %ne3A_662 : f32 to vector<16xf32>
      %ne3A_664 = arith.cmpf one, %get3A_661, %ne3A_663 : vector<16xf32>
      %broadcast_in_dim3A_665 = arith.constant 1.000000e+00 : f32
      %broadcast_in_dim3A_666 = vector.broadcast %broadcast_in_dim3A_665 : f32 to vector<16xf32>
      %broadcast_in_dim3A_667 = arith.constant 0.000000e+00 : f32
      %broadcast_in_dim3A_668 = vector.broadcast %broadcast_in_dim3A_667 : f32 to vector<16xf32>
      %select_n3A_669 = arith.select %ne3A_664, %broadcast_in_dim3A_666, %broadcast_in_dim3A_668 : vector<16xi1>, vector<16xf32>
      %swap3A_670 = arith.index_cast %scan3A_164 : i32 to index
      %swap3A_671 = arith.constant 416 : index
      %swap3A_672 = tpu.vector_load %arg10[%swap3A_670, %swap3A_671] {strides = array<i32>} : memref<32x512xf32, #tpu.memory_space<vmem>>, vector<1x16xf32>,
      %swap3A_673 = vector.shape_cast %swap3A_672 : vector<1x16xf32> to vector<16xf32>
      %swap3A_674 = vector.shape_cast %select_n3A_669 : vector<16xf32> to vector<1x16xf32>
      tpu.vector_store %arg10[%swap3A_670, %swap3A_671], %swap3A_674 {strides = array<i32>} : memref<32x512xf32, #tpu.memory_space<vmem>>, vector<1x16xf32>,
      %add3A_675 = arith.constant 32 : i32
      %add3A_676 = arith.addi %add3A_675, %scan3A_164 : i32
      %get3A_677 = arith.index_cast %add3A_676 : i32 to index
      %get3A_678 = arith.constant 432 : index
      %get3A_679 = tpu.vector_load %arg7[%get3A_677, %get3A_678] {strides = array<i32>} : memref<64x512xf32, #tpu.memory_space<vmem>>, vector<1x16xf32>,
      %get3A_680 = vector.shape_cast %get3A_679 : vector<1x16xf32> to vector<16xf32>
      %ne3A_681 = arith.constant 0.000000e+00 : f32
      %ne3A_682 = vector.broadcast %ne3A_681 : f32 to vector<16xf32>
      %ne3A_683 = arith.cmpf one, %get3A_680, %ne3A_682 : vector<16xf32>
      %broadcast_in_dim3A_684 = arith.constant 1.000000e+00 : f32
      %broadcast_in_dim3A_685 = vector.broadcast %broadcast_in_dim3A_684 : f32 to vector<16xf32>
      %broadcast_in_dim3A_686 = arith.constant 0.000000e+00 : f32
      %broadcast_in_dim3A_687 = vector.broadcast %broadcast_in_dim3A_686 : f32 to vector<16xf32>
      %select_n3A_688 = arith.select %ne3A_683, %broadcast_in_dim3A_685, %broadcast_in_dim3A_687 : vector<16xi1>, vector<16xf32>
      %swap3A_689 = arith.index_cast %scan3A_164 : i32 to index
      %swap3A_690 = arith.constant 432 : index
      %swap3A_691 = tpu.vector_load %arg10[%swap3A_689, %swap3A_690] {strides = array<i32>} : memref<32x512xf32, #tpu.memory_space<vmem>>, vector<1x16xf32>,
      %swap3A_692 = vector.shape_cast %swap3A_691 : vector<1x16xf32> to vector<16xf32>
      %swap3A_693 = vector.shape_cast %select_n3A_688 : vector<16xf32> to vector<1x16xf32>
      tpu.vector_store %arg10[%swap3A_689, %swap3A_690], %swap3A_693 {strides = array<i32>} : memref<32x512xf32, #tpu.memory_space<vmem>>, vector<1x16xf32>,
      %add3A_694 = arith.constant 32 : i32
      %add3A_695 = arith.addi %add3A_694, %scan3A_164 : i32
      %get3A_696 = arith.index_cast %add3A_695 : i32 to index
      %get3A_697 = arith.constant 448 : index
      %get3A_698 = tpu.vector_load %arg7[%get3A_696, %get3A_697] {strides = array<i32>} : memref<64x512xf32, #tpu.memory_space<vmem>>, vector<1x16xf32>,
      %get3A_699 = vector.shape_cast %get3A_698 : vector<1x16xf32> to vector<16xf32>
      %ne3A_700 = arith.constant 0.000000e+00 : f32
      %ne3A_701 = vector.broadcast %ne3A_700 : f32 to vector<16xf32>
      %ne3A_702 = arith.cmpf one, %get3A_699, %ne3A_701 : vector<16xf32>
      %broadcast_in_dim3A_703 = arith.constant 1.000000e+00 : f32
      %broadcast_in_dim3A_704 = vector.broadcast %broadcast_in_dim3A_703 : f32 to vector<16xf32>
      %broadcast_in_dim3A_705 = arith.constant 0.000000e+00 : f32
      %broadcast_in_dim3A_706 = vector.broadcast %broadcast_in_dim3A_705 : f32 to vector<16xf32>
      %select_n3A_707 = arith.select %ne3A_702, %broadcast_in_dim3A_704, %broadcast_in_dim3A_706 : vector<16xi1>, vector<16xf32>
      %swap3A_708 = arith.index_cast %scan3A_164 : i32 to index
      %swap3A_709 = arith.constant 448 : index
      %swap3A_710 = tpu.vector_load %arg10[%swap3A_708, %swap3A_709] {strides = array<i32>} : memref<32x512xf32, #tpu.memory_space<vmem>>, vector<1x16xf32>,
      %swap3A_711 = vector.shape_cast %swap3A_710 : vector<1x16xf32> to vector<16xf32>
      %swap3A_712 = vector.shape_cast %select_n3A_707 : vector<16xf32> to vector<1x16xf32>
      tpu.vector_store %arg10[%swap3A_708, %swap3A_709], %swap3A_712 {strides = array<i32>} : memref<32x512xf32, #tpu.memory_space<vmem>>, vector<1x16xf32>,
      %add3A_713 = arith.constant 32 : i32
      %add3A_714 = arith.addi %add3A_713, %scan3A_164 : i32
      %get3A_715 = arith.index_cast %add3A_714 : i32 to index
      %get3A_716 = arith.constant 464 : index
      %get3A_717 = tpu.vector_load %arg7[%get3A_715, %get3A_716] {strides = array<i32>} : memref<64x512xf32, #tpu.memory_space<vmem>>, vector<1x16xf32>,
      %get3A_718 = vector.shape_cast %get3A_717 : vector<1x16xf32> to vector<16xf32>
      %ne3A_719 = arith.constant 0.000000e+00 : f32
      %ne3A_720 = vector.broadcast %ne3A_719 : f32 to vector<16xf32>
      %ne3A_721 = arith.cmpf one, %get3A_718, %ne3A_720 : vector<16xf32>
      %broadcast_in_dim3A_722 = arith.constant 1.000000e+00 : f32
      %broadcast_in_dim3A_723 = vector.broadcast %broadcast_in_dim3A_722 : f32 to vector<16xf32>
      %broadcast_in_dim3A_724 = arith.constant 0.000000e+00 : f32
      %broadcast_in_dim3A_725 = vector.broadcast %broadcast_in_dim3A_724 : f32 to vector<16xf32>
      %select_n3A_726 = arith.select %ne3A_721, %broadcast_in_dim3A_723, %broadcast_in_dim3A_725 : vector<16xi1>, vector<16xf32>
      %swap3A_727 = arith.index_cast %scan3A_164 : i32 to index
      %swap3A_728 = arith.constant 464 : index
      %swap3A_729 = tpu.vector_load %arg10[%swap3A_727, %swap3A_728] {strides = array<i32>} : memref<32x512xf32, #tpu.memory_space<vmem>>, vector<1x16xf32>,
      %swap3A_730 = vector.shape_cast %swap3A_729 : vector<1x16xf32> to vector<16xf32>
      %swap3A_731 = vector.shape_cast %select_n3A_726 : vector<16xf32> to vector<1x16xf32>
      tpu.vector_store %arg10[%swap3A_727, %swap3A_728], %swap3A_731 {strides = array<i32>} : memref<32x512xf32, #tpu.memory_space<vmem>>, vector<1x16xf32>,
      %add3A_732 = arith.constant 32 : i32
      %add3A_733 = arith.addi %add3A_732, %scan3A_164 : i32
      %get3A_734 = arith.index_cast %add3A_733 : i32 to index
      %get3A_735 = arith.constant 480 : index
      %get3A_736 = tpu.vector_load %arg7[%get3A_734, %get3A_735] {strides = array<i32>} : memref<64x512xf32, #tpu.memory_space<vmem>>, vector<1x16xf32>,
      %get3A_737 = vector.shape_cast %get3A_736 : vector<1x16xf32> to vector<16xf32>
      %ne3A_738 = arith.constant 0.000000e+00 : f32
      %ne3A_739 = vector.broadcast %ne3A_738 : f32 to vector<16xf32>
      %ne3A_740 = arith.cmpf one, %get3A_737, %ne3A_739 : vector<16xf32>
      %broadcast_in_dim3A_741 = arith.constant 1.000000e+00 : f32
      %broadcast_in_dim3A_742 = vector.broadcast %broadcast_in_dim3A_741 : f32 to vector<16xf32>
      %broadcast_in_dim3A_743 = arith.constant 0.000000e+00 : f32
      %broadcast_in_dim3A_744 = vector.broadcast %broadcast_in_dim3A_743 : f32 to vector<16xf32>
      %select_n3A_745 = arith.select %ne3A_740, %broadcast_in_dim3A_742, %broadcast_in_dim3A_744 : vector<16xi1>, vector<16xf32>
      %swap3A_746 = arith.index_cast %scan3A_164 : i32 to index
      %swap3A_747 = arith.constant 480 : index
      %swap3A_748 = tpu.vector_load %arg10[%swap3A_746, %swap3A_747] {strides = array<i32>} : memref<32x512xf32, #tpu.memory_space<vmem>>, vector<1x16xf32>,
      %swap3A_749 = vector.shape_cast %swap3A_748 : vector<1x16xf32> to vector<16xf32>
      %swap3A_750 = vector.shape_cast %select_n3A_745 : vector<16xf32> to vector<1x16xf32>
      tpu.vector_store %arg10[%swap3A_746, %swap3A_747], %swap3A_750 {strides = array<i32>} : memref<32x512xf32, #tpu.memory_space<vmem>>, vector<1x16xf32>,
      %add3A_751 = arith.constant 32 : i32
      %add3A_752 = arith.addi %add3A_751, %scan3A_164 : i32
      %get3A_753 = arith.index_cast %add3A_752 : i32 to index
      %get3A_754 = arith.constant 496 : index
      %get3A_755 = tpu.vector_load %arg7[%get3A_753, %get3A_754] {strides = array<i32>} : memref<64x512xf32, #tpu.memory_space<vmem>>, vector<1x16xf32>,
      %get3A_756 = vector.shape_cast %get3A_755 : vector<1x16xf32> to vector<16xf32>
      %ne3A_757 = arith.constant 0.000000e+00 : f32
      %ne3A_758 = vector.broadcast %ne3A_757 : f32 to vector<16xf32>
      %ne3A_759 = arith.cmpf one, %get3A_756, %ne3A_758 : vector<16xf32>
      %broadcast_in_dim3A_760 = arith.constant 1.000000e+00 : f32
      %broadcast_in_dim3A_761 = vector.broadcast %broadcast_in_dim3A_760 : f32 to vector<16xf32>
      %broadcast_in_dim3A_762 = arith.constant 0.000000e+00 : f32
      %broadcast_in_dim3A_763 = vector.broadcast %broadcast_in_dim3A_762 : f32 to vector<16xf32>
      %select_n3A_764 = arith.select %ne3A_759, %broadcast_in_dim3A_761, %broadcast_in_dim3A_763 : vector<16xi1>, vector<16xf32>
      %swap3A_765 = arith.index_cast %scan3A_164 : i32 to index
      %swap3A_766 = arith.constant 496 : index
      %swap3A_767 = tpu.vector_load %arg10[%swap3A_765, %swap3A_766] {strides = array<i32>} : memref<32x512xf32, #tpu.memory_space<vmem>>, vector<1x16xf32>,
      %swap3A_768 = vector.shape_cast %swap3A_767 : vector<1x16xf32> to vector<16xf32>
      %swap3A_769 = vector.shape_cast %select_n3A_764 : vector<16xf32> to vector<1x16xf32>
      tpu.vector_store %arg10[%swap3A_765, %swap3A_766], %swap3A_769 {strides = array<i32>} : memref<32x512xf32, #tpu.memory_space<vmem>>, vector<1x16xf32>,
    }
    %scan3A_72 = arith.constant 32 : i32
    %add3A_73 = arith.constant 0 : i32
    %add3A_74 = arith.addi %mul3A_2, %add3A_73 : i32
    %add3A_75 = arith.constant 32 : i32
    %add3A_76 = arith.addi %add3A_74, %add3A_75 : i32
    %dma_start3A_77 = arith.constant 0 : i32
    %dma_start3A_78 = tpu.memref_slice %arg5[%add3A_76, %dma_start3A_77] : memref<4096x512xf32, #tpu.memory_space<hbm>> -> memref<32x512xf32, #tpu.memory_space<hbm>>
    %dma_start3A_79 = arith.constant 0 : i32
    %dma_start3A_80 = tpu.memref_slice %arg5[%add3A_76, %dma_start3A_79] : memref<4096x512xf32, #tpu.memory_space<hbm>> -> memref<32x512xf32, #tpu.memory_space<hbm>>
    tpu.enqueue_dma source(%arg10 : memref<32x512xf32, #tpu.memory_space<vmem>>) target(%dma_start3A_80 : memref<32x512xf32, #tpu.memory_space<hbm>>) target_semaphore(%arg16 : memref<!tpu.dma_semaphore, #tpu.memory_space<semaphore_mem>>)
    %dma_wait3A_81 = arith.constant 64 : i32
    %dma_wait3A_82 = tpu.memref_slice %arg6[%dma_wait3A_81] : memref<128xi32, #tpu.memory_space<vmem>> -> memref<64xi32, #tpu.memory_space<vmem>>
    %dma_wait3A_83 = arith.constant 0 : i32
    %dma_wait3A_84 = arith.constant 0 : i32
    %dma_wait3A_85 = tpu.memref_slice %arg2[%dma_wait3A_83, %dma_wait3A_84] : memref<1064x512xf32, #tpu.memory_space<hbm>> -> memref<1064x512xf32, #tpu.memory_space<hbm>>
    tpu.wait_indirect_dma semaphore(%arg12 : memref<!tpu.dma_semaphore, #tpu.memory_space<semaphore_mem>>) src(%dma_wait3A_85 : memref<1064x512xf32, #tpu.memory_space<hbm>>) dst(%arg8 : memref<64x512xf32, #tpu.memory_space<vmem>>)
    %add3A_86 = arith.constant 64 : i32
    %add3A_87 = arith.addi %mul3A_2, %add3A_86 : i32
    %dma_start3A_88 = arith.constant 0 : i32
    %dma_start3A_89 = tpu.memref_slice %arg4[%add3A_87, %dma_start3A_88] : memref<4096x512xf32, #tpu.memory_space<hbm>> -> memref<64x512xf32, #tpu.memory_space<hbm>>
    %dma_start3A_90 = arith.constant 0 : i32
    %dma_start3A_91 = tpu.memref_slice %arg4[%add3A_87, %dma_start3A_90] : memref<4096x512xf32, #tpu.memory_space<hbm>> -> memref<64x512xf32, #tpu.memory_space<hbm>>
    tpu.enqueue_dma source(%arg8 : memref<64x512xf32, #tpu.memory_space<vmem>>) target(%dma_start3A_91 : memref<64x512xf32, #tpu.memory_space<hbm>>) target_semaphore(%arg14 : memref<!tpu.dma_semaphore, #tpu.memory_space<semaphore_mem>>)
    %add3A_92 = arith.constant 0 : i32
    %add3A_93 = arith.addi %mul3A_2, %add3A_92 : i32
    %add3A_94 = arith.constant 0 : i32
    %add3A_95 = arith.addi %add3A_93, %add3A_94 : i32
    %dma_wait3A_96 = arith.constant 0 : i32
    %dma_wait3A_97 = tpu.memref_slice %arg5[%add3A_95, %dma_wait3A_96] : memref<4096x512xf32, #tpu.memory_space<hbm>> -> memref<32x512xf32, #tpu.memory_space<hbm>>
    %dma_wait3A_98 = arith.constant 0 : i32
    %dma_wait3A_99 = tpu.memref_slice %arg5[%add3A_95, %dma_wait3A_98] : memref<4096x512xf32, #tpu.memory_space<hbm>> -> memref<32x512xf32, #tpu.memory_space<hbm>>
    tpu.wait_dma2 semaphore(%arg15 : memref<!tpu.dma_semaphore, #tpu.memory_space<semaphore_mem>>) src(%arg9 : memref<32x512xf32, #tpu.memory_space<vmem>>) dst(%dma_wait3A_99 : memref<32x512xf32, #tpu.memory_space<hbm>>)
    %scan3A_100 = arith.constant 0 : i32
    %scan3A_101 = arith.constant 0 : i32
    %scan3A_102 = arith.constant 32 : i32
    %scan3A_103 = arith.addi %scan3A_101, %scan3A_102 : i32
    %scan3A_104 = arith.constant 1 : i32
    scf.for %scan3A_164 = %scan3A_101 to %scan3A_103 step %scan3A_104  : i32 {
      %add3A_165 = arith.constant 0 : i32
      %add3A_166 = arith.addi %add3A_165, %scan3A_164 : i32
      %get3A = arith.index_cast %add3A_166 : i32 to index
      %get3A_167 = arith.constant 0 : index
      %get3A_168 = tpu.vector_load %arg8[%get3A, %get3A_167] {strides = array<i32>} : memref<64x512xf32, #tpu.memory_space<vmem>>, vector<1x16xf32>,
      %get3A_169 = vector.shape_cast %get3A_168 : vector<1x16xf32> to vector<16xf32>
      %ne3A_170 = arith.constant 0.000000e+00 : f32
      %ne3A_171 = vector.broadcast %ne3A_170 : f32 to vector<16xf32>
      %ne3A_172 = arith.cmpf one, %get3A_169, %ne3A_171 : vector<16xf32>
      %broadcast_in_dim3A = arith.constant 1.000000e+00 : f32
      %broadcast_in_dim3A_173 = vector.broadcast %broadcast_in_dim3A : f32 to vector<16xf32>
      %broadcast_in_dim3A_174 = arith.constant 0.000000e+00 : f32
      %broadcast_in_dim3A_175 = vector.broadcast %broadcast_in_dim3A_174 : f32 to vector<16xf32>
      %select_n3A_176 = arith.select %ne3A_172, %broadcast_in_dim3A_173, %broadcast_in_dim3A_175 : vector<16xi1>, vector<16xf32>
      %swap3A = arith.index_cast %scan3A_164 : i32 to index
      %swap3A_177 = arith.constant 0 : index
      %swap3A_178 = tpu.vector_load %arg9[%swap3A, %swap3A_177] {strides = array<i32>} : memref<32x512xf32, #tpu.memory_space<vmem>>, vector<1x16xf32>,
      %swap3A_179 = vector.shape_cast %swap3A_178 : vector<1x16xf32> to vector<16xf32>
      %swap3A_180 = vector.shape_cast %select_n3A_176 : vector<16xf32> to vector<1x16xf32>
      tpu.vector_store %arg9[%swap3A, %swap3A_177], %swap3A_180 {strides = array<i32>} : memref<32x512xf32, #tpu.memory_space<vmem>>, vector<1x16xf32>,
      %add3A_181 = arith.constant 0 : i32
      %add3A_182 = arith.addi %add3A_181, %scan3A_164 : i32
      %get3A_183 = arith.index_cast %add3A_182 : i32 to index
      %get3A_184 = arith.constant 16 : index
      %get3A_185 = tpu.vector_load %arg8[%get3A_183, %get3A_184] {strides = array<i32>} : memref<64x512xf32, #tpu.memory_space<vmem>>, vector<1x16xf32>,
      %get3A_186 = vector.shape_cast %get3A_185 : vector<1x16xf32> to vector<16xf32>
      %ne3A_187 = arith.constant 0.000000e+00 : f32
      %ne3A_188 = vector.broadcast %ne3A_187 : f32 to vector<16xf32>
      %ne3A_189 = arith.cmpf one, %get3A_186, %ne3A_188 : vector<16xf32>
      %broadcast_in_dim3A_190 = arith.constant 1.000000e+00 : f32
      %broadcast_in_dim3A_191 = vector.broadcast %broadcast_in_dim3A_190 : f32 to vector<16xf32>
      %broadcast_in_dim3A_192 = arith.constant 0.000000e+00 : f32
      %broadcast_in_dim3A_193 = vector.broadcast %broadcast_in_dim3A_192 : f32 to vector<16xf32>
      %select_n3A_194 = arith.select %ne3A_189, %broadcast_in_dim3A_191, %broadcast_in_dim3A_193 : vector<16xi1>, vector<16xf32>
      %swap3A_195 = arith.index_cast %scan3A_164 : i32 to index
      %swap3A_196 = arith.constant 16 : index
      %swap3A_197 = tpu.vector_load %arg9[%swap3A_195, %swap3A_196] {strides = array<i32>} : memref<32x512xf32, #tpu.memory_space<vmem>>, vector<1x16xf32>,
      %swap3A_198 = vector.shape_cast %swap3A_197 : vector<1x16xf32> to vector<16xf32>
      %swap3A_199 = vector.shape_cast %select_n3A_194 : vector<16xf32> to vector<1x16xf32>
      tpu.vector_store %arg9[%swap3A_195, %swap3A_196], %swap3A_199 {strides = array<i32>} : memref<32x512xf32, #tpu.memory_space<vmem>>, vector<1x16xf32>,
      %add3A_200 = arith.constant 0 : i32
      %add3A_201 = arith.addi %add3A_200, %scan3A_164 : i32
      %get3A_202 = arith.index_cast %add3A_201 : i32 to index
      %get3A_203 = arith.constant 32 : index
      %get3A_204 = tpu.vector_load %arg8[%get3A_202, %get3A_203] {strides = array<i32>} : memref<64x512xf32, #tpu.memory_space<vmem>>, vector<1x16xf32>,
      %get3A_205 = vector.shape_cast %get3A_204 : vector<1x16xf32> to vector<16xf32>
      %ne3A_206 = arith.constant 0.000000e+00 : f32
      %ne3A_207 = vector.broadcast %ne3A_206 : f32 to vector<16xf32>
      %ne3A_208 = arith.cmpf one, %get3A_205, %ne3A_207 : vector<16xf32>
      %broadcast_in_dim3A_209 = arith.constant 1.000000e+00 : f32
      %broadcast_in_dim3A_210 = vector.broadcast %broadcast_in_dim3A_209 : f32 to vector<16xf32>
      %broadcast_in_dim3A_211 = arith.constant 0.000000e+00 : f32
      %broadcast_in_dim3A_212 = vector.broadcast %broadcast_in_dim3A_211 : f32 to vector<16xf32>
      %select_n3A_213 = arith.select %ne3A_208, %broadcast_in_dim3A_210, %broadcast_in_dim3A_212 : vector<16xi1>, vector<16xf32>
      %swap3A_214 = arith.index_cast %scan3A_164 : i32 to index
      %swap3A_215 = arith.constant 32 : index
      %swap3A_216 = tpu.vector_load %arg9[%swap3A_214, %swap3A_215] {strides = array<i32>} : memref<32x512xf32, #tpu.memory_space<vmem>>, vector<1x16xf32>,
      %swap3A_217 = vector.shape_cast %swap3A_216 : vector<1x16xf32> to vector<16xf32>
      %swap3A_218 = vector.shape_cast %select_n3A_213 : vector<16xf32> to vector<1x16xf32>
      tpu.vector_store %arg9[%swap3A_214, %swap3A_215], %swap3A_218 {strides = array<i32>} : memref<32x512xf32, #tpu.memory_space<vmem>>, vector<1x16xf32>,
      %add3A_219 = arith.constant 0 : i32
      %add3A_220 = arith.addi %add3A_219, %scan3A_164 : i32
      %get3A_221 = arith.index_cast %add3A_220 : i32 to index
      %get3A_222 = arith.constant 48 : index
      %get3A_223 = tpu.vector_load %arg8[%get3A_221, %get3A_222] {strides = array<i32>} : memref<64x512xf32, #tpu.memory_space<vmem>>, vector<1x16xf32>,
      %get3A_224 = vector.shape_cast %get3A_223 : vector<1x16xf32> to vector<16xf32>
      %ne3A_225 = arith.constant 0.000000e+00 : f32
      %ne3A_226 = vector.broadcast %ne3A_225 : f32 to vector<16xf32>
      %ne3A_227 = arith.cmpf one, %get3A_224, %ne3A_226 : vector<16xf32>
      %broadcast_in_dim3A_228 = arith.constant 1.000000e+00 : f32
      %broadcast_in_dim3A_229 = vector.broadcast %broadcast_in_dim3A_228 : f32 to vector<16xf32>
      %broadcast_in_dim3A_230 = arith.constant 0.000000e+00 : f32
      %broadcast_in_dim3A_231 = vector.broadcast %broadcast_in_dim3A_230 : f32 to vector<16xf32>
      %select_n3A_232 = arith.select %ne3A_227, %broadcast_in_dim3A_229, %broadcast_in_dim3A_231 : vector<16xi1>, vector<16xf32>
      %swap3A_233 = arith.index_cast %scan3A_164 : i32 to index
      %swap3A_234 = arith.constant 48 : index
      %swap3A_235 = tpu.vector_load %arg9[%swap3A_233, %swap3A_234] {strides = array<i32>} : memref<32x512xf32, #tpu.memory_space<vmem>>, vector<1x16xf32>,
      %swap3A_236 = vector.shape_cast %swap3A_235 : vector<1x16xf32> to vector<16xf32>
      %swap3A_237 = vector.shape_cast %select_n3A_232 : vector<16xf32> to vector<1x16xf32>
      tpu.vector_store %arg9[%swap3A_233, %swap3A_234], %swap3A_237 {strides = array<i32>} : memref<32x512xf32, #tpu.memory_space<vmem>>, vector<1x16xf32>,
      %add3A_238 = arith.constant 0 : i32
      %add3A_239 = arith.addi %add3A_238, %scan3A_164 : i32
      %get3A_240 = arith.index_cast %add3A_239 : i32 to index
      %get3A_241 = arith.constant 64 : index
      %get3A_242 = tpu.vector_load %arg8[%get3A_240, %get3A_241] {strides = array<i32>} : memref<64x512xf32, #tpu.memory_space<vmem>>, vector<1x16xf32>,
      %get3A_243 = vector.shape_cast %get3A_242 : vector<1x16xf32> to vector<16xf32>
      %ne3A_244 = arith.constant 0.000000e+00 : f32
      %ne3A_245 = vector.broadcast %ne3A_244 : f32 to vector<16xf32>
      %ne3A_246 = arith.cmpf one, %get3A_243, %ne3A_245 : vector<16xf32>
      %broadcast_in_dim3A_247 = arith.constant 1.000000e+00 : f32
      %broadcast_in_dim3A_248 = vector.broadcast %broadcast_in_dim3A_247 : f32 to vector<16xf32>
      %broadcast_in_dim3A_249 = arith.constant 0.000000e+00 : f32
      %broadcast_in_dim3A_250 = vector.broadcast %broadcast_in_dim3A_249 : f32 to vector<16xf32>
      %select_n3A_251 = arith.select %ne3A_246, %broadcast_in_dim3A_248, %broadcast_in_dim3A_250 : vector<16xi1>, vector<16xf32>
      %swap3A_252 = arith.index_cast %scan3A_164 : i32 to index
      %swap3A_253 = arith.constant 64 : index
      %swap3A_254 = tpu.vector_load %arg9[%swap3A_252, %swap3A_253] {strides = array<i32>} : memref<32x512xf32, #tpu.memory_space<vmem>>, vector<1x16xf32>,
      %swap3A_255 = vector.shape_cast %swap3A_254 : vector<1x16xf32> to vector<16xf32>
      %swap3A_256 = vector.shape_cast %select_n3A_251 : vector<16xf32> to vector<1x16xf32>
      tpu.vector_store %arg9[%swap3A_252, %swap3A_253], %swap3A_256 {strides = array<i32>} : memref<32x512xf32, #tpu.memory_space<vmem>>, vector<1x16xf32>,
      %add3A_257 = arith.constant 0 : i32
      %add3A_258 = arith.addi %add3A_257, %scan3A_164 : i32
      %get3A_259 = arith.index_cast %add3A_258 : i32 to index
      %get3A_260 = arith.constant 80 : index
      %get3A_261 = tpu.vector_load %arg8[%get3A_259, %get3A_260] {strides = array<i32>} : memref<64x512xf32, #tpu.memory_space<vmem>>, vector<1x16xf32>,
      %get3A_262 = vector.shape_cast %get3A_261 : vector<1x16xf32> to vector<16xf32>
      %ne3A_263 = arith.constant 0.000000e+00 : f32
      %ne3A_264 = vector.broadcast %ne3A_263 : f32 to vector<16xf32>
      %ne3A_265 = arith.cmpf one, %get3A_262, %ne3A_264 : vector<16xf32>
      %broadcast_in_dim3A_266 = arith.constant 1.000000e+00 : f32
      %broadcast_in_dim3A_267 = vector.broadcast %broadcast_in_dim3A_266 : f32 to vector<16xf32>
      %broadcast_in_dim3A_268 = arith.constant 0.000000e+00 : f32
      %broadcast_in_dim3A_269 = vector.broadcast %broadcast_in_dim3A_268 : f32 to vector<16xf32>
      %select_n3A_270 = arith.select %ne3A_265, %broadcast_in_dim3A_267, %broadcast_in_dim3A_269 : vector<16xi1>, vector<16xf32>
      %swap3A_271 = arith.index_cast %scan3A_164 : i32 to index
      %swap3A_272 = arith.constant 80 : index
      %swap3A_273 = tpu.vector_load %arg9[%swap3A_271, %swap3A_272] {strides = array<i32>} : memref<32x512xf32, #tpu.memory_space<vmem>>, vector<1x16xf32>,
      %swap3A_274 = vector.shape_cast %swap3A_273 : vector<1x16xf32> to vector<16xf32>
      %swap3A_275 = vector.shape_cast %select_n3A_270 : vector<16xf32> to vector<1x16xf32>
      tpu.vector_store %arg9[%swap3A_271, %swap3A_272], %swap3A_275 {strides = array<i32>} : memref<32x512xf32, #tpu.memory_space<vmem>>, vector<1x16xf32>,
      %add3A_276 = arith.constant 0 : i32
      %add3A_277 = arith.addi %add3A_276, %scan3A_164 : i32
      %get3A_278 = arith.index_cast %add3A_277 : i32 to index
      %get3A_279 = arith.constant 96 : index
      %get3A_280 = tpu.vector_load %arg8[%get3A_278, %get3A_279] {strides = array<i32>} : memref<64x512xf32, #tpu.memory_space<vmem>>, vector<1x16xf32>,
      %get3A_281 = vector.shape_cast %get3A_280 : vector<1x16xf32> to vector<16xf32>
      %ne3A_282 = arith.constant 0.000000e+00 : f32
      %ne3A_283 = vector.broadcast %ne3A_282 : f32 to vector<16xf32>
      %ne3A_284 = arith.cmpf one, %get3A_281, %ne3A_283 : vector<16xf32>
      %broadcast_in_dim3A_285 = arith.constant 1.000000e+00 : f32
      %broadcast_in_dim3A_286 = vector.broadcast %broadcast_in_dim3A_285 : f32 to vector<16xf32>
      %broadcast_in_dim3A_287 = arith.constant 0.000000e+00 : f32
      %broadcast_in_dim3A_288 = vector.broadcast %broadcast_in_dim3A_287 : f32 to vector<16xf32>
      %select_n3A_289 = arith.select %ne3A_284, %broadcast_in_dim3A_286, %broadcast_in_dim3A_288 : vector<16xi1>, vector<16xf32>
      %swap3A_290 = arith.index_cast %scan3A_164 : i32 to index
      %swap3A_291 = arith.constant 96 : index
      %swap3A_292 = tpu.vector_load %arg9[%swap3A_290, %swap3A_291] {strides = array<i32>} : memref<32x512xf32, #tpu.memory_space<vmem>>, vector<1x16xf32>,
      %swap3A_293 = vector.shape_cast %swap3A_292 : vector<1x16xf32> to vector<16xf32>
      %swap3A_294 = vector.shape_cast %select_n3A_289 : vector<16xf32> to vector<1x16xf32>
      tpu.vector_store %arg9[%swap3A_290, %swap3A_291], %swap3A_294 {strides = array<i32>} : memref<32x512xf32, #tpu.memory_space<vmem>>, vector<1x16xf32>,
      %add3A_295 = arith.constant 0 : i32
      %add3A_296 = arith.addi %add3A_295, %scan3A_164 : i32
      %get3A_297 = arith.index_cast %add3A_296 : i32 to index
      %get3A_298 = arith.constant 112 : index
      %get3A_299 = tpu.vector_load %arg8[%get3A_297, %get3A_298] {strides = array<i32>} : memref<64x512xf32, #tpu.memory_space<vmem>>, vector<1x16xf32>,
      %get3A_300 = vector.shape_cast %get3A_299 : vector<1x16xf32> to vector<16xf32>
      %ne3A_301 = arith.constant 0.000000e+00 : f32
      %ne3A_302 = vector.broadcast %ne3A_301 : f32 to vector<16xf32>
      %ne3A_303 = arith.cmpf one, %get3A_300, %ne3A_302 : vector<16xf32>
      %broadcast_in_dim3A_304 = arith.constant 1.000000e+00 : f32
      %broadcast_in_dim3A_305 = vector.broadcast %broadcast_in_dim3A_304 : f32 to vector<16xf32>
      %broadcast_in_dim3A_306 = arith.constant 0.000000e+00 : f32
      %broadcast_in_dim3A_307 = vector.broadcast %broadcast_in_dim3A_306 : f32 to vector<16xf32>
      %select_n3A_308 = arith.select %ne3A_303, %broadcast_in_dim3A_305, %broadcast_in_dim3A_307 : vector<16xi1>, vector<16xf32>
      %swap3A_309 = arith.index_cast %scan3A_164 : i32 to index
      %swap3A_310 = arith.constant 112 : index
      %swap3A_311 = tpu.vector_load %arg9[%swap3A_309, %swap3A_310] {strides = array<i32>} : memref<32x512xf32, #tpu.memory_space<vmem>>, vector<1x16xf32>,
      %swap3A_312 = vector.shape_cast %swap3A_311 : vector<1x16xf32> to vector<16xf32>
      %swap3A_313 = vector.shape_cast %select_n3A_308 : vector<16xf32> to vector<1x16xf32>
      tpu.vector_store %arg9[%swap3A_309, %swap3A_310], %swap3A_313 {strides = array<i32>} : memref<32x512xf32, #tpu.memory_space<vmem>>, vector<1x16xf32>,
      %add3A_314 = arith.constant 0 : i32
      %add3A_315 = arith.addi %add3A_314, %scan3A_164 : i32
      %get3A_316 = arith.index_cast %add3A_315 : i32 to index
      %get3A_317 = arith.constant 128 : index
      %get3A_318 = tpu.vector_load %arg8[%get3A_316, %get3A_317] {strides = array<i32>} : memref<64x512xf32, #tpu.memory_space<vmem>>, vector<1x16xf32>,
      %get3A_319 = vector.shape_cast %get3A_318 : vector<1x16xf32> to vector<16xf32>
      %ne3A_320 = arith.constant 0.000000e+00 : f32
      %ne3A_321 = vector.broadcast %ne3A_320 : f32 to vector<16xf32>
      %ne3A_322 = arith.cmpf one, %get3A_319, %ne3A_321 : vector<16xf32>
      %broadcast_in_dim3A_323 = arith.constant 1.000000e+00 : f32
      %broadcast_in_dim3A_324 = vector.broadcast %broadcast_in_dim3A_323 : f32 to vector<16xf32>
      %broadcast_in_dim3A_325 = arith.constant 0.000000e+00 : f32
      %broadcast_in_dim3A_326 = vector.broadcast %broadcast_in_dim3A_325 : f32 to vector<16xf32>
      %select_n3A_327 = arith.select %ne3A_322, %broadcast_in_dim3A_324, %broadcast_in_dim3A_326 : vector<16xi1>, vector<16xf32>
      %swap3A_328 = arith.index_cast %scan3A_164 : i32 to index
      %swap3A_329 = arith.constant 128 : index
      %swap3A_330 = tpu.vector_load %arg9[%swap3A_328, %swap3A_329] {strides = array<i32>} : memref<32x512xf32, #tpu.memory_space<vmem>>, vector<1x16xf32>,
      %swap3A_331 = vector.shape_cast %swap3A_330 : vector<1x16xf32> to vector<16xf32>
      %swap3A_332 = vector.shape_cast %select_n3A_327 : vector<16xf32> to vector<1x16xf32>
      tpu.vector_store %arg9[%swap3A_328, %swap3A_329], %swap3A_332 {strides = array<i32>} : memref<32x512xf32, #tpu.memory_space<vmem>>, vector<1x16xf32>,
      %add3A_333 = arith.constant 0 : i32
      %add3A_334 = arith.addi %add3A_333, %scan3A_164 : i32
      %get3A_335 = arith.index_cast %add3A_334 : i32 to index
      %get3A_336 = arith.constant 144 : index
      %get3A_337 = tpu.vector_load %arg8[%get3A_335, %get3A_336] {strides = array<i32>} : memref<64x512xf32, #tpu.memory_space<vmem>>, vector<1x16xf32>,
      %get3A_338 = vector.shape_cast %get3A_337 : vector<1x16xf32> to vector<16xf32>
      %ne3A_339 = arith.constant 0.000000e+00 : f32
      %ne3A_340 = vector.broadcast %ne3A_339 : f32 to vector<16xf32>
      %ne3A_341 = arith.cmpf one, %get3A_338, %ne3A_340 : vector<16xf32>
      %broadcast_in_dim3A_342 = arith.constant 1.000000e+00 : f32
      %broadcast_in_dim3A_343 = vector.broadcast %broadcast_in_dim3A_342 : f32 to vector<16xf32>
      %broadcast_in_dim3A_344 = arith.constant 0.000000e+00 : f32
      %broadcast_in_dim3A_345 = vector.broadcast %broadcast_in_dim3A_344 : f32 to vector<16xf32>
      %select_n3A_346 = arith.select %ne3A_341, %broadcast_in_dim3A_343, %broadcast_in_dim3A_345 : vector<16xi1>, vector<16xf32>
      %swap3A_347 = arith.index_cast %scan3A_164 : i32 to index
      %swap3A_348 = arith.constant 144 : index
      %swap3A_349 = tpu.vector_load %arg9[%swap3A_347, %swap3A_348] {strides = array<i32>} : memref<32x512xf32, #tpu.memory_space<vmem>>, vector<1x16xf32>,
      %swap3A_350 = vector.shape_cast %swap3A_349 : vector<1x16xf32> to vector<16xf32>
      %swap3A_351 = vector.shape_cast %select_n3A_346 : vector<16xf32> to vector<1x16xf32>
      tpu.vector_store %arg9[%swap3A_347, %swap3A_348], %swap3A_351 {strides = array<i32>} : memref<32x512xf32, #tpu.memory_space<vmem>>, vector<1x16xf32>,
      %add3A_352 = arith.constant 0 : i32
      %add3A_353 = arith.addi %add3A_352, %scan3A_164 : i32
      %get3A_354 = arith.index_cast %add3A_353 : i32 to index
      %get3A_355 = arith.constant 160 : index
      %get3A_356 = tpu.vector_load %arg8[%get3A_354, %get3A_355] {strides = array<i32>} : memref<64x512xf32, #tpu.memory_space<vmem>>, vector<1x16xf32>,
      %get3A_357 = vector.shape_cast %get3A_356 : vector<1x16xf32> to vector<16xf32>
      %ne3A_358 = arith.constant 0.000000e+00 : f32
      %ne3A_359 = vector.broadcast %ne3A_358 : f32 to vector<16xf32>
      %ne3A_360 = arith.cmpf one, %get3A_357, %ne3A_359 : vector<16xf32>
      %broadcast_in_dim3A_361 = arith.constant 1.000000e+00 : f32
      %broadcast_in_dim3A_362 = vector.broadcast %broadcast_in_dim3A_361 : f32 to vector<16xf32>
      %broadcast_in_dim3A_363 = arith.constant 0.000000e+00 : f32
      %broadcast_in_dim3A_364 = vector.broadcast %broadcast_in_dim3A_363 : f32 to vector<16xf32>
      %select_n3A_365 = arith.select %ne3A_360, %broadcast_in_dim3A_362, %broadcast_in_dim3A_364 : vector<16xi1>, vector<16xf32>
      %swap3A_366 = arith.index_cast %scan3A_164 : i32 to index
      %swap3A_367 = arith.constant 160 : index
      %swap3A_368 = tpu.vector_load %arg9[%swap3A_366, %swap3A_367] {strides = array<i32>} : memref<32x512xf32, #tpu.memory_space<vmem>>, vector<1x16xf32>,
      %swap3A_369 = vector.shape_cast %swap3A_368 : vector<1x16xf32> to vector<16xf32>
      %swap3A_370 = vector.shape_cast %select_n3A_365 : vector<16xf32> to vector<1x16xf32>
      tpu.vector_store %arg9[%swap3A_366, %swap3A_367], %swap3A_370 {strides = array<i32>} : memref<32x512xf32, #tpu.memory_space<vmem>>, vector<1x16xf32>,
      %add3A_371 = arith.constant 0 : i32
      %add3A_372 = arith.addi %add3A_371, %scan3A_164 : i32
      %get3A_373 = arith.index_cast %add3A_372 : i32 to index
      %get3A_374 = arith.constant 176 : index
      %get3A_375 = tpu.vector_load %arg8[%get3A_373, %get3A_374] {strides = array<i32>} : memref<64x512xf32, #tpu.memory_space<vmem>>, vector<1x16xf32>,
      %get3A_376 = vector.shape_cast %get3A_375 : vector<1x16xf32> to vector<16xf32>
      %ne3A_377 = arith.constant 0.000000e+00 : f32
      %ne3A_378 = vector.broadcast %ne3A_377 : f32 to vector<16xf32>
      %ne3A_379 = arith.cmpf one, %get3A_376, %ne3A_378 : vector<16xf32>
      %broadcast_in_dim3A_380 = arith.constant 1.000000e+00 : f32
      %broadcast_in_dim3A_381 = vector.broadcast %broadcast_in_dim3A_380 : f32 to vector<16xf32>
      %broadcast_in_dim3A_382 = arith.constant 0.000000e+00 : f32
      %broadcast_in_dim3A_383 = vector.broadcast %broadcast_in_dim3A_382 : f32 to vector<16xf32>
      %select_n3A_384 = arith.select %ne3A_379, %broadcast_in_dim3A_381, %broadcast_in_dim3A_383 : vector<16xi1>, vector<16xf32>
      %swap3A_385 = arith.index_cast %scan3A_164 : i32 to index
      %swap3A_386 = arith.constant 176 : index
      %swap3A_387 = tpu.vector_load %arg9[%swap3A_385, %swap3A_386] {strides = array<i32>} : memref<32x512xf32, #tpu.memory_space<vmem>>, vector<1x16xf32>,
      %swap3A_388 = vector.shape_cast %swap3A_387 : vector<1x16xf32> to vector<16xf32>
      %swap3A_389 = vector.shape_cast %select_n3A_384 : vector<16xf32> to vector<1x16xf32>
      tpu.vector_store %arg9[%swap3A_385, %swap3A_386], %swap3A_389 {strides = array<i32>} : memref<32x512xf32, #tpu.memory_space<vmem>>, vector<1x16xf32>,
      %add3A_390 = arith.constant 0 : i32
      %add3A_391 = arith.addi %add3A_390, %scan3A_164 : i32
      %get3A_392 = arith.index_cast %add3A_391 : i32 to index
      %get3A_393 = arith.constant 192 : index
      %get3A_394 = tpu.vector_load %arg8[%get3A_392, %get3A_393] {strides = array<i32>} : memref<64x512xf32, #tpu.memory_space<vmem>>, vector<1x16xf32>,
      %get3A_395 = vector.shape_cast %get3A_394 : vector<1x16xf32> to vector<16xf32>
      %ne3A_396 = arith.constant 0.000000e+00 : f32
      %ne3A_397 = vector.broadcast %ne3A_396 : f32 to vector<16xf32>
      %ne3A_398 = arith.cmpf one, %get3A_395, %ne3A_397 : vector<16xf32>
      %broadcast_in_dim3A_399 = arith.constant 1.000000e+00 : f32
      %broadcast_in_dim3A_400 = vector.broadcast %broadcast_in_dim3A_399 : f32 to vector<16xf32>
      %broadcast_in_dim3A_401 = arith.constant 0.000000e+00 : f32
      %broadcast_in_dim3A_402 = vector.broadcast %broadcast_in_dim3A_401 : f32 to vector<16xf32>
      %select_n3A_403 = arith.select %ne3A_398, %broadcast_in_dim3A_400, %broadcast_in_dim3A_402 : vector<16xi1>, vector<16xf32>
      %swap3A_404 = arith.index_cast %scan3A_164 : i32 to index
      %swap3A_405 = arith.constant 192 : index
      %swap3A_406 = tpu.vector_load %arg9[%swap3A_404, %swap3A_405] {strides = array<i32>} : memref<32x512xf32, #tpu.memory_space<vmem>>, vector<1x16xf32>,
      %swap3A_407 = vector.shape_cast %swap3A_406 : vector<1x16xf32> to vector<16xf32>
      %swap3A_408 = vector.shape_cast %select_n3A_403 : vector<16xf32> to vector<1x16xf32>
      tpu.vector_store %arg9[%swap3A_404, %swap3A_405], %swap3A_408 {strides = array<i32>} : memref<32x512xf32, #tpu.memory_space<vmem>>, vector<1x16xf32>,
      %add3A_409 = arith.constant 0 : i32
      %add3A_410 = arith.addi %add3A_409, %scan3A_164 : i32
      %get3A_411 = arith.index_cast %add3A_410 : i32 to index
      %get3A_412 = arith.constant 208 : index
      %get3A_413 = tpu.vector_load %arg8[%get3A_411, %get3A_412] {strides = array<i32>} : memref<64x512xf32, #tpu.memory_space<vmem>>, vector<1x16xf32>,
      %get3A_414 = vector.shape_cast %get3A_413 : vector<1x16xf32> to vector<16xf32>
      %ne3A_415 = arith.constant 0.000000e+00 : f32
      %ne3A_416 = vector.broadcast %ne3A_415 : f32 to vector<16xf32>
      %ne3A_417 = arith.cmpf one, %get3A_414, %ne3A_416 : vector<16xf32>
      %broadcast_in_dim3A_418 = arith.constant 1.000000e+00 : f32
      %broadcast_in_dim3A_419 = vector.broadcast %broadcast_in_dim3A_418 : f32 to vector<16xf32>
      %broadcast_in_dim3A_420 = arith.constant 0.000000e+00 : f32
      %broadcast_in_dim3A_421 = vector.broadcast %broadcast_in_dim3A_420 : f32 to vector<16xf32>
      %select_n3A_422 = arith.select %ne3A_417, %broadcast_in_dim3A_419, %broadcast_in_dim3A_421 : vector<16xi1>, vector<16xf32>
      %swap3A_423 = arith.index_cast %scan3A_164 : i32 to index
      %swap3A_424 = arith.constant 208 : index
      %swap3A_425 = tpu.vector_load %arg9[%swap3A_423, %swap3A_424] {strides = array<i32>} : memref<32x512xf32, #tpu.memory_space<vmem>>, vector<1x16xf32>,
      %swap3A_426 = vector.shape_cast %swap3A_425 : vector<1x16xf32> to vector<16xf32>
      %swap3A_427 = vector.shape_cast %select_n3A_422 : vector<16xf32> to vector<1x16xf32>
      tpu.vector_store %arg9[%swap3A_423, %swap3A_424], %swap3A_427 {strides = array<i32>} : memref<32x512xf32, #tpu.memory_space<vmem>>, vector<1x16xf32>,
      %add3A_428 = arith.constant 0 : i32
      %add3A_429 = arith.addi %add3A_428, %scan3A_164 : i32
      %get3A_430 = arith.index_cast %add3A_429 : i32 to index
      %get3A_431 = arith.constant 224 : index
      %get3A_432 = tpu.vector_load %arg8[%get3A_430, %get3A_431] {strides = array<i32>} : memref<64x512xf32, #tpu.memory_space<vmem>>, vector<1x16xf32>,
      %get3A_433 = vector.shape_cast %get3A_432 : vector<1x16xf32> to vector<16xf32>
      %ne3A_434 = arith.constant 0.000000e+00 : f32
      %ne3A_435 = vector.broadcast %ne3A_434 : f32 to vector<16xf32>
      %ne3A_436 = arith.cmpf one, %get3A_433, %ne3A_435 : vector<16xf32>
      %broadcast_in_dim3A_437 = arith.constant 1.000000e+00 : f32
      %broadcast_in_dim3A_438 = vector.broadcast %broadcast_in_dim3A_437 : f32 to vector<16xf32>
      %broadcast_in_dim3A_439 = arith.constant 0.000000e+00 : f32
      %broadcast_in_dim3A_440 = vector.broadcast %broadcast_in_dim3A_439 : f32 to vector<16xf32>
      %select_n3A_441 = arith.select %ne3A_436, %broadcast_in_dim3A_438, %broadcast_in_dim3A_440 : vector<16xi1>, vector<16xf32>
      %swap3A_442 = arith.index_cast %scan3A_164 : i32 to index
      %swap3A_443 = arith.constant 224 : index
      %swap3A_444 = tpu.vector_load %arg9[%swap3A_442, %swap3A_443] {strides = array<i32>} : memref<32x512xf32, #tpu.memory_space<vmem>>, vector<1x16xf32>,
      %swap3A_445 = vector.shape_cast %swap3A_444 : vector<1x16xf32> to vector<16xf32>
      %swap3A_446 = vector.shape_cast %select_n3A_441 : vector<16xf32> to vector<1x16xf32>
      tpu.vector_store %arg9[%swap3A_442, %swap3A_443], %swap3A_446 {strides = array<i32>} : memref<32x512xf32, #tpu.memory_space<vmem>>, vector<1x16xf32>,
      %add3A_447 = arith.constant 0 : i32
      %add3A_448 = arith.addi %add3A_447, %scan3A_164 : i32
      %get3A_449 = arith.index_cast %add3A_448 : i32 to index
      %get3A_450 = arith.constant 240 : index
      %get3A_451 = tpu.vector_load %arg8[%get3A_449, %get3A_450] {strides = array<i32>} : memref<64x512xf32, #tpu.memory_space<vmem>>, vector<1x16xf32>,
      %get3A_452 = vector.shape_cast %get3A_451 : vector<1x16xf32> to vector<16xf32>
      %ne3A_453 = arith.constant 0.000000e+00 : f32
      %ne3A_454 = vector.broadcast %ne3A_453 : f32 to vector<16xf32>
      %ne3A_455 = arith.cmpf one, %get3A_452, %ne3A_454 : vector<16xf32>
      %broadcast_in_dim3A_456 = arith.constant 1.000000e+00 : f32
      %broadcast_in_dim3A_457 = vector.broadcast %broadcast_in_dim3A_456 : f32 to vector<16xf32>
      %broadcast_in_dim3A_458 = arith.constant 0.000000e+00 : f32
      %broadcast_in_dim3A_459 = vector.broadcast %broadcast_in_dim3A_458 : f32 to vector<16xf32>
      %select_n3A_460 = arith.select %ne3A_455, %broadcast_in_dim3A_457, %broadcast_in_dim3A_459 : vector<16xi1>, vector<16xf32>
      %swap3A_461 = arith.index_cast %scan3A_164 : i32 to index
      %swap3A_462 = arith.constant 240 : index
      %swap3A_463 = tpu.vector_load %arg9[%swap3A_461, %swap3A_462] {strides = array<i32>} : memref<32x512xf32, #tpu.memory_space<vmem>>, vector<1x16xf32>,
      %swap3A_464 = vector.shape_cast %swap3A_463 : vector<1x16xf32> to vector<16xf32>
      %swap3A_465 = vector.shape_cast %select_n3A_460 : vector<16xf32> to vector<1x16xf32>
      tpu.vector_store %arg9[%swap3A_461, %swap3A_462], %swap3A_465 {strides = array<i32>} : memref<32x512xf32, #tpu.memory_space<vmem>>, vector<1x16xf32>,
      %add3A_466 = arith.constant 0 : i32
      %add3A_467 = arith.addi %add3A_466, %scan3A_164 : i32
      %get3A_468 = arith.index_cast %add3A_467 : i32 to index
      %get3A_469 = arith.constant 256 : index
      %get3A_470 = tpu.vector_load %arg8[%get3A_468, %get3A_469] {strides = array<i32>} : memref<64x512xf32, #tpu.memory_space<vmem>>, vector<1x16xf32>,
      %get3A_471 = vector.shape_cast %get3A_470 : vector<1x16xf32> to vector<16xf32>
      %ne3A_472 = arith.constant 0.000000e+00 : f32
      %ne3A_473 = vector.broadcast %ne3A_472 : f32 to vector<16xf32>
      %ne3A_474 = arith.cmpf one, %get3A_471, %ne3A_473 : vector<16xf32>
      %broadcast_in_dim3A_475 = arith.constant 1.000000e+00 : f32
      %broadcast_in_dim3A_476 = vector.broadcast %broadcast_in_dim3A_475 : f32 to vector<16xf32>
      %broadcast_in_dim3A_477 = arith.constant 0.000000e+00 : f32
      %broadcast_in_dim3A_478 = vector.broadcast %broadcast_in_dim3A_477 : f32 to vector<16xf32>
      %select_n3A_479 = arith.select %ne3A_474, %broadcast_in_dim3A_476, %broadcast_in_dim3A_478 : vector<16xi1>, vector<16xf32>
      %swap3A_480 = arith.index_cast %scan3A_164 : i32 to index
      %swap3A_481 = arith.constant 256 : index
      %swap3A_482 = tpu.vector_load %arg9[%swap3A_480, %swap3A_481] {strides = array<i32>} : memref<32x512xf32, #tpu.memory_space<vmem>>, vector<1x16xf32>,
      %swap3A_483 = vector.shape_cast %swap3A_482 : vector<1x16xf32> to vector<16xf32>
      %swap3A_484 = vector.shape_cast %select_n3A_479 : vector<16xf32> to vector<1x16xf32>
      tpu.vector_store %arg9[%swap3A_480, %swap3A_481], %swap3A_484 {strides = array<i32>} : memref<32x512xf32, #tpu.memory_space<vmem>>, vector<1x16xf32>,
      %add3A_485 = arith.constant 0 : i32
      %add3A_486 = arith.addi %add3A_485, %scan3A_164 : i32
      %get3A_487 = arith.index_cast %add3A_486 : i32 to index
      %get3A_488 = arith.constant 272 : index
      %get3A_489 = tpu.vector_load %arg8[%get3A_487, %get3A_488] {strides = array<i32>} : memref<64x512xf32, #tpu.memory_space<vmem>>, vector<1x16xf32>,
      %get3A_490 = vector.shape_cast %get3A_489 : vector<1x16xf32> to vector<16xf32>
      %ne3A_491 = arith.constant 0.000000e+00 : f32
      %ne3A_492 = vector.broadcast %ne3A_491 : f32 to vector<16xf32>
      %ne3A_493 = arith.cmpf one, %get3A_490, %ne3A_492 : vector<16xf32>
      %broadcast_in_dim3A_494 = arith.constant 1.000000e+00 : f32
      %broadcast_in_dim3A_495 = vector.broadcast %broadcast_in_dim3A_494 : f32 to vector<16xf32>
      %broadcast_in_dim3A_496 = arith.constant 0.000000e+00 : f32
      %broadcast_in_dim3A_497 = vector.broadcast %broadcast_in_dim3A_496 : f32 to vector<16xf32>
      %select_n3A_498 = arith.select %ne3A_493, %broadcast_in_dim3A_495, %broadcast_in_dim3A_497 : vector<16xi1>, vector<16xf32>
      %swap3A_499 = arith.index_cast %scan3A_164 : i32 to index
      %swap3A_500 = arith.constant 272 : index
      %swap3A_501 = tpu.vector_load %arg9[%swap3A_499, %swap3A_500] {strides = array<i32>} : memref<32x512xf32, #tpu.memory_space<vmem>>, vector<1x16xf32>,
      %swap3A_502 = vector.shape_cast %swap3A_501 : vector<1x16xf32> to vector<16xf32>
      %swap3A_503 = vector.shape_cast %select_n3A_498 : vector<16xf32> to vector<1x16xf32>
      tpu.vector_store %arg9[%swap3A_499, %swap3A_500], %swap3A_503 {strides = array<i32>} : memref<32x512xf32, #tpu.memory_space<vmem>>, vector<1x16xf32>,
      %add3A_504 = arith.constant 0 : i32
      %add3A_505 = arith.addi %add3A_504, %scan3A_164 : i32
      %get3A_506 = arith.index_cast %add3A_505 : i32 to index
      %get3A_507 = arith.constant 288 : index
      %get3A_508 = tpu.vector_load %arg8[%get3A_506, %get3A_507] {strides = array<i32>} : memref<64x512xf32, #tpu.memory_space<vmem>>, vector<1x16xf32>,
      %get3A_509 = vector.shape_cast %get3A_508 : vector<1x16xf32> to vector<16xf32>
      %ne3A_510 = arith.constant 0.000000e+00 : f32
      %ne3A_511 = vector.broadcast %ne3A_510 : f32 to vector<16xf32>
      %ne3A_512 = arith.cmpf one, %get3A_509, %ne3A_511 : vector<16xf32>
      %broadcast_in_dim3A_513 = arith.constant 1.000000e+00 : f32
      %broadcast_in_dim3A_514 = vector.broadcast %broadcast_in_dim3A_513 : f32 to vector<16xf32>
      %broadcast_in_dim3A_515 = arith.constant 0.000000e+00 : f32
      %broadcast_in_dim3A_516 = vector.broadcast %broadcast_in_dim3A_515 : f32 to vector<16xf32>
      %select_n3A_517 = arith.select %ne3A_512, %broadcast_in_dim3A_514, %broadcast_in_dim3A_516 : vector<16xi1>, vector<16xf32>
      %swap3A_518 = arith.index_cast %scan3A_164 : i32 to index
      %swap3A_519 = arith.constant 288 : index
      %swap3A_520 = tpu.vector_load %arg9[%swap3A_518, %swap3A_519] {strides = array<i32>} : memref<32x512xf32, #tpu.memory_space<vmem>>, vector<1x16xf32>,
      %swap3A_521 = vector.shape_cast %swap3A_520 : vector<1x16xf32> to vector<16xf32>
      %swap3A_522 = vector.shape_cast %select_n3A_517 : vector<16xf32> to vector<1x16xf32>
      tpu.vector_store %arg9[%swap3A_518, %swap3A_519], %swap3A_522 {strides = array<i32>} : memref<32x512xf32, #tpu.memory_space<vmem>>, vector<1x16xf32>,
      %add3A_523 = arith.constant 0 : i32
      %add3A_524 = arith.addi %add3A_523, %scan3A_164 : i32
      %get3A_525 = arith.index_cast %add3A_524 : i32 to index
      %get3A_526 = arith.constant 304 : index
      %get3A_527 = tpu.vector_load %arg8[%get3A_525, %get3A_526] {strides = array<i32>} : memref<64x512xf32, #tpu.memory_space<vmem>>, vector<1x16xf32>,
      %get3A_528 = vector.shape_cast %get3A_527 : vector<1x16xf32> to vector<16xf32>
      %ne3A_529 = arith.constant 0.000000e+00 : f32
      %ne3A_530 = vector.broadcast %ne3A_529 : f32 to vector<16xf32>
      %ne3A_531 = arith.cmpf one, %get3A_528, %ne3A_530 : vector<16xf32>
      %broadcast_in_dim3A_532 = arith.constant 1.000000e+00 : f32
      %broadcast_in_dim3A_533 = vector.broadcast %broadcast_in_dim3A_532 : f32 to vector<16xf32>
      %broadcast_in_dim3A_534 = arith.constant 0.000000e+00 : f32
      %broadcast_in_dim3A_535 = vector.broadcast %broadcast_in_dim3A_534 : f32 to vector<16xf32>
      %select_n3A_536 = arith.select %ne3A_531, %broadcast_in_dim3A_533, %broadcast_in_dim3A_535 : vector<16xi1>, vector<16xf32>
      %swap3A_537 = arith.index_cast %scan3A_164 : i32 to index
      %swap3A_538 = arith.constant 304 : index
      %swap3A_539 = tpu.vector_load %arg9[%swap3A_537, %swap3A_538] {strides = array<i32>} : memref<32x512xf32, #tpu.memory_space<vmem>>, vector<1x16xf32>,
      %swap3A_540 = vector.shape_cast %swap3A_539 : vector<1x16xf32> to vector<16xf32>
      %swap3A_541 = vector.shape_cast %select_n3A_536 : vector<16xf32> to vector<1x16xf32>
      tpu.vector_store %arg9[%swap3A_537, %swap3A_538], %swap3A_541 {strides = array<i32>} : memref<32x512xf32, #tpu.memory_space<vmem>>, vector<1x16xf32>,
      %add3A_542 = arith.constant 0 : i32
      %add3A_543 = arith.addi %add3A_542, %scan3A_164 : i32
      %get3A_544 = arith.index_cast %add3A_543 : i32 to index
      %get3A_545 = arith.constant 320 : index
      %get3A_546 = tpu.vector_load %arg8[%get3A_544, %get3A_545] {strides = array<i32>} : memref<64x512xf32, #tpu.memory_space<vmem>>, vector<1x16xf32>,
      %get3A_547 = vector.shape_cast %get3A_546 : vector<1x16xf32> to vector<16xf32>
      %ne3A_548 = arith.constant 0.000000e+00 : f32
      %ne3A_549 = vector.broadcast %ne3A_548 : f32 to vector<16xf32>
      %ne3A_550 = arith.cmpf one, %get3A_547, %ne3A_549 : vector<16xf32>
      %broadcast_in_dim3A_551 = arith.constant 1.000000e+00 : f32
      %broadcast_in_dim3A_552 = vector.broadcast %broadcast_in_dim3A_551 : f32 to vector<16xf32>
      %broadcast_in_dim3A_553 = arith.constant 0.000000e+00 : f32
      %broadcast_in_dim3A_554 = vector.broadcast %broadcast_in_dim3A_553 : f32 to vector<16xf32>
      %select_n3A_555 = arith.select %ne3A_550, %broadcast_in_dim3A_552, %broadcast_in_dim3A_554 : vector<16xi1>, vector<16xf32>
      %swap3A_556 = arith.index_cast %scan3A_164 : i32 to index
      %swap3A_557 = arith.constant 320 : index
      %swap3A_558 = tpu.vector_load %arg9[%swap3A_556, %swap3A_557] {strides = array<i32>} : memref<32x512xf32, #tpu.memory_space<vmem>>, vector<1x16xf32>,
      %swap3A_559 = vector.shape_cast %swap3A_558 : vector<1x16xf32> to vector<16xf32>
      %swap3A_560 = vector.shape_cast %select_n3A_555 : vector<16xf32> to vector<1x16xf32>
      tpu.vector_store %arg9[%swap3A_556, %swap3A_557], %swap3A_560 {strides = array<i32>} : memref<32x512xf32, #tpu.memory_space<vmem>>, vector<1x16xf32>,
      %add3A_561 = arith.constant 0 : i32
      %add3A_562 = arith.addi %add3A_561, %scan3A_164 : i32
      %get3A_563 = arith.index_cast %add3A_562 : i32 to index
      %get3A_564 = arith.constant 336 : index
      %get3A_565 = tpu.vector_load %arg8[%get3A_563, %get3A_564] {strides = array<i32>} : memref<64x512xf32, #tpu.memory_space<vmem>>, vector<1x16xf32>,
      %get3A_566 = vector.shape_cast %get3A_565 : vector<1x16xf32> to vector<16xf32>
      %ne3A_567 = arith.constant 0.000000e+00 : f32
      %ne3A_568 = vector.broadcast %ne3A_567 : f32 to vector<16xf32>
      %ne3A_569 = arith.cmpf one, %get3A_566, %ne3A_568 : vector<16xf32>
      %broadcast_in_dim3A_570 = arith.constant 1.000000e+00 : f32
      %broadcast_in_dim3A_571 = vector.broadcast %broadcast_in_dim3A_570 : f32 to vector<16xf32>
      %broadcast_in_dim3A_572 = arith.constant 0.000000e+00 : f32
      %broadcast_in_dim3A_573 = vector.broadcast %broadcast_in_dim3A_572 : f32 to vector<16xf32>
      %select_n3A_574 = arith.select %ne3A_569, %broadcast_in_dim3A_571, %broadcast_in_dim3A_573 : vector<16xi1>, vector<16xf32>
      %swap3A_575 = arith.index_cast %scan3A_164 : i32 to index
      %swap3A_576 = arith.constant 336 : index
      %swap3A_577 = tpu.vector_load %arg9[%swap3A_575, %swap3A_576] {strides = array<i32>} : memref<32x512xf32, #tpu.memory_space<vmem>>, vector<1x16xf32>,
      %swap3A_578 = vector.shape_cast %swap3A_577 : vector<1x16xf32> to vector<16xf32>
      %swap3A_579 = vector.shape_cast %select_n3A_574 : vector<16xf32> to vector<1x16xf32>
      tpu.vector_store %arg9[%swap3A_575, %swap3A_576], %swap3A_579 {strides = array<i32>} : memref<32x512xf32, #tpu.memory_space<vmem>>, vector<1x16xf32>,
      %add3A_580 = arith.constant 0 : i32
      %add3A_581 = arith.addi %add3A_580, %scan3A_164 : i32
      %get3A_582 = arith.index_cast %add3A_581 : i32 to index
      %get3A_583 = arith.constant 352 : index
      %get3A_584 = tpu.vector_load %arg8[%get3A_582, %get3A_583] {strides = array<i32>} : memref<64x512xf32, #tpu.memory_space<vmem>>, vector<1x16xf32>,
      %get3A_585 = vector.shape_cast %get3A_584 : vector<1x16xf32> to vector<16xf32>
      %ne3A_586 = arith.constant 0.000000e+00 : f32
      %ne3A_587 = vector.broadcast %ne3A_586 : f32 to vector<16xf32>
      %ne3A_588 = arith.cmpf one, %get3A_585, %ne3A_587 : vector<16xf32>
      %broadcast_in_dim3A_589 = arith.constant 1.000000e+00 : f32
      %broadcast_in_dim3A_590 = vector.broadcast %broadcast_in_dim3A_589 : f32 to vector<16xf32>
      %broadcast_in_dim3A_591 = arith.constant 0.000000e+00 : f32
      %broadcast_in_dim3A_592 = vector.broadcast %broadcast_in_dim3A_591 : f32 to vector<16xf32>
      %select_n3A_593 = arith.select %ne3A_588, %broadcast_in_dim3A_590, %broadcast_in_dim3A_592 : vector<16xi1>, vector<16xf32>
      %swap3A_594 = arith.index_cast %scan3A_164 : i32 to index
      %swap3A_595 = arith.constant 352 : index
      %swap3A_596 = tpu.vector_load %arg9[%swap3A_594, %swap3A_595] {strides = array<i32>} : memref<32x512xf32, #tpu.memory_space<vmem>>, vector<1x16xf32>,
      %swap3A_597 = vector.shape_cast %swap3A_596 : vector<1x16xf32> to vector<16xf32>
      %swap3A_598 = vector.shape_cast %select_n3A_593 : vector<16xf32> to vector<1x16xf32>
      tpu.vector_store %arg9[%swap3A_594, %swap3A_595], %swap3A_598 {strides = array<i32>} : memref<32x512xf32, #tpu.memory_space<vmem>>, vector<1x16xf32>,
      %add3A_599 = arith.constant 0 : i32
      %add3A_600 = arith.addi %add3A_599, %scan3A_164 : i32
      %get3A_601 = arith.index_cast %add3A_600 : i32 to index
      %get3A_602 = arith.constant 368 : index
      %get3A_603 = tpu.vector_load %arg8[%get3A_601, %get3A_602] {strides = array<i32>} : memref<64x512xf32, #tpu.memory_space<vmem>>, vector<1x16xf32>,
      %get3A_604 = vector.shape_cast %get3A_603 : vector<1x16xf32> to vector<16xf32>
      %ne3A_605 = arith.constant 0.000000e+00 : f32
      %ne3A_606 = vector.broadcast %ne3A_605 : f32 to vector<16xf32>
      %ne3A_607 = arith.cmpf one, %get3A_604, %ne3A_606 : vector<16xf32>
      %broadcast_in_dim3A_608 = arith.constant 1.000000e+00 : f32
      %broadcast_in_dim3A_609 = vector.broadcast %broadcast_in_dim3A_608 : f32 to vector<16xf32>
      %broadcast_in_dim3A_610 = arith.constant 0.000000e+00 : f32
      %broadcast_in_dim3A_611 = vector.broadcast %broadcast_in_dim3A_610 : f32 to vector<16xf32>
      %select_n3A_612 = arith.select %ne3A_607, %broadcast_in_dim3A_609, %broadcast_in_dim3A_611 : vector<16xi1>, vector<16xf32>
      %swap3A_613 = arith.index_cast %scan3A_164 : i32 to index
      %swap3A_614 = arith.constant 368 : index
      %swap3A_615 = tpu.vector_load %arg9[%swap3A_613, %swap3A_614] {strides = array<i32>} : memref<32x512xf32, #tpu.memory_space<vmem>>, vector<1x16xf32>,
      %swap3A_616 = vector.shape_cast %swap3A_615 : vector<1x16xf32> to vector<16xf32>
      %swap3A_617 = vector.shape_cast %select_n3A_612 : vector<16xf32> to vector<1x16xf32>
      tpu.vector_store %arg9[%swap3A_613, %swap3A_614], %swap3A_617 {strides = array<i32>} : memref<32x512xf32, #tpu.memory_space<vmem>>, vector<1x16xf32>,
      %add3A_618 = arith.constant 0 : i32
      %add3A_619 = arith.addi %add3A_618, %scan3A_164 : i32
      %get3A_620 = arith.index_cast %add3A_619 : i32 to index
      %get3A_621 = arith.constant 384 : index
      %get3A_622 = tpu.vector_load %arg8[%get3A_620, %get3A_621] {strides = array<i32>} : memref<64x512xf32, #tpu.memory_space<vmem>>, vector<1x16xf32>,
      %get3A_623 = vector.shape_cast %get3A_622 : vector<1x16xf32> to vector<16xf32>
      %ne3A_624 = arith.constant 0.000000e+00 : f32
      %ne3A_625 = vector.broadcast %ne3A_624 : f32 to vector<16xf32>
      %ne3A_626 = arith.cmpf one, %get3A_623, %ne3A_625 : vector<16xf32>
      %broadcast_in_dim3A_627 = arith.constant 1.000000e+00 : f32
      %broadcast_in_dim3A_628 = vector.broadcast %broadcast_in_dim3A_627 : f32 to vector<16xf32>
      %broadcast_in_dim3A_629 = arith.constant 0.000000e+00 : f32
      %broadcast_in_dim3A_630 = vector.broadcast %broadcast_in_dim3A_629 : f32 to vector<16xf32>
      %select_n3A_631 = arith.select %ne3A_626, %broadcast_in_dim3A_628, %broadcast_in_dim3A_630 : vector<16xi1>, vector<16xf32>
      %swap3A_632 = arith.index_cast %scan3A_164 : i32 to index
      %swap3A_633 = arith.constant 384 : index
      %swap3A_634 = tpu.vector_load %arg9[%swap3A_632, %swap3A_633] {strides = array<i32>} : memref<32x512xf32, #tpu.memory_space<vmem>>, vector<1x16xf32>,
      %swap3A_635 = vector.shape_cast %swap3A_634 : vector<1x16xf32> to vector<16xf32>
      %swap3A_636 = vector.shape_cast %select_n3A_631 : vector<16xf32> to vector<1x16xf32>
      tpu.vector_store %arg9[%swap3A_632, %swap3A_633], %swap3A_636 {strides = array<i32>} : memref<32x512xf32, #tpu.memory_space<vmem>>, vector<1x16xf32>,
      %add3A_637 = arith.constant 0 : i32
      %add3A_638 = arith.addi %add3A_637, %scan3A_164 : i32
      %get3A_639 = arith.index_cast %add3A_638 : i32 to index
      %get3A_640 = arith.constant 400 : index
      %get3A_641 = tpu.vector_load %arg8[%get3A_639, %get3A_640] {strides = array<i32>} : memref<64x512xf32, #tpu.memory_space<vmem>>, vector<1x16xf32>,
      %get3A_642 = vector.shape_cast %get3A_641 : vector<1x16xf32> to vector<16xf32>
      %ne3A_643 = arith.constant 0.000000e+00 : f32
      %ne3A_644 = vector.broadcast %ne3A_643 : f32 to vector<16xf32>
      %ne3A_645 = arith.cmpf one, %get3A_642, %ne3A_644 : vector<16xf32>
      %broadcast_in_dim3A_646 = arith.constant 1.000000e+00 : f32
      %broadcast_in_dim3A_647 = vector.broadcast %broadcast_in_dim3A_646 : f32 to vector<16xf32>
      %broadcast_in_dim3A_648 = arith.constant 0.000000e+00 : f32
      %broadcast_in_dim3A_649 = vector.broadcast %broadcast_in_dim3A_648 : f32 to vector<16xf32>
      %select_n3A_650 = arith.select %ne3A_645, %broadcast_in_dim3A_647, %broadcast_in_dim3A_649 : vector<16xi1>, vector<16xf32>
      %swap3A_651 = arith.index_cast %scan3A_164 : i32 to index
      %swap3A_652 = arith.constant 400 : index
      %swap3A_653 = tpu.vector_load %arg9[%swap3A_651, %swap3A_652] {strides = array<i32>} : memref<32x512xf32, #tpu.memory_space<vmem>>, vector<1x16xf32>,
      %swap3A_654 = vector.shape_cast %swap3A_653 : vector<1x16xf32> to vector<16xf32>
      %swap3A_655 = vector.shape_cast %select_n3A_650 : vector<16xf32> to vector<1x16xf32>
      tpu.vector_store %arg9[%swap3A_651, %swap3A_652], %swap3A_655 {strides = array<i32>} : memref<32x512xf32, #tpu.memory_space<vmem>>, vector<1x16xf32>,
      %add3A_656 = arith.constant 0 : i32
      %add3A_657 = arith.addi %add3A_656, %scan3A_164 : i32
      %get3A_658 = arith.index_cast %add3A_657 : i32 to index
      %get3A_659 = arith.constant 416 : index
      %get3A_660 = tpu.vector_load %arg8[%get3A_658, %get3A_659] {strides = array<i32>} : memref<64x512xf32, #tpu.memory_space<vmem>>, vector<1x16xf32>,
      %get3A_661 = vector.shape_cast %get3A_660 : vector<1x16xf32> to vector<16xf32>
      %ne3A_662 = arith.constant 0.000000e+00 : f32
      %ne3A_663 = vector.broadcast %ne3A_662 : f32 to vector<16xf32>
      %ne3A_664 = arith.cmpf one, %get3A_661, %ne3A_663 : vector<16xf32>
      %broadcast_in_dim3A_665 = arith.constant 1.000000e+00 : f32
      %broadcast_in_dim3A_666 = vector.broadcast %broadcast_in_dim3A_665 : f32 to vector<16xf32>
      %broadcast_in_dim3A_667 = arith.constant 0.000000e+00 : f32
      %broadcast_in_dim3A_668 = vector.broadcast %broadcast_in_dim3A_667 : f32 to vector<16xf32>
      %select_n3A_669 = arith.select %ne3A_664, %broadcast_in_dim3A_666, %broadcast_in_dim3A_668 : vector<16xi1>, vector<16xf32>
      %swap3A_670 = arith.index_cast %scan3A_164 : i32 to index
      %swap3A_671 = arith.constant 416 : index
      %swap3A_672 = tpu.vector_load %arg9[%swap3A_670, %swap3A_671] {strides = array<i32>} : memref<32x512xf32, #tpu.memory_space<vmem>>, vector<1x16xf32>,
      %swap3A_673 = vector.shape_cast %swap3A_672 : vector<1x16xf32> to vector<16xf32>
      %swap3A_674 = vector.shape_cast %select_n3A_669 : vector<16xf32> to vector<1x16xf32>
      tpu.vector_store %arg9[%swap3A_670, %swap3A_671], %swap3A_674 {strides = array<i32>} : memref<32x512xf32, #tpu.memory_space<vmem>>, vector<1x16xf32>,
      %add3A_675 = arith.constant 0 : i32
      %add3A_676 = arith.addi %add3A_675, %scan3A_164 : i32
      %get3A_677 = arith.index_cast %add3A_676 : i32 to index
      %get3A_678 = arith.constant 432 : index
      %get3A_679 = tpu.vector_load %arg8[%get3A_677, %get3A_678] {strides = array<i32>} : memref<64x512xf32, #tpu.memory_space<vmem>>, vector<1x16xf32>,
      %get3A_680 = vector.shape_cast %get3A_679 : vector<1x16xf32> to vector<16xf32>
      %ne3A_681 = arith.constant 0.000000e+00 : f32
      %ne3A_682 = vector.broadcast %ne3A_681 : f32 to vector<16xf32>
      %ne3A_683 = arith.cmpf one, %get3A_680, %ne3A_682 : vector<16xf32>
      %broadcast_in_dim3A_684 = arith.constant 1.000000e+00 : f32
      %broadcast_in_dim3A_685 = vector.broadcast %broadcast_in_dim3A_684 : f32 to vector<16xf32>
      %broadcast_in_dim3A_686 = arith.constant 0.000000e+00 : f32
      %broadcast_in_dim3A_687 = vector.broadcast %broadcast_in_dim3A_686 : f32 to vector<16xf32>
      %select_n3A_688 = arith.select %ne3A_683, %broadcast_in_dim3A_685, %broadcast_in_dim3A_687 : vector<16xi1>, vector<16xf32>
      %swap3A_689 = arith.index_cast %scan3A_164 : i32 to index
      %swap3A_690 = arith.constant 432 : index
      %swap3A_691 = tpu.vector_load %arg9[%swap3A_689, %swap3A_690] {strides = array<i32>} : memref<32x512xf32, #tpu.memory_space<vmem>>, vector<1x16xf32>,
      %swap3A_692 = vector.shape_cast %swap3A_691 : vector<1x16xf32> to vector<16xf32>
      %swap3A_693 = vector.shape_cast %select_n3A_688 : vector<16xf32> to vector<1x16xf32>
      tpu.vector_store %arg9[%swap3A_689, %swap3A_690], %swap3A_693 {strides = array<i32>} : memref<32x512xf32, #tpu.memory_space<vmem>>, vector<1x16xf32>,
      %add3A_694 = arith.constant 0 : i32
      %add3A_695 = arith.addi %add3A_694, %scan3A_164 : i32
      %get3A_696 = arith.index_cast %add3A_695 : i32 to index
      %get3A_697 = arith.constant 448 : index
      %get3A_698 = tpu.vector_load %arg8[%get3A_696, %get3A_697] {strides = array<i32>} : memref<64x512xf32, #tpu.memory_space<vmem>>, vector<1x16xf32>,
      %get3A_699 = vector.shape_cast %get3A_698 : vector<1x16xf32> to vector<16xf32>
      %ne3A_700 = arith.constant 0.000000e+00 : f32
      %ne3A_701 = vector.broadcast %ne3A_700 : f32 to vector<16xf32>
      %ne3A_702 = arith.cmpf one, %get3A_699, %ne3A_701 : vector<16xf32>
      %broadcast_in_dim3A_703 = arith.constant 1.000000e+00 : f32
      %broadcast_in_dim3A_704 = vector.broadcast %broadcast_in_dim3A_703 : f32 to vector<16xf32>
      %broadcast_in_dim3A_705 = arith.constant 0.000000e+00 : f32
      %broadcast_in_dim3A_706 = vector.broadcast %broadcast_in_dim3A_705 : f32 to vector<16xf32>
      %select_n3A_707 = arith.select %ne3A_702, %broadcast_in_dim3A_704, %broadcast_in_dim3A_706 : vector<16xi1>, vector<16xf32>
      %swap3A_708 = arith.index_cast %scan3A_164 : i32 to index
      %swap3A_709 = arith.constant 448 : index
      %swap3A_710 = tpu.vector_load %arg9[%swap3A_708, %swap3A_709] {strides = array<i32>} : memref<32x512xf32, #tpu.memory_space<vmem>>, vector<1x16xf32>,
      %swap3A_711 = vector.shape_cast %swap3A_710 : vector<1x16xf32> to vector<16xf32>
      %swap3A_712 = vector.shape_cast %select_n3A_707 : vector<16xf32> to vector<1x16xf32>
      tpu.vector_store %arg9[%swap3A_708, %swap3A_709], %swap3A_712 {strides = array<i32>} : memref<32x512xf32, #tpu.memory_space<vmem>>, vector<1x16xf32>,
      %add3A_713 = arith.constant 0 : i32
      %add3A_714 = arith.addi %add3A_713, %scan3A_164 : i32
      %get3A_715 = arith.index_cast %add3A_714 : i32 to index
      %get3A_716 = arith.constant 464 : index
      %get3A_717 = tpu.vector_load %arg8[%get3A_715, %get3A_716] {strides = array<i32>} : memref<64x512xf32, #tpu.memory_space<vmem>>, vector<1x16xf32>,
      %get3A_718 = vector.shape_cast %get3A_717 : vector<1x16xf32> to vector<16xf32>
      %ne3A_719 = arith.constant 0.000000e+00 : f32
      %ne3A_720 = vector.broadcast %ne3A_719 : f32 to vector<16xf32>
      %ne3A_721 = arith.cmpf one, %get3A_718, %ne3A_720 : vector<16xf32>
      %broadcast_in_dim3A_722 = arith.constant 1.000000e+00 : f32
      %broadcast_in_dim3A_723 = vector.broadcast %broadcast_in_dim3A_722 : f32 to vector<16xf32>
      %broadcast_in_dim3A_724 = arith.constant 0.000000e+00 : f32
      %broadcast_in_dim3A_725 = vector.broadcast %broadcast_in_dim3A_724 : f32 to vector<16xf32>
      %select_n3A_726 = arith.select %ne3A_721, %broadcast_in_dim3A_723, %broadcast_in_dim3A_725 : vector<16xi1>, vector<16xf32>
      %swap3A_727 = arith.index_cast %scan3A_164 : i32 to index
      %swap3A_728 = arith.constant 464 : index
      %swap3A_729 = tpu.vector_load %arg9[%swap3A_727, %swap3A_728] {strides = array<i32>} : memref<32x512xf32, #tpu.memory_space<vmem>>, vector<1x16xf32>,
      %swap3A_730 = vector.shape_cast %swap3A_729 : vector<1x16xf32> to vector<16xf32>
      %swap3A_731 = vector.shape_cast %select_n3A_726 : vector<16xf32> to vector<1x16xf32>
      tpu.vector_store %arg9[%swap3A_727, %swap3A_728], %swap3A_731 {strides = array<i32>} : memref<32x512xf32, #tpu.memory_space<vmem>>, vector<1x16xf32>,
      %add3A_732 = arith.constant 0 : i32
      %add3A_733 = arith.addi %add3A_732, %scan3A_164 : i32
      %get3A_734 = arith.index_cast %add3A_733 : i32 to index
      %get3A_735 = arith.constant 480 : index
      %get3A_736 = tpu.vector_load %arg8[%get3A_734, %get3A_735] {strides = array<i32>} : memref<64x512xf32, #tpu.memory_space<vmem>>, vector<1x16xf32>,
      %get3A_737 = vector.shape_cast %get3A_736 : vector<1x16xf32> to vector<16xf32>
      %ne3A_738 = arith.constant 0.000000e+00 : f32
      %ne3A_739 = vector.broadcast %ne3A_738 : f32 to vector<16xf32>
      %ne3A_740 = arith.cmpf one, %get3A_737, %ne3A_739 : vector<16xf32>
      %broadcast_in_dim3A_741 = arith.constant 1.000000e+00 : f32
      %broadcast_in_dim3A_742 = vector.broadcast %broadcast_in_dim3A_741 : f32 to vector<16xf32>
      %broadcast_in_dim3A_743 = arith.constant 0.000000e+00 : f32
      %broadcast_in_dim3A_744 = vector.broadcast %broadcast_in_dim3A_743 : f32 to vector<16xf32>
      %select_n3A_745 = arith.select %ne3A_740, %broadcast_in_dim3A_742, %broadcast_in_dim3A_744 : vector<16xi1>, vector<16xf32>
      %swap3A_746 = arith.index_cast %scan3A_164 : i32 to index
      %swap3A_747 = arith.constant 480 : index
      %swap3A_748 = tpu.vector_load %arg9[%swap3A_746, %swap3A_747] {strides = array<i32>} : memref<32x512xf32, #tpu.memory_space<vmem>>, vector<1x16xf32>,
      %swap3A_749 = vector.shape_cast %swap3A_748 : vector<1x16xf32> to vector<16xf32>
      %swap3A_750 = vector.shape_cast %select_n3A_745 : vector<16xf32> to vector<1x16xf32>
      tpu.vector_store %arg9[%swap3A_746, %swap3A_747], %swap3A_750 {strides = array<i32>} : memref<32x512xf32, #tpu.memory_space<vmem>>, vector<1x16xf32>,
      %add3A_751 = arith.constant 0 : i32
      %add3A_752 = arith.addi %add3A_751, %scan3A_164 : i32
      %get3A_753 = arith.index_cast %add3A_752 : i32 to index
      %get3A_754 = arith.constant 496 : index
      %get3A_755 = tpu.vector_load %arg8[%get3A_753, %get3A_754] {strides = array<i32>} : memref<64x512xf32, #tpu.memory_space<vmem>>, vector<1x16xf32>,
      %get3A_756 = vector.shape_cast %get3A_755 : vector<1x16xf32> to vector<16xf32>
      %ne3A_757 = arith.constant 0.000000e+00 : f32
      %ne3A_758 = vector.broadcast %ne3A_757 : f32 to vector<16xf32>
      %ne3A_759 = arith.cmpf one, %get3A_756, %ne3A_758 : vector<16xf32>
      %broadcast_in_dim3A_760 = arith.constant 1.000000e+00 : f32
      %broadcast_in_dim3A_761 = vector.broadcast %broadcast_in_dim3A_760 : f32 to vector<16xf32>
      %broadcast_in_dim3A_762 = arith.constant 0.000000e+00 : f32
      %broadcast_in_dim3A_763 = vector.broadcast %broadcast_in_dim3A_762 : f32 to vector<16xf32>
      %select_n3A_764 = arith.select %ne3A_759, %broadcast_in_dim3A_761, %broadcast_in_dim3A_763 : vector<16xi1>, vector<16xf32>
      %swap3A_765 = arith.index_cast %scan3A_164 : i32 to index
      %swap3A_766 = arith.constant 496 : index
      %swap3A_767 = tpu.vector_load %arg9[%swap3A_765, %swap3A_766] {strides = array<i32>} : memref<32x512xf32, #tpu.memory_space<vmem>>, vector<1x16xf32>,
      %swap3A_768 = vector.shape_cast %swap3A_767 : vector<1x16xf32> to vector<16xf32>
      %swap3A_769 = vector.shape_cast %select_n3A_764 : vector<16xf32> to vector<1x16xf32>
      tpu.vector_store %arg9[%swap3A_765, %swap3A_766], %swap3A_769 {strides = array<i32>} : memref<32x512xf32, #tpu.memory_space<vmem>>, vector<1x16xf32>,
    }
    %scan3A_105 = arith.constant 32 : i32
    %add3A_106 = arith.constant 64 : i32
    %add3A_107 = arith.addi %mul3A_2, %add3A_106 : i32
    %add3A_108 = arith.constant 0 : i32
    %add3A_109 = arith.addi %add3A_107, %add3A_108 : i32
    %dma_start3A_110 = arith.constant 0 : i32
    %dma_start3A_111 = tpu.memref_slice %arg5[%add3A_109, %dma_start3A_110] : memref<4096x512xf32, #tpu.memory_space<hbm>> -> memref<32x512xf32, #tpu.memory_space<hbm>>
    %dma_start3A_112 = arith.constant 0 : i32
    %dma_start3A_113 = tpu.memref_slice %arg5[%add3A_109, %dma_start3A_112] : memref<4096x512xf32, #tpu.memory_space<hbm>> -> memref<32x512xf32, #tpu.memory_space<hbm>>
    tpu.enqueue_dma source(%arg9 : memref<32x512xf32, #tpu.memory_space<vmem>>) target(%dma_start3A_113 : memref<32x512xf32, #tpu.memory_space<hbm>>) target_semaphore(%arg15 : memref<!tpu.dma_semaphore, #tpu.memory_space<semaphore_mem>>)
    %add3A_114 = arith.constant 0 : i32
    %add3A_115 = arith.addi %mul3A_2, %add3A_114 : i32
    %add3A_116 = arith.constant 32 : i32
    %add3A_117 = arith.addi %add3A_115, %add3A_116 : i32
    %dma_wait3A_118 = arith.constant 0 : i32
    %dma_wait3A_119 = tpu.memref_slice %arg5[%add3A_117, %dma_wait3A_118] : memref<4096x512xf32, #tpu.memory_space<hbm>> -> memref<32x512xf32, #tpu.memory_space<hbm>>
    %dma_wait3A_120 = arith.constant 0 : i32
    %dma_wait3A_121 = tpu.memref_slice %arg5[%add3A_117, %dma_wait3A_120] : memref<4096x512xf32, #tpu.memory_space<hbm>> -> memref<32x512xf32, #tpu.memory_space<hbm>>
    tpu.wait_dma2 semaphore(%arg16 : memref<!tpu.dma_semaphore, #tpu.memory_space<semaphore_mem>>) src(%arg10 : memref<32x512xf32, #tpu.memory_space<vmem>>) dst(%dma_wait3A_121 : memref<32x512xf32, #tpu.memory_space<hbm>>)
    %scan3A_122 = arith.constant 0 : i32
    %scan3A_123 = arith.constant 0 : i32
    %scan3A_124 = arith.constant 32 : i32
    %scan3A_125 = arith.addi %scan3A_123, %scan3A_124 : i32
    %scan3A_126 = arith.constant 1 : i32
    scf.for %scan3A_164 = %scan3A_123 to %scan3A_125 step %scan3A_126  : i32 {
      %add3A_165 = arith.constant 32 : i32
      %add3A_166 = arith.addi %add3A_165, %scan3A_164 : i32
      %get3A = arith.index_cast %add3A_166 : i32 to index
      %get3A_167 = arith.constant 0 : index
      %get3A_168 = tpu.vector_load %arg8[%get3A, %get3A_167] {strides = array<i32>} : memref<64x512xf32, #tpu.memory_space<vmem>>, vector<1x16xf32>,
      %get3A_169 = vector.shape_cast %get3A_168 : vector<1x16xf32> to vector<16xf32>
      %ne3A_170 = arith.constant 0.000000e+00 : f32
      %ne3A_171 = vector.broadcast %ne3A_170 : f32 to vector<16xf32>
      %ne3A_172 = arith.cmpf one, %get3A_169, %ne3A_171 : vector<16xf32>
      %broadcast_in_dim3A = arith.constant 1.000000e+00 : f32
      %broadcast_in_dim3A_173 = vector.broadcast %broadcast_in_dim3A : f32 to vector<16xf32>
      %broadcast_in_dim3A_174 = arith.constant 0.000000e+00 : f32
      %broadcast_in_dim3A_175 = vector.broadcast %broadcast_in_dim3A_174 : f32 to vector<16xf32>
      %select_n3A_176 = arith.select %ne3A_172, %broadcast_in_dim3A_173, %broadcast_in_dim3A_175 : vector<16xi1>, vector<16xf32>
      %swap3A = arith.index_cast %scan3A_164 : i32 to index
      %swap3A_177 = arith.constant 0 : index
      %swap3A_178 = tpu.vector_load %arg10[%swap3A, %swap3A_177] {strides = array<i32>} : memref<32x512xf32, #tpu.memory_space<vmem>>, vector<1x16xf32>,
      %swap3A_179 = vector.shape_cast %swap3A_178 : vector<1x16xf32> to vector<16xf32>
      %swap3A_180 = vector.shape_cast %select_n3A_176 : vector<16xf32> to vector<1x16xf32>
      tpu.vector_store %arg10[%swap3A, %swap3A_177], %swap3A_180 {strides = array<i32>} : memref<32x512xf32, #tpu.memory_space<vmem>>, vector<1x16xf32>,
      %add3A_181 = arith.constant 32 : i32
      %add3A_182 = arith.addi %add3A_181, %scan3A_164 : i32
      %get3A_183 = arith.index_cast %add3A_182 : i32 to index
      %get3A_184 = arith.constant 16 : index
      %get3A_185 = tpu.vector_load %arg8[%get3A_183, %get3A_184] {strides = array<i32>} : memref<64x512xf32, #tpu.memory_space<vmem>>, vector<1x16xf32>,
      %get3A_186 = vector.shape_cast %get3A_185 : vector<1x16xf32> to vector<16xf32>
      %ne3A_187 = arith.constant 0.000000e+00 : f32
      %ne3A_188 = vector.broadcast %ne3A_187 : f32 to vector<16xf32>
      %ne3A_189 = arith.cmpf one, %get3A_186, %ne3A_188 : vector<16xf32>
      %broadcast_in_dim3A_190 = arith.constant 1.000000e+00 : f32
      %broadcast_in_dim3A_191 = vector.broadcast %broadcast_in_dim3A_190 : f32 to vector<16xf32>
      %broadcast_in_dim3A_192 = arith.constant 0.000000e+00 : f32
      %broadcast_in_dim3A_193 = vector.broadcast %broadcast_in_dim3A_192 : f32 to vector<16xf32>
      %select_n3A_194 = arith.select %ne3A_189, %broadcast_in_dim3A_191, %broadcast_in_dim3A_193 : vector<16xi1>, vector<16xf32>
      %swap3A_195 = arith.index_cast %scan3A_164 : i32 to index
      %swap3A_196 = arith.constant 16 : index
      %swap3A_197 = tpu.vector_load %arg10[%swap3A_195, %swap3A_196] {strides = array<i32>} : memref<32x512xf32, #tpu.memory_space<vmem>>, vector<1x16xf32>,
      %swap3A_198 = vector.shape_cast %swap3A_197 : vector<1x16xf32> to vector<16xf32>
      %swap3A_199 = vector.shape_cast %select_n3A_194 : vector<16xf32> to vector<1x16xf32>
      tpu.vector_store %arg10[%swap3A_195, %swap3A_196], %swap3A_199 {strides = array<i32>} : memref<32x512xf32, #tpu.memory_space<vmem>>, vector<1x16xf32>,
      %add3A_200 = arith.constant 32 : i32
      %add3A_201 = arith.addi %add3A_200, %scan3A_164 : i32
      %get3A_202 = arith.index_cast %add3A_201 : i32 to index
      %get3A_203 = arith.constant 32 : index
      %get3A_204 = tpu.vector_load %arg8[%get3A_202, %get3A_203] {strides = array<i32>} : memref<64x512xf32, #tpu.memory_space<vmem>>, vector<1x16xf32>,
      %get3A_205 = vector.shape_cast %get3A_204 : vector<1x16xf32> to vector<16xf32>
      %ne3A_206 = arith.constant 0.000000e+00 : f32
      %ne3A_207 = vector.broadcast %ne3A_206 : f32 to vector<16xf32>
      %ne3A_208 = arith.cmpf one, %get3A_205, %ne3A_207 : vector<16xf32>
      %broadcast_in_dim3A_209 = arith.constant 1.000000e+00 : f32
      %broadcast_in_dim3A_210 = vector.broadcast %broadcast_in_dim3A_209 : f32 to vector<16xf32>
      %broadcast_in_dim3A_211 = arith.constant 0.000000e+00 : f32
      %broadcast_in_dim3A_212 = vector.broadcast %broadcast_in_dim3A_211 : f32 to vector<16xf32>
      %select_n3A_213 = arith.select %ne3A_208, %broadcast_in_dim3A_210, %broadcast_in_dim3A_212 : vector<16xi1>, vector<16xf32>
      %swap3A_214 = arith.index_cast %scan3A_164 : i32 to index
      %swap3A_215 = arith.constant 32 : index
      %swap3A_216 = tpu.vector_load %arg10[%swap3A_214, %swap3A_215] {strides = array<i32>} : memref<32x512xf32, #tpu.memory_space<vmem>>, vector<1x16xf32>,
      %swap3A_217 = vector.shape_cast %swap3A_216 : vector<1x16xf32> to vector<16xf32>
      %swap3A_218 = vector.shape_cast %select_n3A_213 : vector<16xf32> to vector<1x16xf32>
      tpu.vector_store %arg10[%swap3A_214, %swap3A_215], %swap3A_218 {strides = array<i32>} : memref<32x512xf32, #tpu.memory_space<vmem>>, vector<1x16xf32>,
      %add3A_219 = arith.constant 32 : i32
      %add3A_220 = arith.addi %add3A_219, %scan3A_164 : i32
      %get3A_221 = arith.index_cast %add3A_220 : i32 to index
      %get3A_222 = arith.constant 48 : index
      %get3A_223 = tpu.vector_load %arg8[%get3A_221, %get3A_222] {strides = array<i32>} : memref<64x512xf32, #tpu.memory_space<vmem>>, vector<1x16xf32>,
      %get3A_224 = vector.shape_cast %get3A_223 : vector<1x16xf32> to vector<16xf32>
      %ne3A_225 = arith.constant 0.000000e+00 : f32
      %ne3A_226 = vector.broadcast %ne3A_225 : f32 to vector<16xf32>
      %ne3A_227 = arith.cmpf one, %get3A_224, %ne3A_226 : vector<16xf32>
      %broadcast_in_dim3A_228 = arith.constant 1.000000e+00 : f32
      %broadcast_in_dim3A_229 = vector.broadcast %broadcast_in_dim3A_228 : f32 to vector<16xf32>
      %broadcast_in_dim3A_230 = arith.constant 0.000000e+00 : f32
      %broadcast_in_dim3A_231 = vector.broadcast %broadcast_in_dim3A_230 : f32 to vector<16xf32>
      %select_n3A_232 = arith.select %ne3A_227, %broadcast_in_dim3A_229, %broadcast_in_dim3A_231 : vector<16xi1>, vector<16xf32>
      %swap3A_233 = arith.index_cast %scan3A_164 : i32 to index
      %swap3A_234 = arith.constant 48 : index
      %swap3A_235 = tpu.vector_load %arg10[%swap3A_233, %swap3A_234] {strides = array<i32>} : memref<32x512xf32, #tpu.memory_space<vmem>>, vector<1x16xf32>,
      %swap3A_236 = vector.shape_cast %swap3A_235 : vector<1x16xf32> to vector<16xf32>
      %swap3A_237 = vector.shape_cast %select_n3A_232 : vector<16xf32> to vector<1x16xf32>
      tpu.vector_store %arg10[%swap3A_233, %swap3A_234], %swap3A_237 {strides = array<i32>} : memref<32x512xf32, #tpu.memory_space<vmem>>, vector<1x16xf32>,
      %add3A_238 = arith.constant 32 : i32
      %add3A_239 = arith.addi %add3A_238, %scan3A_164 : i32
      %get3A_240 = arith.index_cast %add3A_239 : i32 to index
      %get3A_241 = arith.constant 64 : index
      %get3A_242 = tpu.vector_load %arg8[%get3A_240, %get3A_241] {strides = array<i32>} : memref<64x512xf32, #tpu.memory_space<vmem>>, vector<1x16xf32>,
      %get3A_243 = vector.shape_cast %get3A_242 : vector<1x16xf32> to vector<16xf32>
      %ne3A_244 = arith.constant 0.000000e+00 : f32
      %ne3A_245 = vector.broadcast %ne3A_244 : f32 to vector<16xf32>
      %ne3A_246 = arith.cmpf one, %get3A_243, %ne3A_245 : vector<16xf32>
      %broadcast_in_dim3A_247 = arith.constant 1.000000e+00 : f32
      %broadcast_in_dim3A_248 = vector.broadcast %broadcast_in_dim3A_247 : f32 to vector<16xf32>
      %broadcast_in_dim3A_249 = arith.constant 0.000000e+00 : f32
      %broadcast_in_dim3A_250 = vector.broadcast %broadcast_in_dim3A_249 : f32 to vector<16xf32>
      %select_n3A_251 = arith.select %ne3A_246, %broadcast_in_dim3A_248, %broadcast_in_dim3A_250 : vector<16xi1>, vector<16xf32>
      %swap3A_252 = arith.index_cast %scan3A_164 : i32 to index
      %swap3A_253 = arith.constant 64 : index
      %swap3A_254 = tpu.vector_load %arg10[%swap3A_252, %swap3A_253] {strides = array<i32>} : memref<32x512xf32, #tpu.memory_space<vmem>>, vector<1x16xf32>,
      %swap3A_255 = vector.shape_cast %swap3A_254 : vector<1x16xf32> to vector<16xf32>
      %swap3A_256 = vector.shape_cast %select_n3A_251 : vector<16xf32> to vector<1x16xf32>
      tpu.vector_store %arg10[%swap3A_252, %swap3A_253], %swap3A_256 {strides = array<i32>} : memref<32x512xf32, #tpu.memory_space<vmem>>, vector<1x16xf32>,
      %add3A_257 = arith.constant 32 : i32
      %add3A_258 = arith.addi %add3A_257, %scan3A_164 : i32
      %get3A_259 = arith.index_cast %add3A_258 : i32 to index
      %get3A_260 = arith.constant 80 : index
      %get3A_261 = tpu.vector_load %arg8[%get3A_259, %get3A_260] {strides = array<i32>} : memref<64x512xf32, #tpu.memory_space<vmem>>, vector<1x16xf32>,
      %get3A_262 = vector.shape_cast %get3A_261 : vector<1x16xf32> to vector<16xf32>
      %ne3A_263 = arith.constant 0.000000e+00 : f32
      %ne3A_264 = vector.broadcast %ne3A_263 : f32 to vector<16xf32>
      %ne3A_265 = arith.cmpf one, %get3A_262, %ne3A_264 : vector<16xf32>
      %broadcast_in_dim3A_266 = arith.constant 1.000000e+00 : f32
      %broadcast_in_dim3A_267 = vector.broadcast %broadcast_in_dim3A_266 : f32 to vector<16xf32>
      %broadcast_in_dim3A_268 = arith.constant 0.000000e+00 : f32
      %broadcast_in_dim3A_269 = vector.broadcast %broadcast_in_dim3A_268 : f32 to vector<16xf32>
      %select_n3A_270 = arith.select %ne3A_265, %broadcast_in_dim3A_267, %broadcast_in_dim3A_269 : vector<16xi1>, vector<16xf32>
      %swap3A_271 = arith.index_cast %scan3A_164 : i32 to index
      %swap3A_272 = arith.constant 80 : index
      %swap3A_273 = tpu.vector_load %arg10[%swap3A_271, %swap3A_272] {strides = array<i32>} : memref<32x512xf32, #tpu.memory_space<vmem>>, vector<1x16xf32>,
      %swap3A_274 = vector.shape_cast %swap3A_273 : vector<1x16xf32> to vector<16xf32>
      %swap3A_275 = vector.shape_cast %select_n3A_270 : vector<16xf32> to vector<1x16xf32>
      tpu.vector_store %arg10[%swap3A_271, %swap3A_272], %swap3A_275 {strides = array<i32>} : memref<32x512xf32, #tpu.memory_space<vmem>>, vector<1x16xf32>,
      %add3A_276 = arith.constant 32 : i32
      %add3A_277 = arith.addi %add3A_276, %scan3A_164 : i32
      %get3A_278 = arith.index_cast %add3A_277 : i32 to index
      %get3A_279 = arith.constant 96 : index
      %get3A_280 = tpu.vector_load %arg8[%get3A_278, %get3A_279] {strides = array<i32>} : memref<64x512xf32, #tpu.memory_space<vmem>>, vector<1x16xf32>,
      %get3A_281 = vector.shape_cast %get3A_280 : vector<1x16xf32> to vector<16xf32>
      %ne3A_282 = arith.constant 0.000000e+00 : f32
      %ne3A_283 = vector.broadcast %ne3A_282 : f32 to vector<16xf32>
      %ne3A_284 = arith.cmpf one, %get3A_281, %ne3A_283 : vector<16xf32>
      %broadcast_in_dim3A_285 = arith.constant 1.000000e+00 : f32
      %broadcast_in_dim3A_286 = vector.broadcast %broadcast_in_dim3A_285 : f32 to vector<16xf32>
      %broadcast_in_dim3A_287 = arith.constant 0.000000e+00 : f32
      %broadcast_in_dim3A_288 = vector.broadcast %broadcast_in_dim3A_287 : f32 to vector<16xf32>
      %select_n3A_289 = arith.select %ne3A_284, %broadcast_in_dim3A_286, %broadcast_in_dim3A_288 : vector<16xi1>, vector<16xf32>
      %swap3A_290 = arith.index_cast %scan3A_164 : i32 to index
      %swap3A_291 = arith.constant 96 : index
      %swap3A_292 = tpu.vector_load %arg10[%swap3A_290, %swap3A_291] {strides = array<i32>} : memref<32x512xf32, #tpu.memory_space<vmem>>, vector<1x16xf32>,
      %swap3A_293 = vector.shape_cast %swap3A_292 : vector<1x16xf32> to vector<16xf32>
      %swap3A_294 = vector.shape_cast %select_n3A_289 : vector<16xf32> to vector<1x16xf32>
      tpu.vector_store %arg10[%swap3A_290, %swap3A_291], %swap3A_294 {strides = array<i32>} : memref<32x512xf32, #tpu.memory_space<vmem>>, vector<1x16xf32>,
      %add3A_295 = arith.constant 32 : i32
      %add3A_296 = arith.addi %add3A_295, %scan3A_164 : i32
      %get3A_297 = arith.index_cast %add3A_296 : i32 to index
      %get3A_298 = arith.constant 112 : index
      %get3A_299 = tpu.vector_load %arg8[%get3A_297, %get3A_298] {strides = array<i32>} : memref<64x512xf32, #tpu.memory_space<vmem>>, vector<1x16xf32>,
      %get3A_300 = vector.shape_cast %get3A_299 : vector<1x16xf32> to vector<16xf32>
      %ne3A_301 = arith.constant 0.000000e+00 : f32
      %ne3A_302 = vector.broadcast %ne3A_301 : f32 to vector<16xf32>
      %ne3A_303 = arith.cmpf one, %get3A_300, %ne3A_302 : vector<16xf32>
      %broadcast_in_dim3A_304 = arith.constant 1.000000e+00 : f32
      %broadcast_in_dim3A_305 = vector.broadcast %broadcast_in_dim3A_304 : f32 to vector<16xf32>
      %broadcast_in_dim3A_306 = arith.constant 0.000000e+00 : f32
      %broadcast_in_dim3A_307 = vector.broadcast %broadcast_in_dim3A_306 : f32 to vector<16xf32>
      %select_n3A_308 = arith.select %ne3A_303, %broadcast_in_dim3A_305, %broadcast_in_dim3A_307 : vector<16xi1>, vector<16xf32>
      %swap3A_309 = arith.index_cast %scan3A_164 : i32 to index
      %swap3A_310 = arith.constant 112 : index
      %swap3A_311 = tpu.vector_load %arg10[%swap3A_309, %swap3A_310] {strides = array<i32>} : memref<32x512xf32, #tpu.memory_space<vmem>>, vector<1x16xf32>,
      %swap3A_312 = vector.shape_cast %swap3A_311 : vector<1x16xf32> to vector<16xf32>
      %swap3A_313 = vector.shape_cast %select_n3A_308 : vector<16xf32> to vector<1x16xf32>
      tpu.vector_store %arg10[%swap3A_309, %swap3A_310], %swap3A_313 {strides = array<i32>} : memref<32x512xf32, #tpu.memory_space<vmem>>, vector<1x16xf32>,
      %add3A_314 = arith.constant 32 : i32
      %add3A_315 = arith.addi %add3A_314, %scan3A_164 : i32
      %get3A_316 = arith.index_cast %add3A_315 : i32 to index
      %get3A_317 = arith.constant 128 : index
      %get3A_318 = tpu.vector_load %arg8[%get3A_316, %get3A_317] {strides = array<i32>} : memref<64x512xf32, #tpu.memory_space<vmem>>, vector<1x16xf32>,
      %get3A_319 = vector.shape_cast %get3A_318 : vector<1x16xf32> to vector<16xf32>
      %ne3A_320 = arith.constant 0.000000e+00 : f32
      %ne3A_321 = vector.broadcast %ne3A_320 : f32 to vector<16xf32>
      %ne3A_322 = arith.cmpf one, %get3A_319, %ne3A_321 : vector<16xf32>
      %broadcast_in_dim3A_323 = arith.constant 1.000000e+00 : f32
      %broadcast_in_dim3A_324 = vector.broadcast %broadcast_in_dim3A_323 : f32 to vector<16xf32>
      %broadcast_in_dim3A_325 = arith.constant 0.000000e+00 : f32
      %broadcast_in_dim3A_326 = vector.broadcast %broadcast_in_dim3A_325 : f32 to vector<16xf32>
      %select_n3A_327 = arith.select %ne3A_322, %broadcast_in_dim3A_324, %broadcast_in_dim3A_326 : vector<16xi1>, vector<16xf32>
      %swap3A_328 = arith.index_cast %scan3A_164 : i32 to index
      %swap3A_329 = arith.constant 128 : index
      %swap3A_330 = tpu.vector_load %arg10[%swap3A_328, %swap3A_329] {strides = array<i32>} : memref<32x512xf32, #tpu.memory_space<vmem>>, vector<1x16xf32>,
      %swap3A_331 = vector.shape_cast %swap3A_330 : vector<1x16xf32> to vector<16xf32>
      %swap3A_332 = vector.shape_cast %select_n3A_327 : vector<16xf32> to vector<1x16xf32>
      tpu.vector_store %arg10[%swap3A_328, %swap3A_329], %swap3A_332 {strides = array<i32>} : memref<32x512xf32, #tpu.memory_space<vmem>>, vector<1x16xf32>,
      %add3A_333 = arith.constant 32 : i32
      %add3A_334 = arith.addi %add3A_333, %scan3A_164 : i32
      %get3A_335 = arith.index_cast %add3A_334 : i32 to index
      %get3A_336 = arith.constant 144 : index
      %get3A_337 = tpu.vector_load %arg8[%get3A_335, %get3A_336] {strides = array<i32>} : memref<64x512xf32, #tpu.memory_space<vmem>>, vector<1x16xf32>,
      %get3A_338 = vector.shape_cast %get3A_337 : vector<1x16xf32> to vector<16xf32>
      %ne3A_339 = arith.constant 0.000000e+00 : f32
      %ne3A_340 = vector.broadcast %ne3A_339 : f32 to vector<16xf32>
      %ne3A_341 = arith.cmpf one, %get3A_338, %ne3A_340 : vector<16xf32>
      %broadcast_in_dim3A_342 = arith.constant 1.000000e+00 : f32
      %broadcast_in_dim3A_343 = vector.broadcast %broadcast_in_dim3A_342 : f32 to vector<16xf32>
      %broadcast_in_dim3A_344 = arith.constant 0.000000e+00 : f32
      %broadcast_in_dim3A_345 = vector.broadcast %broadcast_in_dim3A_344 : f32 to vector<16xf32>
      %select_n3A_346 = arith.select %ne3A_341, %broadcast_in_dim3A_343, %broadcast_in_dim3A_345 : vector<16xi1>, vector<16xf32>
      %swap3A_347 = arith.index_cast %scan3A_164 : i32 to index
      %swap3A_348 = arith.constant 144 : index
      %swap3A_349 = tpu.vector_load %arg10[%swap3A_347, %swap3A_348] {strides = array<i32>} : memref<32x512xf32, #tpu.memory_space<vmem>>, vector<1x16xf32>,
      %swap3A_350 = vector.shape_cast %swap3A_349 : vector<1x16xf32> to vector<16xf32>
      %swap3A_351 = vector.shape_cast %select_n3A_346 : vector<16xf32> to vector<1x16xf32>
      tpu.vector_store %arg10[%swap3A_347, %swap3A_348], %swap3A_351 {strides = array<i32>} : memref<32x512xf32, #tpu.memory_space<vmem>>, vector<1x16xf32>,
      %add3A_352 = arith.constant 32 : i32
      %add3A_353 = arith.addi %add3A_352, %scan3A_164 : i32
      %get3A_354 = arith.index_cast %add3A_353 : i32 to index
      %get3A_355 = arith.constant 160 : index
      %get3A_356 = tpu.vector_load %arg8[%get3A_354, %get3A_355] {strides = array<i32>} : memref<64x512xf32, #tpu.memory_space<vmem>>, vector<1x16xf32>,
      %get3A_357 = vector.shape_cast %get3A_356 : vector<1x16xf32> to vector<16xf32>
      %ne3A_358 = arith.constant 0.000000e+00 : f32
      %ne3A_359 = vector.broadcast %ne3A_358 : f32 to vector<16xf32>
      %ne3A_360 = arith.cmpf one, %get3A_357, %ne3A_359 : vector<16xf32>
      %broadcast_in_dim3A_361 = arith.constant 1.000000e+00 : f32
      %broadcast_in_dim3A_362 = vector.broadcast %broadcast_in_dim3A_361 : f32 to vector<16xf32>
      %broadcast_in_dim3A_363 = arith.constant 0.000000e+00 : f32
      %broadcast_in_dim3A_364 = vector.broadcast %broadcast_in_dim3A_363 : f32 to vector<16xf32>
      %select_n3A_365 = arith.select %ne3A_360, %broadcast_in_dim3A_362, %broadcast_in_dim3A_364 : vector<16xi1>, vector<16xf32>
      %swap3A_366 = arith.index_cast %scan3A_164 : i32 to index
      %swap3A_367 = arith.constant 160 : index
      %swap3A_368 = tpu.vector_load %arg10[%swap3A_366, %swap3A_367] {strides = array<i32>} : memref<32x512xf32, #tpu.memory_space<vmem>>, vector<1x16xf32>,
      %swap3A_369 = vector.shape_cast %swap3A_368 : vector<1x16xf32> to vector<16xf32>
      %swap3A_370 = vector.shape_cast %select_n3A_365 : vector<16xf32> to vector<1x16xf32>
      tpu.vector_store %arg10[%swap3A_366, %swap3A_367], %swap3A_370 {strides = array<i32>} : memref<32x512xf32, #tpu.memory_space<vmem>>, vector<1x16xf32>,
      %add3A_371 = arith.constant 32 : i32
      %add3A_372 = arith.addi %add3A_371, %scan3A_164 : i32
      %get3A_373 = arith.index_cast %add3A_372 : i32 to index
      %get3A_374 = arith.constant 176 : index
      %get3A_375 = tpu.vector_load %arg8[%get3A_373, %get3A_374] {strides = array<i32>} : memref<64x512xf32, #tpu.memory_space<vmem>>, vector<1x16xf32>,
      %get3A_376 = vector.shape_cast %get3A_375 : vector<1x16xf32> to vector<16xf32>
      %ne3A_377 = arith.constant 0.000000e+00 : f32
      %ne3A_378 = vector.broadcast %ne3A_377 : f32 to vector<16xf32>
      %ne3A_379 = arith.cmpf one, %get3A_376, %ne3A_378 : vector<16xf32>
      %broadcast_in_dim3A_380 = arith.constant 1.000000e+00 : f32
      %broadcast_in_dim3A_381 = vector.broadcast %broadcast_in_dim3A_380 : f32 to vector<16xf32>
      %broadcast_in_dim3A_382 = arith.constant 0.000000e+00 : f32
      %broadcast_in_dim3A_383 = vector.broadcast %broadcast_in_dim3A_382 : f32 to vector<16xf32>
      %select_n3A_384 = arith.select %ne3A_379, %broadcast_in_dim3A_381, %broadcast_in_dim3A_383 : vector<16xi1>, vector<16xf32>
      %swap3A_385 = arith.index_cast %scan3A_164 : i32 to index
      %swap3A_386 = arith.constant 176 : index
      %swap3A_387 = tpu.vector_load %arg10[%swap3A_385, %swap3A_386] {strides = array<i32>} : memref<32x512xf32, #tpu.memory_space<vmem>>, vector<1x16xf32>,
      %swap3A_388 = vector.shape_cast %swap3A_387 : vector<1x16xf32> to vector<16xf32>
      %swap3A_389 = vector.shape_cast %select_n3A_384 : vector<16xf32> to vector<1x16xf32>
      tpu.vector_store %arg10[%swap3A_385, %swap3A_386], %swap3A_389 {strides = array<i32>} : memref<32x512xf32, #tpu.memory_space<vmem>>, vector<1x16xf32>,
      %add3A_390 = arith.constant 32 : i32
      %add3A_391 = arith.addi %add3A_390, %scan3A_164 : i32
      %get3A_392 = arith.index_cast %add3A_391 : i32 to index
      %get3A_393 = arith.constant 192 : index
      %get3A_394 = tpu.vector_load %arg8[%get3A_392, %get3A_393] {strides = array<i32>} : memref<64x512xf32, #tpu.memory_space<vmem>>, vector<1x16xf32>,
      %get3A_395 = vector.shape_cast %get3A_394 : vector<1x16xf32> to vector<16xf32>
      %ne3A_396 = arith.constant 0.000000e+00 : f32
      %ne3A_397 = vector.broadcast %ne3A_396 : f32 to vector<16xf32>
      %ne3A_398 = arith.cmpf one, %get3A_395, %ne3A_397 : vector<16xf32>
      %broadcast_in_dim3A_399 = arith.constant 1.000000e+00 : f32
      %broadcast_in_dim3A_400 = vector.broadcast %broadcast_in_dim3A_399 : f32 to vector<16xf32>
      %broadcast_in_dim3A_401 = arith.constant 0.000000e+00 : f32
      %broadcast_in_dim3A_402 = vector.broadcast %broadcast_in_dim3A_401 : f32 to vector<16xf32>
      %select_n3A_403 = arith.select %ne3A_398, %broadcast_in_dim3A_400, %broadcast_in_dim3A_402 : vector<16xi1>, vector<16xf32>
      %swap3A_404 = arith.index_cast %scan3A_164 : i32 to index
      %swap3A_405 = arith.constant 192 : index
      %swap3A_406 = tpu.vector_load %arg10[%swap3A_404, %swap3A_405] {strides = array<i32>} : memref<32x512xf32, #tpu.memory_space<vmem>>, vector<1x16xf32>,
      %swap3A_407 = vector.shape_cast %swap3A_406 : vector<1x16xf32> to vector<16xf32>
      %swap3A_408 = vector.shape_cast %select_n3A_403 : vector<16xf32> to vector<1x16xf32>
      tpu.vector_store %arg10[%swap3A_404, %swap3A_405], %swap3A_408 {strides = array<i32>} : memref<32x512xf32, #tpu.memory_space<vmem>>, vector<1x16xf32>,
      %add3A_409 = arith.constant 32 : i32
      %add3A_410 = arith.addi %add3A_409, %scan3A_164 : i32
      %get3A_411 = arith.index_cast %add3A_410 : i32 to index
      %get3A_412 = arith.constant 208 : index
      %get3A_413 = tpu.vector_load %arg8[%get3A_411, %get3A_412] {strides = array<i32>} : memref<64x512xf32, #tpu.memory_space<vmem>>, vector<1x16xf32>,
      %get3A_414 = vector.shape_cast %get3A_413 : vector<1x16xf32> to vector<16xf32>
      %ne3A_415 = arith.constant 0.000000e+00 : f32
      %ne3A_416 = vector.broadcast %ne3A_415 : f32 to vector<16xf32>
      %ne3A_417 = arith.cmpf one, %get3A_414, %ne3A_416 : vector<16xf32>
      %broadcast_in_dim3A_418 = arith.constant 1.000000e+00 : f32
      %broadcast_in_dim3A_419 = vector.broadcast %broadcast_in_dim3A_418 : f32 to vector<16xf32>
      %broadcast_in_dim3A_420 = arith.constant 0.000000e+00 : f32
      %broadcast_in_dim3A_421 = vector.broadcast %broadcast_in_dim3A_420 : f32 to vector<16xf32>
      %select_n3A_422 = arith.select %ne3A_417, %broadcast_in_dim3A_419, %broadcast_in_dim3A_421 : vector<16xi1>, vector<16xf32>
      %swap3A_423 = arith.index_cast %scan3A_164 : i32 to index
      %swap3A_424 = arith.constant 208 : index
      %swap3A_425 = tpu.vector_load %arg10[%swap3A_423, %swap3A_424] {strides = array<i32>} : memref<32x512xf32, #tpu.memory_space<vmem>>, vector<1x16xf32>,
      %swap3A_426 = vector.shape_cast %swap3A_425 : vector<1x16xf32> to vector<16xf32>
      %swap3A_427 = vector.shape_cast %select_n3A_422 : vector<16xf32> to vector<1x16xf32>
      tpu.vector_store %arg10[%swap3A_423, %swap3A_424], %swap3A_427 {strides = array<i32>} : memref<32x512xf32, #tpu.memory_space<vmem>>, vector<1x16xf32>,
      %add3A_428 = arith.constant 32 : i32
      %add3A_429 = arith.addi %add3A_428, %scan3A_164 : i32
      %get3A_430 = arith.index_cast %add3A_429 : i32 to index
      %get3A_431 = arith.constant 224 : index
      %get3A_432 = tpu.vector_load %arg8[%get3A_430, %get3A_431] {strides = array<i32>} : memref<64x512xf32, #tpu.memory_space<vmem>>, vector<1x16xf32>,
      %get3A_433 = vector.shape_cast %get3A_432 : vector<1x16xf32> to vector<16xf32>
      %ne3A_434 = arith.constant 0.000000e+00 : f32
      %ne3A_435 = vector.broadcast %ne3A_434 : f32 to vector<16xf32>
      %ne3A_436 = arith.cmpf one, %get3A_433, %ne3A_435 : vector<16xf32>
      %broadcast_in_dim3A_437 = arith.constant 1.000000e+00 : f32
      %broadcast_in_dim3A_438 = vector.broadcast %broadcast_in_dim3A_437 : f32 to vector<16xf32>
      %broadcast_in_dim3A_439 = arith.constant 0.000000e+00 : f32
      %broadcast_in_dim3A_440 = vector.broadcast %broadcast_in_dim3A_439 : f32 to vector<16xf32>
      %select_n3A_441 = arith.select %ne3A_436, %broadcast_in_dim3A_438, %broadcast_in_dim3A_440 : vector<16xi1>, vector<16xf32>
      %swap3A_442 = arith.index_cast %scan3A_164 : i32 to index
      %swap3A_443 = arith.constant 224 : index
      %swap3A_444 = tpu.vector_load %arg10[%swap3A_442, %swap3A_443] {strides = array<i32>} : memref<32x512xf32, #tpu.memory_space<vmem>>, vector<1x16xf32>,
      %swap3A_445 = vector.shape_cast %swap3A_444 : vector<1x16xf32> to vector<16xf32>
      %swap3A_446 = vector.shape_cast %select_n3A_441 : vector<16xf32> to vector<1x16xf32>
      tpu.vector_store %arg10[%swap3A_442, %swap3A_443], %swap3A_446 {strides = array<i32>} : memref<32x512xf32, #tpu.memory_space<vmem>>, vector<1x16xf32>,
      %add3A_447 = arith.constant 32 : i32
      %add3A_448 = arith.addi %add3A_447, %scan3A_164 : i32
      %get3A_449 = arith.index_cast %add3A_448 : i32 to index
      %get3A_450 = arith.constant 240 : index
      %get3A_451 = tpu.vector_load %arg8[%get3A_449, %get3A_450] {strides = array<i32>} : memref<64x512xf32, #tpu.memory_space<vmem>>, vector<1x16xf32>,
      %get3A_452 = vector.shape_cast %get3A_451 : vector<1x16xf32> to vector<16xf32>
      %ne3A_453 = arith.constant 0.000000e+00 : f32
      %ne3A_454 = vector.broadcast %ne3A_453 : f32 to vector<16xf32>
      %ne3A_455 = arith.cmpf one, %get3A_452, %ne3A_454 : vector<16xf32>
      %broadcast_in_dim3A_456 = arith.constant 1.000000e+00 : f32
      %broadcast_in_dim3A_457 = vector.broadcast %broadcast_in_dim3A_456 : f32 to vector<16xf32>
      %broadcast_in_dim3A_458 = arith.constant 0.000000e+00 : f32
      %broadcast_in_dim3A_459 = vector.broadcast %broadcast_in_dim3A_458 : f32 to vector<16xf32>
      %select_n3A_460 = arith.select %ne3A_455, %broadcast_in_dim3A_457, %broadcast_in_dim3A_459 : vector<16xi1>, vector<16xf32>
      %swap3A_461 = arith.index_cast %scan3A_164 : i32 to index
      %swap3A_462 = arith.constant 240 : index
      %swap3A_463 = tpu.vector_load %arg10[%swap3A_461, %swap3A_462] {strides = array<i32>} : memref<32x512xf32, #tpu.memory_space<vmem>>, vector<1x16xf32>,
      %swap3A_464 = vector.shape_cast %swap3A_463 : vector<1x16xf32> to vector<16xf32>
      %swap3A_465 = vector.shape_cast %select_n3A_460 : vector<16xf32> to vector<1x16xf32>
      tpu.vector_store %arg10[%swap3A_461, %swap3A_462], %swap3A_465 {strides = array<i32>} : memref<32x512xf32, #tpu.memory_space<vmem>>, vector<1x16xf32>,
      %add3A_466 = arith.constant 32 : i32
      %add3A_467 = arith.addi %add3A_466, %scan3A_164 : i32
      %get3A_468 = arith.index_cast %add3A_467 : i32 to index
      %get3A_469 = arith.constant 256 : index
      %get3A_470 = tpu.vector_load %arg8[%get3A_468, %get3A_469] {strides = array<i32>} : memref<64x512xf32, #tpu.memory_space<vmem>>, vector<1x16xf32>,
      %get3A_471 = vector.shape_cast %get3A_470 : vector<1x16xf32> to vector<16xf32>
      %ne3A_472 = arith.constant 0.000000e+00 : f32
      %ne3A_473 = vector.broadcast %ne3A_472 : f32 to vector<16xf32>
      %ne3A_474 = arith.cmpf one, %get3A_471, %ne3A_473 : vector<16xf32>
      %broadcast_in_dim3A_475 = arith.constant 1.000000e+00 : f32
      %broadcast_in_dim3A_476 = vector.broadcast %broadcast_in_dim3A_475 : f32 to vector<16xf32>
      %broadcast_in_dim3A_477 = arith.constant 0.000000e+00 : f32
      %broadcast_in_dim3A_478 = vector.broadcast %broadcast_in_dim3A_477 : f32 to vector<16xf32>
      %select_n3A_479 = arith.select %ne3A_474, %broadcast_in_dim3A_476, %broadcast_in_dim3A_478 : vector<16xi1>, vector<16xf32>
      %swap3A_480 = arith.index_cast %scan3A_164 : i32 to index
      %swap3A_481 = arith.constant 256 : index
      %swap3A_482 = tpu.vector_load %arg10[%swap3A_480, %swap3A_481] {strides = array<i32>} : memref<32x512xf32, #tpu.memory_space<vmem>>, vector<1x16xf32>,
      %swap3A_483 = vector.shape_cast %swap3A_482 : vector<1x16xf32> to vector<16xf32>
      %swap3A_484 = vector.shape_cast %select_n3A_479 : vector<16xf32> to vector<1x16xf32>
      tpu.vector_store %arg10[%swap3A_480, %swap3A_481], %swap3A_484 {strides = array<i32>} : memref<32x512xf32, #tpu.memory_space<vmem>>, vector<1x16xf32>,
      %add3A_485 = arith.constant 32 : i32
      %add3A_486 = arith.addi %add3A_485, %scan3A_164 : i32
      %get3A_487 = arith.index_cast %add3A_486 : i32 to index
      %get3A_488 = arith.constant 272 : index
      %get3A_489 = tpu.vector_load %arg8[%get3A_487, %get3A_488] {strides = array<i32>} : memref<64x512xf32, #tpu.memory_space<vmem>>, vector<1x16xf32>,
      %get3A_490 = vector.shape_cast %get3A_489 : vector<1x16xf32> to vector<16xf32>
      %ne3A_491 = arith.constant 0.000000e+00 : f32
      %ne3A_492 = vector.broadcast %ne3A_491 : f32 to vector<16xf32>
      %ne3A_493 = arith.cmpf one, %get3A_490, %ne3A_492 : vector<16xf32>
      %broadcast_in_dim3A_494 = arith.constant 1.000000e+00 : f32
      %broadcast_in_dim3A_495 = vector.broadcast %broadcast_in_dim3A_494 : f32 to vector<16xf32>
      %broadcast_in_dim3A_496 = arith.constant 0.000000e+00 : f32
      %broadcast_in_dim3A_497 = vector.broadcast %broadcast_in_dim3A_496 : f32 to vector<16xf32>
      %select_n3A_498 = arith.select %ne3A_493, %broadcast_in_dim3A_495, %broadcast_in_dim3A_497 : vector<16xi1>, vector<16xf32>
      %swap3A_499 = arith.index_cast %scan3A_164 : i32 to index
      %swap3A_500 = arith.constant 272 : index
      %swap3A_501 = tpu.vector_load %arg10[%swap3A_499, %swap3A_500] {strides = array<i32>} : memref<32x512xf32, #tpu.memory_space<vmem>>, vector<1x16xf32>,
      %swap3A_502 = vector.shape_cast %swap3A_501 : vector<1x16xf32> to vector<16xf32>
      %swap3A_503 = vector.shape_cast %select_n3A_498 : vector<16xf32> to vector<1x16xf32>
      tpu.vector_store %arg10[%swap3A_499, %swap3A_500], %swap3A_503 {strides = array<i32>} : memref<32x512xf32, #tpu.memory_space<vmem>>, vector<1x16xf32>,
      %add3A_504 = arith.constant 32 : i32
      %add3A_505 = arith.addi %add3A_504, %scan3A_164 : i32
      %get3A_506 = arith.index_cast %add3A_505 : i32 to index
      %get3A_507 = arith.constant 288 : index
      %get3A_508 = tpu.vector_load %arg8[%get3A_506, %get3A_507] {strides = array<i32>} : memref<64x512xf32, #tpu.memory_space<vmem>>, vector<1x16xf32>,
      %get3A_509 = vector.shape_cast %get3A_508 : vector<1x16xf32> to vector<16xf32>
      %ne3A_510 = arith.constant 0.000000e+00 : f32
      %ne3A_511 = vector.broadcast %ne3A_510 : f32 to vector<16xf32>
      %ne3A_512 = arith.cmpf one, %get3A_509, %ne3A_511 : vector<16xf32>
      %broadcast_in_dim3A_513 = arith.constant 1.000000e+00 : f32
      %broadcast_in_dim3A_514 = vector.broadcast %broadcast_in_dim3A_513 : f32 to vector<16xf32>
      %broadcast_in_dim3A_515 = arith.constant 0.000000e+00 : f32
      %broadcast_in_dim3A_516 = vector.broadcast %broadcast_in_dim3A_515 : f32 to vector<16xf32>
      %select_n3A_517 = arith.select %ne3A_512, %broadcast_in_dim3A_514, %broadcast_in_dim3A_516 : vector<16xi1>, vector<16xf32>
      %swap3A_518 = arith.index_cast %scan3A_164 : i32 to index
      %swap3A_519 = arith.constant 288 : index
      %swap3A_520 = tpu.vector_load %arg10[%swap3A_518, %swap3A_519] {strides = array<i32>} : memref<32x512xf32, #tpu.memory_space<vmem>>, vector<1x16xf32>,
      %swap3A_521 = vector.shape_cast %swap3A_520 : vector<1x16xf32> to vector<16xf32>
      %swap3A_522 = vector.shape_cast %select_n3A_517 : vector<16xf32> to vector<1x16xf32>
      tpu.vector_store %arg10[%swap3A_518, %swap3A_519], %swap3A_522 {strides = array<i32>} : memref<32x512xf32, #tpu.memory_space<vmem>>, vector<1x16xf32>,
      %add3A_523 = arith.constant 32 : i32
      %add3A_524 = arith.addi %add3A_523, %scan3A_164 : i32
      %get3A_525 = arith.index_cast %add3A_524 : i32 to index
      %get3A_526 = arith.constant 304 : index
      %get3A_527 = tpu.vector_load %arg8[%get3A_525, %get3A_526] {strides = array<i32>} : memref<64x512xf32, #tpu.memory_space<vmem>>, vector<1x16xf32>,
      %get3A_528 = vector.shape_cast %get3A_527 : vector<1x16xf32> to vector<16xf32>
      %ne3A_529 = arith.constant 0.000000e+00 : f32
      %ne3A_530 = vector.broadcast %ne3A_529 : f32 to vector<16xf32>
      %ne3A_531 = arith.cmpf one, %get3A_528, %ne3A_530 : vector<16xf32>
      %broadcast_in_dim3A_532 = arith.constant 1.000000e+00 : f32
      %broadcast_in_dim3A_533 = vector.broadcast %broadcast_in_dim3A_532 : f32 to vector<16xf32>
      %broadcast_in_dim3A_534 = arith.constant 0.000000e+00 : f32
      %broadcast_in_dim3A_535 = vector.broadcast %broadcast_in_dim3A_534 : f32 to vector<16xf32>
      %select_n3A_536 = arith.select %ne3A_531, %broadcast_in_dim3A_533, %broadcast_in_dim3A_535 : vector<16xi1>, vector<16xf32>
      %swap3A_537 = arith.index_cast %scan3A_164 : i32 to index
      %swap3A_538 = arith.constant 304 : index
      %swap3A_539 = tpu.vector_load %arg10[%swap3A_537, %swap3A_538] {strides = array<i32>} : memref<32x512xf32, #tpu.memory_space<vmem>>, vector<1x16xf32>,
      %swap3A_540 = vector.shape_cast %swap3A_539 : vector<1x16xf32> to vector<16xf32>
      %swap3A_541 = vector.shape_cast %select_n3A_536 : vector<16xf32> to vector<1x16xf32>
      tpu.vector_store %arg10[%swap3A_537, %swap3A_538], %swap3A_541 {strides = array<i32>} : memref<32x512xf32, #tpu.memory_space<vmem>>, vector<1x16xf32>,
      %add3A_542 = arith.constant 32 : i32
      %add3A_543 = arith.addi %add3A_542, %scan3A_164 : i32
      %get3A_544 = arith.index_cast %add3A_543 : i32 to index
      %get3A_545 = arith.constant 320 : index
      %get3A_546 = tpu.vector_load %arg8[%get3A_544, %get3A_545] {strides = array<i32>} : memref<64x512xf32, #tpu.memory_space<vmem>>, vector<1x16xf32>,
      %get3A_547 = vector.shape_cast %get3A_546 : vector<1x16xf32> to vector<16xf32>
      %ne3A_548 = arith.constant 0.000000e+00 : f32
      %ne3A_549 = vector.broadcast %ne3A_548 : f32 to vector<16xf32>
      %ne3A_550 = arith.cmpf one, %get3A_547, %ne3A_549 : vector<16xf32>
      %broadcast_in_dim3A_551 = arith.constant 1.000000e+00 : f32
      %broadcast_in_dim3A_552 = vector.broadcast %broadcast_in_dim3A_551 : f32 to vector<16xf32>
      %broadcast_in_dim3A_553 = arith.constant 0.000000e+00 : f32
      %broadcast_in_dim3A_554 = vector.broadcast %broadcast_in_dim3A_553 : f32 to vector<16xf32>
      %select_n3A_555 = arith.select %ne3A_550, %broadcast_in_dim3A_552, %broadcast_in_dim3A_554 : vector<16xi1>, vector<16xf32>
      %swap3A_556 = arith.index_cast %scan3A_164 : i32 to index
      %swap3A_557 = arith.constant 320 : index
      %swap3A_558 = tpu.vector_load %arg10[%swap3A_556, %swap3A_557] {strides = array<i32>} : memref<32x512xf32, #tpu.memory_space<vmem>>, vector<1x16xf32>,
      %swap3A_559 = vector.shape_cast %swap3A_558 : vector<1x16xf32> to vector<16xf32>
      %swap3A_560 = vector.shape_cast %select_n3A_555 : vector<16xf32> to vector<1x16xf32>
      tpu.vector_store %arg10[%swap3A_556, %swap3A_557], %swap3A_560 {strides = array<i32>} : memref<32x512xf32, #tpu.memory_space<vmem>>, vector<1x16xf32>,
      %add3A_561 = arith.constant 32 : i32
      %add3A_562 = arith.addi %add3A_561, %scan3A_164 : i32
      %get3A_563 = arith.index_cast %add3A_562 : i32 to index
      %get3A_564 = arith.constant 336 : index
      %get3A_565 = tpu.vector_load %arg8[%get3A_563, %get3A_564] {strides = array<i32>} : memref<64x512xf32, #tpu.memory_space<vmem>>, vector<1x16xf32>,
      %get3A_566 = vector.shape_cast %get3A_565 : vector<1x16xf32> to vector<16xf32>
      %ne3A_567 = arith.constant 0.000000e+00 : f32
      %ne3A_568 = vector.broadcast %ne3A_567 : f32 to vector<16xf32>
      %ne3A_569 = arith.cmpf one, %get3A_566, %ne3A_568 : vector<16xf32>
      %broadcast_in_dim3A_570 = arith.constant 1.000000e+00 : f32
      %broadcast_in_dim3A_571 = vector.broadcast %broadcast_in_dim3A_570 : f32 to vector<16xf32>
      %broadcast_in_dim3A_572 = arith.constant 0.000000e+00 : f32
      %broadcast_in_dim3A_573 = vector.broadcast %broadcast_in_dim3A_572 : f32 to vector<16xf32>
      %select_n3A_574 = arith.select %ne3A_569, %broadcast_in_dim3A_571, %broadcast_in_dim3A_573 : vector<16xi1>, vector<16xf32>
      %swap3A_575 = arith.index_cast %scan3A_164 : i32 to index
      %swap3A_576 = arith.constant 336 : index
      %swap3A_577 = tpu.vector_load %arg10[%swap3A_575, %swap3A_576] {strides = array<i32>} : memref<32x512xf32, #tpu.memory_space<vmem>>, vector<1x16xf32>,
      %swap3A_578 = vector.shape_cast %swap3A_577 : vector<1x16xf32> to vector<16xf32>
      %swap3A_579 = vector.shape_cast %select_n3A_574 : vector<16xf32> to vector<1x16xf32>
      tpu.vector_store %arg10[%swap3A_575, %swap3A_576], %swap3A_579 {strides = array<i32>} : memref<32x512xf32, #tpu.memory_space<vmem>>, vector<1x16xf32>,
      %add3A_580 = arith.constant 32 : i32
      %add3A_581 = arith.addi %add3A_580, %scan3A_164 : i32
      %get3A_582 = arith.index_cast %add3A_581 : i32 to index
      %get3A_583 = arith.constant 352 : index
      %get3A_584 = tpu.vector_load %arg8[%get3A_582, %get3A_583] {strides = array<i32>} : memref<64x512xf32, #tpu.memory_space<vmem>>, vector<1x16xf32>,
      %get3A_585 = vector.shape_cast %get3A_584 : vector<1x16xf32> to vector<16xf32>
      %ne3A_586 = arith.constant 0.000000e+00 : f32
      %ne3A_587 = vector.broadcast %ne3A_586 : f32 to vector<16xf32>
      %ne3A_588 = arith.cmpf one, %get3A_585, %ne3A_587 : vector<16xf32>
      %broadcast_in_dim3A_589 = arith.constant 1.000000e+00 : f32
      %broadcast_in_dim3A_590 = vector.broadcast %broadcast_in_dim3A_589 : f32 to vector<16xf32>
      %broadcast_in_dim3A_591 = arith.constant 0.000000e+00 : f32
      %broadcast_in_dim3A_592 = vector.broadcast %broadcast_in_dim3A_591 : f32 to vector<16xf32>
      %select_n3A_593 = arith.select %ne3A_588, %broadcast_in_dim3A_590, %broadcast_in_dim3A_592 : vector<16xi1>, vector<16xf32>
      %swap3A_594 = arith.index_cast %scan3A_164 : i32 to index
      %swap3A_595 = arith.constant 352 : index
      %swap3A_596 = tpu.vector_load %arg10[%swap3A_594, %swap3A_595] {strides = array<i32>} : memref<32x512xf32, #tpu.memory_space<vmem>>, vector<1x16xf32>,
      %swap3A_597 = vector.shape_cast %swap3A_596 : vector<1x16xf32> to vector<16xf32>
      %swap3A_598 = vector.shape_cast %select_n3A_593 : vector<16xf32> to vector<1x16xf32>
      tpu.vector_store %arg10[%swap3A_594, %swap3A_595], %swap3A_598 {strides = array<i32>} : memref<32x512xf32, #tpu.memory_space<vmem>>, vector<1x16xf32>,
      %add3A_599 = arith.constant 32 : i32
      %add3A_600 = arith.addi %add3A_599, %scan3A_164 : i32
      %get3A_601 = arith.index_cast %add3A_600 : i32 to index
      %get3A_602 = arith.constant 368 : index
      %get3A_603 = tpu.vector_load %arg8[%get3A_601, %get3A_602] {strides = array<i32>} : memref<64x512xf32, #tpu.memory_space<vmem>>, vector<1x16xf32>,
      %get3A_604 = vector.shape_cast %get3A_603 : vector<1x16xf32> to vector<16xf32>
      %ne3A_605 = arith.constant 0.000000e+00 : f32
      %ne3A_606 = vector.broadcast %ne3A_605 : f32 to vector<16xf32>
      %ne3A_607 = arith.cmpf one, %get3A_604, %ne3A_606 : vector<16xf32>
      %broadcast_in_dim3A_608 = arith.constant 1.000000e+00 : f32
      %broadcast_in_dim3A_609 = vector.broadcast %broadcast_in_dim3A_608 : f32 to vector<16xf32>
      %broadcast_in_dim3A_610 = arith.constant 0.000000e+00 : f32
      %broadcast_in_dim3A_611 = vector.broadcast %broadcast_in_dim3A_610 : f32 to vector<16xf32>
      %select_n3A_612 = arith.select %ne3A_607, %broadcast_in_dim3A_609, %broadcast_in_dim3A_611 : vector<16xi1>, vector<16xf32>
      %swap3A_613 = arith.index_cast %scan3A_164 : i32 to index
      %swap3A_614 = arith.constant 368 : index
      %swap3A_615 = tpu.vector_load %arg10[%swap3A_613, %swap3A_614] {strides = array<i32>} : memref<32x512xf32, #tpu.memory_space<vmem>>, vector<1x16xf32>,
      %swap3A_616 = vector.shape_cast %swap3A_615 : vector<1x16xf32> to vector<16xf32>
      %swap3A_617 = vector.shape_cast %select_n3A_612 : vector<16xf32> to vector<1x16xf32>
      tpu.vector_store %arg10[%swap3A_613, %swap3A_614], %swap3A_617 {strides = array<i32>} : memref<32x512xf32, #tpu.memory_space<vmem>>, vector<1x16xf32>,
      %add3A_618 = arith.constant 32 : i32
      %add3A_619 = arith.addi %add3A_618, %scan3A_164 : i32
      %get3A_620 = arith.index_cast %add3A_619 : i32 to index
      %get3A_621 = arith.constant 384 : index
      %get3A_622 = tpu.vector_load %arg8[%get3A_620, %get3A_621] {strides = array<i32>} : memref<64x512xf32, #tpu.memory_space<vmem>>, vector<1x16xf32>,
      %get3A_623 = vector.shape_cast %get3A_622 : vector<1x16xf32> to vector<16xf32>
      %ne3A_624 = arith.constant 0.000000e+00 : f32
      %ne3A_625 = vector.broadcast %ne3A_624 : f32 to vector<16xf32>
      %ne3A_626 = arith.cmpf one, %get3A_623, %ne3A_625 : vector<16xf32>
      %broadcast_in_dim3A_627 = arith.constant 1.000000e+00 : f32
      %broadcast_in_dim3A_628 = vector.broadcast %broadcast_in_dim3A_627 : f32 to vector<16xf32>
      %broadcast_in_dim3A_629 = arith.constant 0.000000e+00 : f32
      %broadcast_in_dim3A_630 = vector.broadcast %broadcast_in_dim3A_629 : f32 to vector<16xf32>
      %select_n3A_631 = arith.select %ne3A_626, %broadcast_in_dim3A_628, %broadcast_in_dim3A_630 : vector<16xi1>, vector<16xf32>
      %swap3A_632 = arith.index_cast %scan3A_164 : i32 to index
      %swap3A_633 = arith.constant 384 : index
      %swap3A_634 = tpu.vector_load %arg10[%swap3A_632, %swap3A_633] {strides = array<i32>} : memref<32x512xf32, #tpu.memory_space<vmem>>, vector<1x16xf32>,
      %swap3A_635 = vector.shape_cast %swap3A_634 : vector<1x16xf32> to vector<16xf32>
      %swap3A_636 = vector.shape_cast %select_n3A_631 : vector<16xf32> to vector<1x16xf32>
      tpu.vector_store %arg10[%swap3A_632, %swap3A_633], %swap3A_636 {strides = array<i32>} : memref<32x512xf32, #tpu.memory_space<vmem>>, vector<1x16xf32>,
      %add3A_637 = arith.constant 32 : i32
      %add3A_638 = arith.addi %add3A_637, %scan3A_164 : i32
      %get3A_639 = arith.index_cast %add3A_638 : i32 to index
      %get3A_640 = arith.constant 400 : index
      %get3A_641 = tpu.vector_load %arg8[%get3A_639, %get3A_640] {strides = array<i32>} : memref<64x512xf32, #tpu.memory_space<vmem>>, vector<1x16xf32>,
      %get3A_642 = vector.shape_cast %get3A_641 : vector<1x16xf32> to vector<16xf32>
      %ne3A_643 = arith.constant 0.000000e+00 : f32
      %ne3A_644 = vector.broadcast %ne3A_643 : f32 to vector<16xf32>
      %ne3A_645 = arith.cmpf one, %get3A_642, %ne3A_644 : vector<16xf32>
      %broadcast_in_dim3A_646 = arith.constant 1.000000e+00 : f32
      %broadcast_in_dim3A_647 = vector.broadcast %broadcast_in_dim3A_646 : f32 to vector<16xf32>
      %broadcast_in_dim3A_648 = arith.constant 0.000000e+00 : f32
      %broadcast_in_dim3A_649 = vector.broadcast %broadcast_in_dim3A_648 : f32 to vector<16xf32>
      %select_n3A_650 = arith.select %ne3A_645, %broadcast_in_dim3A_647, %broadcast_in_dim3A_649 : vector<16xi1>, vector<16xf32>
      %swap3A_651 = arith.index_cast %scan3A_164 : i32 to index
      %swap3A_652 = arith.constant 400 : index
      %swap3A_653 = tpu.vector_load %arg10[%swap3A_651, %swap3A_652] {strides = array<i32>} : memref<32x512xf32, #tpu.memory_space<vmem>>, vector<1x16xf32>,
      %swap3A_654 = vector.shape_cast %swap3A_653 : vector<1x16xf32> to vector<16xf32>
      %swap3A_655 = vector.shape_cast %select_n3A_650 : vector<16xf32> to vector<1x16xf32>
      tpu.vector_store %arg10[%swap3A_651, %swap3A_652], %swap3A_655 {strides = array<i32>} : memref<32x512xf32, #tpu.memory_space<vmem>>, vector<1x16xf32>,
      %add3A_656 = arith.constant 32 : i32
      %add3A_657 = arith.addi %add3A_656, %scan3A_164 : i32
      %get3A_658 = arith.index_cast %add3A_657 : i32 to index
      %get3A_659 = arith.constant 416 : index
      %get3A_660 = tpu.vector_load %arg8[%get3A_658, %get3A_659] {strides = array<i32>} : memref<64x512xf32, #tpu.memory_space<vmem>>, vector<1x16xf32>,
      %get3A_661 = vector.shape_cast %get3A_660 : vector<1x16xf32> to vector<16xf32>
      %ne3A_662 = arith.constant 0.000000e+00 : f32
      %ne3A_663 = vector.broadcast %ne3A_662 : f32 to vector<16xf32>
      %ne3A_664 = arith.cmpf one, %get3A_661, %ne3A_663 : vector<16xf32>
      %broadcast_in_dim3A_665 = arith.constant 1.000000e+00 : f32
      %broadcast_in_dim3A_666 = vector.broadcast %broadcast_in_dim3A_665 : f32 to vector<16xf32>
      %broadcast_in_dim3A_667 = arith.constant 0.000000e+00 : f32
      %broadcast_in_dim3A_668 = vector.broadcast %broadcast_in_dim3A_667 : f32 to vector<16xf32>
      %select_n3A_669 = arith.select %ne3A_664, %broadcast_in_dim3A_666, %broadcast_in_dim3A_668 : vector<16xi1>, vector<16xf32>
      %swap3A_670 = arith.index_cast %scan3A_164 : i32 to index
      %swap3A_671 = arith.constant 416 : index
      %swap3A_672 = tpu.vector_load %arg10[%swap3A_670, %swap3A_671] {strides = array<i32>} : memref<32x512xf32, #tpu.memory_space<vmem>>, vector<1x16xf32>,
      %swap3A_673 = vector.shape_cast %swap3A_672 : vector<1x16xf32> to vector<16xf32>
      %swap3A_674 = vector.shape_cast %select_n3A_669 : vector<16xf32> to vector<1x16xf32>
      tpu.vector_store %arg10[%swap3A_670, %swap3A_671], %swap3A_674 {strides = array<i32>} : memref<32x512xf32, #tpu.memory_space<vmem>>, vector<1x16xf32>,
      %add3A_675 = arith.constant 32 : i32
      %add3A_676 = arith.addi %add3A_675, %scan3A_164 : i32
      %get3A_677 = arith.index_cast %add3A_676 : i32 to index
      %get3A_678 = arith.constant 432 : index
      %get3A_679 = tpu.vector_load %arg8[%get3A_677, %get3A_678] {strides = array<i32>} : memref<64x512xf32, #tpu.memory_space<vmem>>, vector<1x16xf32>,
      %get3A_680 = vector.shape_cast %get3A_679 : vector<1x16xf32> to vector<16xf32>
      %ne3A_681 = arith.constant 0.000000e+00 : f32
      %ne3A_682 = vector.broadcast %ne3A_681 : f32 to vector<16xf32>
      %ne3A_683 = arith.cmpf one, %get3A_680, %ne3A_682 : vector<16xf32>
      %broadcast_in_dim3A_684 = arith.constant 1.000000e+00 : f32
      %broadcast_in_dim3A_685 = vector.broadcast %broadcast_in_dim3A_684 : f32 to vector<16xf32>
      %broadcast_in_dim3A_686 = arith.constant 0.000000e+00 : f32
      %broadcast_in_dim3A_687 = vector.broadcast %broadcast_in_dim3A_686 : f32 to vector<16xf32>
      %select_n3A_688 = arith.select %ne3A_683, %broadcast_in_dim3A_685, %broadcast_in_dim3A_687 : vector<16xi1>, vector<16xf32>
      %swap3A_689 = arith.index_cast %scan3A_164 : i32 to index
      %swap3A_690 = arith.constant 432 : index
      %swap3A_691 = tpu.vector_load %arg10[%swap3A_689, %swap3A_690] {strides = array<i32>} : memref<32x512xf32, #tpu.memory_space<vmem>>, vector<1x16xf32>,
      %swap3A_692 = vector.shape_cast %swap3A_691 : vector<1x16xf32> to vector<16xf32>
      %swap3A_693 = vector.shape_cast %select_n3A_688 : vector<16xf32> to vector<1x16xf32>
      tpu.vector_store %arg10[%swap3A_689, %swap3A_690], %swap3A_693 {strides = array<i32>} : memref<32x512xf32, #tpu.memory_space<vmem>>, vector<1x16xf32>,
      %add3A_694 = arith.constant 32 : i32
      %add3A_695 = arith.addi %add3A_694, %scan3A_164 : i32
      %get3A_696 = arith.index_cast %add3A_695 : i32 to index
      %get3A_697 = arith.constant 448 : index
      %get3A_698 = tpu.vector_load %arg8[%get3A_696, %get3A_697] {strides = array<i32>} : memref<64x512xf32, #tpu.memory_space<vmem>>, vector<1x16xf32>,
      %get3A_699 = vector.shape_cast %get3A_698 : vector<1x16xf32> to vector<16xf32>
      %ne3A_700 = arith.constant 0.000000e+00 : f32
      %ne3A_701 = vector.broadcast %ne3A_700 : f32 to vector<16xf32>
      %ne3A_702 = arith.cmpf one, %get3A_699, %ne3A_701 : vector<16xf32>
      %broadcast_in_dim3A_703 = arith.constant 1.000000e+00 : f32
      %broadcast_in_dim3A_704 = vector.broadcast %broadcast_in_dim3A_703 : f32 to vector<16xf32>
      %broadcast_in_dim3A_705 = arith.constant 0.000000e+00 : f32
      %broadcast_in_dim3A_706 = vector.broadcast %broadcast_in_dim3A_705 : f32 to vector<16xf32>
      %select_n3A_707 = arith.select %ne3A_702, %broadcast_in_dim3A_704, %broadcast_in_dim3A_706 : vector<16xi1>, vector<16xf32>
      %swap3A_708 = arith.index_cast %scan3A_164 : i32 to index
      %swap3A_709 = arith.constant 448 : index
      %swap3A_710 = tpu.vector_load %arg10[%swap3A_708, %swap3A_709] {strides = array<i32>} : memref<32x512xf32, #tpu.memory_space<vmem>>, vector<1x16xf32>,
      %swap3A_711 = vector.shape_cast %swap3A_710 : vector<1x16xf32> to vector<16xf32>
      %swap3A_712 = vector.shape_cast %select_n3A_707 : vector<16xf32> to vector<1x16xf32>
      tpu.vector_store %arg10[%swap3A_708, %swap3A_709], %swap3A_712 {strides = array<i32>} : memref<32x512xf32, #tpu.memory_space<vmem>>, vector<1x16xf32>,
      %add3A_713 = arith.constant 32 : i32
      %add3A_714 = arith.addi %add3A_713, %scan3A_164 : i32
      %get3A_715 = arith.index_cast %add3A_714 : i32 to index
      %get3A_716 = arith.constant 464 : index
      %get3A_717 = tpu.vector_load %arg8[%get3A_715, %get3A_716] {strides = array<i32>} : memref<64x512xf32, #tpu.memory_space<vmem>>, vector<1x16xf32>,
      %get3A_718 = vector.shape_cast %get3A_717 : vector<1x16xf32> to vector<16xf32>
      %ne3A_719 = arith.constant 0.000000e+00 : f32
      %ne3A_720 = vector.broadcast %ne3A_719 : f32 to vector<16xf32>
      %ne3A_721 = arith.cmpf one, %get3A_718, %ne3A_720 : vector<16xf32>
      %broadcast_in_dim3A_722 = arith.constant 1.000000e+00 : f32
      %broadcast_in_dim3A_723 = vector.broadcast %broadcast_in_dim3A_722 : f32 to vector<16xf32>
      %broadcast_in_dim3A_724 = arith.constant 0.000000e+00 : f32
      %broadcast_in_dim3A_725 = vector.broadcast %broadcast_in_dim3A_724 : f32 to vector<16xf32>
      %select_n3A_726 = arith.select %ne3A_721, %broadcast_in_dim3A_723, %broadcast_in_dim3A_725 : vector<16xi1>, vector<16xf32>
      %swap3A_727 = arith.index_cast %scan3A_164 : i32 to index
      %swap3A_728 = arith.constant 464 : index
      %swap3A_729 = tpu.vector_load %arg10[%swap3A_727, %swap3A_728] {strides = array<i32>} : memref<32x512xf32, #tpu.memory_space<vmem>>, vector<1x16xf32>,
      %swap3A_730 = vector.shape_cast %swap3A_729 : vector<1x16xf32> to vector<16xf32>
      %swap3A_731 = vector.shape_cast %select_n3A_726 : vector<16xf32> to vector<1x16xf32>
      tpu.vector_store %arg10[%swap3A_727, %swap3A_728], %swap3A_731 {strides = array<i32>} : memref<32x512xf32, #tpu.memory_space<vmem>>, vector<1x16xf32>,
      %add3A_732 = arith.constant 32 : i32
      %add3A_733 = arith.addi %add3A_732, %scan3A_164 : i32
      %get3A_734 = arith.index_cast %add3A_733 : i32 to index
      %get3A_735 = arith.constant 480 : index
      %get3A_736 = tpu.vector_load %arg8[%get3A_734, %get3A_735] {strides = array<i32>} : memref<64x512xf32, #tpu.memory_space<vmem>>, vector<1x16xf32>,
      %get3A_737 = vector.shape_cast %get3A_736 : vector<1x16xf32> to vector<16xf32>
      %ne3A_738 = arith.constant 0.000000e+00 : f32
      %ne3A_739 = vector.broadcast %ne3A_738 : f32 to vector<16xf32>
      %ne3A_740 = arith.cmpf one, %get3A_737, %ne3A_739 : vector<16xf32>
      %broadcast_in_dim3A_741 = arith.constant 1.000000e+00 : f32
      %broadcast_in_dim3A_742 = vector.broadcast %broadcast_in_dim3A_741 : f32 to vector<16xf32>
      %broadcast_in_dim3A_743 = arith.constant 0.000000e+00 : f32
      %broadcast_in_dim3A_744 = vector.broadcast %broadcast_in_dim3A_743 : f32 to vector<16xf32>
      %select_n3A_745 = arith.select %ne3A_740, %broadcast_in_dim3A_742, %broadcast_in_dim3A_744 : vector<16xi1>, vector<16xf32>
      %swap3A_746 = arith.index_cast %scan3A_164 : i32 to index
      %swap3A_747 = arith.constant 480 : index
      %swap3A_748 = tpu.vector_load %arg10[%swap3A_746, %swap3A_747] {strides = array<i32>} : memref<32x512xf32, #tpu.memory_space<vmem>>, vector<1x16xf32>,
      %swap3A_749 = vector.shape_cast %swap3A_748 : vector<1x16xf32> to vector<16xf32>
      %swap3A_750 = vector.shape_cast %select_n3A_745 : vector<16xf32> to vector<1x16xf32>
      tpu.vector_store %arg10[%swap3A_746, %swap3A_747], %swap3A_750 {strides = array<i32>} : memref<32x512xf32, #tpu.memory_space<vmem>>, vector<1x16xf32>,
      %add3A_751 = arith.constant 32 : i32
      %add3A_752 = arith.addi %add3A_751, %scan3A_164 : i32
      %get3A_753 = arith.index_cast %add3A_752 : i32 to index
      %get3A_754 = arith.constant 496 : index
      %get3A_755 = tpu.vector_load %arg8[%get3A_753, %get3A_754] {strides = array<i32>} : memref<64x512xf32, #tpu.memory_space<vmem>>, vector<1x16xf32>,
      %get3A_756 = vector.shape_cast %get3A_755 : vector<1x16xf32> to vector<16xf32>
      %ne3A_757 = arith.constant 0.000000e+00 : f32
      %ne3A_758 = vector.broadcast %ne3A_757 : f32 to vector<16xf32>
      %ne3A_759 = arith.cmpf one, %get3A_756, %ne3A_758 : vector<16xf32>
      %broadcast_in_dim3A_760 = arith.constant 1.000000e+00 : f32
      %broadcast_in_dim3A_761 = vector.broadcast %broadcast_in_dim3A_760 : f32 to vector<16xf32>
      %broadcast_in_dim3A_762 = arith.constant 0.000000e+00 : f32
      %broadcast_in_dim3A_763 = vector.broadcast %broadcast_in_dim3A_762 : f32 to vector<16xf32>
      %select_n3A_764 = arith.select %ne3A_759, %broadcast_in_dim3A_761, %broadcast_in_dim3A_763 : vector<16xi1>, vector<16xf32>
      %swap3A_765 = arith.index_cast %scan3A_164 : i32 to index
      %swap3A_766 = arith.constant 496 : index
      %swap3A_767 = tpu.vector_load %arg10[%swap3A_765, %swap3A_766] {strides = array<i32>} : memref<32x512xf32, #tpu.memory_space<vmem>>, vector<1x16xf32>,
      %swap3A_768 = vector.shape_cast %swap3A_767 : vector<1x16xf32> to vector<16xf32>
      %swap3A_769 = vector.shape_cast %select_n3A_764 : vector<16xf32> to vector<1x16xf32>
      tpu.vector_store %arg10[%swap3A_765, %swap3A_766], %swap3A_769 {strides = array<i32>} : memref<32x512xf32, #tpu.memory_space<vmem>>, vector<1x16xf32>,
    }
    %scan3A_127 = arith.constant 32 : i32
    %add3A_128 = arith.constant 64 : i32
    %add3A_129 = arith.addi %mul3A_2, %add3A_128 : i32
    %add3A_130 = arith.constant 32 : i32
    %add3A_131 = arith.addi %add3A_129, %add3A_130 : i32
    %dma_start3A_132 = arith.constant 0 : i32
    %dma_start3A_133 = tpu.memref_slice %arg5[%add3A_131, %dma_start3A_132] : memref<4096x512xf32, #tpu.memory_space<hbm>> -> memref<32x512xf32, #tpu.memory_space<hbm>>
    %dma_start3A_134 = arith.constant 0 : i32
    %dma_start3A_135 = tpu.memref_slice %arg5[%add3A_131, %dma_start3A_134] : memref<4096x512xf32, #tpu.memory_space<hbm>> -> memref<32x512xf32, #tpu.memory_space<hbm>>
    tpu.enqueue_dma source(%arg10 : memref<32x512xf32, #tpu.memory_space<vmem>>) target(%dma_start3A_135 : memref<32x512xf32, #tpu.memory_space<hbm>>) target_semaphore(%arg16 : memref<!tpu.dma_semaphore, #tpu.memory_space<semaphore_mem>>)
    %add3A_136 = arith.constant 0 : i32
    %add3A_137 = arith.addi %mul3A_2, %add3A_136 : i32
    %dma_wait3A_138 = arith.constant 0 : i32
    %dma_wait3A_139 = tpu.memref_slice %arg4[%add3A_137, %dma_wait3A_138] : memref<4096x512xf32, #tpu.memory_space<hbm>> -> memref<64x512xf32, #tpu.memory_space<hbm>>
    %dma_wait3A_140 = arith.constant 0 : i32
    %dma_wait3A_141 = tpu.memref_slice %arg4[%add3A_137, %dma_wait3A_140] : memref<4096x512xf32, #tpu.memory_space<hbm>> -> memref<64x512xf32, #tpu.memory_space<hbm>>
    tpu.wait_dma2 semaphore(%arg13 : memref<!tpu.dma_semaphore, #tpu.memory_space<semaphore_mem>>) src(%arg7 : memref<64x512xf32, #tpu.memory_space<vmem>>) dst(%dma_wait3A_141 : memref<64x512xf32, #tpu.memory_space<hbm>>)
    %add3A_142 = arith.constant 64 : i32
    %add3A_143 = arith.addi %mul3A_2, %add3A_142 : i32
    %dma_wait3A_144 = arith.constant 0 : i32
    %dma_wait3A_145 = tpu.memref_slice %arg4[%add3A_143, %dma_wait3A_144] : memref<4096x512xf32, #tpu.memory_space<hbm>> -> memref<64x512xf32, #tpu.memory_space<hbm>>
    %dma_wait3A_146 = arith.constant 0 : i32
    %dma_wait3A_147 = tpu.memref_slice %arg4[%add3A_143, %dma_wait3A_146] : memref<4096x512xf32, #tpu.memory_space<hbm>> -> memref<64x512xf32, #tpu.memory_space<hbm>>
    tpu.wait_dma2 semaphore(%arg14 : memref<!tpu.dma_semaphore, #tpu.memory_space<semaphore_mem>>) src(%arg8 : memref<64x512xf32, #tpu.memory_space<vmem>>) dst(%dma_wait3A_147 : memref<64x512xf32, #tpu.memory_space<hbm>>)
    %add3A_148 = arith.constant 64 : i32
    %add3A_149 = arith.addi %mul3A_2, %add3A_148 : i32
    %add3A_150 = arith.constant 0 : i32
    %add3A_151 = arith.addi %add3A_149, %add3A_150 : i32
    %dma_wait3A_152 = arith.constant 0 : i32
    %dma_wait3A_153 = tpu.memref_slice %arg5[%add3A_151, %dma_wait3A_152] : memref<4096x512xf32, #tpu.memory_space<hbm>> -> memref<32x512xf32, #tpu.memory_space<hbm>>
    %dma_wait3A_154 = arith.constant 0 : i32
    %dma_wait3A_155 = tpu.memref_slice %arg5[%add3A_151, %dma_wait3A_154] : memref<4096x512xf32, #tpu.memory_space<hbm>> -> memref<32x512xf32, #tpu.memory_space<hbm>>
    tpu.wait_dma2 semaphore(%arg15 : memref<!tpu.dma_semaphore, #tpu.memory_space<semaphore_mem>>) src(%arg9 : memref<32x512xf32, #tpu.memory_space<vmem>>) dst(%dma_wait3A_155 : memref<32x512xf32, #tpu.memory_space<hbm>>)
    %add3A_156 = arith.constant 64 : i32
    %add3A_157 = arith.addi %mul3A_2, %add3A_156 : i32
    %add3A_158 = arith.constant 32 : i32
    %add3A_159 = arith.addi %add3A_157, %add3A_158 : i32
    %dma_wait3A_160 = arith.constant 0 : i32
    %dma_wait3A_161 = tpu.memref_slice %arg5[%add3A_159, %dma_wait3A_160] : memref<4096x512xf32, #tpu.memory_space<hbm>> -> memref<32x512xf32, #tpu.memory_space<hbm>>
    %dma_wait3A_162 = arith.constant 0 : i32
    %dma_wait3A_163 = tpu.memref_slice %arg5[%add3A_159, %dma_wait3A_162] : memref<4096x512xf32, #tpu.memory_space<hbm>> -> memref<32x512xf32, #tpu.memory_space<hbm>>
    tpu.wait_dma2 semaphore(%arg16 : memref<!tpu.dma_semaphore, #tpu.memory_space<semaphore_mem>>) src(%arg10 : memref<32x512xf32, #tpu.memory_space<vmem>>) dst(%dma_wait3A_163 : memref<32x512xf32, #tpu.memory_space<hbm>>)
    return
  }
}

module attributes {stable_mosaic.version = 14 : i64} {
  func.func @_prep_body(%arg0: i32, %arg1: memref<16x512xi32, #tpu.memory_space<vmem>>, %arg2: memref<672x512xf32, #tpu.memory_space<vmem>>, %arg3: memref<48x8x512xf32, #tpu.memory_space<vmem>>, %arg4: memref<1x512xf32, #tpu.memory_space<vmem>>, %arg5: memref<1x512xf32, #tpu.memory_space<vmem>>, %arg6: memref<16x256xi32, #tpu.memory_space<vmem>>, %arg7: memref<1064x512xf32, #tpu.memory_space<vmem>>) attributes {dimension_semantics = [#tpu.dimension_semantics<arbitrary>], iteration_bounds = array<i64: 1>, scalar_prefetch = 0 : i64, scratch_operands = 0 : i64, tpu.core_type = #tpu.core_type<tc>, window_params = [{pipeline_mode = #tpu.pipeline_mode<synchronous>, transform_indices = @transform_0, window_bounds = array<i64: 16, 512>}, {transform_indices = @transform_1, window_bounds = array<i64: 672, 512>}, {pipeline_mode = #tpu.pipeline_mode<synchronous>, transform_indices = @transform_2, window_bounds = array<i64: 48, 8, 512>}, {pipeline_mode = #tpu.pipeline_mode<synchronous>, transform_indices = @transform_3, window_bounds = array<i64: 1, 512>}, {pipeline_mode = #tpu.pipeline_mode<synchronous>, transform_indices = @transform_4, window_bounds = array<i64: 1, 512>}, {pipeline_mode = #tpu.pipeline_mode<synchronous>, transform_indices = @transform_5, window_bounds = array<i64: 16, 256>}, {pipeline_mode = #tpu.pipeline_mode<synchronous>, transform_indices = @transform_6, window_bounds = array<i64: 1064, 512>}]} {
    %get3A = arith.constant 0 : index
    %get3A_0 = arith.constant 0 : index
    %get3A_1 = vector.load %arg1[%get3A, %get3A_0] : memref<16x512xi32, #tpu.memory_space<vmem>>, vector<16x512xi32>
    %convert_element_type3A = arith.sitofp %get3A_1 : vector<16x512xi32> to vector<16x512xf32>
    %iota3A = tpu.iota {dimensions = array<i32: 0>} : vector<512x512xi32>
    %iota3A_2 = tpu.iota {dimensions = array<i32: 1>} : vector<512x512xi32>
    %sub3A = arith.constant 1 : i32
    %sub3A_3 = vector.broadcast %sub3A : i32 to vector<512x512xi32>
    %sub3A_4 = arith.subi %iota3A_2, %sub3A_3 : vector<512x512xi32>
    %eq3A = arith.cmpi eq, %iota3A, %sub3A_4 : vector<512x512xi32>
    %convert_element_type3A_5 = arith.extui %eq3A : vector<512x512xi1> to vector<512x512xi32>
    %convert_element_type3A_6 = arith.sitofp %convert_element_type3A_5 : vector<512x512xi32> to vector<512x512xf32>
    %dot_general3A = arith.constant dense<0.000000e+00> : vector<16x512xf32>
    %dot_general3A_7 = tpu.matmul %convert_element_type3A, %convert_element_type3A_6, %dot_general3A {dimension_numbers = #tpu.dot_dimension_numbers<[1], [0], [0], [1], [0, 0, 1, 1], [], []>, transpose_lhs_hint = false} : vector<16x512xf32>, vector<512x512xf32>, vector<16x512xf32> -> vector<16x512xf32>
    %iota3A_8 = tpu.iota {dimensions = array<i32: 1>} : vector<16x512xi32>
    %eq3A_9 = arith.constant 0 : i32
    %eq3A_10 = vector.broadcast %eq3A_9 : i32 to vector<16x512xi32>
    %eq3A_11 = arith.cmpi eq, %iota3A_8, %eq3A_10 : vector<16x512xi32>
    %ne3A = arith.cmpf one, %convert_element_type3A, %dot_general3A_7 : vector<16x512xf32>
    %jit3A = arith.constant 1.000000e+00 : f32
    %jit3A_12 = arith.constant 0.000000e+00 : f32
    %broadcast_in_dim3A = vector.broadcast %jit3A : f32 to vector<16x512xf32>
    %broadcast_in_dim3A_13 = vector.broadcast %jit3A_12 : f32 to vector<16x512xf32>
    %select_n3A = arith.select %ne3A, %broadcast_in_dim3A, %broadcast_in_dim3A_13 : vector<16x512xi1>, vector<16x512xf32>
    %jit3A_14 = arith.constant 1.000000e+00 : f32
    %broadcast_in_dim3A_15 = vector.broadcast %jit3A_14 : f32 to vector<16x512xf32>
    %select_n3A_16 = arith.select %eq3A_11, %broadcast_in_dim3A_15, %select_n3A : vector<16x512xi1>, vector<16x512xf32>
    %le3A = arith.cmpi sle, %iota3A, %iota3A_2 : vector<512x512xi32>
    %convert_element_type3A_17 = arith.extui %le3A : vector<512x512xi1> to vector<512x512xi32>
    %convert_element_type3A_18 = arith.sitofp %convert_element_type3A_17 : vector<512x512xi32> to vector<512x512xf32>
    %dot_general3A_19 = arith.constant dense<0.000000e+00> : vector<16x512xf32>
    %dot_general3A_20 = tpu.matmul %select_n3A_16, %convert_element_type3A_18, %dot_general3A_19 {dimension_numbers = #tpu.dot_dimension_numbers<[1], [0], [0], [1], [0, 0, 1, 1], [], []>, transpose_lhs_hint = false} : vector<16x512xf32>, vector<512x512xf32>, vector<16x512xf32> -> vector<16x512xf32>
    %le3A_21 = arith.constant 0.000000e+00 : f32
    %le3A_22 = vector.broadcast %le3A_21 : f32 to vector<16x512xf32>
    %le3A_23 = arith.cmpf ole, %dot_general3A_20, %le3A_22 : vector<16x512xf32>
    %convert_element_type3A_24 = arith.extui %le3A_23 : vector<16x512xi1> to vector<16x512xi32>
    %reduce_sum3A = arith.constant dense<0> : vector<16xi32>
    %reduce_sum3A_25 = vector.multi_reduction <add>, %convert_element_type3A_24, %reduce_sum3A [1] : vector<16x512xi32> to vector<16xi32>
    %broadcast_in_dim3A_26 = vector.shape_cast %reduce_sum3A_25 : vector<16xi32> to vector<16x1xi32>
    %le3A_27 = arith.constant 1.000000e+00 : f32
    %le3A_28 = vector.broadcast %le3A_27 : f32 to vector<16x512xf32>
    %le3A_29 = arith.cmpf ole, %dot_general3A_20, %le3A_28 : vector<16x512xf32>
    %convert_element_type3A_30 = arith.extui %le3A_29 : vector<16x512xi1> to vector<16x512xi32>
    %reduce_sum3A_31 = arith.constant dense<0> : vector<16xi32>
    %reduce_sum3A_32 = vector.multi_reduction <add>, %convert_element_type3A_30, %reduce_sum3A_31 [1] : vector<16x512xi32> to vector<16xi32>
    %broadcast_in_dim3A_33 = vector.shape_cast %reduce_sum3A_32 : vector<16xi32> to vector<16x1xi32>
    %le3A_34 = arith.constant 2.000000e+00 : f32
    %le3A_35 = vector.broadcast %le3A_34 : f32 to vector<16x512xf32>
    %le3A_36 = arith.cmpf ole, %dot_general3A_20, %le3A_35 : vector<16x512xf32>
    %convert_element_type3A_37 = arith.extui %le3A_36 : vector<16x512xi1> to vector<16x512xi32>
    %reduce_sum3A_38 = arith.constant dense<0> : vector<16xi32>
    %reduce_sum3A_39 = vector.multi_reduction <add>, %convert_element_type3A_37, %reduce_sum3A_38 [1] : vector<16x512xi32> to vector<16xi32>
    %broadcast_in_dim3A_40 = vector.shape_cast %reduce_sum3A_39 : vector<16xi32> to vector<16x1xi32>
    %le3A_41 = arith.constant 3.000000e+00 : f32
    %le3A_42 = vector.broadcast %le3A_41 : f32 to vector<16x512xf32>
    %le3A_43 = arith.cmpf ole, %dot_general3A_20, %le3A_42 : vector<16x512xf32>
    %convert_element_type3A_44 = arith.extui %le3A_43 : vector<16x512xi1> to vector<16x512xi32>
    %reduce_sum3A_45 = arith.constant dense<0> : vector<16xi32>
    %reduce_sum3A_46 = vector.multi_reduction <add>, %convert_element_type3A_44, %reduce_sum3A_45 [1] : vector<16x512xi32> to vector<16xi32>
    %broadcast_in_dim3A_47 = vector.shape_cast %reduce_sum3A_46 : vector<16xi32> to vector<16x1xi32>
    %le3A_48 = arith.constant 4.000000e+00 : f32
    %le3A_49 = vector.broadcast %le3A_48 : f32 to vector<16x512xf32>
    %le3A_50 = arith.cmpf ole, %dot_general3A_20, %le3A_49 : vector<16x512xf32>
    %convert_element_type3A_51 = arith.extui %le3A_50 : vector<16x512xi1> to vector<16x512xi32>
    %reduce_sum3A_52 = arith.constant dense<0> : vector<16xi32>
    %reduce_sum3A_53 = vector.multi_reduction <add>, %convert_element_type3A_51, %reduce_sum3A_52 [1] : vector<16x512xi32> to vector<16xi32>
    %broadcast_in_dim3A_54 = vector.shape_cast %reduce_sum3A_53 : vector<16xi32> to vector<16x1xi32>
    %le3A_55 = arith.constant 5.000000e+00 : f32
    %le3A_56 = vector.broadcast %le3A_55 : f32 to vector<16x512xf32>
    %le3A_57 = arith.cmpf ole, %dot_general3A_20, %le3A_56 : vector<16x512xf32>
    %convert_element_type3A_58 = arith.extui %le3A_57 : vector<16x512xi1> to vector<16x512xi32>
    %reduce_sum3A_59 = arith.constant dense<0> : vector<16xi32>
    %reduce_sum3A_60 = vector.multi_reduction <add>, %convert_element_type3A_58, %reduce_sum3A_59 [1] : vector<16x512xi32> to vector<16xi32>
    %broadcast_in_dim3A_61 = vector.shape_cast %reduce_sum3A_60 : vector<16xi32> to vector<16x1xi32>
    %le3A_62 = arith.constant 6.000000e+00 : f32
    %le3A_63 = vector.broadcast %le3A_62 : f32 to vector<16x512xf32>
    %le3A_64 = arith.cmpf ole, %dot_general3A_20, %le3A_63 : vector<16x512xf32>
    %convert_element_type3A_65 = arith.extui %le3A_64 : vector<16x512xi1> to vector<16x512xi32>
    %reduce_sum3A_66 = arith.constant dense<0> : vector<16xi32>
    %reduce_sum3A_67 = vector.multi_reduction <add>, %convert_element_type3A_65, %reduce_sum3A_66 [1] : vector<16x512xi32> to vector<16xi32>
    %broadcast_in_dim3A_68 = vector.shape_cast %reduce_sum3A_67 : vector<16xi32> to vector<16x1xi32>
    %le3A_69 = arith.constant 7.000000e+00 : f32
    %le3A_70 = vector.broadcast %le3A_69 : f32 to vector<16x512xf32>
    %le3A_71 = arith.cmpf ole, %dot_general3A_20, %le3A_70 : vector<16x512xf32>
    %convert_element_type3A_72 = arith.extui %le3A_71 : vector<16x512xi1> to vector<16x512xi32>
    %reduce_sum3A_73 = arith.constant dense<0> : vector<16xi32>
    %reduce_sum3A_74 = vector.multi_reduction <add>, %convert_element_type3A_72, %reduce_sum3A_73 [1] : vector<16x512xi32> to vector<16xi32>
    %broadcast_in_dim3A_75 = vector.shape_cast %reduce_sum3A_74 : vector<16xi32> to vector<16x1xi32>
    %le3A_76 = arith.constant 8.000000e+00 : f32
    %le3A_77 = vector.broadcast %le3A_76 : f32 to vector<16x512xf32>
    %le3A_78 = arith.cmpf ole, %dot_general3A_20, %le3A_77 : vector<16x512xf32>
    %convert_element_type3A_79 = arith.extui %le3A_78 : vector<16x512xi1> to vector<16x512xi32>
    %reduce_sum3A_80 = arith.constant dense<0> : vector<16xi32>
    %reduce_sum3A_81 = vector.multi_reduction <add>, %convert_element_type3A_79, %reduce_sum3A_80 [1] : vector<16x512xi32> to vector<16xi32>
    %broadcast_in_dim3A_82 = vector.shape_cast %reduce_sum3A_81 : vector<16xi32> to vector<16x1xi32>
    %le3A_83 = arith.constant 9.000000e+00 : f32
    %le3A_84 = vector.broadcast %le3A_83 : f32 to vector<16x512xf32>
    %le3A_85 = arith.cmpf ole, %dot_general3A_20, %le3A_84 : vector<16x512xf32>
    %convert_element_type3A_86 = arith.extui %le3A_85 : vector<16x512xi1> to vector<16x512xi32>
    %reduce_sum3A_87 = arith.constant dense<0> : vector<16xi32>
    %reduce_sum3A_88 = vector.multi_reduction <add>, %convert_element_type3A_86, %reduce_sum3A_87 [1] : vector<16x512xi32> to vector<16xi32>
    %broadcast_in_dim3A_89 = vector.shape_cast %reduce_sum3A_88 : vector<16xi32> to vector<16x1xi32>
    %le3A_90 = arith.constant 1.000000e+01 : f32
    %le3A_91 = vector.broadcast %le3A_90 : f32 to vector<16x512xf32>
    %le3A_92 = arith.cmpf ole, %dot_general3A_20, %le3A_91 : vector<16x512xf32>
    %convert_element_type3A_93 = arith.extui %le3A_92 : vector<16x512xi1> to vector<16x512xi32>
    %reduce_sum3A_94 = arith.constant dense<0> : vector<16xi32>
    %reduce_sum3A_95 = vector.multi_reduction <add>, %convert_element_type3A_93, %reduce_sum3A_94 [1] : vector<16x512xi32> to vector<16xi32>
    %broadcast_in_dim3A_96 = vector.shape_cast %reduce_sum3A_95 : vector<16xi32> to vector<16x1xi32>
    %le3A_97 = arith.constant 1.100000e+01 : f32
    %le3A_98 = vector.broadcast %le3A_97 : f32 to vector<16x512xf32>
    %le3A_99 = arith.cmpf ole, %dot_general3A_20, %le3A_98 : vector<16x512xf32>
    %convert_element_type3A_100 = arith.extui %le3A_99 : vector<16x512xi1> to vector<16x512xi32>
    %reduce_sum3A_101 = arith.constant dense<0> : vector<16xi32>
    %reduce_sum3A_102 = vector.multi_reduction <add>, %convert_element_type3A_100, %reduce_sum3A_101 [1] : vector<16x512xi32> to vector<16xi32>
    %broadcast_in_dim3A_103 = vector.shape_cast %reduce_sum3A_102 : vector<16xi32> to vector<16x1xi32>
    %le3A_104 = arith.constant 1.200000e+01 : f32
    %le3A_105 = vector.broadcast %le3A_104 : f32 to vector<16x512xf32>
    %le3A_106 = arith.cmpf ole, %dot_general3A_20, %le3A_105 : vector<16x512xf32>
    %convert_element_type3A_107 = arith.extui %le3A_106 : vector<16x512xi1> to vector<16x512xi32>
    %reduce_sum3A_108 = arith.constant dense<0> : vector<16xi32>
    %reduce_sum3A_109 = vector.multi_reduction <add>, %convert_element_type3A_107, %reduce_sum3A_108 [1] : vector<16x512xi32> to vector<16xi32>
    %broadcast_in_dim3A_110 = vector.shape_cast %reduce_sum3A_109 : vector<16xi32> to vector<16x1xi32>
    %eq3A_111 = vector.broadcast %broadcast_in_dim3A_26 : vector<16x1xi32> to vector<16x512xi32>
    %eq3A_112 = arith.cmpi eq, %iota3A_8, %eq3A_111 : vector<16x512xi32>
    %jit3A_113 = arith.constant 0 : i32
    %broadcast_in_dim3A_114 = vector.broadcast %jit3A_113 : i32 to vector<16x512xi32>
    %select_n3A_115 = arith.select %eq3A_112, %get3A_1, %broadcast_in_dim3A_114 : vector<16x512xi1>, vector<16x512xi32>
    %reduce_sum3A_116 = arith.constant dense<0> : vector<16xi32>
    %reduce_sum3A_117 = vector.multi_reduction <add>, %select_n3A_115, %reduce_sum3A_116 [1] : vector<16x512xi32> to vector<16xi32>
    %broadcast_in_dim3A_118 = vector.shape_cast %reduce_sum3A_117 : vector<16xi32> to vector<16x1xi32>
    %lt3A = arith.constant 512 : i32
    %lt3A_119 = vector.broadcast %lt3A : i32 to vector<16x1xi32>
    %lt3A_120 = arith.cmpi slt, %broadcast_in_dim3A_26, %lt3A_119 : vector<16x1xi32>
    %sub3A_121 = arith.subi %broadcast_in_dim3A_33, %broadcast_in_dim3A_26 : vector<16x1xi32>
    %jit3A_122 = arith.constant 0 : i32
    %broadcast_in_dim3A_123 = vector.broadcast %jit3A_122 : i32 to vector<16x1xi32>
    %select_n3A_124 = arith.select %lt3A_120, %sub3A_121, %broadcast_in_dim3A_123 : vector<16x1xi1>, vector<16x1xi32>
    %eq3A_125 = vector.broadcast %broadcast_in_dim3A_33 : vector<16x1xi32> to vector<16x512xi32>
    %eq3A_126 = arith.cmpi eq, %iota3A_8, %eq3A_125 : vector<16x512xi32>
    %jit3A_127 = arith.constant 0 : i32
    %broadcast_in_dim3A_128 = vector.broadcast %jit3A_127 : i32 to vector<16x512xi32>
    %select_n3A_129 = arith.select %eq3A_126, %get3A_1, %broadcast_in_dim3A_128 : vector<16x512xi1>, vector<16x512xi32>
    %reduce_sum3A_130 = arith.constant dense<0> : vector<16xi32>
    %reduce_sum3A_131 = vector.multi_reduction <add>, %select_n3A_129, %reduce_sum3A_130 [1] : vector<16x512xi32> to vector<16xi32>
    %broadcast_in_dim3A_132 = vector.shape_cast %reduce_sum3A_131 : vector<16xi32> to vector<16x1xi32>
    %lt3A_133 = arith.constant 512 : i32
    %lt3A_134 = vector.broadcast %lt3A_133 : i32 to vector<16x1xi32>
    %lt3A_135 = arith.cmpi slt, %broadcast_in_dim3A_33, %lt3A_134 : vector<16x1xi32>
    %sub3A_136 = arith.subi %broadcast_in_dim3A_40, %broadcast_in_dim3A_33 : vector<16x1xi32>
    %jit3A_137 = arith.constant 0 : i32
    %broadcast_in_dim3A_138 = vector.broadcast %jit3A_137 : i32 to vector<16x1xi32>
    %select_n3A_139 = arith.select %lt3A_135, %sub3A_136, %broadcast_in_dim3A_138 : vector<16x1xi1>, vector<16x1xi32>
    %eq3A_140 = vector.broadcast %broadcast_in_dim3A_40 : vector<16x1xi32> to vector<16x512xi32>
    %eq3A_141 = arith.cmpi eq, %iota3A_8, %eq3A_140 : vector<16x512xi32>
    %jit3A_142 = arith.constant 0 : i32
    %broadcast_in_dim3A_143 = vector.broadcast %jit3A_142 : i32 to vector<16x512xi32>
    %select_n3A_144 = arith.select %eq3A_141, %get3A_1, %broadcast_in_dim3A_143 : vector<16x512xi1>, vector<16x512xi32>
    %reduce_sum3A_145 = arith.constant dense<0> : vector<16xi32>
    %reduce_sum3A_146 = vector.multi_reduction <add>, %select_n3A_144, %reduce_sum3A_145 [1] : vector<16x512xi32> to vector<16xi32>
    %broadcast_in_dim3A_147 = vector.shape_cast %reduce_sum3A_146 : vector<16xi32> to vector<16x1xi32>
    %lt3A_148 = arith.constant 512 : i32
    %lt3A_149 = vector.broadcast %lt3A_148 : i32 to vector<16x1xi32>
    %lt3A_150 = arith.cmpi slt, %broadcast_in_dim3A_40, %lt3A_149 : vector<16x1xi32>
    %sub3A_151 = arith.subi %broadcast_in_dim3A_47, %broadcast_in_dim3A_40 : vector<16x1xi32>
    %jit3A_152 = arith.constant 0 : i32
    %broadcast_in_dim3A_153 = vector.broadcast %jit3A_152 : i32 to vector<16x1xi32>
    %select_n3A_154 = arith.select %lt3A_150, %sub3A_151, %broadcast_in_dim3A_153 : vector<16x1xi1>, vector<16x1xi32>
    %eq3A_155 = vector.broadcast %broadcast_in_dim3A_47 : vector<16x1xi32> to vector<16x512xi32>
    %eq3A_156 = arith.cmpi eq, %iota3A_8, %eq3A_155 : vector<16x512xi32>
    %jit3A_157 = arith.constant 0 : i32
    %broadcast_in_dim3A_158 = vector.broadcast %jit3A_157 : i32 to vector<16x512xi32>
    %select_n3A_159 = arith.select %eq3A_156, %get3A_1, %broadcast_in_dim3A_158 : vector<16x512xi1>, vector<16x512xi32>
    %reduce_sum3A_160 = arith.constant dense<0> : vector<16xi32>
    %reduce_sum3A_161 = vector.multi_reduction <add>, %select_n3A_159, %reduce_sum3A_160 [1] : vector<16x512xi32> to vector<16xi32>
    %broadcast_in_dim3A_162 = vector.shape_cast %reduce_sum3A_161 : vector<16xi32> to vector<16x1xi32>
    %lt3A_163 = arith.constant 512 : i32
    %lt3A_164 = vector.broadcast %lt3A_163 : i32 to vector<16x1xi32>
    %lt3A_165 = arith.cmpi slt, %broadcast_in_dim3A_47, %lt3A_164 : vector<16x1xi32>
    %sub3A_166 = arith.subi %broadcast_in_dim3A_54, %broadcast_in_dim3A_47 : vector<16x1xi32>
    %jit3A_167 = arith.constant 0 : i32
    %broadcast_in_dim3A_168 = vector.broadcast %jit3A_167 : i32 to vector<16x1xi32>
    %select_n3A_169 = arith.select %lt3A_165, %sub3A_166, %broadcast_in_dim3A_168 : vector<16x1xi1>, vector<16x1xi32>
    %eq3A_170 = vector.broadcast %broadcast_in_dim3A_54 : vector<16x1xi32> to vector<16x512xi32>
    %eq3A_171 = arith.cmpi eq, %iota3A_8, %eq3A_170 : vector<16x512xi32>
    %jit3A_172 = arith.constant 0 : i32
    %broadcast_in_dim3A_173 = vector.broadcast %jit3A_172 : i32 to vector<16x512xi32>
    %select_n3A_174 = arith.select %eq3A_171, %get3A_1, %broadcast_in_dim3A_173 : vector<16x512xi1>, vector<16x512xi32>
    %reduce_sum3A_175 = arith.constant dense<0> : vector<16xi32>
    %reduce_sum3A_176 = vector.multi_reduction <add>, %select_n3A_174, %reduce_sum3A_175 [1] : vector<16x512xi32> to vector<16xi32>
    %broadcast_in_dim3A_177 = vector.shape_cast %reduce_sum3A_176 : vector<16xi32> to vector<16x1xi32>
    %lt3A_178 = arith.constant 512 : i32
    %lt3A_179 = vector.broadcast %lt3A_178 : i32 to vector<16x1xi32>
    %lt3A_180 = arith.cmpi slt, %broadcast_in_dim3A_54, %lt3A_179 : vector<16x1xi32>
    %sub3A_181 = arith.subi %broadcast_in_dim3A_61, %broadcast_in_dim3A_54 : vector<16x1xi32>
    %jit3A_182 = arith.constant 0 : i32
    %broadcast_in_dim3A_183 = vector.broadcast %jit3A_182 : i32 to vector<16x1xi32>
    %select_n3A_184 = arith.select %lt3A_180, %sub3A_181, %broadcast_in_dim3A_183 : vector<16x1xi1>, vector<16x1xi32>
    %eq3A_185 = vector.broadcast %broadcast_in_dim3A_61 : vector<16x1xi32> to vector<16x512xi32>
    %eq3A_186 = arith.cmpi eq, %iota3A_8, %eq3A_185 : vector<16x512xi32>
    %jit3A_187 = arith.constant 0 : i32
    %broadcast_in_dim3A_188 = vector.broadcast %jit3A_187 : i32 to vector<16x512xi32>
    %select_n3A_189 = arith.select %eq3A_186, %get3A_1, %broadcast_in_dim3A_188 : vector<16x512xi1>, vector<16x512xi32>
    %reduce_sum3A_190 = arith.constant dense<0> : vector<16xi32>
    %reduce_sum3A_191 = vector.multi_reduction <add>, %select_n3A_189, %reduce_sum3A_190 [1] : vector<16x512xi32> to vector<16xi32>
    %broadcast_in_dim3A_192 = vector.shape_cast %reduce_sum3A_191 : vector<16xi32> to vector<16x1xi32>
    %lt3A_193 = arith.constant 512 : i32
    %lt3A_194 = vector.broadcast %lt3A_193 : i32 to vector<16x1xi32>
    %lt3A_195 = arith.cmpi slt, %broadcast_in_dim3A_61, %lt3A_194 : vector<16x1xi32>
    %sub3A_196 = arith.subi %broadcast_in_dim3A_68, %broadcast_in_dim3A_61 : vector<16x1xi32>
    %jit3A_197 = arith.constant 0 : i32
    %broadcast_in_dim3A_198 = vector.broadcast %jit3A_197 : i32 to vector<16x1xi32>
    %select_n3A_199 = arith.select %lt3A_195, %sub3A_196, %broadcast_in_dim3A_198 : vector<16x1xi1>, vector<16x1xi32>
    %eq3A_200 = vector.broadcast %broadcast_in_dim3A_68 : vector<16x1xi32> to vector<16x512xi32>
    %eq3A_201 = arith.cmpi eq, %iota3A_8, %eq3A_200 : vector<16x512xi32>
    %jit3A_202 = arith.constant 0 : i32
    %broadcast_in_dim3A_203 = vector.broadcast %jit3A_202 : i32 to vector<16x512xi32>
    %select_n3A_204 = arith.select %eq3A_201, %get3A_1, %broadcast_in_dim3A_203 : vector<16x512xi1>, vector<16x512xi32>
    %reduce_sum3A_205 = arith.constant dense<0> : vector<16xi32>
    %reduce_sum3A_206 = vector.multi_reduction <add>, %select_n3A_204, %reduce_sum3A_205 [1] : vector<16x512xi32> to vector<16xi32>
    %broadcast_in_dim3A_207 = vector.shape_cast %reduce_sum3A_206 : vector<16xi32> to vector<16x1xi32>
    %lt3A_208 = arith.constant 512 : i32
    %lt3A_209 = vector.broadcast %lt3A_208 : i32 to vector<16x1xi32>
    %lt3A_210 = arith.cmpi slt, %broadcast_in_dim3A_68, %lt3A_209 : vector<16x1xi32>
    %sub3A_211 = arith.subi %broadcast_in_dim3A_75, %broadcast_in_dim3A_68 : vector<16x1xi32>
    %jit3A_212 = arith.constant 0 : i32
    %broadcast_in_dim3A_213 = vector.broadcast %jit3A_212 : i32 to vector<16x1xi32>
    %select_n3A_214 = arith.select %lt3A_210, %sub3A_211, %broadcast_in_dim3A_213 : vector<16x1xi1>, vector<16x1xi32>
    %eq3A_215 = vector.broadcast %broadcast_in_dim3A_75 : vector<16x1xi32> to vector<16x512xi32>
    %eq3A_216 = arith.cmpi eq, %iota3A_8, %eq3A_215 : vector<16x512xi32>
    %jit3A_217 = arith.constant 0 : i32
    %broadcast_in_dim3A_218 = vector.broadcast %jit3A_217 : i32 to vector<16x512xi32>
    %select_n3A_219 = arith.select %eq3A_216, %get3A_1, %broadcast_in_dim3A_218 : vector<16x512xi1>, vector<16x512xi32>
    %reduce_sum3A_220 = arith.constant dense<0> : vector<16xi32>
    %reduce_sum3A_221 = vector.multi_reduction <add>, %select_n3A_219, %reduce_sum3A_220 [1] : vector<16x512xi32> to vector<16xi32>
    %broadcast_in_dim3A_222 = vector.shape_cast %reduce_sum3A_221 : vector<16xi32> to vector<16x1xi32>
    %lt3A_223 = arith.constant 512 : i32
    %lt3A_224 = vector.broadcast %lt3A_223 : i32 to vector<16x1xi32>
    %lt3A_225 = arith.cmpi slt, %broadcast_in_dim3A_75, %lt3A_224 : vector<16x1xi32>
    %sub3A_226 = arith.subi %broadcast_in_dim3A_82, %broadcast_in_dim3A_75 : vector<16x1xi32>
    %jit3A_227 = arith.constant 0 : i32
    %broadcast_in_dim3A_228 = vector.broadcast %jit3A_227 : i32 to vector<16x1xi32>
    %select_n3A_229 = arith.select %lt3A_225, %sub3A_226, %broadcast_in_dim3A_228 : vector<16x1xi1>, vector<16x1xi32>
    %eq3A_230 = vector.broadcast %broadcast_in_dim3A_82 : vector<16x1xi32> to vector<16x512xi32>
    %eq3A_231 = arith.cmpi eq, %iota3A_8, %eq3A_230 : vector<16x512xi32>
    %jit3A_232 = arith.constant 0 : i32
    %broadcast_in_dim3A_233 = vector.broadcast %jit3A_232 : i32 to vector<16x512xi32>
    %select_n3A_234 = arith.select %eq3A_231, %get3A_1, %broadcast_in_dim3A_233 : vector<16x512xi1>, vector<16x512xi32>
    %reduce_sum3A_235 = arith.constant dense<0> : vector<16xi32>
    %reduce_sum3A_236 = vector.multi_reduction <add>, %select_n3A_234, %reduce_sum3A_235 [1] : vector<16x512xi32> to vector<16xi32>
    %broadcast_in_dim3A_237 = vector.shape_cast %reduce_sum3A_236 : vector<16xi32> to vector<16x1xi32>
    %lt3A_238 = arith.constant 512 : i32
    %lt3A_239 = vector.broadcast %lt3A_238 : i32 to vector<16x1xi32>
    %lt3A_240 = arith.cmpi slt, %broadcast_in_dim3A_82, %lt3A_239 : vector<16x1xi32>
    %sub3A_241 = arith.subi %broadcast_in_dim3A_89, %broadcast_in_dim3A_82 : vector<16x1xi32>
    %jit3A_242 = arith.constant 0 : i32
    %broadcast_in_dim3A_243 = vector.broadcast %jit3A_242 : i32 to vector<16x1xi32>
    %select_n3A_244 = arith.select %lt3A_240, %sub3A_241, %broadcast_in_dim3A_243 : vector<16x1xi1>, vector<16x1xi32>
    %eq3A_245 = vector.broadcast %broadcast_in_dim3A_89 : vector<16x1xi32> to vector<16x512xi32>
    %eq3A_246 = arith.cmpi eq, %iota3A_8, %eq3A_245 : vector<16x512xi32>
    %jit3A_247 = arith.constant 0 : i32
    %broadcast_in_dim3A_248 = vector.broadcast %jit3A_247 : i32 to vector<16x512xi32>
    %select_n3A_249 = arith.select %eq3A_246, %get3A_1, %broadcast_in_dim3A_248 : vector<16x512xi1>, vector<16x512xi32>
    %reduce_sum3A_250 = arith.constant dense<0> : vector<16xi32>
    %reduce_sum3A_251 = vector.multi_reduction <add>, %select_n3A_249, %reduce_sum3A_250 [1] : vector<16x512xi32> to vector<16xi32>
    %broadcast_in_dim3A_252 = vector.shape_cast %reduce_sum3A_251 : vector<16xi32> to vector<16x1xi32>
    %lt3A_253 = arith.constant 512 : i32
    %lt3A_254 = vector.broadcast %lt3A_253 : i32 to vector<16x1xi32>
    %lt3A_255 = arith.cmpi slt, %broadcast_in_dim3A_89, %lt3A_254 : vector<16x1xi32>
    %sub3A_256 = arith.subi %broadcast_in_dim3A_96, %broadcast_in_dim3A_89 : vector<16x1xi32>
    %jit3A_257 = arith.constant 0 : i32
    %broadcast_in_dim3A_258 = vector.broadcast %jit3A_257 : i32 to vector<16x1xi32>
    %select_n3A_259 = arith.select %lt3A_255, %sub3A_256, %broadcast_in_dim3A_258 : vector<16x1xi1>, vector<16x1xi32>
    %eq3A_260 = vector.broadcast %broadcast_in_dim3A_96 : vector<16x1xi32> to vector<16x512xi32>
    %eq3A_261 = arith.cmpi eq, %iota3A_8, %eq3A_260 : vector<16x512xi32>
    %jit3A_262 = arith.constant 0 : i32
    %broadcast_in_dim3A_263 = vector.broadcast %jit3A_262 : i32 to vector<16x512xi32>
    %select_n3A_264 = arith.select %eq3A_261, %get3A_1, %broadcast_in_dim3A_263 : vector<16x512xi1>, vector<16x512xi32>
    %reduce_sum3A_265 = arith.constant dense<0> : vector<16xi32>
    %reduce_sum3A_266 = vector.multi_reduction <add>, %select_n3A_264, %reduce_sum3A_265 [1] : vector<16x512xi32> to vector<16xi32>
    %broadcast_in_dim3A_267 = vector.shape_cast %reduce_sum3A_266 : vector<16xi32> to vector<16x1xi32>
    %lt3A_268 = arith.constant 512 : i32
    %lt3A_269 = vector.broadcast %lt3A_268 : i32 to vector<16x1xi32>
    %lt3A_270 = arith.cmpi slt, %broadcast_in_dim3A_96, %lt3A_269 : vector<16x1xi32>
    %sub3A_271 = arith.subi %broadcast_in_dim3A_103, %broadcast_in_dim3A_96 : vector<16x1xi32>
    %jit3A_272 = arith.constant 0 : i32
    %broadcast_in_dim3A_273 = vector.broadcast %jit3A_272 : i32 to vector<16x1xi32>
    %select_n3A_274 = arith.select %lt3A_270, %sub3A_271, %broadcast_in_dim3A_273 : vector<16x1xi1>, vector<16x1xi32>
    %eq3A_275 = vector.broadcast %broadcast_in_dim3A_103 : vector<16x1xi32> to vector<16x512xi32>
    %eq3A_276 = arith.cmpi eq, %iota3A_8, %eq3A_275 : vector<16x512xi32>
    %jit3A_277 = arith.constant 0 : i32
    %broadcast_in_dim3A_278 = vector.broadcast %jit3A_277 : i32 to vector<16x512xi32>
    %select_n3A_279 = arith.select %eq3A_276, %get3A_1, %broadcast_in_dim3A_278 : vector<16x512xi1>, vector<16x512xi32>
    %reduce_sum3A_280 = arith.constant dense<0> : vector<16xi32>
    %reduce_sum3A_281 = vector.multi_reduction <add>, %select_n3A_279, %reduce_sum3A_280 [1] : vector<16x512xi32> to vector<16xi32>
    %broadcast_in_dim3A_282 = vector.shape_cast %reduce_sum3A_281 : vector<16xi32> to vector<16x1xi32>
    %lt3A_283 = arith.constant 512 : i32
    %lt3A_284 = vector.broadcast %lt3A_283 : i32 to vector<16x1xi32>
    %lt3A_285 = arith.cmpi slt, %broadcast_in_dim3A_103, %lt3A_284 : vector<16x1xi32>
    %sub3A_286 = arith.subi %broadcast_in_dim3A_110, %broadcast_in_dim3A_103 : vector<16x1xi32>
    %jit3A_287 = arith.constant 0 : i32
    %broadcast_in_dim3A_288 = vector.broadcast %jit3A_287 : i32 to vector<16x1xi32>
    %select_n3A_289 = arith.select %lt3A_285, %sub3A_286, %broadcast_in_dim3A_288 : vector<16x1xi1>, vector<16x1xi32>
    %eq3A_290 = arith.constant -100 : i32
    %eq3A_291 = vector.broadcast %eq3A_290 : i32 to vector<16x512xi32>
    %eq3A_292 = arith.cmpi eq, %get3A_1, %eq3A_291 : vector<16x512xi32>
    %convert_element_type3A_293 = arith.extui %eq3A_292 : vector<16x512xi1> to vector<16x512xi32>
    %reduce_sum3A_294 = arith.constant dense<0> : vector<16xi32>
    %reduce_sum3A_295 = vector.multi_reduction <add>, %convert_element_type3A_293, %reduce_sum3A_294 [1] : vector<16x512xi32> to vector<16xi32>
    %broadcast_in_dim3A_296 = vector.shape_cast %reduce_sum3A_295 : vector<16xi32> to vector<16x1xi32>
    %gt3A = arith.constant 0 : i32
    %gt3A_297 = vector.broadcast %gt3A : i32 to vector<16x1xi32>
    %gt3A_298 = arith.cmpi sgt, %broadcast_in_dim3A_296, %gt3A_297 : vector<16x1xi32>
    %iota3A_299 = tpu.iota {dimensions = array<i32: 1>} : vector<16x256xi32>
    %sub3A_300 = arith.constant 1 : i32
    %sub3A_301 = vector.broadcast %sub3A_300 : i32 to vector<16x256xi32>
    %sub3A_302 = arith.subi %iota3A_299, %sub3A_301 : vector<16x256xi32>
    %jit3A_303 = arith.constant 0 : i32
    %jit3A_304 = arith.constant 251 : i32
    %max3A = vector.broadcast %jit3A_303 : i32 to vector<16x256xi32>
    %max3A_305 = arith.maxsi %max3A, %sub3A_302 : vector<16x256xi32>
    %min3A = vector.broadcast %jit3A_304 : i32 to vector<16x256xi32>
    %min3A_306 = arith.minsi %min3A, %max3A_305 : vector<16x256xi32>
    %jit3A_307 = arith.constant 21 : i32
    %div3A = vector.broadcast %jit3A_307 : i32 to vector<16x256xi32>
    %div3A_308 = arith.divsi %min3A_306, %div3A : vector<16x256xi32>
    %sign3A = arith.constant 0 : i32
    %sign3A_309 = vector.broadcast %sign3A : i32 to vector<16x256xi32>
    %sign3A_310 = arith.cmpi sgt, %min3A_306, %sign3A_309 : vector<16x256xi32>
    %sign3A_311 = arith.extui %sign3A_310 : vector<16x256xi1> to vector<16x256xi32>
    %sign3A_312 = arith.constant 0 : i32
    %sign3A_313 = vector.broadcast %sign3A_312 : i32 to vector<16x256xi32>
    %sign3A_314 = arith.cmpi slt, %min3A_306, %sign3A_313 : vector<16x256xi32>
    %sign3A_315 = arith.extui %sign3A_314 : vector<16x256xi1> to vector<16x256xi32>
    %sign3A_316 = arith.subi %sign3A_311, %sign3A_315 : vector<16x256xi32>
    %sign3A_317 = arith.constant 0 : i32
    %sign3A_318 = arith.cmpi sgt, %jit3A_307, %sign3A_317 : i32
    %sign3A_319 = arith.extui %sign3A_318 : i1 to i32
    %sign3A_320 = arith.constant 0 : i32
    %sign3A_321 = arith.cmpi slt, %jit3A_307, %sign3A_320 : i32
    %sign3A_322 = arith.extui %sign3A_321 : i1 to i32
    %sign3A_323 = arith.subi %sign3A_319, %sign3A_322 : i32
    %ne3A_324 = vector.broadcast %sign3A_323 : i32 to vector<16x256xi32>
    %ne3A_325 = arith.cmpi ne, %sign3A_316, %ne3A_324 : vector<16x256xi32>
    %rem3A = vector.broadcast %jit3A_307 : i32 to vector<16x256xi32>
    %rem3A_326 = arith.remsi %min3A_306, %rem3A : vector<16x256xi32>
    %ne3A_327 = arith.constant 0 : i32
    %ne3A_328 = vector.broadcast %ne3A_327 : i32 to vector<16x256xi32>
    %ne3A_329 = arith.cmpi ne, %rem3A_326, %ne3A_328 : vector<16x256xi32>
    %and3A = arith.andi %ne3A_325, %ne3A_329 : vector<16x256xi1>
    %sub3A_330 = arith.constant 1 : i32
    %sub3A_331 = vector.broadcast %sub3A_330 : i32 to vector<16x256xi32>
    %sub3A_332 = arith.subi %div3A_308, %sub3A_331 : vector<16x256xi32>
    %select_n3A_333 = arith.select %and3A, %sub3A_332, %div3A_308 : vector<16x256xi1>, vector<16x256xi32>
    %mul3A = arith.constant 21 : i32
    %mul3A_334 = vector.broadcast %mul3A : i32 to vector<16x256xi32>
    %mul3A_335 = arith.muli %select_n3A_333, %mul3A_334 : vector<16x256xi32>
    %sub3A_336 = arith.subi %min3A_306, %mul3A_335 : vector<16x256xi32>
    %broadcast_in_dim3A_337 = arith.constant 0 : i32
    %broadcast_in_dim3A_338 = vector.broadcast %broadcast_in_dim3A_337 : i32 to vector<16x256xi32>
    %broadcast_in_dim3A_339 = arith.constant 0 : i32
    %broadcast_in_dim3A_340 = vector.broadcast %broadcast_in_dim3A_339 : i32 to vector<16x256xi32>
    %eq3A_341 = arith.constant 0 : i32
    %eq3A_342 = vector.broadcast %eq3A_341 : i32 to vector<16x256xi32>
    %eq3A_343 = arith.cmpi eq, %select_n3A_333, %eq3A_342 : vector<16x256xi32>
    %broadcast_in_dim3A_344 = vector.shape_cast %select_n3A_124 : vector<16x1xi32> to vector<16x1xi32>
    %broadcast_in_dim3A_345 = vector.broadcast %broadcast_in_dim3A_344 : vector<16x1xi32> to vector<16x256xi32>
    %select_n3A_346 = arith.select %eq3A_343, %broadcast_in_dim3A_345, %broadcast_in_dim3A_338 : vector<16x256xi1>, vector<16x256xi32>
    %broadcast_in_dim3A_347 = vector.shape_cast %broadcast_in_dim3A_118 : vector<16x1xi32> to vector<16x1xi32>
    %broadcast_in_dim3A_348 = vector.broadcast %broadcast_in_dim3A_347 : vector<16x1xi32> to vector<16x256xi32>
    %select_n3A_349 = arith.select %eq3A_343, %broadcast_in_dim3A_348, %broadcast_in_dim3A_340 : vector<16x256xi1>, vector<16x256xi32>
    %eq3A_350 = arith.constant 1 : i32
    %eq3A_351 = vector.broadcast %eq3A_350 : i32 to vector<16x256xi32>
    %eq3A_352 = arith.cmpi eq, %select_n3A_333, %eq3A_351 : vector<16x256xi32>
    %broadcast_in_dim3A_353 = vector.shape_cast %select_n3A_139 : vector<16x1xi32> to vector<16x1xi32>
    %broadcast_in_dim3A_354 = vector.broadcast %broadcast_in_dim3A_353 : vector<16x1xi32> to vector<16x256xi32>
    %select_n3A_355 = arith.select %eq3A_352, %broadcast_in_dim3A_354, %select_n3A_346 : vector<16x256xi1>, vector<16x256xi32>
    %broadcast_in_dim3A_356 = vector.shape_cast %broadcast_in_dim3A_132 : vector<16x1xi32> to vector<16x1xi32>
    %broadcast_in_dim3A_357 = vector.broadcast %broadcast_in_dim3A_356 : vector<16x1xi32> to vector<16x256xi32>
    %select_n3A_358 = arith.select %eq3A_352, %broadcast_in_dim3A_357, %select_n3A_349 : vector<16x256xi1>, vector<16x256xi32>
    %eq3A_359 = arith.constant 2 : i32
    %eq3A_360 = vector.broadcast %eq3A_359 : i32 to vector<16x256xi32>
    %eq3A_361 = arith.cmpi eq, %select_n3A_333, %eq3A_360 : vector<16x256xi32>
    %broadcast_in_dim3A_362 = vector.shape_cast %select_n3A_154 : vector<16x1xi32> to vector<16x1xi32>
    %broadcast_in_dim3A_363 = vector.broadcast %broadcast_in_dim3A_362 : vector<16x1xi32> to vector<16x256xi32>
    %select_n3A_364 = arith.select %eq3A_361, %broadcast_in_dim3A_363, %select_n3A_355 : vector<16x256xi1>, vector<16x256xi32>
    %broadcast_in_dim3A_365 = vector.shape_cast %broadcast_in_dim3A_147 : vector<16x1xi32> to vector<16x1xi32>
    %broadcast_in_dim3A_366 = vector.broadcast %broadcast_in_dim3A_365 : vector<16x1xi32> to vector<16x256xi32>
    %select_n3A_367 = arith.select %eq3A_361, %broadcast_in_dim3A_366, %select_n3A_358 : vector<16x256xi1>, vector<16x256xi32>
    %eq3A_368 = arith.constant 3 : i32
    %eq3A_369 = vector.broadcast %eq3A_368 : i32 to vector<16x256xi32>
    %eq3A_370 = arith.cmpi eq, %select_n3A_333, %eq3A_369 : vector<16x256xi32>
    %broadcast_in_dim3A_371 = vector.shape_cast %select_n3A_169 : vector<16x1xi32> to vector<16x1xi32>
    %broadcast_in_dim3A_372 = vector.broadcast %broadcast_in_dim3A_371 : vector<16x1xi32> to vector<16x256xi32>
    %select_n3A_373 = arith.select %eq3A_370, %broadcast_in_dim3A_372, %select_n3A_364 : vector<16x256xi1>, vector<16x256xi32>
    %broadcast_in_dim3A_374 = vector.shape_cast %broadcast_in_dim3A_162 : vector<16x1xi32> to vector<16x1xi32>
    %broadcast_in_dim3A_375 = vector.broadcast %broadcast_in_dim3A_374 : vector<16x1xi32> to vector<16x256xi32>
    %select_n3A_376 = arith.select %eq3A_370, %broadcast_in_dim3A_375, %select_n3A_367 : vector<16x256xi1>, vector<16x256xi32>
    %eq3A_377 = arith.constant 4 : i32
    %eq3A_378 = vector.broadcast %eq3A_377 : i32 to vector<16x256xi32>
    %eq3A_379 = arith.cmpi eq, %select_n3A_333, %eq3A_378 : vector<16x256xi32>
    %broadcast_in_dim3A_380 = vector.shape_cast %select_n3A_184 : vector<16x1xi32> to vector<16x1xi32>
    %broadcast_in_dim3A_381 = vector.broadcast %broadcast_in_dim3A_380 : vector<16x1xi32> to vector<16x256xi32>
    %select_n3A_382 = arith.select %eq3A_379, %broadcast_in_dim3A_381, %select_n3A_373 : vector<16x256xi1>, vector<16x256xi32>
    %broadcast_in_dim3A_383 = vector.shape_cast %broadcast_in_dim3A_177 : vector<16x1xi32> to vector<16x1xi32>
    %broadcast_in_dim3A_384 = vector.broadcast %broadcast_in_dim3A_383 : vector<16x1xi32> to vector<16x256xi32>
    %select_n3A_385 = arith.select %eq3A_379, %broadcast_in_dim3A_384, %select_n3A_376 : vector<16x256xi1>, vector<16x256xi32>
    %eq3A_386 = arith.constant 5 : i32
    %eq3A_387 = vector.broadcast %eq3A_386 : i32 to vector<16x256xi32>
    %eq3A_388 = arith.cmpi eq, %select_n3A_333, %eq3A_387 : vector<16x256xi32>
    %broadcast_in_dim3A_389 = vector.shape_cast %select_n3A_199 : vector<16x1xi32> to vector<16x1xi32>
    %broadcast_in_dim3A_390 = vector.broadcast %broadcast_in_dim3A_389 : vector<16x1xi32> to vector<16x256xi32>
    %select_n3A_391 = arith.select %eq3A_388, %broadcast_in_dim3A_390, %select_n3A_382 : vector<16x256xi1>, vector<16x256xi32>
    %broadcast_in_dim3A_392 = vector.shape_cast %broadcast_in_dim3A_192 : vector<16x1xi32> to vector<16x1xi32>
    %broadcast_in_dim3A_393 = vector.broadcast %broadcast_in_dim3A_392 : vector<16x1xi32> to vector<16x256xi32>
    %select_n3A_394 = arith.select %eq3A_388, %broadcast_in_dim3A_393, %select_n3A_385 : vector<16x256xi1>, vector<16x256xi32>
    %eq3A_395 = arith.constant 6 : i32
    %eq3A_396 = vector.broadcast %eq3A_395 : i32 to vector<16x256xi32>
    %eq3A_397 = arith.cmpi eq, %select_n3A_333, %eq3A_396 : vector<16x256xi32>
    %broadcast_in_dim3A_398 = vector.shape_cast %select_n3A_214 : vector<16x1xi32> to vector<16x1xi32>
    %broadcast_in_dim3A_399 = vector.broadcast %broadcast_in_dim3A_398 : vector<16x1xi32> to vector<16x256xi32>
    %select_n3A_400 = arith.select %eq3A_397, %broadcast_in_dim3A_399, %select_n3A_391 : vector<16x256xi1>, vector<16x256xi32>
    %broadcast_in_dim3A_401 = vector.shape_cast %broadcast_in_dim3A_207 : vector<16x1xi32> to vector<16x1xi32>
    %broadcast_in_dim3A_402 = vector.broadcast %broadcast_in_dim3A_401 : vector<16x1xi32> to vector<16x256xi32>
    %select_n3A_403 = arith.select %eq3A_397, %broadcast_in_dim3A_402, %select_n3A_394 : vector<16x256xi1>, vector<16x256xi32>
    %eq3A_404 = arith.constant 7 : i32
    %eq3A_405 = vector.broadcast %eq3A_404 : i32 to vector<16x256xi32>
    %eq3A_406 = arith.cmpi eq, %select_n3A_333, %eq3A_405 : vector<16x256xi32>
    %broadcast_in_dim3A_407 = vector.shape_cast %select_n3A_229 : vector<16x1xi32> to vector<16x1xi32>
    %broadcast_in_dim3A_408 = vector.broadcast %broadcast_in_dim3A_407 : vector<16x1xi32> to vector<16x256xi32>
    %select_n3A_409 = arith.select %eq3A_406, %broadcast_in_dim3A_408, %select_n3A_400 : vector<16x256xi1>, vector<16x256xi32>
    %broadcast_in_dim3A_410 = vector.shape_cast %broadcast_in_dim3A_222 : vector<16x1xi32> to vector<16x1xi32>
    %broadcast_in_dim3A_411 = vector.broadcast %broadcast_in_dim3A_410 : vector<16x1xi32> to vector<16x256xi32>
    %select_n3A_412 = arith.select %eq3A_406, %broadcast_in_dim3A_411, %select_n3A_403 : vector<16x256xi1>, vector<16x256xi32>
    %eq3A_413 = arith.constant 8 : i32
    %eq3A_414 = vector.broadcast %eq3A_413 : i32 to vector<16x256xi32>
    %eq3A_415 = arith.cmpi eq, %select_n3A_333, %eq3A_414 : vector<16x256xi32>
    %broadcast_in_dim3A_416 = vector.shape_cast %select_n3A_244 : vector<16x1xi32> to vector<16x1xi32>
    %broadcast_in_dim3A_417 = vector.broadcast %broadcast_in_dim3A_416 : vector<16x1xi32> to vector<16x256xi32>
    %select_n3A_418 = arith.select %eq3A_415, %broadcast_in_dim3A_417, %select_n3A_409 : vector<16x256xi1>, vector<16x256xi32>
    %broadcast_in_dim3A_419 = vector.shape_cast %broadcast_in_dim3A_237 : vector<16x1xi32> to vector<16x1xi32>
    %broadcast_in_dim3A_420 = vector.broadcast %broadcast_in_dim3A_419 : vector<16x1xi32> to vector<16x256xi32>
    %select_n3A_421 = arith.select %eq3A_415, %broadcast_in_dim3A_420, %select_n3A_412 : vector<16x256xi1>, vector<16x256xi32>
    %eq3A_422 = arith.constant 9 : i32
    %eq3A_423 = vector.broadcast %eq3A_422 : i32 to vector<16x256xi32>
    %eq3A_424 = arith.cmpi eq, %select_n3A_333, %eq3A_423 : vector<16x256xi32>
    %broadcast_in_dim3A_425 = vector.shape_cast %select_n3A_259 : vector<16x1xi32> to vector<16x1xi32>
    %broadcast_in_dim3A_426 = vector.broadcast %broadcast_in_dim3A_425 : vector<16x1xi32> to vector<16x256xi32>
    %select_n3A_427 = arith.select %eq3A_424, %broadcast_in_dim3A_426, %select_n3A_418 : vector<16x256xi1>, vector<16x256xi32>
    %broadcast_in_dim3A_428 = vector.shape_cast %broadcast_in_dim3A_252 : vector<16x1xi32> to vector<16x1xi32>
    %broadcast_in_dim3A_429 = vector.broadcast %broadcast_in_dim3A_428 : vector<16x1xi32> to vector<16x256xi32>
    %select_n3A_430 = arith.select %eq3A_424, %broadcast_in_dim3A_429, %select_n3A_421 : vector<16x256xi1>, vector<16x256xi32>
    %eq3A_431 = arith.constant 10 : i32
    %eq3A_432 = vector.broadcast %eq3A_431 : i32 to vector<16x256xi32>
    %eq3A_433 = arith.cmpi eq, %select_n3A_333, %eq3A_432 : vector<16x256xi32>
    %broadcast_in_dim3A_434 = vector.shape_cast %select_n3A_274 : vector<16x1xi32> to vector<16x1xi32>
    %broadcast_in_dim3A_435 = vector.broadcast %broadcast_in_dim3A_434 : vector<16x1xi32> to vector<16x256xi32>
    %select_n3A_436 = arith.select %eq3A_433, %broadcast_in_dim3A_435, %select_n3A_427 : vector<16x256xi1>, vector<16x256xi32>
    %broadcast_in_dim3A_437 = vector.shape_cast %broadcast_in_dim3A_267 : vector<16x1xi32> to vector<16x1xi32>
    %broadcast_in_dim3A_438 = vector.broadcast %broadcast_in_dim3A_437 : vector<16x1xi32> to vector<16x256xi32>
    %select_n3A_439 = arith.select %eq3A_433, %broadcast_in_dim3A_438, %select_n3A_430 : vector<16x256xi1>, vector<16x256xi32>
    %eq3A_440 = arith.constant 11 : i32
    %eq3A_441 = vector.broadcast %eq3A_440 : i32 to vector<16x256xi32>
    %eq3A_442 = arith.cmpi eq, %select_n3A_333, %eq3A_441 : vector<16x256xi32>
    %broadcast_in_dim3A_443 = vector.shape_cast %select_n3A_289 : vector<16x1xi32> to vector<16x1xi32>
    %broadcast_in_dim3A_444 = vector.broadcast %broadcast_in_dim3A_443 : vector<16x1xi32> to vector<16x256xi32>
    %select_n3A_445 = arith.select %eq3A_442, %broadcast_in_dim3A_444, %select_n3A_436 : vector<16x256xi1>, vector<16x256xi32>
    %broadcast_in_dim3A_446 = vector.shape_cast %broadcast_in_dim3A_282 : vector<16x1xi32> to vector<16x1xi32>
    %broadcast_in_dim3A_447 = vector.broadcast %broadcast_in_dim3A_446 : vector<16x1xi32> to vector<16x256xi32>
    %select_n3A_448 = arith.select %eq3A_442, %broadcast_in_dim3A_447, %select_n3A_439 : vector<16x256xi1>, vector<16x256xi32>
    %lt3A_449 = arith.constant 10 : i32
    %lt3A_450 = vector.broadcast %lt3A_449 : i32 to vector<16x256xi32>
    %lt3A_451 = arith.cmpi slt, %sub3A_336, %lt3A_450 : vector<16x256xi32>
    %mul3A_452 = arith.constant 13 : i32
    %mul3A_453 = vector.broadcast %mul3A_452 : i32 to vector<16x256xi32>
    %mul3A_454 = arith.muli %select_n3A_333, %mul3A_453 : vector<16x256xi32>
    %add3A = arith.addi %sub3A_336, %mul3A_454 : vector<16x256xi32>
    %add3A_455 = arith.addi %add3A, %select_n3A_445 : vector<16x256xi32>
    %lt3A_456 = arith.constant 18 : i32
    %lt3A_457 = vector.broadcast %lt3A_456 : i32 to vector<16x256xi32>
    %lt3A_458 = arith.cmpi slt, %sub3A_336, %lt3A_457 : vector<16x256xi32>
    %mul3A_459 = arith.constant 8 : i32
    %mul3A_460 = vector.broadcast %mul3A_459 : i32 to vector<16x256xi32>
    %mul3A_461 = arith.muli %select_n3A_448, %mul3A_460 : vector<16x256xi32>
    %add3A_462 = arith.constant 672 : i32
    %add3A_463 = vector.broadcast %add3A_462 : i32 to vector<16x256xi32>
    %add3A_464 = arith.addi %add3A_463, %mul3A_461 : vector<16x256xi32>
    %sub3A_465 = arith.constant 10 : i32
    %sub3A_466 = vector.broadcast %sub3A_465 : i32 to vector<16x256xi32>
    %sub3A_467 = arith.subi %sub3A_336, %sub3A_466 : vector<16x256xi32>
    %add3A_468 = arith.addi %add3A_464, %sub3A_467 : vector<16x256xi32>
    %sub3A_469 = arith.constant 18 : i32
    %sub3A_470 = vector.broadcast %sub3A_469 : i32 to vector<16x256xi32>
    %sub3A_471 = arith.subi %sub3A_336, %sub3A_470 : vector<16x256xi32>
    %mul3A_472 = arith.constant 7 : i32
    %mul3A_473 = vector.broadcast %mul3A_472 : i32 to vector<16x256xi32>
    %mul3A_474 = arith.muli %select_n3A_448, %mul3A_473 : vector<16x256xi32>
    %add3A_475 = arith.addi %sub3A_471, %mul3A_474 : vector<16x256xi32>
    %add3A_476 = arith.constant 1 : i32
    %add3A_477 = vector.broadcast %add3A_476 : i32 to vector<16x256xi32>
    %add3A_478 = arith.addi %add3A_475, %add3A_477 : vector<16x256xi32>
    %select_n3A_479 = arith.select %lt3A_458, %add3A_468, %add3A_478 : vector<16x256xi1>, vector<16x256xi32>
    %select_n3A_480 = arith.select %lt3A_451, %add3A_455, %select_n3A_479 : vector<16x256xi1>, vector<16x256xi32>
    %eq3A_481 = arith.constant 0 : i32
    %eq3A_482 = vector.broadcast %eq3A_481 : i32 to vector<16x256xi32>
    %eq3A_483 = arith.cmpi eq, %iota3A_299, %eq3A_482 : vector<16x256xi32>
    %jit3A_484 = arith.constant 1056 : i32
    %broadcast_in_dim3A_485 = vector.broadcast %jit3A_484 : i32 to vector<16x256xi32>
    %select_n3A_486 = arith.select %eq3A_483, %broadcast_in_dim3A_485, %select_n3A_480 : vector<16x256xi1>, vector<16x256xi32>
    %ge3A = arith.constant 253 : i32
    %ge3A_487 = vector.broadcast %ge3A : i32 to vector<16x256xi32>
    %ge3A_488 = arith.cmpi sge, %iota3A_299, %ge3A_487 : vector<16x256xi32>
    %jit3A_489 = arith.constant 1057 : i32
    %broadcast_in_dim3A_490 = vector.broadcast %jit3A_489 : i32 to vector<16x256xi32>
    %select_n3A_491 = arith.select %ge3A_488, %broadcast_in_dim3A_490, %select_n3A_486 : vector<16x256xi1>, vector<16x256xi32>
    %jit3A_492 = arith.constant 1058 : i32
    %broadcast_in_dim3A_493 = vector.shape_cast %gt3A_298 : vector<16x1xi1> to vector<16x1xi1>
    %broadcast_in_dim3A_494 = vector.broadcast %broadcast_in_dim3A_493 : vector<16x1xi1> to vector<16x256xi1>
    %broadcast_in_dim3A_495 = vector.broadcast %jit3A_492 : i32 to vector<16x256xi32>
    %select_n3A_496 = arith.select %broadcast_in_dim3A_494, %broadcast_in_dim3A_495, %select_n3A_491 : vector<16x256xi1>, vector<16x256xi32>
    %swap3A = arith.constant 0 : index
    %swap3A_497 = arith.constant 0 : index
    %swap3A_498 = vector.load %arg6[%swap3A, %swap3A_497] : memref<16x256xi32, #tpu.memory_space<vmem>>, vector<16x256xi32>
    tpu.vector_store %arg6[%swap3A, %swap3A_497], %select_n3A_496 {strides = array<i32>} : memref<16x256xi32, #tpu.memory_space<vmem>>, vector<16x256xi32>,
    %get3A_499 = arith.constant 0 : index
    %get3A_500 = arith.constant 0 : index
    %get3A_501 = vector.load %arg2[%get3A_499, %get3A_500] : memref<672x512xf32, #tpu.memory_space<vmem>>, vector<672x512xf32>
    %swap3A_502 = arith.constant 0 : index
    %swap3A_503 = arith.constant 0 : index
    %swap3A_504 = vector.load %arg7[%swap3A_502, %swap3A_503] : memref<1064x512xf32, #tpu.memory_space<vmem>>, vector<672x512xf32>
    tpu.vector_store %arg7[%swap3A_502, %swap3A_503], %get3A_501 {strides = array<i32>} : memref<1064x512xf32, #tpu.memory_space<vmem>>, vector<672x512xf32>,
    %get3A_505 = arith.constant 0 : index
    %get3A_506 = arith.constant 0 : index
    %get3A_507 = arith.constant 0 : index
    %get3A_508 = vector.load %arg3[%get3A_505, %get3A_506, %get3A_507] : memref<48x8x512xf32, #tpu.memory_space<vmem>>, vector<48x8x512xf32>
    %reshape3A = vector.shape_cast %get3A_508 : vector<48x8x512xf32> to vector<384x512xf32>
    %swap3A_509 = arith.constant 672 : index
    %swap3A_510 = arith.constant 0 : index
    %swap3A_511 = vector.load %arg7[%swap3A_509, %swap3A_510] : memref<1064x512xf32, #tpu.memory_space<vmem>>, vector<384x512xf32>
    tpu.vector_store %arg7[%swap3A_509, %swap3A_510], %reshape3A {strides = array<i32>} : memref<1064x512xf32, #tpu.memory_space<vmem>>, vector<384x512xf32>,
    %broadcast_in_dim3A_512 = arith.constant 0.000000e+00 : f32
    %broadcast_in_dim3A_513 = vector.broadcast %broadcast_in_dim3A_512 : f32 to vector<8x512xf32>
    %swap3A_514 = arith.constant 1056 : index
    %swap3A_515 = arith.constant 0 : index
    %swap3A_516 = vector.load %arg7[%swap3A_514, %swap3A_515] : memref<1064x512xf32, #tpu.memory_space<vmem>>, vector<8x512xf32>
    tpu.vector_store %arg7[%swap3A_514, %swap3A_515], %broadcast_in_dim3A_513 {strides = array<i32>} : memref<1064x512xf32, #tpu.memory_space<vmem>>, vector<8x512xf32>,
    %get3A_517 = arith.constant 0 : index
    %get3A_518 = arith.constant 0 : index
    %get3A_519 = vector.load %arg4[%get3A_517, %get3A_518] : memref<1x512xf32, #tpu.memory_space<vmem>>, vector<1x512xf32>
    %swap3A_520 = arith.constant 1056 : index
    %swap3A_521 = arith.constant 0 : index
    %swap3A_522 = vector.load %arg7[%swap3A_520, %swap3A_521] : memref<1064x512xf32, #tpu.memory_space<vmem>>, vector<1x512xf32>
    tpu.vector_store %arg7[%swap3A_520, %swap3A_521], %get3A_519 {strides = array<i32>} : memref<1064x512xf32, #tpu.memory_space<vmem>>, vector<1x512xf32>,
    %get3A_523 = arith.constant 0 : index
    %get3A_524 = arith.constant 0 : index
    %get3A_525 = vector.load %arg5[%get3A_523, %get3A_524] : memref<1x512xf32, #tpu.memory_space<vmem>>, vector<1x512xf32>
    %swap3A_526 = arith.constant 1058 : index
    %swap3A_527 = arith.constant 0 : index
    %swap3A_528 = vector.load %arg7[%swap3A_526, %swap3A_527] : memref<1064x512xf32, #tpu.memory_space<vmem>>, vector<1x512xf32>
    tpu.vector_store %arg7[%swap3A_526, %swap3A_527], %get3A_525 {strides = array<i32>} : memref<1064x512xf32, #tpu.memory_space<vmem>>, vector<1x512xf32>,
    return
  }
  func.func @transform_0(%arg0: i32) -> (i32, i32) {
    %c0_i32 = arith.constant 0 : i32
    %c0_i32_0 = arith.constant 0 : i32
    %c0_i32_1 = arith.constant 0 : i32
    return %c0_i32, %c0_i32_0 : i32, i32
  }
  func.func @transform_1(%arg0: i32) -> (i32, i32) {
    %c0_i32 = arith.constant 0 : i32
    %c0_i32_0 = arith.constant 0 : i32
    %c0_i32_1 = arith.constant 0 : i32
    return %c0_i32, %c0_i32_0 : i32, i32
  }
  func.func @transform_2(%arg0: i32) -> (i32, i32, i32) {
    %c0_i32 = arith.constant 0 : i32
    %c0_i32_0 = arith.constant 0 : i32
    %c0_i32_1 = arith.constant 0 : i32
    %c0_i32_2 = arith.constant 0 : i32
    return %c0_i32, %c0_i32_0, %c0_i32_1 : i32, i32, i32
  }
  func.func @transform_3(%arg0: i32) -> (i32, i32) {
    %c0_i32 = arith.constant 0 : i32
    %c0_i32_0 = arith.constant 0 : i32
    %c0_i32_1 = arith.constant 0 : i32
    return %c0_i32, %c0_i32_0 : i32, i32
  }
  func.func @transform_4(%arg0: i32) -> (i32, i32) {
    %c0_i32 = arith.constant 0 : i32
    %c0_i32_0 = arith.constant 0 : i32
    %c0_i32_1 = arith.constant 0 : i32
    return %c0_i32, %c0_i32_0 : i32, i32
  }
  func.func @transform_5(%arg0: i32) -> (i32, i32) {
    %c0_i32 = arith.constant 0 : i32
    %c0_i32_0 = arith.constant 0 : i32
    %c0_i32_1 = arith.constant 0 : i32
    return %c0_i32, %c0_i32_0 : i32, i32
  }
  func.func @transform_6(%arg0: i32) -> (i32, i32) {
    %c0_i32 = arith.constant 0 : i32
    %c0_i32_0 = arith.constant 0 : i32
    %c0_i32_1 = arith.constant 0 : i32
    return %c0_i32, %c0_i32_0 : i32, i32
  }
}

</mosaic_0001>

<sc_bundles>
// kernel: kernel.4.cloned.1.call-start
scs
__scs_entry_jumppad:
0x0: {  	(pc) =	sbr.rel $0x88, $3  }
0x1: {  	(tag) =	ssettag $0x0;
	lr =	simm.s32 $0x1  }
0x2: {  	[smem:$0x3F9C] =	sst lr;
	_ =	strace $0xD0000000  }
0x3: {  	_ = 	snop  }
0x4: {  	_ = 	snop  }
0x5: {  	_ = 	snop  }
0x6: {  	_ = 	snop  }
0x7: {  	_ = 	snop  }
__scs_overlays_trampoline_lowered:
0x8: {  	[smem:$0x3FAB] =	sst s0  }
0x9: {  	[smem:$0x3FAC] =	sst s1  }
0xa: {  	[smem:$0x3FAD] =	sst s2  }
0xb: {  	[smem:$0x3FAE] =	sst s3  }
0xc: {  	[smem:$0x3FAF] =	sst s4  }
0xd: {  	[smem:$0x3FB0] =	sst s5  }
0xe: {  	[smem:$0x3FB1] =	sst s6  }
0xf: {  	[smem:$0x3FB2] =	sst s7  }
0x10: {  	[smem:$0x3FB3] =	sst s8  }
0x11: {  	[smem:$0x3FB4] =	sst s9;
	s0 =	simm.s32 @!p0 $0x0  }
0x12: {  	s1 =	sld [smem:$0x3F9A];
	s0 =	simm.s32 @p0 $0x1  }
0x13: {  	[smem:$0x3FB5] =	sst s0;
	s0 =	simm.s32 @!p1 $0x0  }
0x14: {  	s2 =	sld [smem:$0x3F99];
	s0 =	simm.s32 @p1 $0x1  }
0x15: {  	[smem:$0x3FB6] =	sst s0;
	s0 =	simm.s32 @!p2 $0x0  }
0x16: {  	s3 =	sld [smem:$0x3FDB];
	s0 =	simm.s32 @p2 $0x1  }
0x17: {  	s4 =	simm.s32 $0x1BF5;
	[smem:$0x3FB8] =	sst s0  }
0x18: {  	s0 =	sld [smem:$0x3F9B];
	_ =	swait.ge [sflag:s4], $0x0  }
0x19: {  	s7 =	sld [smem:$0x3F9C]  }
0x1a: {  	s8 =	sadd.s32 $0xFFFFE003, lr  }
0x1b: {  	s9 =	sadd.s32 $0xFFFFFEF7, lr;
	s5 =	simm.s32 $0xFFFFFFFF;
	p2 =	slt.u32 s8, $0xFFFFF086  }
0x1c: {  	p1 =	slt.u32 s9, $0xF7A;
	s5 =	simm.s32 @!p2 $0x0  }
0x1d: {  	s5 =	simm.s32 @p1 $0x1;
	p0 =	seq.s32 s7, s2  }
0x1e: {  	s7 =	smul.u32 @!p0 $0xF7A, s2;
	p2 =	seq.s32 @!p0 s5, $0x0  }
0x1f: {  	s9 =	smul.u32 $0xF7A, s1;
	s8 =	simm.s32 @!p0 $0x1BF5;
	p2 =	por !p2, p0  }
0x20: {  	[sflag:s8] =	ssyncset.s32 @!p0 $0xFFFFF086;
	s6 =	sadd.s32 @!p0 s3, s7;
	s7 =	simm.s32 @!p0 $0x108  }
0x21: {  	s3 =	sadd.s32 s3, s9;
	s6 =	sadd.s32 @!p0 $0x88, s6;
	s7 =	simm.s32 @p2 $0x1082  }
0x22: {  	[simem:s7], [sflag:s8] =	dma.local @!p0 [hbm:s6], $0xF7A  }
0x23: {  	s9 =	sor.u32 $0xD0000000, s2;
	s6 =	simm.s32 $0x108;
	_ =	swait.ge @!p0 [sflag:s8], $0x0  }
0x24: {  	s3 =	sadd.s32 $0x88, s3;
	s6 =	simm.s32 @!p1 $0x1082;
	[sflag:s4] =	ssyncset.s32 $0xFFFFF086  }
0x25: {  	[simem:s6], [sflag:s4] =	dma.local [hbm:s3], $0xF7A  }
0x26: {  	[smem:$0x3F9C] =	sst s1;
	(tag) =	ssettag s2;
	_ =	strace s9  }
0x27: {  	s1 =	sld [smem:$0x3FAC]  }
0x28: {  	s2 =	sld [smem:$0x3FAD]  }
0x29: {  	s4 =	sld [smem:$0x3FAF]  }
0x2a: {  	p0 =	seq.s32 s5, $0x0;
	s5 =	sld [smem:$0x3FB0]  }
0x2b: {  	s6 =	sld [smem:$0x3FB1]  }
0x2c: {  	s7 =	sld [smem:$0x3FB2]  }
0x2d: {  	s3 =	simm.s32 $0x108;
	s8 =	sld [smem:$0x3FB3]  }
0x2e: {  	s3 =	simm.s32 @!p0 $0x1082;
	s9 =	sld [smem:$0x3FB4]  }
0x2f: {  	lr =	sadd.s32 s0, s3;
	s0 =	sld [smem:$0x3FAB]  }
0x30: {  	s3 =	sld [smem:$0x3FAE]  }
0x31: {  	[smem:$0x3FB7] =	sst s10  }
0x32: {  	s10 =	sld [smem:$0x3FB5];
	_ =	sdelay $0x3  }
0x33: {  	p0 =	seq.s32 s10, $0x1;
	s10 =	sld [smem:$0x3FB7];
	_ =	sdelay $0x3  }
0x34: {  	[smem:$0x3FB7] =	sst s10  }
0x35: {  	s10 =	sld [smem:$0x3FB6];
	_ =	sdelay $0x3  }
0x36: {  	p1 =	seq.s32 s10, $0x1;
	s10 =	sld [smem:$0x3FB7];
	_ =	sdelay $0x3  }
0x37: {  	[smem:$0x3FB7] =	sst s10  }
0x38: {  	s10 =	sld [smem:$0x3FB8]  }
0x39: {  	_ = 	snop;
	(pc) =	sbr.ind lr, $3  }
0x3a: {  	_ = 	snop  }
0x3b: {  	_ = 	snop  }
0x3c: {  	p2 =	seq.s32 s10, $0x1;
	s10 =	sld [smem:$0x3FB7]  }
0x3d: {  	_ =	shalt  }
0x3e: {  	_ =	shalt  }
0x3f: {  	_ =	shalt  }
0x40: {  	_ =	shalt  }
0x41: {  	_ =	shalt  }
0x42: {  	_ =	shalt  }
0x43: {  	_ =	shalt  }
0x44: {  	_ =	shalt  }
0x45: {  	_ =	shalt  }
0x46: {  	_ =	shalt  }
0x47: {  	_ =	shalt  }
0x48: {  	_ =	shalt  }
0x49: {  	_ =	shalt  }
0x4a: {  	_ =	shalt  }
0x4b: {  	_ =	shalt  }
0x4c: {  	_ =	shalt  }
0x4d: {  	_ =	shalt  }
0x4e: {  	_ =	shalt  }
0x4f: {  	_ =	shalt  }
0x50: {  	_ =	shalt  }
0x51: {  	_ =	shalt  }
0x52: {  	_ =	shalt  }
0x53: {  	_ =	shalt  }
0x54: {  	_ =	shalt  }
0x55: {  	_ =	shalt  }
0x56: {  	_ =	shalt  }
0x57: {  	_ =	shalt  }
0x58: {  	_ =	shalt  }
0x59: {  	_ =	shalt  }
0x5a: {  	_ =	shalt  }
0x5b: {  	_ =	shalt  }
0x5c: {  	_ =	shalt  }
0x5d: {  	_ =	shalt  }
0x5e: {  	_ =	shalt  }
0x5f: {  	_ =	shalt  }
0x60: {  	_ =	shalt  }
0x61: {  	_ =	shalt  }
0x62: {  	_ =	shalt  }
0x63: {  	_ =	shalt  }
0x64: {  	_ =	shalt  }
0x65: {  	_ =	shalt  }
0x66: {  	_ =	shalt  }
0x67: {  	_ =	shalt  }
0x68: {  	_ =	shalt  }
0x69: {  	_ =	shalt  }
0x6a: {  	_ =	shalt  }
0x6b: {  	_ =	shalt  }
0x6c: {  	_ =	shalt  }
0x6d: {  	_ =	shalt  }
0x6e: {  	_ =	shalt  }
0x6f: {  	_ =	shalt  }
0x70: {  	_ =	shalt  }
0x71: {  	_ =	shalt  }
0x72: {  	_ =	shalt  }
0x73: {  	_ =	shalt  }
0x74: {  	_ =	shalt  }
0x75: {  	_ =	shalt  }
0x76: {  	_ =	shalt  }
0x77: {  	_ =	shalt  }
0x78: {  	_ =	shalt  }
0x79: {  	_ =	shalt  }
0x7a: {  	_ =	shalt  }
0x7b: {  	_ =	shalt  }
0x7c: {  	_ =	shalt  }
0x7d: {  	_ =	shalt  }
0x7e: {  	_ =	shalt  }
0x7f: {  	_ =	shalt  }
0x80: {  	_ =	shalt  }
0x81: {  	_ =	shalt  }
0x82: {  	_ =	shalt  }
0x83: {  	_ =	shalt  }
0x84: {  	_ =	shalt  }
0x85: {  	_ =	shalt  }
0x86: {  	_ =	shalt  }
0x87: {  	_ =	shalt  }
.Lfunc_end0:
.L_simem_size_0:
called_computation_lowered:
.L_overlay_start_0:
0x88: {  	s2 =	sld [smem:$0x3FD9]  }
0x89: {  	s3 =	sld [smem:$0x3FFE];
	_ =	sdelay $0x1  }
0x8a: {  	s1 =	srdreg.scid  }
0x8b: {  	s0 =	sand.u32 $0x1, s1  }
0x8c: {  	s14 =	sshll.u32 s0, $0xA;
	s2 =	sadd.s32 s3, s2  }
0x8d: {  	s2 =	sadd.s32 s2, s14  }
0x8e: {  	[smem:$0x3FC3] =	sst s2  }
0x8f: {  	_ = 	snop  }
0x90: {  	s2 =	sld [smem:$0x3FD0];
	_ =	sdelay $0x2  }
0x91: {  	s15 =	simm.s32 $0xA;
	s4 =	simm.s32 $0x10  }
0x92: {  	[smem:s4], [sflag:s15] =	dma.local [hbm:s2], $0x1  }
0x93: {  	_ =	swait.eq [sflag:s15], $0x1  }
0x94: {  	[sflag:s15] =	ssyncset.done $0x0  }
0x95: {  	s16 =	sld [smem:$0x10];
	[sflag:s15] =	ssyncadd.s32 $0xFFFFFFFF  }
0x96: {  	s17 =	sld [smem:$0x11];
	(tm) =	ssettm $0x1  }
0x97: {  	s18 =	sld [smem:$0x3FFB];
	_ =	sdelay $0x3  }
0x98: {  	_ =	strace s18  }
0x99: {  	s4 =	sld [smem:$0x3FFC];
	_ =	sdelay $0x3  }
0x9a: {  	_ =	strace s4  }
0x9b: {  	s4 =	sld [smem:$0x3FFD];
	_ =	sdelay $0x3  }
0x9c: {  	_ =	strace s4  }
0x9d: {  	_ =	strace $0x8FFFFFFF  }
0x9e: {  	s19 =	sld [smem:$0x3FDB];
	_ =	sdelay $0x1  }
0x9f: {  	s5 =	simm.s32 $_scs_section_size  }
0xa0: {  	s6 =	simm.s32 $_size__tile_overlayer_lowered;
	s7 =	simm.s32 $_tile_overlayer_lowered  }
0xa1: {  	s22 =	simm.s32 $0x1BFF;
	s21 =	sshll.u32 s7, $0x1;
	s4 =	sadd.s32 s5, s19  }
0xa2: {  	s8 =	simm.s32 $0x0;
	s20 =	sshll.u32 s6, $0x1;
	s6 =	sadd.s32 s21, s4  }
0xa3: {  	[timem:s8], [sflag:s22] =	dma.local [hbm:s6], s20  }
0xa4: {  	_ =	swait.ge [sflag:s22], s20  }
0xa5: {  	s5 =	ssub.s32 $0x0, s20;
	[sflag:s22] =	ssyncset.done $0x0  }
0xa6: {  	[sflag:s22] =	ssyncadd.s32 s5;
	_ =	sdelay $0x1  }
0xa7: {  	s23 =	simm.s32 $0x1B8B  }
0xa8: {  	_ =	swait.ge [sflag:s23], $0x1  }
0xa9: {  	[sflag:s23] =	ssyncset.done $0x0  }
0xaa: {  	s25 =	simm.s32 $0x1B8E;
	s24 =	sld [smem:$0x3FFE];
	[sflag:s23] =	ssyncadd.s32 $0xFFFFFFFF  }
0xab: {  	s26 =	simm.s32 $execute0_lowered;
	[smem:$0x3FD2] =	sst s25  }
0xac: {  	s6 =	sshll.u32 s26, $0x1;
	_ =	strace $0x80000046;
	[dreg:$0x1] =	wrdreg $0xFFFFFFFF  }
0xad: {  	s28 =	simm.s32 $_size_execute0_lowered;
	s4 =	sadd.s32 s4, s6;
	[dreg:$0x0] =	wrdreg $0x0  }
0xae: {  	s6 =	sshll.u32 s28, $0x1;
	[dreg:$0x2] =	wrdreg s4  }
0xaf: {  	[dreg:$0x3] =	wrdreg s6  }
0xb0: {  	[dreg:$0x4] =	wrdreg $0xC0  }
0xb1: {  	_ =	task [dreg:s8], $0x5FFFF  }
0xb2: {  	[dreg:$0x1] =	wrdreg $0xFFFFFFFF  }
0xb3: {  	[dreg:$0x0] =	wrdreg $0x60  }
0xb4: {  	[dreg:$0x2] =	wrdreg s24  }
0xb5: {  	[dreg:$0x3] =	wrdreg s16  }
0xb6: {  	[dreg:$0x4] =	wrdreg s17  }
0xb7: {  	[dreg:$0x5] =	wrdreg $0x9  }
0xb8: {  	_ =	task.clear_ibuf [dreg:s8], $0x6FFFF;
	_ =	strace $0x90000046  }
0xb9: {  	s29 =	simm.s32 $0x9;
	_ =	strace $0x80000048  }
0xba: {  	_ =	swait.ge [sflag:s29], $0x1  }
0xbb: {  	[sflag:s29] =	ssyncadd.s32 $0xFFFFFFFF  }
0xbc: {  	_ =	strace $0x90000048  }
0xbd: {  	_ =	sfence  }
0xbe: {  	s30 =	sld [smem:$0x0];
	_ =	sdelay $0x2  }
0xbf: {  	s31 =	sshll.u32 s1, $0xD;
	s1 =	sshrl.u32 s1, $0x2  }
0xc0: {  	s3 =	sand.u32 $0x4000, s31;
	s1 =	sadd.s32 s1, s30  }
0xc1: {  	s0 =	sor.u32 s3, s0;
	s1 =	sshll.u32 s1, $0x11  }
0xc2: {  	s0 =	sor.u32 s1, s0  }
0xc3: {  	s0 =	sadd.s32 $0x8F2B, s0  }
0xc4: {  	[sflag:s0] =	ssyncadd.remote.s32 $0x1  }
0xc5: {  	_ =	sfence.sel $0xFFFF  }
0xc6: {  	[dreg:$0x0] =	wrdreg $0xFFFFFFFF;
	(pc) =	sbr.abs _section_cstart, $3  }
0xc7: {  	[dreg:$0x1] =	wrdreg $0xFFFFFFFF  }
0xc8: {  	_ =	task.clear_ibuf [dreg:s8], $0x2FFFF;
	_ =	strace $0x9FFFFFFF  }
0xc9: {  	(tm) =	ssettm $0x7FFFFFFF  }
tec
execute0_lowered:
.L_overlay_start_1:
0x0: {  	(tag) =	ssettag $0x1  }
0x1: {  	s0 =	srdreg.scid;
	s6 =	rddreg [dreg:$0x0]  }
0x2: {  	s4 =	stileid.u32;
	s10 =	rddreg [dreg:$0x1];
	s3 =	simm.s32 $0x1  }
0x3: {  	s11 =	rddreg [dreg:$0x2];
	s2 =	simm.s32 $0x0;
	s14 =	simm.s32 $0x7  }
0x4: {  	s15 =	simm.s32 $0x80;
	s29 =	simm.s32 $0xF080;
	s30 =	simm.s32 $0xF880  }
0x5: {  	s31 =	simm.s32 $0x10080;
	s16 =	simm.s32 $0x2;
	s17 =	simm.s32 $0x5  }
0x6: {  	s18 =	simm.s32 $0x6;
	s0 =	sand.u32 $0x1, s0;
	s1 =	sshll.u32 s4, $0x1  }
0x7: {  	s19 =	simm.s32 $0x3;
	s20 =	simm.s32 $0x4;
	s1 =	sor.u32 s0, s1  }
0x8: {  	s21 =	simm.s32 $0x0;
	p1 =	seq.s32 s0, $0x1;
	p0 =	seq.s32 s1, $0x0  }
0x9: {  	[smem:$0x7FF] =	sst s2;
	s5 =	sshll.u32 s0, $0xA;
	p0 =	por !p0, !p1  }
0xa: {  	_ =	strace $0x80000047;
	s0 =	ssub.s32 $0x2, s0;
	p0 =	por !p0, !p0  }
0xb: {  	s7 =	sshrl.u32 s0, $0x1;
	s1 =	sshll.u32 s1, $0xD;
	s3 =	simm.s32 @!p0 $0x0  }
0xc: {  	s0 =	ssub.s32 s0, s7;
	s7 =	sadd.s32 s11, s1;
	s3 =	ssub.s32 s4, s3  }
0xd: {  	s8 =	sadd.s32 s10, s1;
	s1 =	sor.u32 $0x1000, s1;
	s4 =	sshll.u32 s3, $0x8  }
0xe: {  	s9 =	sadd.s32 $0x800, s7;
	s3 =	sshll.u32 s3, $0x7;
	s4 =	sand.u32 $0xFFFFF800, s4  }
0xf: {  	s10 =	sadd.s32 s10, s1;
	s28 =	sand.u32 $0x380, s3;
	s4 =	sor.u32 s5, s4  }
0x10: {  	s11 =	sadd.s32 s11, s1;
	s12 =	sadd.s32 $0x1800, s7;
	s5 =	sor.u32 s28, s4  }
0x11: {  	v2 =	vlaneseq.u32;
	vm0 =	vmmov $0xffff;
	v3 =	vimm.s32 $0x0;
	s13 =	smax.u32 s0, $0x1;
	s1 =	simm.s32 $0x8080;
	s5 =	sshrl.u32 s5, $0x3  }
0x12: {  	v1 =	vshrl.u32 v2, $0x3;
	v0 =	vand.u32 $0x7, v2;
	v3 =	vsel vm0, $0xFFFFFFFF, v3;
	s0 =	simm.s32 $0x14080;
	s3 =	sadd.s32 $0x1600, s6;
	s5 =	sadd.s32 s5, s6  }
0x13: {  	v2 =	vor.u32 $0x8, v2;
	v1 =	vmul.u32 $0x8, v1;
	[tilespmem:$0x1FFF0] =	vst v3;
	v3 =	vimm.f32 $0.0e+00;
	s4 =	simm.s32 $0x1;
	s6 =	sadd.s32 $0x1700, s6;
	s5 =	sadd.s32 $0x12000, s5  }
.LBB2_1:
0x14: {  	[tilespmem:s2], [sflag:$0x7] =	stream.linear.gather [hbm4b:s5+s2], $0x80, $0x38;
	[tilespmem:$0x18080] =	vst v63  }
0x15: {  	_ =	swait.ge [sflag:s14], $0x80  }
0x16: {  	[sflag:s14] =	ssyncset.done $0x0  }
0x17: {  	[sflag:s14] =	ssyncadd.s32 $0xFFFFFF80  }
0x18: {  	v4 =	vld [tilespmem:$0x0];
	_ =	sdelay $0x4  }
0x19: {  	v5 =	vshll.u32 v4, $0x2  }
0x1a: {  	v4 =	vand.u32 $0x7, v4;
	v5 =	vand.u32 $0xFFFFFFE0, v5  }
0x1b: {  	v4 =	vor.u32 v4, v5  }
0x1c: {  	v5 =	vperm.xlane v4, v0  }
0x1d: {  	v6 =	vld [tilespmem:$0x1FFF0]  }
0x1e: {  	v5 =	vadd.s32 v1, v5;
	_ =	sdelay $0x1  }
0x1f: {  	v4 =	vperm.xlane v4, v2;
	_ =	sdelay $0x1  }
0x20: {  	vm0 =	vnez.u8 v6;
	v4 =	vadd.s32 v1, v4  }
0x21: {  	[tilespmem:s15], [sflag:$0x1] =	stream.indirect_vreg.gather [hbm4b:s3+s2], $0x80, v5, vm0, $0xb8;
	[tilespmem:$0x18080] =	vst v63  }
0x22: {  	s22 =	simm.s32 $0x880  }
0x23: {  	[tilespmem:s22], [sflag:$0x1] =	stream.indirect_vreg.gather [hbm4b:s6+s2], $0x80, v5, vm0, $0xb8;
	[tilespmem:$0x18080] =	vst v63  }
0x24: {  	s25 =	simm.s32 $0x1080  }
0x25: {  	[tilespmem:s25], [sflag:$0x1] =	stream.indirect_vreg.gather [hbm4b:s3+s2], $0x80, v4, vm0, $0xb8;
	[tilespmem:$0x18080] =	vst v63  }
0x26: {  	s26 =	simm.s32 $0x1880  }
0x27: {  	[tilespmem:s26], [sflag:$0x1] =	stream.indirect_vreg.gather [hbm4b:s6+s2], $0x80, v4, vm0, $0xb8;
	[tilespmem:$0x18080] =	vst v63  }
0x28: {  	v4 =	vld [tilespmem:$0x10];
	_ =	sdelay $0x4  }
0x29: {  	v5 =	vshll.u32 v4, $0x2  }
0x2a: {  	v4 =	vand.u32 $0x7, v4;
	v5 =	vand.u32 $0xFFFFFFE0, v5  }
0x2b: {  	v4 =	vor.u32 v4, v5  }
0x2c: {  	v5 =	vperm.xlane v4, v0;
	_ =	sdelay $0x1  }
0x2d: {  	v5 =	vadd.s32 v1, v5;
	_ =	sdelay $0x1  }
0x2e: {  	v4 =	vperm.xlane v4, v2;
	_ =	sdelay $0x1  }
0x2f: {  	s28 =	simm.s32 $0x2080;
	v4 =	vadd.s32 v1, v4  }
0x30: {  	[tilespmem:s28], [sflag:$0x1] =	stream.indirect_vreg.gather [hbm4b:s3+s2], $0x80, v5, vm0, $0xb8;
	[tilespmem:$0x18080] =	vst v63  }
0x31: {  	s23 =	simm.s32 $0x2880  }
0x32: {  	[tilespmem:s23], [sflag:$0x1] =	stream.indirect_vreg.gather [hbm4b:s6+s2], $0x80, v5, vm0, $0xb8;
	[tilespmem:$0x18080] =	vst v63  }
0x33: {  	s24 =	simm.s32 $0x3080  }
0x34: {  	[tilespmem:s24], [sflag:$0x1] =	stream.indirect_vreg.gather [hbm4b:s3+s2], $0x80, v4, vm0, $0xb8;
	[tilespmem:$0x18080] =	vst v63  }
0x35: {  	s25 =	simm.s32 $0x3880  }
0x36: {  	[tilespmem:s25], [sflag:$0x1] =	stream.indirect_vreg.gather [hbm4b:s6+s2], $0x80, v4, vm0, $0xb8;
	[tilespmem:$0x18080] =	vst v63  }
0x37: {  	v4 =	vld [tilespmem:$0x20];
	_ =	sdelay $0x4  }
0x38: {  	v5 =	vshll.u32 v4, $0x2  }
0x39: {  	v4 =	vand.u32 $0x7, v4;
	v5 =	vand.u32 $0xFFFFFFE0, v5  }
0x3a: {  	v4 =	vor.u32 v4, v5  }
0x3b: {  	v5 =	vperm.xlane v4, v0;
	_ =	sdelay $0x1  }
0x3c: {  	v5 =	vadd.s32 v1, v5;
	_ =	sdelay $0x1  }
0x3d: {  	v4 =	vperm.xlane v4, v2;
	_ =	sdelay $0x1  }
0x3e: {  	s26 =	simm.s32 $0x4080;
	v4 =	vadd.s32 v1, v4  }
0x3f: {  	[tilespmem:s26], [sflag:$0x1] =	stream.indirect_vreg.gather [hbm4b:s3+s2], $0x80, v5, vm0, $0xb8;
	[tilespmem:$0x18080] =	vst v63  }
0x40: {  	s28 =	simm.s32 $0x4880  }
0x41: {  	[tilespmem:s28], [sflag:$0x1] =	stream.indirect_vreg.gather [hbm4b:s6+s2], $0x80, v5, vm0, $0xb8;
	[tilespmem:$0x18080] =	vst v63  }
0x42: {  	s23 =	simm.s32 $0x5080  }
0x43: {  	[tilespmem:s23], [sflag:$0x1] =	stream.indirect_vreg.gather [hbm4b:s3+s2], $0x80, v4, vm0, $0xb8;
	[tilespmem:$0x18080] =	vst v63  }
0x44: {  	s24 =	simm.s32 $0x5880  }
0x45: {  	[tilespmem:s24], [sflag:$0x1] =	stream.indirect_vreg.gather [hbm4b:s6+s2], $0x80, v4, vm0, $0xb8;
	[tilespmem:$0x18080] =	vst v63  }
0x46: {  	v4 =	vld [tilespmem:$0x30];
	_ =	sdelay $0x4  }
0x47: {  	v5 =	vshll.u32 v4, $0x2  }
0x48: {  	v4 =	vand.u32 $0x7, v4;
	v5 =	vand.u32 $0xFFFFFFE0, v5  }
0x49: {  	v4 =	vor.u32 v4, v5  }
0x4a: {  	v5 =	vperm.xlane v4, v0;
	_ =	sdelay $0x1  }
0x4b: {  	v5 =	vadd.s32 v1, v5;
	_ =	sdelay $0x1  }
0x4c: {  	v4 =	vperm.xlane v4, v2;
	_ =	sdelay $0x1  }
0x4d: {  	s25 =	simm.s32 $0x6080;
	v4 =	vadd.s32 v1, v4  }
0x4e: {  	[tilespmem:s25], [sflag:$0x1] =	stream.indirect_vreg.gather [hbm4b:s3+s2], $0x80, v5, vm0, $0xb8;
	[tilespmem:$0x18080] =	vst v63  }
0x4f: {  	s26 =	simm.s32 $0x6880  }
0x50: {  	[tilespmem:s26], [sflag:$0x1] =	stream.indirect_vreg.gather [hbm4b:s6+s2], $0x80, v5, vm0, $0xb8;
	[tilespmem:$0x18080] =	vst v63  }
0x51: {  	s28 =	simm.s32 $0x7080  }
0x52: {  	[tilespmem:s28], [sflag:$0x1] =	stream.indirect_vreg.gather [hbm4b:s3+s2], $0x80, v4, vm0, $0xb8;
	[tilespmem:$0x18080] =	vst v63  }
0x53: {  	s23 =	simm.s32 $0x7880  }
0x54: {  	[tilespmem:s23], [sflag:$0x1] =	stream.indirect_vreg.gather [hbm4b:s6+s2], $0x80, v4, vm0, $0xb8;
	[tilespmem:$0x18080] =	vst v63  }
0x55: {  	v4 =	vld [tilespmem:$0x40];
	_ =	sdelay $0x4  }
0x56: {  	v5 =	vshll.u32 v4, $0x2  }
0x57: {  	v4 =	vand.u32 $0x7, v4;
	v5 =	vand.u32 $0xFFFFFFE0, v5  }
0x58: {  	v4 =	vor.u32 v4, v5  }
0x59: {  	v5 =	vperm.xlane v4, v0;
	_ =	sdelay $0x1  }
0x5a: {  	v5 =	vadd.s32 v1, v5;
	_ =	sdelay $0x1  }
0x5b: {  	v4 =	vperm.xlane v4, v2;
	_ =	sdelay $0x1  }
0x5c: {  	v4 =	vadd.s32 v1, v4  }
0x5d: {  	[tilespmem:s1], [sflag:$0x2] =	stream.indirect_vreg.gather [hbm4b:s3+s2], $0x80, v5, vm0, $0xb8;
	[tilespmem:$0x18080] =	vst v63  }
0x5e: {  	s24 =	simm.s32 $0x8880  }
0x5f: {  	[tilespmem:s24], [sflag:$0x2] =	stream.indirect_vreg.gather [hbm4b:s6+s2], $0x80, v5, vm0, $0xb8;
	[tilespmem:$0x18080] =	vst v63  }
0x60: {  	s25 =	simm.s32 $0x9080  }
0x61: {  	[tilespmem:s25], [sflag:$0x2] =	stream.indirect_vreg.gather [hbm4b:s3+s2], $0x80, v4, vm0, $0xb8;
	[tilespmem:$0x18080] =	vst v63  }
0x62: {  	s26 =	simm.s32 $0x9880  }
0x63: {  	[tilespmem:s26], [sflag:$0x2] =	stream.indirect_vreg.gather [hbm4b:s6+s2], $0x80, v4, vm0, $0xb8;
	[tilespmem:$0x18080] =	vst v63  }
0x64: {  	v4 =	vld [tilespmem:$0x50];
	_ =	sdelay $0x4  }
0x65: {  	v5 =	vshll.u32 v4, $0x2  }
0x66: {  	v4 =	vand.u32 $0x7, v4;
	v5 =	vand.u32 $0xFFFFFFE0, v5  }
0x67: {  	v4 =	vor.u32 v4, v5  }
0x68: {  	v5 =	vperm.xlane v4, v0;
	_ =	sdelay $0x1  }
0x69: {  	v5 =	vadd.s32 v1, v5;
	_ =	sdelay $0x1  }
0x6a: {  	v4 =	vperm.xlane v4, v2;
	_ =	sdelay $0x1  }
0x6b: {  	s28 =	simm.s32 $0xA080;
	v4 =	vadd.s32 v1, v4  }
0x6c: {  	[tilespmem:s28], [sflag:$0x2] =	stream.indirect_vreg.gather [hbm4b:s3+s2], $0x80, v5, vm0, $0xb8;
	[tilespmem:$0x18080] =	vst v63  }
0x6d: {  	s23 =	simm.s32 $0xA880  }
0x6e: {  	[tilespmem:s23], [sflag:$0x2] =	stream.indirect_vreg.gather [hbm4b:s6+s2], $0x80, v5, vm0, $0xb8;
	[tilespmem:$0x18080] =	vst v63  }
0x6f: {  	s24 =	simm.s32 $0xB080  }
0x70: {  	[tilespmem:s24], [sflag:$0x2] =	stream.indirect_vreg.gather [hbm4b:s3+s2], $0x80, v4, vm0, $0xb8;
	[tilespmem:$0x18080] =	vst v63  }
0x71: {  	s25 =	simm.s32 $0xB880  }
0x72: {  	[tilespmem:s25], [sflag:$0x2] =	stream.indirect_vreg.gather [hbm4b:s6+s2], $0x80, v4, vm0, $0xb8;
	[tilespmem:$0x18080] =	vst v63  }
0x73: {  	v4 =	vld [tilespmem:$0x60];
	_ =	sdelay $0x4  }
0x74: {  	v5 =	vshll.u32 v4, $0x2  }
0x75: {  	v4 =	vand.u32 $0x7, v4;
	v5 =	vand.u32 $0xFFFFFFE0, v5  }
0x76: {  	v4 =	vor.u32 v4, v5  }
0x77: {  	v5 =	vperm.xlane v4, v0;
	_ =	sdelay $0x1  }
0x78: {  	v5 =	vadd.s32 v1, v5;
	_ =	sdelay $0x1  }
0x79: {  	v4 =	vperm.xlane v4, v2;
	_ =	sdelay $0x1  }
0x7a: {  	s26 =	simm.s32 $0xC080;
	v4 =	vadd.s32 v1, v4  }
0x7b: {  	[tilespmem:s26], [sflag:$0x2] =	stream.indirect_vreg.gather [hbm4b:s3+s2], $0x80, v5, vm0, $0xb8;
	[tilespmem:$0x18080] =	vst v63  }
0x7c: {  	s28 =	simm.s32 $0xC880  }
0x7d: {  	[tilespmem:s28], [sflag:$0x2] =	stream.indirect_vreg.gather [hbm4b:s6+s2], $0x80, v5, vm0, $0xb8;
	[tilespmem:$0x18080] =	vst v63  }
0x7e: {  	s23 =	simm.s32 $0xD080  }
0x7f: {  	[tilespmem:s23], [sflag:$0x2] =	stream.indirect_vreg.gather [hbm4b:s3+s2], $0x80, v4, vm0, $0xb8;
	[tilespmem:$0x18080] =	vst v63  }
0x80: {  	s24 =	simm.s32 $0xD880  }
0x81: {  	[tilespmem:s24], [sflag:$0x2] =	stream.indirect_vreg.gather [hbm4b:s6+s2], $0x80, v4, vm0, $0xb8;
	[tilespmem:$0x18080] =	vst v63  }
0x82: {  	v4 =	vld [tilespmem:$0x70];
	_ =	sdelay $0x4  }
0x83: {  	v5 =	vshll.u32 v4, $0x2  }
0x84: {  	v4 =	vand.u32 $0x7, v4;
	v5 =	vand.u32 $0xFFFFFFE0, v5  }
0x85: {  	v4 =	vor.u32 v4, v5  }
0x86: {  	v5 =	vperm.xlane v4, v0;
	_ =	sdelay $0x1  }
0x87: {  	v5 =	vadd.s32 v1, v5;
	_ =	sdelay $0x1  }
0x88: {  	v4 =	vperm.xlane v4, v2;
	_ =	sdelay $0x1  }
0x89: {  	s25 =	simm.s32 $0xE080;
	v4 =	vadd.s32 v1, v4  }
0x8a: {  	[tilespmem:s25], [sflag:$0x2] =	stream.indirect_vreg.gather [hbm4b:s3+s2], $0x80, v5, vm0, $0xb8;
	[tilespmem:$0x18080] =	vst v63  }
0x8b: {  	s26 =	simm.s32 $0xE880  }
0x8c: {  	[tilespmem:s26], [sflag:$0x2] =	stream.indirect_vreg.gather [hbm4b:s6+s2], $0x80, v5, vm0, $0xb8;
	[tilespmem:$0x18080] =	vst v63  }
0x8d: {  	_ = 	snop  }
0x8e: {  	[tilespmem:s29], [sflag:$0x2] =	stream.indirect_vreg.gather [hbm4b:s3+s2], $0x80, v4, vm0, $0xb8;
	[tilespmem:$0x18080] =	vst v63  }
0x8f: {  	_ = 	snop  }
0x90: {  	[tilespmem:s30], [sflag:$0x2] =	stream.indirect_vreg.gather [hbm4b:s6+s2], $0x80, v4, vm0, $0xb8;
	[tilespmem:$0x18080] =	vst v63  }
0x91: {  	_ =	swait.ge [sflag:s4], $0x8000  }
0x92: {  	s28 =	sand.u32 $0x3000, s2;
	s23 =	sand.u32 $0x380, s2;
	[sflag:s4] =	ssyncset.done $0x0  }
0x93: {  	s22 =	sor.u32 s23, s28;
	[sflag:s4] =	ssyncadd.s32 $0xFFFF8000  }
0x94: {  	[hbm4b:s8+s2] =	stream.linear.scatter [tilespmem:s15], [sflag:$0x3], $0x8000, $0x38;
	[tilespmem:$0x18080] =	vst v63  }
0x95: {  	v4 =	vld [tilespmem:s22+$0xCF0]  }
0x96: {  	v5 =	vld [tilespmem:s22+$0x80]  }
0x97: {  	v6 =	vld [tilespmem:s22+$0x90]  }
0x98: {  	v8 =	vld [tilespmem:s22+$0xB0]  }
0x99: {  	v7 =	vld [tilespmem:s22+$0xA0]  }
0x9a: {  	v11 =	vimm.s32 $0x0  }
0x9b: {  	vm0 =	vlt.f32 v4, $0.0e+00;
	vm1 =	vgt.f32 v4, $0.0e+00;
	vm2 =	vlt.f32 v5, $0.0e+00  }
0x9c: {  	v9 =	vld [tilespmem:s22+$0xC0];
	vm3 =	vgt.f32 v5, $0.0e+00;
	vm4 =	vlt.f32 v6, $0.0e+00;
	vm5 =	vgt.f32 v6, $0.0e+00  }
0x9d: {  	vm0 =	vmor vm1, vm0;
	vm1 =	vmor vm5, vm4;
	vm4 =	vgt.f32 v8, $0.0e+00  }
0x9e: {  	v4 =	vld [tilespmem:s22+$0xD0];
	v6 =	vsel vm0, $0x3F800000, v3;
	vm0 =	vmor vm3, vm2;
	vm2 =	vgt.f32 v7, $0.0e+00  }
0x9f: {  	vm3 =	vlt.f32 v8, $0.0e+00;
	v8 =	vimm.s32 $0x0;
	v11 =	vsel vm0, $0xFFFFFFFF, v11  }
0xa0: {  	v5 =	vld [tilespmem:s22+$0xE0];
	vm0 =	vlt.f32 v7, $0.0e+00;
	[tilespmem:s22+$0x10CF0] =	vst v6;
	v6 =	vimm.s32 $0x0;
	v7 =	vimm.s32 $0x0  }
0xa1: {  	v10 =	vld [tilespmem:s22+$0xF0];
	v6 =	vsel vm1, $0xFFFFFFFF, v6;
	vm0 =	vmor vm2, vm0;
	vm2 =	vgt.f32 v9, $0.0e+00  }
0xa2: {  	vm1 =	vmor vm4, vm3;
	v7 =	vsel vm0, $0xFFFFFFFF, v7;
	vm0 =	vlt.f32 v9, $0.0e+00  }
0xa3: {  	[tilespmem:$0x1FF30] =	vst v6;
	v8 =	vsel vm1, $0xFFFFFFFF, v8;
	vm3 =	vlt.f32 v4, $0.0e+00;
	vm4 =	vgt.f32 v4, $0.0e+00  }
0xa4: {  	v6 =	vld [tilespmem:s22+$0x480];
	v9 =	vimm.s32 $0x0;
	[tilespmem:$0x1FF50] =	vst v8;
	vm0 =	vmor vm2, vm0;
	v8 =	vimm.s32 $0x0  }
0xa5: {  	vm2 =	vgt.f32 v5, $0.0e+00;
	v8 =	vsel vm0, $0xFFFFFFFF, v8;
	vm0 =	vlt.f32 v5, $0.0e+00  }
0xa6: {  	[tilespmem:$0x1FF40] =	vst v7;
	v7 =	vld [tilespmem:s22+$0x490];
	vm1 =	vmor vm4, vm3;
	vm3 =	vlt.f32 v10, $0.0e+00;
	vm0 =	vmor vm2, vm0  }
0xa7: {  	vm4 =	vgt.f32 v10, $0.0e+00;
	[tilespmem:$0x1FF60] =	vst v8;
	v8 =	vimm.s32 $0x0;
	v9 =	vsel vm0, $0xFFFFFFFF, v9  }
0xa8: {  	v4 =	vld [tilespmem:s22+$0x4A0];
	v8 =	vsel vm1, $0xFFFFFFFF, v8;
	vm1 =	vmor vm4, vm3;
	[tilespmem:$0x1FF80] =	vst v9;
	v9 =	vimm.s32 $0x0  }
0xa9: {  	vm0 =	vlt.f32 v6, $0.0e+00;
	vm2 =	vgt.f32 v6, $0.0e+00;
	v9 =	vsel vm1, $0xFFFFFFFF, v9  }
0xaa: {  	v5 =	vld [tilespmem:s22+$0x4B0];
	vm0 =	vmor vm2, vm0;
	[tilespmem:$0x1FF90] =	vst v9;
	v9 =	vimm.s32 $0x0  }
0xab: {  	[tilespmem:$0x1FF70] =	vst v8;
	v8 =	vld [tilespmem:s22+$0x4C0];
	vm3 =	vlt.f32 v7, $0.0e+00;
	vm4 =	vgt.f32 v7, $0.0e+00;
	v9 =	vsel vm0, $0xFFFFFFFF, v9  }
0xac: {  	v6 =	vld [tilespmem:s22+$0x4D0];
	vm1 =	vmor vm4, vm3;
	[tilespmem:$0x1FFA0] =	vst v9;
	v9 =	vimm.s32 $0x0  }
0xad: {  	vm2 =	vgt.f32 v4, $0.0e+00;
	vm0 =	vlt.f32 v4, $0.0e+00;
	v9 =	vsel vm1, $0xFFFFFFFF, v9  }
0xae: {  	v7 =	vld [tilespmem:s22+$0x4E0];
	vm0 =	vmor vm2, vm0;
	[tilespmem:$0x1FFB0] =	vst v9;
	v9 =	vimm.s32 $0x0  }
0xaf: {  	vm3 =	vlt.f32 v5, $0.0e+00;
	vm4 =	vgt.f32 v5, $0.0e+00;
	v9 =	vsel vm0, $0xFFFFFFFF, v9  }
0xb0: {  	v4 =	vld [tilespmem:s22+$0x4F0];
	vm2 =	vgt.f32 v8, $0.0e+00;
	vm1 =	vmor vm4, vm3;
	[tilespmem:$0x1FFC0] =	vst v9;
	v9 =	vimm.s32 $0x0  }
0xb1: {  	vm3 =	vlt.f32 v6, $0.0e+00;
	vm0 =	vlt.f32 v8, $0.0e+00;
	v9 =	vsel vm1, $0xFFFFFFFF, v9  }
0xb2: {  	v5 =	vld [tilespmem:s22+$0x880];
	vm4 =	vgt.f32 v6, $0.0e+00;
	vm0 =	vmor vm2, vm0;
	[tilespmem:$0x1FFD0] =	vst v9;
	v9 =	vimm.s32 $0x0  }
0xb3: {  	v6 =	vld [tilespmem:s22+$0x8A0];
	vm2 =	vgt.f32 v7, $0.0e+00;
	v9 =	vsel vm0, $0xFFFFFFFF, v9;
	vm0 =	vlt.f32 v7, $0.0e+00  }
0xb4: {  	v8 =	vld [tilespmem:s22+$0x890];
	v7 =	vimm.s32 $0x0;
	vm0 =	vmor vm2, vm0  }
0xb5: {  	[tilespmem:$0x1FFE0] =	vst v9;
	v9 =	vld [tilespmem:s22+$0x8B0];
	vm2 =	vgt.f32 v4, $0.0e+00;
	v7 =	vsel vm0, $0xFFFFFFFF, v7;
	vm0 =	vlt.f32 v4, $0.0e+00  }
0xb6: {  	v10 =	vld [tilespmem:s22+$0x8D0];
	vm3 =	vmor vm4, vm3;
	v4 =	vimm.s32 $0x0;
	vm0 =	vmor vm2, vm0  }
0xb7: {  	vm4 =	vlt.f32 v5, $0.0e+00;
	vm5 =	vgt.f32 v5, $0.0e+00;
	[tilespmem:$0x1FED0] =	vst v7;
	v7 =	vld [tilespmem:s22+$0x8C0];
	v4 =	vsel vm0, $0xFFFFFFFF, v4  }
0xb8: {  	vm4 =	vmor vm5, vm4;
	vm6 =	vlt.f32 v6, $0.0e+00;
	[tilespmem:$0x1FEE0] =	vst v4;
	v4 =	vld [tilespmem:s22+$0x8E0]  }
0xb9: {  	vm7 =	vgt.f32 v6, $0.0e+00;
	vm2 =	vgt.f32 v8, $0.0e+00;
	vm0 =	vlt.f32 v8, $0.0e+00  }
0xba: {  	vm5 =	vmor vm2, vm0;
	vm0 =	vlt.f32 v9, $0.0e+00;
	vm2 =	vgt.f32 v9, $0.0e+00  }
0xbb: {  	v6 =	vld [tilespmem:s22+$0xC80];
	vm6 =	vmor vm7, vm6;
	vm10 =	vmor vm2, vm0;
	vm0 =	vlt.f32 v10, $0.0e+00  }
0xbc: {  	v5 =	vld [tilespmem:s22+$0x8F0];
	vm2 =	vgt.f32 v10, $0.0e+00;
	vm8 =	vlt.f32 v7, $0.0e+00;
	vm9 =	vgt.f32 v7, $0.0e+00  }
0xbd: {  	v8 =	vld [tilespmem:s22+$0xC90];
	vm8 =	vmor vm9, vm8;
	vm9 =	vlt.f32 v4, $0.0e+00;
	vm11 =	vgt.f32 v4, $0.0e+00  }
0xbe: {  	v7 =	vld [tilespmem:s22+$0xCA0];
	vm7 =	vmor vm2, vm0;
	v4 =	vimm.s32 $0x0;
	vm0 =	vmor vm11, vm9  }
0xbf: {  	v9 =	vld [tilespmem:s22+$0xCB0];
	v4 =	vsel vm0, $0xFFFFFFFF, v4  }
0xc0: {  	vm12 =	vlt.f32 v6, $0.0e+00;
	vm13 =	vgt.f32 v6, $0.0e+00;
	[tilespmem:$0x1FEF0] =	vst v4;
	v4 =	vld [tilespmem:s22+$0xCC0]  }
0xc1: {  	v10 =	vld [tilespmem:s22+$0xCD0];
	vm2 =	vgt.f32 v5, $0.0e+00;
	vm9 =	vmor vm13, vm12;
	vm0 =	vlt.f32 v5, $0.0e+00  }
0xc2: {  	vm11 =	vmor vm2, vm0;
	vm0 =	vlt.f32 v8, $0.0e+00;
	vm2 =	vgt.f32 v8, $0.0e+00  }
0xc3: {  	v5 =	vld [tilespmem:s22+$0xCE0];
	vm14 =	vlt.f32 v7, $0.0e+00;
	vm15 =	vgt.f32 v7, $0.0e+00;
	vm13 =	vmor vm2, vm0  }
0xc4: {  	vm0 =	vmor vm15, vm14;
	vm15 =	vlt.f32 v9, $0.0e+00;
	vm14 =	vgt.f32 v9, $0.0e+00  }
0xc5: {  	vm15 =	vmor vm14, vm15;
	vm1 =	vlt.f32 v4, $0.0e+00;
	vm2 =	vgt.f32 v4, $0.0e+00  }
0xc6: {  	v4 =	vimm.s32 $0x0;
	vm14 =	vmor vm2, vm1;
	vm1 =	vlt.f32 v10, $0.0e+00  }
0xc7: {  	v4 =	vsel vm1, $0xFFFFFFFF, v4  }
0xc8: {  	vm1 =	vlt.f32 v5, $0.0e+00;
	[tilespmem:$0x1FF10] =	vst v4;
	v4 =	vimm.s32 $0x0  }
0xc9: {  	[tilespmem:$0x1FF00] =	vst v11;
	v4 =	vsel vm1, $0xFFFFFFFF, v4  }
0xca: {  	[tilespmem:$0x1FF20] =	vst v4;
	v4 =	vld [tilespmem:$0x1FF00]  }
0xcb: {  	vm1 =	vgt.f32 v5, $0.0e+00;
	v5 =	vld [tilespmem:$0x1FF10];
	_ =	sdelay $0x3  }
0xcc: {  	vm12 =	vnez.u8 v4  }
0xcd: {  	v4 =	vsel vm12, $0x3F800000, v3;
	vm12 =	vnez.u8 v5;
	v5 =	vld [tilespmem:$0x1FF20];
	_ =	sdelay $0x3  }
0xce: {  	vm2 =	vgt.f32 v10, $0.0e+00  }
0xcf: {  	vm2 =	vmor vm2, vm12;
	vm12 =	vnez.u8 v5;
	v5 =	vld [tilespmem:$0x1FF30]  }
0xd0: {  	v6 =	vld [tilespmem:$0x1FF40]  }
0xd1: {  	v7 =	vld [tilespmem:$0x1FF50]  }
0xd2: {  	[tilespmem:s22+$0x10080] =	vst v4;
	v4 =	vld [tilespmem:$0x1FF60];
	_ =	sdelay $0x1  }
0xd3: {  	vm1 =	vmor vm1, vm12;
	vm12 =	vnez.u8 v5  }
0xd4: {  	v5 =	vsel vm12, $0x3F800000, v3;
	vm12 =	vnez.u8 v6  }
0xd5: {  	v6 =	vsel vm12, $0x3F800000, v3;
	vm12 =	vnez.u8 v7  }
0xd6: {  	v13 =	vsel vm12, $0x3F800000, v3;
	vm12 =	vnez.u8 v4;
	v4 =	vld [tilespmem:$0x1FF70];
	_ =	sdelay $0x4  }
0xd7: {  	v12 =	vsel vm12, $0x3F800000, v3;
	vm12 =	vnez.u8 v4;
	v4 =	vld [tilespmem:$0x1FF80];
	_ =	sdelay $0x4  }
0xd8: {  	v11 =	vsel vm12, $0x3F800000, v3;
	vm12 =	vnez.u8 v4;
	v4 =	vld [tilespmem:$0x1FF90];
	_ =	sdelay $0x4  }
0xd9: {  	v10 =	vsel vm12, $0x3F800000, v3;
	vm12 =	vnez.u8 v4;
	v4 =	vld [tilespmem:$0x1FFA0];
	_ =	sdelay $0x4  }
0xda: {  	v9 =	vsel vm12, $0x3F800000, v3;
	vm12 =	vnez.u8 v4;
	v4 =	vld [tilespmem:$0x1FFB0]  }
0xdb: {  	[tilespmem:s22+$0x10090] =	vst v5;
	v5 =	vld [tilespmem:$0x1FFC0];
	_ =	sdelay $0x3  }
0xdc: {  	v8 =	vsel vm12, $0x3F800000, v3;
	vm12 =	vnez.u8 v4  }
0xdd: {  	v4 =	vsel vm12, $0x3F800000, v3;
	vm12 =	vnez.u8 v5;
	v5 =	vld [tilespmem:$0x1FFD0];
	_ =	sdelay $0x4  }
0xde: {  	v7 =	vsel vm12, $0x3F800000, v3;
	vm12 =	vnez.u8 v5;
	v5 =	vld [tilespmem:$0x1FFE0];
	_ =	sdelay $0x4  }
0xdf: {  	s23 =	simm.s32 $0x80;
	s24 =	simm.s32 $0x200;
	[tilespmem:s22+$0x100A0] =	vst v6;
	v6 =	vsel vm12, $0x3F800000, v3;
	vm12 =	vnez.u8 v5  }
0xe0: {  	s25 =	sand.u32 $0x3000, s24;
	s24 =	simm.s32 $0x400;
	s26 =	sand.u32 $0x380, s23;
	[tilespmem:s22+$0x100B0] =	vst v13;
	v5 =	vsel vm12, $0x3F800000, v3  }
.LBB2_2:
0xe1: {  	v13 =	vld [tilespmem:$0x1FED0]  }
0xe2: {  	s25 =	sor.u32 s26, s25;
	[tilespmem:s22+$0x100C0] =	vst v12;
	v14 =	vld [tilespmem:$0x1FEE0]  }
0xe3: {  	v15 =	vld [tilespmem:s25+$0xCF0];
	[tilespmem:s22+$0x100D0] =	vst v11  }
0xe4: {  	v18 =	vld [tilespmem:s25+$0x80];
	[tilespmem:s22+$0x100E0] =	vst v10  }
0xe5: {  	v21 =	vld [tilespmem:s25+$0x90]  }
0xe6: {  	[tilespmem:s22+$0x100F0] =	vst v9;
	v9 =	vld [tilespmem:$0x1FEF0]  }
0xe7: {  	v12 =	vsel vm3, $0x3F800000, v3;
	v25 =	vsel vm0, $0x3F800000, v3;
	v29 =	vsel vm2, $0x3F800000, v3;
	v24 =	vld [tilespmem:s25+$0xA0];
	[tilespmem:s22+$0x10480] =	vst v8  }
0xe8: {  	v11 =	vsel vm4, $0x3F800000, v3;
	vm3 =	vnez.u8 v13;
	v27 =	vld [tilespmem:s25+$0xB0];
	[tilespmem:s22+$0x10490] =	vst v4;
	v4 =	vsel vm1, $0x3F800000, v3  }
0xe9: {  	v13 =	vsel vm3, $0x3F800000, v3;
	vm3 =	vnez.u8 v14;
	vm0 =	vlt.f32 v15, $0.0e+00  }
0xea: {  	vm1 =	vgt.f32 v15, $0.0e+00;
	v14 =	vsel vm3, $0x3F800000, v3;
	vm2 =	vlt.f32 v18, $0.0e+00  }
0xeb: {  	v30 =	vld [tilespmem:s25+$0xC0];
	[tilespmem:s22+$0x104A0] =	vst v7;
	vm0 =	vmor vm1, vm0;
	vm3 =	vnez.u8 v9;
	vm1 =	vlt.f32 v21, $0.0e+00  }
0xec: {  	v7 =	vld [tilespmem:s25+$0xD0];
	[tilespmem:s22+$0x104B0] =	vst v6;
	vm4 =	vgt.f32 v21, $0.0e+00;
	v15 =	vsel vm0, $0x3F800000, v3;
	v9 =	vsel vm3, $0x3F800000, v3  }
0xed: {  	vm3 =	vgt.f32 v18, $0.0e+00;
	[tilespmem:s25+$0x10CF0] =	vst v15;
	vm1 =	vmor vm4, vm1;
	v15 =	vimm.s32 $0x0  }
0xee: {  	v6 =	vld [tilespmem:s25+$0xE0];
	[tilespmem:s22+$0x104C0] =	vst v5;
	v5 =	vimm.s32 $0x0;
	vm0 =	vmor vm3, vm2;
	v15 =	vsel vm1, $0xFFFFFFFF, v15  }
0xef: {  	v5 =	vsel vm0, $0xFFFFFFFF, v5;
	[tilespmem:$0x1FE10] =	vst v15  }
0xf0: {  	vm2 =	vgt.f32 v24, $0.0e+00;
	vm0 =	vlt.f32 v24, $0.0e+00;
	v15 =	vld [tilespmem:s25+$0x480];
	[tilespmem:$0x1FDE0] =	vst v5  }
0xf1: {  	v16 =	vsel vm5, $0x3F800000, v3;
	v5 =	vld [tilespmem:s25+$0xF0];
	[tilespmem:s22+$0x104D0] =	vst v12;
	vm0 =	vmor vm2, vm0;
	v12 =	vimm.s32 $0x0  }
0xf2: {  	vm1 =	vlt.f32 v27, $0.0e+00;
	vm3 =	vgt.f32 v27, $0.0e+00;
	v12 =	vsel vm0, $0xFFFFFFFF, v12  }
0xf3: {  	v17 =	vsel vm6, $0x3F800000, v3;
	vm1 =	vmor vm3, vm1;
	vm2 =	vgt.f32 v30, $0.0e+00;
	[tilespmem:$0x1FE20] =	vst v12  }
0xf4: {  	vm3 =	vgt.f32 v7, $0.0e+00;
	vm0 =	vlt.f32 v30, $0.0e+00;
	v12 =	vld [tilespmem:s25+$0x490];
	[tilespmem:s22+$0x104E0] =	vst v13;
	v13 =	vimm.s32 $0x0  }
0xf5: {  	vm0 =	vmor vm2, vm0;
	v13 =	vsel vm1, $0xFFFFFFFF, v13;
	vm1 =	vlt.f32 v7, $0.0e+00;
	v7 =	vld [tilespmem:s25+$0x4A0];
	[tilespmem:s22+$0x104F0] =	vst v14  }
0xf6: {  	vm2 =	vgt.f32 v6, $0.0e+00;
	[tilespmem:$0x1FE30] =	vst v13;
	v13 =	vimm.s32 $0x0;
	vm1 =	vmor vm3, vm1  }
0xf7: {  	v13 =	vsel vm0, $0xFFFFFFFF, v13;
	vm0 =	vlt.f32 v6, $0.0e+00;
	v6 =	vld [tilespmem:s25+$0x4B0];
	[tilespmem:s22+$0x10880] =	vst v11;
	v11 =	vimm.s32 $0x0  }
0xf8: {  	v19 =	vsel vm8, $0x3F800000, v3;
	v20 =	vsel vm7, $0x3F800000, v3;
	[tilespmem:$0x1FE40] =	vst v13;
	v11 =	vsel vm1, $0xFFFFFFFF, v11  }
0xf9: {  	v10 =	vsel vm10, $0x3F800000, v3;
	vm0 =	vmor vm2, vm0;
	[tilespmem:$0x1FE50] =	vst v11;
	v11 =	vimm.s32 $0x0  }
0xfa: {  	vm3 =	vgt.f32 v5, $0.0e+00;
	vm1 =	vlt.f32 v5, $0.0e+00;
	v5 =	vld [tilespmem:s25+$0x4C0];
	[tilespmem:s22+$0x10890] =	vst v16;
	v11 =	vsel vm0, $0xFFFFFFFF, v11  }
0xfb: {  	vm2 =	vgt.f32 v15, $0.0e+00;
	v13 =	vimm.s32 $0x0;
	vm1 =	vmor vm3, vm1;
	[tilespmem:$0x1FE60] =	vst v11  }
0xfc: {  	vm3 =	vgt.f32 v12, $0.0e+00;
	vm0 =	vlt.f32 v15, $0.0e+00;
	v13 =	vsel vm1, $0xFFFFFFFF, v13;
	v11 =	vld [tilespmem:s25+$0x4D0];
	[tilespmem:s22+$0x108A0] =	vst v17  }
0xfd: {  	vm1 =	vlt.f32 v12, $0.0e+00;
	vm0 =	vmor vm2, vm0;
	v12 =	vld [tilespmem:s25+$0x4E0];
	[tilespmem:s22+$0x108B0] =	vst v10;
	v10 =	vimm.s32 $0x0  }
0xfe: {  	vm2 =	vgt.f32 v7, $0.0e+00;
	v10 =	vsel vm0, $0xFFFFFFFF, v10;
	vm0 =	vlt.f32 v7, $0.0e+00;
	v7 =	vld [tilespmem:s25+$0x4F0];
	[tilespmem:s22+$0x108C0] =	vst v19  }
0xff: {  	vm1 =	vmor vm3, vm1;
	vm3 =	vgt.f32 v6, $0.0e+00;
	[tilespmem:$0x1FE80] =	vst v10;
	v10 =	vimm.s32 $0x0  }
0x100: {  	vm0 =	vmor vm2, vm0;
	v10 =	vsel vm1, $0xFFFFFFFF, v10;
	vm1 =	vlt.f32 v6, $0.0e+00;
	v6 =	vld [tilespmem:s25+$0x880];
	[tilespmem:s22+$0x108D0] =	vst v20  }
0x101: {  	vm2 =	vgt.f32 v5, $0.0e+00;
	[tilespmem:$0x1FE90] =	vst v10;
	v10 =	vimm.s32 $0x0;
	vm1 =	vmor vm3, vm1  }
0x102: {  	v10 =	vsel vm0, $0xFFFFFFFF, v10;
	vm0 =	vlt.f32 v5, $0.0e+00;
	v5 =	vld [tilespmem:s25+$0x890];
	[tilespmem:s22+$0x108E0] =	vst v9;
	v9 =	vimm.s32 $0x0  }
0x103: {  	v22 =	vsel vm11, $0x3F800000, v3;
	v23 =	vsel vm9, $0x3F800000, v3;
	[tilespmem:$0x1FEA0] =	vst v10;
	v9 =	vsel vm1, $0xFFFFFFFF, v9  }
0x104: {  	v8 =	vsel vm13, $0x3F800000, v3;
	vm0 =	vmor vm2, vm0;
	v10 =	vimm.s32 $0x0;
	[tilespmem:$0x1FEB0] =	vst v9  }
0x105: {  	vm3 =	vgt.f32 v11, $0.0e+00;
	vm1 =	vlt.f32 v11, $0.0e+00;
	v9 =	vld [tilespmem:s25+$0x8A0];
	[tilespmem:s22+$0x108F0] =	vst v22;
	v10 =	vsel vm0, $0xFFFFFFFF, v10  }
0x106: {  	vm2 =	vgt.f32 v12, $0.0e+00;
	v11 =	vimm.s32 $0x0;
	vm1 =	vmor vm3, vm1;
	[tilespmem:$0x1FEC0] =	vst v10  }
0x107: {  	vm0 =	vlt.f32 v12, $0.0e+00;
	vm3 =	vgt.f32 v7, $0.0e+00;
	v10 =	vld [tilespmem:s25+$0x8B0];
	[tilespmem:s22+$0x10C80] =	vst v23;
	v11 =	vsel vm1, $0xFFFFFFFF, v11  }
0x108: {  	vm1 =	vlt.f32 v7, $0.0e+00;
	vm0 =	vmor vm2, vm0;
	v7 =	vld [tilespmem:s25+$0x8C0];
	[tilespmem:s22+$0x10C90] =	vst v8;
	v8 =	vimm.s32 $0x0  }
0x109: {  	v8 =	vsel vm0, $0xFFFFFFFF, v8  }
0x10a: {  	vm1 =	vmor vm3, vm1;
	[tilespmem:$0x1FED0] =	vst v8;
	v8 =	vimm.s32 $0x0  }
0x10b: {  	vm2 =	vgt.f32 v6, $0.0e+00;
	vm0 =	vlt.f32 v6, $0.0e+00;
	v6 =	vld [tilespmem:s25+$0x8D0];
	[tilespmem:s22+$0x10CA0] =	vst v25;
	v8 =	vsel vm1, $0xFFFFFFFF, v8  }
0x10c: {  	v26 =	vsel vm15, $0x3F800000, v3;
	vm0 =	vmor vm2, vm0;
	[tilespmem:$0x1FEE0] =	vst v8;
	v8 =	vimm.s32 $0x0  }
0x10d: {  	vm5 =	vgt.f32 v5, $0.0e+00;
	vm1 =	vlt.f32 v5, $0.0e+00;
	v5 =	vld [tilespmem:s25+$0x8E0];
	[tilespmem:s22+$0x10CB0] =	vst v26;
	v8 =	vsel vm0, $0xFFFFFFFF, v8  }
0x10e: {  	v28 =	vsel vm14, $0x3F800000, v3;
	vm2 =	vgt.f32 v9, $0.0e+00;
	vm12 =	vmor vm5, vm1;
	[tilespmem:$0x1FDF0] =	vst v8  }
0x10f: {  	vm1 =	vlt.f32 v10, $0.0e+00;
	vm7 =	vgt.f32 v10, $0.0e+00;
	vm0 =	vlt.f32 v9, $0.0e+00;
	v8 =	vld [tilespmem:s25+$0x8F0];
	[tilespmem:s22+$0x10CC0] =	vst v28  }
0x110: {  	vm10 =	vmor vm7, vm1;
	vm6 =	vmor vm2, vm0;
	vm0 =	vlt.f32 v7, $0.0e+00;
	v9 =	vld [tilespmem:s25+$0xC80];
	[tilespmem:s22+$0x10CD0] =	vst v29  }
0x111: {  	vm2 =	vgt.f32 v7, $0.0e+00;
	vm1 =	vlt.f32 v6, $0.0e+00;
	vm9 =	vgt.f32 v6, $0.0e+00;
	v7 =	vld [tilespmem:s25+$0xC90];
	[tilespmem:s22+$0x10CE0] =	vst v4;
	s22 =	smov.u32 s25  }
0x112: {  	vm8 =	vmor vm2, vm0;
	vm0 =	vlt.f32 v5, $0.0e+00;
	vm2 =	vgt.f32 v5, $0.0e+00;
	v4 =	vld [tilespmem:s22+$0xCA0]  }
0x113: {  	vm7 =	vmor vm9, vm1;
	v5 =	vld [tilespmem:s22+$0xCB0];
	vm0 =	vmor vm2, vm0  }
0x114: {  	vm1 =	vlt.f32 v8, $0.0e+00;
	vm11 =	vgt.f32 v8, $0.0e+00;
	v8 =	vimm.s32 $0x0  }
0x115: {  	v6 =	vld [tilespmem:s22+$0xCC0];
	v8 =	vsel vm0, $0xFFFFFFFF, v8;
	vm0 =	vlt.f32 v9, $0.0e+00;
	vm2 =	vgt.f32 v9, $0.0e+00  }
0x116: {  	vm11 =	vmor vm11, vm1;
	[tilespmem:$0x1FEF0] =	vst v8;
	v8 =	vld [tilespmem:s22+$0xCD0];
	vm1 =	vlt.f32 v7, $0.0e+00;
	vm13 =	vgt.f32 v7, $0.0e+00  }
0x117: {  	vm9 =	vmor vm2, vm0;
	vm0 =	vlt.f32 v4, $0.0e+00;
	vm2 =	vgt.f32 v4, $0.0e+00;
	v4 =	vld [tilespmem:$0x1FDE0]  }
0x118: {  	vm13 =	vmor vm13, vm1;
	vm1 =	vlt.f32 v5, $0.0e+00;
	vm14 =	vgt.f32 v5, $0.0e+00;
	v5 =	vld [tilespmem:$0x1FDF0];
	_ =	sdelay $0x1  }
0x119: {  	vm3 =	vgt.f32 v6, $0.0e+00;
	vm0 =	vmor vm2, vm0;
	vm2 =	vlt.f32 v6, $0.0e+00  }
0x11a: {  	vm15 =	vmor vm14, vm1;
	vm14 =	vmor vm3, vm2  }
0x11b: {  	[tilespmem:$0x1FE00] =	vst v11;
	v7 =	vld [tilespmem:s22+$0xCE0];
	vm1 =	vlt.f32 v8, $0.0e+00;
	vm4 =	vgt.f32 v8, $0.0e+00;
	vm2 =	vnez.u8 v4  }
0x11c: {  	v4 =	vsel vm2, $0x3F800000, v3;
	vm2 =	vmor vm4, vm1;
	vm4 =	vnez.u8 v5;
	v5 =	vld [tilespmem:$0x1FE00]  }
0x11d: {  	[tilespmem:s22+$0x10080] =	vst v4;
	v4 =	vld [tilespmem:$0x1FE10];
	_ =	sdelay $0x2  }
0x11e: {  	vm3 =	vlt.f32 v7, $0.0e+00;
	vm5 =	vgt.f32 v7, $0.0e+00  }
0x11f: {  	vm1 =	vmor vm5, vm3  }
0x120: {  	vm5 =	vmmov vm12;
	vm3 =	vnez.u8 v5;
	v5 =	vld [tilespmem:$0x1FE20];
	vm12 =	vnez.u8 v4  }
0x121: {  	v6 =	vld [tilespmem:$0x1FE30];
	v4 =	vsel vm12, $0x3F800000, v3  }
0x122: {  	[tilespmem:s22+$0x10090] =	vst v4;
	v4 =	vld [tilespmem:$0x1FE40];
	_ =	sdelay $0x2  }
0x123: {  	vm12 =	vnez.u8 v5  }
0x124: {  	v5 =	vsel vm12, $0x3F800000, v3;
	vm12 =	vnez.u8 v6  }
0x125: {  	v6 =	vsel vm12, $0x3F800000, v3;
	vm12 =	vnez.u8 v4;
	v4 =	vld [tilespmem:$0x1FE50];
	_ =	sdelay $0x4  }
0x126: {  	v12 =	vsel vm12, $0x3F800000, v3;
	vm12 =	vnez.u8 v4;
	v4 =	vld [tilespmem:$0x1FE60];
	_ =	sdelay $0x3  }
0x127: {  	[tilespmem:$0x1FE70] =	vst v13  }
0x128: {  	v11 =	vsel vm12, $0x3F800000, v3;
	vm12 =	vnez.u8 v4;
	v4 =	vld [tilespmem:$0x1FE70];
	_ =	sdelay $0x4  }
0x129: {  	v10 =	vsel vm12, $0x3F800000, v3;
	vm12 =	vnez.u8 v4;
	v4 =	vld [tilespmem:$0x1FE80];
	_ =	sdelay $0x4  }
0x12a: {  	v9 =	vsel vm12, $0x3F800000, v3;
	vm12 =	vnez.u8 v4;
	v4 =	vld [tilespmem:$0x1FE90]  }
0x12b: {  	[tilespmem:s22+$0x100A0] =	vst v5;
	v5 =	vld [tilespmem:$0x1FEA0];
	_ =	sdelay $0x3  }
0x12c: {  	v8 =	vsel vm12, $0x3F800000, v3;
	vm12 =	vnez.u8 v4  }
0x12d: {  	v4 =	vsel vm12, $0x3F800000, v3;
	vm12 =	vnez.u8 v5;
	v5 =	vld [tilespmem:$0x1FEB0];
	_ =	sdelay $0x4  }
0x12e: {  	v7 =	vsel vm12, $0x3F800000, v3;
	vm12 =	vnez.u8 v5;
	v5 =	vld [tilespmem:$0x1FEC0]  }
0x12f: {  	p0 =	sne.s32 s24, $0x3E00  }
.Ltmp0:
0x130: {  	_ = 	snop;
	(pc) =	sbr.rel @p0 .LBB2_2-.Ltmp0, $3  }
0x131: {  	_ =	sdelay $0x1  }
0x132: {  	s23 =	sadd.s32 $0x80, s23;
	[tilespmem:s22+$0x100B0] =	vst v6;
	v6 =	vsel vm12, $0x3F800000, v3;
	vm12 =	vnez.u8 v5  }
0x133: {  	s26 =	sand.u32 $0x380, s23;
	s25 =	sand.u32 $0x3000, s24;
	s24 =	sadd.s32 $0x200, s24;
	v5 =	vsel vm12, $0x3F800000, v3  }
0x134: {  	v50 =	vld [tilespmem:$0x1FED0]  }
0x135: {  	v51 =	vld [tilespmem:$0x1FEE0]  }
0x136: {  	s23 =	sor.u32 s26, s25;
	[tilespmem:s22+$0x100C0] =	vst v12;
	v58 =	vld [tilespmem:$0x1FEF0]  }
0x137: {  	v12 =	vld [tilespmem:s23+$0xCF0];
	[tilespmem:s22+$0x100D0] =	vst v11  }
0x138: {  	v11 =	vld [tilespmem:s23+$0x80];
	[tilespmem:s22+$0x100E0] =	vst v10  }
0x139: {  	v13 =	vsel vm3, $0x3F800000, v3;
	v52 =	vsel vm4, $0x3F800000, v3;
	v53 =	vsel vm5, $0x3F800000, v3;
	v10 =	vld [tilespmem:s23+$0x90];
	[tilespmem:s22+$0x100F0] =	vst v9  }
0x13a: {  	v54 =	vsel vm6, $0x3F800000, v3;
	v55 =	vsel vm10, $0x3F800000, v3;
	v56 =	vsel vm8, $0x3F800000, v3;
	v9 =	vld [tilespmem:s23+$0xA0];
	[tilespmem:s22+$0x10480] =	vst v8  }
0x13b: {  	v57 =	vsel vm7, $0x3F800000, v3;
	v24 =	vsel vm11, $0x3F800000, v3;
	v59 =	vsel vm9, $0x3F800000, v3;
	v8 =	vld [tilespmem:s23+$0xB0];
	[tilespmem:s22+$0x10490] =	vst v4  }
0x13c: {  	v25 =	vsel vm13, $0x3F800000, v3;
	v26 =	vsel vm0, $0x3F800000, v3;
	v28 =	vsel vm15, $0x3F800000, v3;
	v4 =	vld [tilespmem:s23+$0xC0];
	[tilespmem:s22+$0x104A0] =	vst v7  }
0x13d: {  	v29 =	vsel vm14, $0x3F800000, v3;
	v30 =	vsel vm2, $0x3F800000, v3;
	v60 =	vsel vm1, $0x3F800000, v3;
	v7 =	vld [tilespmem:s23+$0xD0];
	[tilespmem:s22+$0x104B0] =	vst v6  }
0x13e: {  	vm12 =	vnez.u8 v50;
	vm10 =	vnez.u8 v58;
	vm11 =	vlt.f32 v12, $0.0e+00;
	v6 =	vld [tilespmem:s23+$0xE0];
	[tilespmem:s22+$0x104C0] =	vst v5  }
0x13f: {  	vm13 =	vlt.f32 v11, $0.0e+00;
	vm14 =	vgt.f32 v11, $0.0e+00;
	vm15 =	vlt.f32 v10, $0.0e+00;
	v5 =	vld [tilespmem:s23+$0xF0]  }
0x140: {  	vm8 =	vgt.f32 v10, $0.0e+00;
	v14 =	vld [tilespmem:s23+$0x480];
	[tilespmem:s22+$0x104D0] =	vst v13;
	v13 =	vsel vm12, $0x3F800000, v3;
	vm12 =	vnez.u8 v51  }
0x141: {  	vm9 =	vlt.f32 v9, $0.0e+00;
	v15 =	vld [tilespmem:s23+$0x490];
	[tilespmem:s22+$0x104E0] =	vst v13;
	v13 =	vsel vm12, $0x3F800000, v3;
	vm12 =	vgt.f32 v12, $0.0e+00  }
0x142: {  	vm4 =	vmor vm8, vm15;
	v16 =	vld [tilespmem:s23+$0x4A0];
	[tilespmem:s22+$0x104F0] =	vst v13;
	v13 =	vsel vm10, $0x3F800000, v3;
	vm0 =	vmor vm12, vm11  }
0x143: {  	vm10 =	vgt.f32 v9, $0.0e+00;
	vm11 =	vlt.f32 v8, $0.0e+00;
	vm12 =	vgt.f32 v8, $0.0e+00  }
0x144: {  	v62 =	vsel vm0, $0x3F800000, v3;
	vm0 =	vmor vm14, vm13;
	vm2 =	vmor vm10, vm9  }
0x145: {  	v17 =	vld [tilespmem:s23+$0x4B0];
	[tilespmem:s22+$0x10880] =	vst v52;
	vm13 =	vlt.f32 v4, $0.0e+00;
	vm14 =	vgt.f32 v4, $0.0e+00;
	vm5 =	vmor vm12, vm11  }
0x146: {  	vm15 =	vlt.f32 v7, $0.0e+00;
	vm12 =	vgt.f32 v7, $0.0e+00;
	v18 =	vld [tilespmem:s23+$0x4C0];
	[tilespmem:s22+$0x10890] =	vst v53;
	vm3 =	vmor vm14, vm13  }
0x147: {  	vm13 =	vlt.f32 v6, $0.0e+00;
	vm14 =	vgt.f32 v6, $0.0e+00;
	[tilespmem:s23+$0x10CF0] =	vst v62;
	vm9 =	vmor vm12, vm15  }
0x148: {  	v19 =	vld [tilespmem:s23+$0x4D0];
	[tilespmem:s22+$0x108A0] =	vst v54;
	vm15 =	vlt.f32 v5, $0.0e+00;
	vm12 =	vgt.f32 v5, $0.0e+00;
	vm6 =	vmor vm14, vm13  }
0x149: {  	vm8 =	vlt.f32 v14, $0.0e+00;
	vm11 =	vgt.f32 v14, $0.0e+00;
	v20 =	vld [tilespmem:s23+$0x4E0];
	[tilespmem:s22+$0x108B0] =	vst v55;
	vm10 =	vmor vm12, vm15  }
0x14a: {  	vm1 =	vlt.f32 v15, $0.0e+00;
	vm12 =	vgt.f32 v15, $0.0e+00;
	vm7 =	vmor vm11, vm8;
	v21 =	vld [tilespmem:s23+$0x4F0];
	[tilespmem:s22+$0x108C0] =	vst v56  }
0x14b: {  	vm8 =	vlt.f32 v16, $0.0e+00;
	vm13 =	vgt.f32 v16, $0.0e+00;
	v16 =	vsel vm0, $0x3F800000, v3;
	v22 =	vld [tilespmem:s23+$0x880];
	[tilespmem:s22+$0x108D0] =	vst v57  }
0x14c: {  	vm11 =	vmor vm12, vm1;
	[tilespmem:s23+$0x10080] =	vst v16  }
0x14d: {  	vm1 =	vlt.f32 v17, $0.0e+00;
	vm12 =	vgt.f32 v17, $0.0e+00;
	v17 =	vsel vm4, $0x3F800000, v3;
	v23 =	vld [tilespmem:s23+$0x890];
	[tilespmem:s22+$0x108E0] =	vst v13  }
0x14e: {  	vm8 =	vmor vm13, vm8;
	[tilespmem:s23+$0x10090] =	vst v17  }
0x14f: {  	vm13 =	vlt.f32 v18, $0.0e+00;
	vm14 =	vgt.f32 v18, $0.0e+00;
	v18 =	vsel vm2, $0x3F800000, v3;
	v27 =	vld [tilespmem:s23+$0x8A0];
	[tilespmem:s22+$0x108F0] =	vst v24  }
0x150: {  	vm1 =	vmor vm12, vm1;
	[tilespmem:s23+$0x100A0] =	vst v18  }
0x151: {  	vm15 =	vlt.f32 v19, $0.0e+00;
	vm12 =	vgt.f32 v19, $0.0e+00;
	v19 =	vsel vm5, $0x3F800000, v3;
	v61 =	vld [tilespmem:s23+$0x8B0];
	[tilespmem:s22+$0x10C80] =	vst v59  }
0x152: {  	v24 =	vsel vm9, $0x3F800000, v3;
	[tilespmem:s23+$0x100B0] =	vst v19  }
0x153: {  	v31 =	vsel vm1, $0x3F800000, v3;
	[tilespmem:s23+$0x100D0] =	vst v24  }
0x154: {  	vm0 =	vmor vm14, vm13;
	[tilespmem:s23+$0x104B0] =	vst v31  }
0x155: {  	vm13 =	vlt.f32 v20, $0.0e+00;
	vm14 =	vgt.f32 v20, $0.0e+00;
	v20 =	vsel vm3, $0x3F800000, v3;
	v63 =	vld [tilespmem:s23+$0x8C0];
	[tilespmem:s22+$0x10C90] =	vst v25  }
0x156: {  	v32 =	vsel vm0, $0x3F800000, v3;
	[tilespmem:s23+$0x100C0] =	vst v20  }
0x157: {  	[tilespmem:s23+$0x104C0] =	vst v32  }
0x158: {  	vm2 =	vmor vm12, vm15;
	v25 =	vsel vm6, $0x3F800000, v3;
	v13 =	vld [tilespmem:s23+$0x8D0];
	[tilespmem:s22+$0x10CA0] =	vst v26  }
0x159: {  	v33 =	vsel vm2, $0x3F800000, v3;
	[tilespmem:s23+$0x100E0] =	vst v25  }
0x15a: {  	vm15 =	vlt.f32 v21, $0.0e+00;
	[tilespmem:s23+$0x104D0] =	vst v33  }
0x15b: {  	vm12 =	vgt.f32 v21, $0.0e+00;
	vm5 =	vmor vm14, vm13;
	v26 =	vsel vm10, $0x3F800000, v3;
	v4 =	vld [tilespmem:s23+$0x8E0];
	[tilespmem:s22+$0x10CB0] =	vst v28  }
0x15c: {  	vm13 =	vlt.f32 v22, $0.0e+00;
	vm14 =	vgt.f32 v22, $0.0e+00;
	v34 =	vsel vm5, $0x3F800000, v3;
	[tilespmem:s23+$0x100F0] =	vst v26  }
0x15d: {  	vm3 =	vmor vm12, vm15;
	vm4 =	vmor vm14, vm13;
	vm15 =	vlt.f32 v23, $0.0e+00;
	[tilespmem:s23+$0x104E0] =	vst v34  }
0x15e: {  	v28 =	vsel vm7, $0x3F800000, v3;
	vm12 =	vgt.f32 v23, $0.0e+00;
	v35 =	vsel vm3, $0x3F800000, v3;
	v5 =	vld [tilespmem:s23+$0x8F0];
	[tilespmem:s22+$0x10CC0] =	vst v29  }
0x15f: {  	v29 =	vsel vm11, $0x3F800000, v3;
	vm13 =	vlt.f32 v27, $0.0e+00;
	[tilespmem:s23+$0x10480] =	vst v28;
	vm6 =	vmor vm12, vm15  }
0x160: {  	vm14 =	vgt.f32 v27, $0.0e+00;
	v6 =	vld [tilespmem:s23+$0xC80];
	[tilespmem:s22+$0x10CD0] =	vst v30;
	v30 =	vsel vm8, $0x3F800000, v3;
	vm15 =	vlt.f32 v61, $0.0e+00  }
0x161: {  	[tilespmem:s23+$0x104F0] =	vst v35;
	vm12 =	vgt.f32 v61, $0.0e+00;
	vm7 =	vmor vm14, vm13;
	v37 =	vsel vm6, $0x3F800000, v3  }
0x162: {  	[tilespmem:s23+$0x10490] =	vst v29;
	vm1 =	vmor vm12, vm15;
	vm13 =	vlt.f32 v63, $0.0e+00;
	vm14 =	vgt.f32 v63, $0.0e+00  }
0x163: {  	v7 =	vld [tilespmem:s23+$0xC90];
	[tilespmem:s22+$0x10CE0] =	vst v60;
	vm0 =	vmor vm14, vm13;
	vm15 =	vlt.f32 v13, $0.0e+00;
	vm8 =	vgt.f32 v13, $0.0e+00  }
0x164: {  	[tilespmem:s23+$0x104A0] =	vst v30;
	v39 =	vsel vm1, $0x3F800000, v3;
	vm9 =	vlt.f32 v4, $0.0e+00;
	vm2 =	vmor vm8, vm15  }
0x165: {  	[tilespmem:s23+$0x10890] =	vst v37;
	v36 =	vld [tilespmem:s23+$0xCA0];
	vm10 =	vgt.f32 v4, $0.0e+00;
	v4 =	vsel vm4, $0x3F800000, v3;
	vm11 =	vlt.f32 v5, $0.0e+00  }
0x166: {  	v38 =	vld [tilespmem:s23+$0xCC0];
	[tilespmem:s23+$0x108B0] =	vst v39;
	vm12 =	vgt.f32 v5, $0.0e+00;
	vm3 =	vmor vm10, vm9;
	v5 =	vsel vm7, $0x3F800000, v3  }
0x167: {  	[tilespmem:s23+$0x10880] =	vst v4;
	v4 =	vld [tilespmem:s23+$0xCB0];
	vm4 =	vmor vm12, vm11;
	vm13 =	vlt.f32 v6, $0.0e+00;
	vm14 =	vgt.f32 v6, $0.0e+00  }
0x168: {  	[tilespmem:s23+$0x108A0] =	vst v5;
	v5 =	vsel vm0, $0x3F800000, v3;
	v40 =	vsel vm3, $0x3F800000, v3;
	vm1 =	vmor vm14, vm13  }
0x169: {  	v6 =	vld [tilespmem:s23+$0xCD0];
	vm15 =	vlt.f32 v7, $0.0e+00;
	vm7 =	vgt.f32 v7, $0.0e+00;
	v7 =	vsel vm2, $0x3F800000, v3;
	[tilespmem:s23+$0x108C0] =	vst v5  }
0x16a: {  	v5 =	vld [tilespmem:s23+$0xCE0];
	[tilespmem:s23+$0x108E0] =	vst v40;
	vm8 =	vlt.f32 v36, $0.0e+00;
	vm0 =	vmor vm7, vm15;
	vm9 =	vgt.f32 v36, $0.0e+00  }
0x16b: {  	[tilespmem:s23+$0x108D0] =	vst v7;
	v7 =	vsel vm4, $0x3F800000, v3;
	vm12 =	vlt.f32 v38, $0.0e+00;
	vm13 =	vgt.f32 v38, $0.0e+00  }
0x16c: {  	vm2 =	vmor vm9, vm8;
	[tilespmem:s23+$0x108F0] =	vst v7;
	v7 =	vsel vm0, $0x3F800000, v3;
	vm10 =	vlt.f32 v4, $0.0e+00  }
0x16d: {  	vm11 =	vgt.f32 v4, $0.0e+00;
	v4 =	vsel vm1, $0x3F800000, v3;
	[tilespmem:s23+$0x10C90] =	vst v7;
	vm1 =	vmor vm13, vm12  }
0x16e: {  	vm3 =	vmor vm11, vm10;
	[tilespmem:s23+$0x10C80] =	vst v4;
	vm14 =	vlt.f32 v6, $0.0e+00;
	v4 =	vsel vm2, $0x3F800000, v3  }
0x16f: {  	vm15 =	vgt.f32 v6, $0.0e+00;
	vm6 =	vlt.f32 v5, $0.0e+00;
	v6 =	vsel vm3, $0x3F800000, v3;
	[tilespmem:s23+$0x10CA0] =	vst v4  }
0x170: {  	vm7 =	vgt.f32 v5, $0.0e+00;
	vm0 =	vmor vm15, vm14;
	v4 =	vsel vm1, $0x3F800000, v3;
	[tilespmem:s23+$0x10CB0] =	vst v6  }
0x171: {  	vm8 =	vmor vm7, vm6;
	v5 =	vsel vm0, $0x3F800000, v3;
	[tilespmem:s23+$0x10CC0] =	vst v4  }
0x172: {  	v4 =	vsel vm8, $0x3F800000, v3;
	[tilespmem:s23+$0x10CD0] =	vst v5  }
0x173: {  	[tilespmem:s23+$0x10CE0] =	vst v4;
	s23 =	simm.s32 $0x0  }
0x174: {  	[hbm4b:s7+s23] =	stream.linear.scatter [tilespmem:s31], [sflag:$0x5], $0x4000, $0x38;
	[tilespmem:$0x18080] =	vst v63  }
0x175: {  	s24 =	sand.u32 $0x3000, s23;
	s28 =	sand.u32 $0x380, s23  }
0x176: {  	s22 =	sor.u32 s28, s24  }
0x177: {  	v4 =	vld [tilespmem:s22+$0x48E0]  }
0x178: {  	v5 =	vld [tilespmem:s22+$0x4880]  }
0x179: {  	v6 =	vld [tilespmem:s22+$0x40C0]  }
0x17a: {  	v41 =	vld [tilespmem:s22+$0x40B0]  }
0x17b: {  	v10 =	vld [tilespmem:s22+$0x4080]  }
0x17c: {  	v59 =	vld [tilespmem:s22+$0x48F0];
	_ =	sdelay $0x1  }
0x17d: {  	v13 =	vld [tilespmem:s22+$0x4490]  }
0x17e: {  	v7 =	vld [tilespmem:s22+$0x40D0];
	vm9 =	vlt.f32 v4, $0.0e+00;
	vm10 =	vgt.f32 v4, $0.0e+00;
	vm11 =	vlt.f32 v5, $0.0e+00  }
0x17f: {  	v47 =	vld [tilespmem:s22+$0x44D0];
	vm12 =	vgt.f32 v5, $0.0e+00;
	vm13 =	vlt.f32 v41, $0.0e+00;
	vm14 =	vlt.f32 v10, $0.0e+00  }
0x180: {  	v46 =	vld [tilespmem:s22+$0x44B0];
	vm15 =	vgt.f32 v41, $0.0e+00;
	vm8 =	vgt.f32 v6, $0.0e+00;
	vm6 =	vlt.f32 v59, $0.0e+00  }
0x181: {  	v49 =	vld [tilespmem:s22+$0x44E0];
	vm0 =	vmor vm10, vm9;
	vm9 =	vgt.f32 v10, $0.0e+00;
	vm1 =	vmor vm15, vm13  }
0x182: {  	v50 =	vld [tilespmem:s22+$0x44F0];
	vm10 =	vlt.f32 v6, $0.0e+00;
	vm15 =	vlt.f32 v13, $0.0e+00;
	v42 =	vsel vm0, $0x3F800000, v3  }
0x183: {  	v4 =	vld [tilespmem:s22+$0x40E0];
	vm0 =	vmor vm12, vm11;
	vm11 =	vgt.f32 v7, $0.0e+00;
	vm2 =	vmor vm8, vm10  }
0x184: {  	v45 =	vld [tilespmem:s22+$0x44A0];
	v52 =	vsel vm1, $0x3F800000, v3;
	vm12 =	vlt.f32 v7, $0.0e+00;
	vm10 =	vgt.f32 v47, $0.0e+00  }
0x185: {  	v5 =	vld [tilespmem:s22+$0x44C0];
	v48 =	vsel vm0, $0x3F800000, v3;
	vm0 =	vmor vm9, vm14;
	v53 =	vsel vm2, $0x3F800000, v3  }
0x186: {  	vm14 =	vgt.f32 v13, $0.0e+00;
	vm1 =	vmor vm11, vm12;
	vm11 =	vlt.f32 v46, $0.0e+00  }
0x187: {  	vm12 =	vlt.f32 v50, $0.0e+00;
	vm3 =	vmor vm14, vm15;
	vm14 =	vgt.f32 v50, $0.0e+00  }
0x188: {  	v9 =	vld [tilespmem:s22+$0x4090];
	[tilespmem:s22+$0x148E0] =	vst v42;
	vm15 =	vlt.f32 v49, $0.0e+00;
	vm13 =	vlt.f32 v4, $0.0e+00;
	vm8 =	vgt.f32 v4, $0.0e+00  }
0x189: {  	v7 =	vld [tilespmem:s22+$0x48A0];
	[tilespmem:s22+$0x140B0] =	vst v52;
	v4 =	vsel vm1, $0x3F800000, v3;
	v55 =	vsel vm3, $0x3F800000, v3;
	vm5 =	vmor vm14, vm12  }
0x18a: {  	[tilespmem:s22+$0x14880] =	vst v48;
	vm12 =	vgt.f32 v5, $0.0e+00;
	vm14 =	vgt.f32 v45, $0.0e+00;
	vm9 =	vmor vm8, vm13  }
0x18b: {  	v43 =	vld [tilespmem:s22+$0x40F0];
	[tilespmem:s22+$0x140C0] =	vst v53;
	vm13 =	vlt.f32 v47, $0.0e+00;
	vm8 =	vgt.f32 v46, $0.0e+00;
	v58 =	vsel vm5, $0x3F800000, v3  }
0x18c: {  	v51 =	vld [tilespmem:s22+$0x4890];
	[tilespmem:s22+$0x140D0] =	vst v4;
	v57 =	vsel vm9, $0x3F800000, v3;
	vm2 =	vmor vm10, vm13;
	vm9 =	vgt.f32 v49, $0.0e+00  }
0x18d: {  	v6 =	vld [tilespmem:s22+$0x40A0];
	[tilespmem:s22+$0x14490] =	vst v55;
	vm1 =	vmor vm8, vm11;
	vm10 =	vlt.f32 v9, $0.0e+00;
	vm11 =	vlt.f32 v5, $0.0e+00  }
0x18e: {  	vm13 =	vgt.f32 v9, $0.0e+00;
	[tilespmem:s22+$0x144F0] =	vst v58;
	vm8 =	vlt.f32 v7, $0.0e+00;
	vm4 =	vmor vm9, vm15  }
0x18f: {  	[tilespmem:s22+$0x140E0] =	vst v57;
	v60 =	vsel vm1, $0x3F800000, v3;
	vm1 =	vmor vm12, vm11;
	vm3 =	vmor vm13, vm10  }
0x190: {  	vm15 =	vlt.f32 v45, $0.0e+00;
	vm9 =	vgt.f32 v7, $0.0e+00;
	v7 =	vsel vm0, $0x3F800000, v3;
	[tilespmem:s22+$0x144B0] =	vst v60  }
0x191: {  	v44 =	vld [tilespmem:s22+$0x4480];
	vm10 =	vlt.f32 v43, $0.0e+00;
	vm11 =	vlt.f32 v51, $0.0e+00;
	v63 =	vsel vm2, $0x3F800000, v3;
	[tilespmem:s22+$0x14080] =	vst v7  }
0x192: {  	v4 =	vld [tilespmem:s22+$0x48D0];
	vm12 =	vgt.f32 v51, $0.0e+00;
	vm13 =	vlt.f32 v6, $0.0e+00;
	v61 =	vsel vm3, $0x3F800000, v3;
	[tilespmem:s22+$0x144D0] =	vst v63  }
0x193: {  	v5 =	vsel vm4, $0x3F800000, v3;
	vm4 =	vmor vm14, vm15;
	vm3 =	vmor vm9, vm8;
	[tilespmem:s22+$0x14090] =	vst v61  }
0x194: {  	v54 =	vld [tilespmem:s22+$0x48B0];
	vm14 =	vgt.f32 v6, $0.0e+00;
	vm8 =	vgt.f32 v43, $0.0e+00;
	v62 =	vsel vm4, $0x3F800000, v3;
	[tilespmem:s22+$0x144E0] =	vst v5  }
0x195: {  	v56 =	vld [tilespmem:s22+$0x48C0];
	v7 =	vsel vm3, $0x3F800000, v3;
	vm3 =	vmor vm12, vm11;
	vm2 =	vmor vm14, vm13;
	[tilespmem:s22+$0x144A0] =	vst v62  }
0x196: {  	vm0 =	vmor vm8, vm10;
	vm10 =	vlt.f32 v44, $0.0e+00;
	[tilespmem:s22+$0x148A0] =	vst v7;
	v6 =	vsel vm3, $0x3F800000, v3  }
0x197: {  	vm11 =	vgt.f32 v44, $0.0e+00;
	vm15 =	vgt.f32 v4, $0.0e+00;
	v7 =	vsel vm2, $0x3F800000, v3;
	[tilespmem:s22+$0x14890] =	vst v6  }
0x198: {  	vm9 =	vlt.f32 v4, $0.0e+00;
	vm2 =	vmor vm11, vm10;
	v5 =	vsel vm0, $0x3F800000, v3;
	[tilespmem:s22+$0x140A0] =	vst v7  }
0x199: {  	vm12 =	vgt.f32 v54, $0.0e+00;
	vm3 =	vmor vm15, vm9;
	[tilespmem:s22+$0x140F0] =	vst v5;
	v5 =	vsel vm2, $0x3F800000, v3  }
0x19a: {  	vm14 =	vlt.f32 v56, $0.0e+00;
	vm15 =	vgt.f32 v56, $0.0e+00;
	v4 =	vsel vm3, $0x3F800000, v3;
	[tilespmem:s22+$0x14480] =	vst v5  }
0x19b: {  	vm13 =	vlt.f32 v54, $0.0e+00;
	vm0 =	vmor vm15, vm14;
	[tilespmem:s22+$0x148D0] =	vst v4;
	v4 =	vsel vm1, $0x3F800000, v3  }
0x19c: {  	vm7 =	vgt.f32 v59, $0.0e+00;
	vm3 =	vmor vm12, vm13;
	v5 =	vsel vm0, $0x3F800000, v3;
	[tilespmem:s22+$0x144C0] =	vst v4  }
0x19d: {  	vm1 =	vmor vm7, vm6;
	v4 =	vsel vm3, $0x3F800000, v3;
	[tilespmem:s22+$0x148C0] =	vst v5  }
0x19e: {  	s24 =	sor.u32 s24, s23;
	[tilespmem:s22+$0x148B0] =	vst v4;
	v4 =	vsel vm1, $0x3F800000, v3  }
0x19f: {  	s26 =	sor.u32 $0x4C00, s24;
	[tilespmem:s22+$0x148F0] =	vst v4  }
0x1a0: {  	v4 =	vld [tilespmem:s26+$0x80];
	_ =	sdelay $0x4  }
0x1a1: {  	vm8 =	vlt.f32 v4, $0.0e+00;
	vm9 =	vgt.f32 v4, $0.0e+00  }
0x1a2: {  	vm0 =	vmor vm9, vm8  }
0x1a3: {  	v4 =	vsel vm0, $0x3F800000, v3  }
0x1a4: {  	[tilespmem:s22+$0x14C80] =	vst v4  }
0x1a5: {  	v4 =	vld [tilespmem:s26+$0x90];
	_ =	sdelay $0x4  }
0x1a6: {  	vm10 =	vlt.f32 v4, $0.0e+00;
	vm11 =	vgt.f32 v4, $0.0e+00  }
0x1a7: {  	vm0 =	vmor vm11, vm10  }
0x1a8: {  	v4 =	vsel vm0, $0x3F800000, v3  }
0x1a9: {  	[tilespmem:s22+$0x14C90] =	vst v4  }
0x1aa: {  	v4 =	vld [tilespmem:s26+$0xA0];
	_ =	sdelay $0x4  }
0x1ab: {  	vm12 =	vlt.f32 v4, $0.0e+00;
	vm13 =	vgt.f32 v4, $0.0e+00  }
0x1ac: {  	vm0 =	vmor vm13, vm12  }
0x1ad: {  	v4 =	vsel vm0, $0x3F800000, v3  }
0x1ae: {  	[tilespmem:s22+$0x14CA0] =	vst v4  }
0x1af: {  	v4 =	vld [tilespmem:s26+$0xB0];
	_ =	sdelay $0x4  }
0x1b0: {  	vm14 =	vlt.f32 v4, $0.0e+00;
	vm15 =	vgt.f32 v4, $0.0e+00  }
0x1b1: {  	vm0 =	vmor vm15, vm14  }
0x1b2: {  	s24 =	simm.s32 $0x200;
	v4 =	vsel vm0, $0x3F800000, v3  }
.LBB2_4:
0x1b3: {  	[tilespmem:s22+$0x14CB0] =	vst v4  }
0x1b4: {  	v4 =	vld [tilespmem:s26+$0xC0];
	_ =	sdelay $0x4  }
0x1b5: {  	vm0 =	vlt.f32 v4, $0.0e+00;
	vm1 =	vgt.f32 v4, $0.0e+00  }
0x1b6: {  	vm0 =	vmor vm1, vm0  }
0x1b7: {  	v4 =	vsel vm0, $0x3F800000, v3  }
0x1b8: {  	[tilespmem:s22+$0x14CC0] =	vst v4  }
0x1b9: {  	v4 =	vld [tilespmem:s26+$0xD0];
	_ =	sdelay $0x4  }
0x1ba: {  	vm13 =	vlt.f32 v4, $0.0e+00;
	vm14 =	vgt.f32 v4, $0.0e+00  }
0x1bb: {  	vm0 =	vmor vm14, vm13  }
0x1bc: {  	s23 =	sadd.s32 $0x80, s23;
	s25 =	smov.u32 s24;
	v4 =	vsel vm0, $0x3F800000, v3  }
0x1bd: {  	s25 =	sand.u32 $0x3000, s25;
	s28 =	sand.u32 $0x380, s23;
	[tilespmem:s22+$0x14CD0] =	vst v4  }
0x1be: {  	s28 =	sor.u32 s28, s25;
	v4 =	vld [tilespmem:s26+$0xE0]  }
0x1bf: {  	v5 =	vld [tilespmem:s28+$0x48E0]  }
0x1c0: {  	v6 =	vld [tilespmem:s28+$0x4880]  }
0x1c1: {  	v7 =	vld [tilespmem:s28+$0x40C0]  }
0x1c2: {  	v8 =	vld [tilespmem:s28+$0x40D0]  }
0x1c3: {  	v9 =	vld [tilespmem:s28+$0x40B0];
	vm15 =	vlt.f32 v4, $0.0e+00;
	vm4 =	vgt.f32 v4, $0.0e+00  }
0x1c4: {  	v11 =	vld [tilespmem:s28+$0x4080];
	vm0 =	vmor vm4, vm15  }
0x1c5: {  	v10 =	vld [tilespmem:s28+$0x4090];
	v4 =	vsel vm0, $0x3F800000, v3  }
0x1c6: {  	vm5 =	vlt.f32 v5, $0.0e+00;
	vm2 =	vgt.f32 v5, $0.0e+00;
	v5 =	vld [tilespmem:s28+$0x40E0];
	[tilespmem:s22+$0x14CE0] =	vst v4  }
0x1c7: {  	v16 =	vimm.s32 $0x0;
	vm1 =	vmor vm2, vm5;
	v12 =	vld [tilespmem:s26+$0xF0]  }
0x1c8: {  	vm6 =	vlt.f32 v6, $0.0e+00;
	vm7 =	vgt.f32 v6, $0.0e+00;
	v6 =	vsel vm1, $0x3F800000, v3;
	v4 =	vld [tilespmem:s28+$0x40F0]  }
0x1c9: {  	vm8 =	vlt.f32 v9, $0.0e+00;
	vm3 =	vgt.f32 v8, $0.0e+00;
	vm9 =	vlt.f32 v11, $0.0e+00;
	[tilespmem:s28+$0x148E0] =	vst v6;
	v6 =	vld [tilespmem:s28+$0x4480]  }
0x1ca: {  	vm10 =	vgt.f32 v9, $0.0e+00;
	vm4 =	vgt.f32 v7, $0.0e+00;
	vm5 =	vgt.f32 v11, $0.0e+00;
	v50 =	vld [tilespmem:s28+$0x4490]  }
0x1cb: {  	vm0 =	vmor vm7, vm6;
	vm1 =	vmor vm10, vm8;
	vm6 =	vlt.f32 v7, $0.0e+00;
	v7 =	vld [tilespmem:s28+$0x44A0]  }
0x1cc: {  	vm2 =	vmor vm5, vm9;
	vm8 =	vlt.f32 v8, $0.0e+00;
	vm5 =	vgt.f32 v10, $0.0e+00;
	v14 =	vld [tilespmem:s28+$0x44B0]  }
0x1cd: {  	v13 =	vsel vm0, $0x3F800000, v3;
	v51 =	vsel vm1, $0x3F800000, v3;
	vm11 =	vmor vm4, vm6;
	v52 =	vld [tilespmem:s28+$0x44C0]  }
0x1ce: {  	vm4 =	vlt.f32 v10, $0.0e+00;
	v53 =	vld [tilespmem:s28+$0x44D0];
	vm9 =	vlt.f32 v5, $0.0e+00;
	vm10 =	vgt.f32 v5, $0.0e+00  }
0x1cf: {  	vm3 =	vmor vm3, vm8;
	v63 =	vsel vm2, $0x3F800000, v3;
	v54 =	vld [tilespmem:s28+$0x44F0];
	vm15 =	vmor vm10, vm9  }
0x1d0: {  	v15 =	vsel vm11, $0x3F800000, v3;
	v55 =	vld [tilespmem:s28+$0x40A0];
	v56 =	vsel vm3, $0x3F800000, v3;
	v20 =	vsel vm15, $0x3F800000, v3  }
0x1d1: {  	v5 =	vld [tilespmem:s28+$0x44E0];
	vm12 =	vlt.f32 v4, $0.0e+00;
	vm7 =	vlt.f32 v12, $0.0e+00;
	vm14 =	vgt.f32 v12, $0.0e+00  }
0x1d2: {  	v18 =	vld [tilespmem:s28+$0x4890];
	vm11 =	vgt.f32 v50, $0.0e+00;
	v16 =	vsel vm12, $0xFFFFFFFF, v16;
	vm7 =	vmor vm14, vm7  }
0x1d3: {  	vm1 =	vlt.f32 v6, $0.0e+00;
	vm3 =	vgt.f32 v6, $0.0e+00;
	v6 =	vld [tilespmem:s28+$0x48A0];
	[tilespmem:$0x1FDD0] =	vst v16;
	v19 =	vsel vm7, $0x3F800000, v3  }
0x1d4: {  	vm6 =	vgt.f32 v7, $0.0e+00;
	vm8 =	vlt.f32 v7, $0.0e+00;
	v7 =	vld [tilespmem:s28+$0x48B0];
	vm10 =	vlt.f32 v14, $0.0e+00;
	[tilespmem:s22+$0x14CF0] =	vst v19;
	s22 =	smov.u32 s28  }
0x1d5: {  	vm9 =	vlt.f32 v54, $0.0e+00;
	vm15 =	vlt.f32 v52, $0.0e+00;
	vm12 =	vlt.f32 v50, $0.0e+00;
	[tilespmem:s22+$0x14880] =	vst v13  }
0x1d6: {  	vm14 =	vgt.f32 v54, $0.0e+00;
	vm0 =	vgt.f32 v5, $0.0e+00;
	vm13 =	vmor vm11, vm12;
	[tilespmem:s22+$0x140D0] =	vst v56  }
0x1d7: {  	vm7 =	vgt.f32 v53, $0.0e+00;
	vm11 =	vlt.f32 v5, $0.0e+00;
	vm12 =	vgt.f32 v14, $0.0e+00;
	[tilespmem:s22+$0x140E0] =	vst v20  }
0x1d8: {  	vm14 =	vmor vm14, vm9;
	vm9 =	vgt.f32 v52, $0.0e+00;
	v17 =	vsel vm13, $0x3F800000, v3;
	[tilespmem:s22+$0x140C0] =	vst v15  }
0x1d9: {  	vm13 =	vlt.f32 v53, $0.0e+00;
	v59 =	vsel vm14, $0x3F800000, v3;
	vm12 =	vmor vm12, vm10;
	[tilespmem:s22+$0x140B0] =	vst v51  }
0x1da: {  	vm0 =	vmor vm0, vm11;
	vm13 =	vmor vm7, vm13;
	v60 =	vsel vm12, $0x3F800000, v3;
	[tilespmem:s22+$0x144F0] =	vst v59  }
0x1db: {  	vm7 =	vmor vm9, vm15;
	v61 =	vsel vm0, $0x3F800000, v3;
	vm15 =	vmor vm5, vm4;
	[tilespmem:s22+$0x14490] =	vst v17  }
0x1dc: {  	vm9 =	vmor vm6, vm8;
	vm0 =	vlt.f32 v55, $0.0e+00;
	[tilespmem:s22+$0x14080] =	vst v63;
	vm12 =	vlt.f32 v18, $0.0e+00  }
0x1dd: {  	v58 =	vld [tilespmem:s22+$0x48D0];
	vm14 =	vlt.f32 v6, $0.0e+00;
	vm11 =	vgt.f32 v6, $0.0e+00;
	v6 =	vsel vm15, $0x3F800000, v3;
	[tilespmem:s22+$0x144B0] =	vst v60  }
0x1de: {  	v5 =	vld [tilespmem:s22+$0x48F0];
	v62 =	vsel vm9, $0x3F800000, v3;
	[tilespmem:s22+$0x144E0] =	vst v61;
	vm5 =	vmor vm11, vm14;
	vm14 =	vgt.f32 v18, $0.0e+00  }
0x1df: {  	vm4 =	vgt.f32 v7, $0.0e+00;
	[tilespmem:s22+$0x14090] =	vst v6;
	v6 =	vsel vm5, $0x3F800000, v3;
	vm9 =	vmor vm14, vm12  }
0x1e0: {  	vm15 =	vgt.f32 v55, $0.0e+00;
	[tilespmem:s22+$0x148A0] =	vst v6;
	v6 =	vsel vm9, $0x3F800000, v3;
	vm9 =	vgt.f32 v4, $0.0e+00;
	v4 =	vld [tilespmem:$0x1FDD0]  }
0x1e1: {  	vm2 =	vlt.f32 v7, $0.0e+00;
	v7 =	vsel vm13, $0x3F800000, v3;
	[tilespmem:s22+$0x144A0] =	vst v62;
	vm0 =	vmor vm15, vm0  }
0x1e2: {  	vm1 =	vmor vm3, vm1;
	v57 =	vld [tilespmem:s22+$0x48C0];
	[tilespmem:s22+$0x144D0] =	vst v7;
	v7 =	vsel vm0, $0x3F800000, v3  }
0x1e3: {  	[tilespmem:s22+$0x140A0] =	vst v7;
	vm6 =	vgt.f32 v58, $0.0e+00;
	vm8 =	vlt.f32 v5, $0.0e+00;
	vm10 =	vlt.f32 v58, $0.0e+00  }
0x1e4: {  	[tilespmem:s22+$0x14890] =	vst v6;
	vm12 =	vgt.f32 v5, $0.0e+00;
	v6 =	vsel vm1, $0x3F800000, v3;
	vm3 =	vmor vm6, vm10  }
0x1e5: {  	vm13 =	vmor vm12, vm8;
	[tilespmem:s22+$0x14480] =	vst v6;
	v5 =	vsel vm3, $0x3F800000, v3;
	vm11 =	vnez.u8 v4  }
0x1e6: {  	[tilespmem:s22+$0x148D0] =	vst v5;
	v5 =	vsel vm13, $0x3F800000, v3;
	vm0 =	vmor vm9, vm11  }
0x1e7: {  	vm14 =	vlt.f32 v57, $0.0e+00;
	[tilespmem:s22+$0x148F0] =	vst v5;
	v4 =	vsel vm0, $0x3F800000, v3  }
0x1e8: {  	vm15 =	vgt.f32 v57, $0.0e+00;
	vm6 =	vmor vm4, vm2;
	[tilespmem:s22+$0x140F0] =	vst v4;
	v4 =	vsel vm7, $0x3F800000, v3  }
0x1e9: {  	vm7 =	vmor vm15, vm14;
	[tilespmem:s22+$0x144C0] =	vst v4;
	v4 =	vsel vm6, $0x3F800000, v3  }
0x1ea: {  	s25 =	sor.u32 s25, s23;
	v7 =	vsel vm7, $0x3F800000, v3;
	[tilespmem:s22+$0x148B0] =	vst v4  }
0x1eb: {  	s26 =	sor.u32 $0x4C00, s25;
	[tilespmem:s22+$0x148C0] =	vst v7  }
0x1ec: {  	v4 =	vld [tilespmem:s26+$0x80];
	_ =	sdelay $0x4  }
0x1ed: {  	vm8 =	vlt.f32 v4, $0.0e+00;
	vm9 =	vgt.f32 v4, $0.0e+00  }
0x1ee: {  	vm0 =	vmor vm9, vm8  }
0x1ef: {  	v4 =	vsel vm0, $0x3F800000, v3  }
0x1f0: {  	[tilespmem:s22+$0x14C80] =	vst v4  }
0x1f1: {  	v4 =	vld [tilespmem:s26+$0x90];
	_ =	sdelay $0x4  }
0x1f2: {  	vm10 =	vlt.f32 v4, $0.0e+00;
	vm11 =	vgt.f32 v4, $0.0e+00  }
0x1f3: {  	vm0 =	vmor vm11, vm10  }
0x1f4: {  	v4 =	vsel vm0, $0x3F800000, v3  }
0x1f5: {  	[tilespmem:s22+$0x14C90] =	vst v4  }
0x1f6: {  	v4 =	vld [tilespmem:s26+$0xA0];
	_ =	sdelay $0x4  }
0x1f7: {  	vm12 =	vlt.f32 v4, $0.0e+00;
	vm13 =	vgt.f32 v4, $0.0e+00  }
0x1f8: {  	vm0 =	vmor vm13, vm12  }
0x1f9: {  	v4 =	vsel vm0, $0x3F800000, v3  }
0x1fa: {  	[tilespmem:s22+$0x14CA0] =	vst v4  }
0x1fb: {  	v4 =	vld [tilespmem:s26+$0xB0];
	_ =	sdelay $0x1  }
0x1fc: {  	p0 =	sne.s32 s24, $0x3E00  }
.Ltmp1:
0x1fd: {  	_ = 	snop;
	(pc) =	sbr.rel @p0 .LBB2_4-.Ltmp1, $4  }
0x1fe: {  	_ = 	snop  }
0x1ff: {  	vm14 =	vlt.f32 v4, $0.0e+00;
	vm15 =	vgt.f32 v4, $0.0e+00  }
0x200: {  	vm0 =	vmor vm15, vm14  }
0x201: {  	s24 =	sadd.s32 $0x200, s24;
	v4 =	vsel vm0, $0x3F800000, v3  }
0x202: {  	[tilespmem:s22+$0x14CB0] =	vst v4  }
0x203: {  	v4 =	vld [tilespmem:s26+$0xC0];
	_ =	sdelay $0x4  }
0x204: {  	vm0 =	vlt.f32 v4, $0.0e+00;
	vm1 =	vgt.f32 v4, $0.0e+00  }
0x205: {  	vm0 =	vmor vm1, vm0  }
0x206: {  	v4 =	vsel vm0, $0x3F800000, v3  }
0x207: {  	[tilespmem:s22+$0x14CC0] =	vst v4  }
0x208: {  	v4 =	vld [tilespmem:s26+$0xD0];
	_ =	sdelay $0x4  }
0x209: {  	vm0 =	vlt.f32 v4, $0.0e+00;
	vm1 =	vgt.f32 v4, $0.0e+00  }
0x20a: {  	vm0 =	vmor vm1, vm0  }
0x20b: {  	v4 =	vsel vm0, $0x3F800000, v3  }
0x20c: {  	[tilespmem:s22+$0x14CD0] =	vst v4  }
0x20d: {  	v4 =	vld [tilespmem:s26+$0xE0];
	_ =	sdelay $0x4  }
0x20e: {  	vm0 =	vlt.f32 v4, $0.0e+00;
	vm1 =	vgt.f32 v4, $0.0e+00  }
0x20f: {  	vm0 =	vmor vm1, vm0  }
0x210: {  	v4 =	vsel vm0, $0x3F800000, v3  }
0x211: {  	[tilespmem:s22+$0x14CE0] =	vst v4  }
0x212: {  	v4 =	vld [tilespmem:s26+$0xF0];
	_ =	sdelay $0x4  }
0x213: {  	vm0 =	vlt.f32 v4, $0.0e+00;
	vm1 =	vgt.f32 v4, $0.0e+00  }
0x214: {  	vm0 =	vmor vm1, vm0  }
0x215: {  	v4 =	vsel vm0, $0x3F800000, v3  }
0x216: {  	s28 =	simm.s32 $0x0;
	[tilespmem:s22+$0x14CF0] =	vst v4  }
0x217: {  	[hbm4b:s9+s28] =	stream.linear.scatter [tilespmem:s0], [sflag:$0x6], $0x4000, $0x38;
	[tilespmem:$0x18080] =	vst v63  }
0x218: {  	_ =	swait.ge [sflag:s16], $0x8000  }
0x219: {  	[sflag:s16] =	ssyncset.done $0x0  }
0x21a: {  	[sflag:s16] =	ssyncadd.s32 $0xFFFF8000  }
0x21b: {  	[hbm4b:s10+s28] =	stream.linear.scatter [tilespmem:s1], [sflag:$0x4], $0x8000, $0x38;
	[tilespmem:$0x18080] =	vst v63  }
0x21c: {  	_ =	swait.ge [sflag:s17], $0x4000  }
0x21d: {  	s23 =	sand.u32 $0x3000, s28;
	s22 =	sand.u32 $0x380, s28;
	[sflag:s17] =	ssyncset.done $0x0  }
0x21e: {  	s22 =	sor.u32 s22, s23;
	[sflag:s17] =	ssyncadd.s32 $0xFFFFC000  }
0x21f: {  	v4 =	vld [tilespmem:s22+$0x8CF0]  }
0x220: {  	v5 =	vld [tilespmem:s22+$0x8080]  }
0x221: {  	v6 =	vld [tilespmem:s22+$0x8090]  }
0x222: {  	v8 =	vld [tilespmem:s22+$0x80B0]  }
0x223: {  	v7 =	vld [tilespmem:s22+$0x80A0]  }
0x224: {  	v11 =	vimm.s32 $0x0  }
0x225: {  	vm0 =	vlt.f32 v4, $0.0e+00;
	vm1 =	vgt.f32 v4, $0.0e+00;
	vm2 =	vlt.f32 v5, $0.0e+00  }
0x226: {  	v9 =	vld [tilespmem:s22+$0x80C0];
	vm3 =	vgt.f32 v5, $0.0e+00;
	vm4 =	vlt.f32 v6, $0.0e+00;
	vm5 =	vgt.f32 v6, $0.0e+00  }
0x227: {  	vm0 =	vmor vm1, vm0;
	vm1 =	vmor vm5, vm4;
	vm4 =	vgt.f32 v8, $0.0e+00  }
0x228: {  	v4 =	vld [tilespmem:s22+$0x80D0];
	v6 =	vsel vm0, $0x3F800000, v3;
	vm0 =	vmor vm3, vm2;
	vm2 =	vgt.f32 v7, $0.0e+00  }
0x229: {  	vm3 =	vlt.f32 v8, $0.0e+00;
	v8 =	vimm.s32 $0x0;
	v11 =	vsel vm0, $0xFFFFFFFF, v11  }
0x22a: {  	v5 =	vld [tilespmem:s22+$0x80E0];
	vm0 =	vlt.f32 v7, $0.0e+00;
	[tilespmem:s22+$0x10CF0] =	vst v6;
	v6 =	vimm.s32 $0x0;
	v7 =	vimm.s32 $0x0  }
0x22b: {  	v10 =	vld [tilespmem:s22+$0x80F0];
	v6 =	vsel vm1, $0xFFFFFFFF, v6;
	vm0 =	vmor vm2, vm0;
	vm2 =	vgt.f32 v9, $0.0e+00  }
0x22c: {  	vm1 =	vmor vm4, vm3;
	v7 =	vsel vm0, $0xFFFFFFFF, v7;
	vm0 =	vlt.f32 v9, $0.0e+00  }
0x22d: {  	[tilespmem:$0x1FD10] =	vst v6;
	v8 =	vsel vm1, $0xFFFFFFFF, v8;
	vm3 =	vlt.f32 v4, $0.0e+00;
	vm4 =	vgt.f32 v4, $0.0e+00  }
0x22e: {  	v6 =	vld [tilespmem:s22+$0x8480];
	v9 =	vimm.s32 $0x0;
	[tilespmem:$0x1FD30] =	vst v8;
	vm0 =	vmor vm2, vm0;
	v8 =	vimm.s32 $0x0  }
0x22f: {  	vm2 =	vgt.f32 v5, $0.0e+00;
	v8 =	vsel vm0, $0xFFFFFFFF, v8;
	vm0 =	vlt.f32 v5, $0.0e+00  }
0x230: {  	[tilespmem:$0x1FD20] =	vst v7;
	v7 =	vld [tilespmem:s22+$0x8490];
	vm1 =	vmor vm4, vm3;
	vm3 =	vlt.f32 v10, $0.0e+00;
	vm0 =	vmor vm2, vm0  }
0x231: {  	vm4 =	vgt.f32 v10, $0.0e+00;
	[tilespmem:$0x1FD40] =	vst v8;
	v8 =	vimm.s32 $0x0;
	v9 =	vsel vm0, $0xFFFFFFFF, v9  }
0x232: {  	v4 =	vld [tilespmem:s22+$0x84A0];
	v8 =	vsel vm1, $0xFFFFFFFF, v8;
	vm1 =	vmor vm4, vm3;
	[tilespmem:$0x1FD60] =	vst v9;
	v9 =	vimm.s32 $0x0  }
0x233: {  	vm0 =	vlt.f32 v6, $0.0e+00;
	vm2 =	vgt.f32 v6, $0.0e+00;
	v9 =	vsel vm1, $0xFFFFFFFF, v9  }
0x234: {  	v5 =	vld [tilespmem:s22+$0x84B0];
	vm0 =	vmor vm2, vm0;
	[tilespmem:$0x1FD70] =	vst v9;
	v9 =	vimm.s32 $0x0  }
0x235: {  	[tilespmem:$0x1FD50] =	vst v8;
	v8 =	vld [tilespmem:s22+$0x84C0];
	vm3 =	vlt.f32 v7, $0.0e+00;
	vm4 =	vgt.f32 v7, $0.0e+00;
	v9 =	vsel vm0, $0xFFFFFFFF, v9  }
0x236: {  	v6 =	vld [tilespmem:s22+$0x84D0];
	vm1 =	vmor vm4, vm3;
	[tilespmem:$0x1FD80] =	vst v9;
	v9 =	vimm.s32 $0x0  }
0x237: {  	vm2 =	vgt.f32 v4, $0.0e+00;
	vm0 =	vlt.f32 v4, $0.0e+00;
	v9 =	vsel vm1, $0xFFFFFFFF, v9  }
0x238: {  	v7 =	vld [tilespmem:s22+$0x84E0];
	vm0 =	vmor vm2, vm0;
	[tilespmem:$0x1FD90] =	vst v9;
	v9 =	vimm.s32 $0x0  }
0x239: {  	vm3 =	vlt.f32 v5, $0.0e+00;
	vm4 =	vgt.f32 v5, $0.0e+00;
	v9 =	vsel vm0, $0xFFFFFFFF, v9  }
0x23a: {  	v4 =	vld [tilespmem:s22+$0x84F0];
	vm2 =	vgt.f32 v8, $0.0e+00;
	vm1 =	vmor vm4, vm3;
	[tilespmem:$0x1FDA0] =	vst v9;
	v9 =	vimm.s32 $0x0  }
0x23b: {  	vm3 =	vlt.f32 v6, $0.0e+00;
	vm0 =	vlt.f32 v8, $0.0e+00;
	v9 =	vsel vm1, $0xFFFFFFFF, v9  }
0x23c: {  	v5 =	vld [tilespmem:s22+$0x8880];
	vm4 =	vgt.f32 v6, $0.0e+00;
	vm0 =	vmor vm2, vm0;
	[tilespmem:$0x1FDB0] =	vst v9;
	v9 =	vimm.s32 $0x0  }
0x23d: {  	v6 =	vld [tilespmem:s22+$0x88A0];
	vm2 =	vgt.f32 v7, $0.0e+00;
	v9 =	vsel vm0, $0xFFFFFFFF, v9;
	vm0 =	vlt.f32 v7, $0.0e+00  }
0x23e: {  	v8 =	vld [tilespmem:s22+$0x8890];
	v7 =	vimm.s32 $0x0;
	vm0 =	vmor vm2, vm0  }
0x23f: {  	[tilespmem:$0x1FDC0] =	vst v9;
	v9 =	vld [tilespmem:s22+$0x88B0];
	vm2 =	vgt.f32 v4, $0.0e+00;
	v7 =	vsel vm0, $0xFFFFFFFF, v7;
	vm0 =	vlt.f32 v4, $0.0e+00  }
0x240: {  	v10 =	vld [tilespmem:s22+$0x88D0];
	vm3 =	vmor vm4, vm3;
	v4 =	vimm.s32 $0x0;
	vm0 =	vmor vm2, vm0  }
0x241: {  	vm4 =	vlt.f32 v5, $0.0e+00;
	vm5 =	vgt.f32 v5, $0.0e+00;
	[tilespmem:$0x1FCB0] =	vst v7;
	v7 =	vld [tilespmem:s22+$0x88C0];
	v4 =	vsel vm0, $0xFFFFFFFF, v4  }
0x242: {  	vm4 =	vmor vm5, vm4;
	vm6 =	vlt.f32 v6, $0.0e+00;
	[tilespmem:$0x1FCC0] =	vst v4;
	v4 =	vld [tilespmem:s22+$0x88E0]  }
0x243: {  	vm7 =	vgt.f32 v6, $0.0e+00;
	vm2 =	vgt.f32 v8, $0.0e+00;
	vm0 =	vlt.f32 v8, $0.0e+00  }
0x244: {  	vm5 =	vmor vm2, vm0;
	vm0 =	vlt.f32 v9, $0.0e+00;
	vm2 =	vgt.f32 v9, $0.0e+00  }
0x245: {  	v6 =	vld [tilespmem:s22+$0x8C80];
	vm6 =	vmor vm7, vm6;
	vm10 =	vmor vm2, vm0;
	vm0 =	vlt.f32 v10, $0.0e+00  }
0x246: {  	v5 =	vld [tilespmem:s22+$0x88F0];
	vm2 =	vgt.f32 v10, $0.0e+00;
	vm8 =	vlt.f32 v7, $0.0e+00;
	vm9 =	vgt.f32 v7, $0.0e+00  }
0x247: {  	v8 =	vld [tilespmem:s22+$0x8C90];
	vm8 =	vmor vm9, vm8;
	vm9 =	vlt.f32 v4, $0.0e+00;
	vm11 =	vgt.f32 v4, $0.0e+00  }
0x248: {  	v7 =	vld [tilespmem:s22+$0x8CA0];
	vm7 =	vmor vm2, vm0;
	v4 =	vimm.s32 $0x0;
	vm0 =	vmor vm11, vm9  }
0x249: {  	v9 =	vld [tilespmem:s22+$0x8CB0];
	v4 =	vsel vm0, $0xFFFFFFFF, v4  }
0x24a: {  	vm12 =	vlt.f32 v6, $0.0e+00;
	vm13 =	vgt.f32 v6, $0.0e+00;
	[tilespmem:$0x1FCD0] =	vst v4;
	v4 =	vld [tilespmem:s22+$0x8CC0]  }
0x24b: {  	v10 =	vld [tilespmem:s22+$0x8CD0];
	vm2 =	vgt.f32 v5, $0.0e+00;
	vm9 =	vmor vm13, vm12;
	vm0 =	vlt.f32 v5, $0.0e+00  }
0x24c: {  	vm11 =	vmor vm2, vm0;
	vm0 =	vlt.f32 v8, $0.0e+00;
	vm2 =	vgt.f32 v8, $0.0e+00  }
0x24d: {  	v5 =	vld [tilespmem:s22+$0x8CE0];
	vm14 =	vlt.f32 v7, $0.0e+00;
	vm15 =	vgt.f32 v7, $0.0e+00;
	vm13 =	vmor vm2, vm0  }
0x24e: {  	vm0 =	vmor vm15, vm14;
	vm15 =	vlt.f32 v9, $0.0e+00;
	vm14 =	vgt.f32 v9, $0.0e+00  }
0x24f: {  	vm15 =	vmor vm14, vm15;
	vm1 =	vlt.f32 v4, $0.0e+00;
	vm2 =	vgt.f32 v4, $0.0e+00  }
0x250: {  	v4 =	vimm.s32 $0x0;
	vm14 =	vmor vm2, vm1;
	vm1 =	vlt.f32 v10, $0.0e+00  }
0x251: {  	v4 =	vsel vm1, $0xFFFFFFFF, v4  }
0x252: {  	vm1 =	vlt.f32 v5, $0.0e+00;
	[tilespmem:$0x1FCF0] =	vst v4;
	v4 =	vimm.s32 $0x0  }
0x253: {  	[tilespmem:$0x1FCE0] =	vst v11;
	v4 =	vsel vm1, $0xFFFFFFFF, v4  }
0x254: {  	[tilespmem:$0x1FD00] =	vst v4;
	v4 =	vld [tilespmem:$0x1FCE0]  }
0x255: {  	vm1 =	vgt.f32 v5, $0.0e+00;
	v5 =	vld [tilespmem:$0x1FCF0];
	_ =	sdelay $0x3  }
0x256: {  	vm12 =	vnez.u8 v4  }
0x257: {  	v4 =	vsel vm12, $0x3F800000, v3;
	vm12 =	vnez.u8 v5;
	v5 =	vld [tilespmem:$0x1FD00];
	_ =	sdelay $0x3  }
0x258: {  	vm2 =	vgt.f32 v10, $0.0e+00  }
0x259: {  	vm2 =	vmor vm2, vm12;
	vm12 =	vnez.u8 v5;
	v5 =	vld [tilespmem:$0x1FD10]  }
0x25a: {  	v6 =	vld [tilespmem:$0x1FD20]  }
0x25b: {  	v7 =	vld [tilespmem:$0x1FD30]  }
0x25c: {  	[tilespmem:s22+$0x10080] =	vst v4;
	v4 =	vld [tilespmem:$0x1FD40];
	_ =	sdelay $0x1  }
0x25d: {  	vm1 =	vmor vm1, vm12;
	vm12 =	vnez.u8 v5  }
0x25e: {  	v5 =	vsel vm12, $0x3F800000, v3;
	vm12 =	vnez.u8 v6  }
0x25f: {  	v6 =	vsel vm12, $0x3F800000, v3;
	vm12 =	vnez.u8 v7  }
0x260: {  	v13 =	vsel vm12, $0x3F800000, v3;
	vm12 =	vnez.u8 v4;
	v4 =	vld [tilespmem:$0x1FD50];
	_ =	sdelay $0x4  }
0x261: {  	v12 =	vsel vm12, $0x3F800000, v3;
	vm12 =	vnez.u8 v4;
	v4 =	vld [tilespmem:$0x1FD60];
	_ =	sdelay $0x4  }
0x262: {  	v11 =	vsel vm12, $0x3F800000, v3;
	vm12 =	vnez.u8 v4;
	v4 =	vld [tilespmem:$0x1FD70];
	_ =	sdelay $0x4  }
0x263: {  	v10 =	vsel vm12, $0x3F800000, v3;
	vm12 =	vnez.u8 v4;
	v4 =	vld [tilespmem:$0x1FD80];
	_ =	sdelay $0x4  }
0x264: {  	v9 =	vsel vm12, $0x3F800000, v3;
	vm12 =	vnez.u8 v4;
	v4 =	vld [tilespmem:$0x1FD90]  }
0x265: {  	[tilespmem:s22+$0x10090] =	vst v5;
	v5 =	vld [tilespmem:$0x1FDA0];
	_ =	sdelay $0x3  }
0x266: {  	v8 =	vsel vm12, $0x3F800000, v3;
	vm12 =	vnez.u8 v4  }
0x267: {  	v4 =	vsel vm12, $0x3F800000, v3;
	vm12 =	vnez.u8 v5;
	v5 =	vld [tilespmem:$0x1FDB0];
	_ =	sdelay $0x4  }
0x268: {  	v7 =	vsel vm12, $0x3F800000, v3;
	vm12 =	vnez.u8 v5;
	v5 =	vld [tilespmem:$0x1FDC0];
	_ =	sdelay $0x4  }
0x269: {  	s24 =	simm.s32 $0x200;
	s23 =	simm.s32 $0x80;
	[tilespmem:s22+$0x100A0] =	vst v6;
	v6 =	vsel vm12, $0x3F800000, v3;
	vm12 =	vnez.u8 v5  }
0x26a: {  	s25 =	sand.u32 $0x3000, s24;
	s24 =	simm.s32 $0x400;
	s26 =	sand.u32 $0x380, s23;
	[tilespmem:s22+$0x100B0] =	vst v13;
	v5 =	vsel vm12, $0x3F800000, v3  }
.LBB2_6:
0x26b: {  	v13 =	vld [tilespmem:$0x1FCB0]  }
0x26c: {  	s25 =	sor.u32 s26, s25;
	[tilespmem:s22+$0x100C0] =	vst v12;
	v14 =	vld [tilespmem:$0x1FCC0]  }
0x26d: {  	v15 =	vld [tilespmem:s25+$0x8CF0];
	[tilespmem:s22+$0x100D0] =	vst v11  }
0x26e: {  	v18 =	vld [tilespmem:s25+$0x8080];
	[tilespmem:s22+$0x100E0] =	vst v10  }
0x26f: {  	v21 =	vld [tilespmem:s25+$0x8090]  }
0x270: {  	[tilespmem:s22+$0x100F0] =	vst v9;
	v9 =	vld [tilespmem:$0x1FCD0]  }
0x271: {  	v12 =	vsel vm3, $0x3F800000, v3;
	v25 =	vsel vm0, $0x3F800000, v3;
	v29 =	vsel vm2, $0x3F800000, v3;
	v24 =	vld [tilespmem:s25+$0x80A0];
	[tilespmem:s22+$0x10480] =	vst v8  }
0x272: {  	v11 =	vsel vm4, $0x3F800000, v3;
	vm3 =	vnez.u8 v13;
	v27 =	vld [tilespmem:s25+$0x80B0];
	[tilespmem:s22+$0x10490] =	vst v4;
	v4 =	vsel vm1, $0x3F800000, v3  }
0x273: {  	v13 =	vsel vm3, $0x3F800000, v3;
	vm3 =	vnez.u8 v14;
	vm0 =	vlt.f32 v15, $0.0e+00  }
0x274: {  	vm1 =	vgt.f32 v15, $0.0e+00;
	v14 =	vsel vm3, $0x3F800000, v3;
	vm2 =	vlt.f32 v18, $0.0e+00  }
0x275: {  	v30 =	vld [tilespmem:s25+$0x80C0];
	[tilespmem:s22+$0x104A0] =	vst v7;
	vm0 =	vmor vm1, vm0;
	vm3 =	vnez.u8 v9;
	vm1 =	vlt.f32 v21, $0.0e+00  }
0x276: {  	v7 =	vld [tilespmem:s25+$0x80D0];
	[tilespmem:s22+$0x104B0] =	vst v6;
	vm4 =	vgt.f32 v21, $0.0e+00;
	v15 =	vsel vm0, $0x3F800000, v3;
	v9 =	vsel vm3, $0x3F800000, v3  }
0x277: {  	vm3 =	vgt.f32 v18, $0.0e+00;
	[tilespmem:s25+$0x10CF0] =	vst v15;
	vm1 =	vmor vm4, vm1;
	v15 =	vimm.s32 $0x0  }
0x278: {  	v6 =	vld [tilespmem:s25+$0x80E0];
	[tilespmem:s22+$0x104C0] =	vst v5;
	v5 =	vimm.s32 $0x0;
	vm0 =	vmor vm3, vm2;
	v15 =	vsel vm1, $0xFFFFFFFF, v15  }
0x279: {  	v5 =	vsel vm0, $0xFFFFFFFF, v5;
	[tilespmem:$0x1FBF0] =	vst v15  }
0x27a: {  	vm2 =	vgt.f32 v24, $0.0e+00;
	vm0 =	vlt.f32 v24, $0.0e+00;
	v15 =	vld [tilespmem:s25+$0x8480];
	[tilespmem:$0x1FBC0] =	vst v5  }
0x27b: {  	v16 =	vsel vm5, $0x3F800000, v3;
	v5 =	vld [tilespmem:s25+$0x80F0];
	[tilespmem:s22+$0x104D0] =	vst v12;
	vm0 =	vmor vm2, vm0;
	v12 =	vimm.s32 $0x0  }
0x27c: {  	vm1 =	vlt.f32 v27, $0.0e+00;
	vm3 =	vgt.f32 v27, $0.0e+00;
	v12 =	vsel vm0, $0xFFFFFFFF, v12  }
0x27d: {  	v17 =	vsel vm6, $0x3F800000, v3;
	vm1 =	vmor vm3, vm1;
	vm2 =	vgt.f32 v30, $0.0e+00;
	[tilespmem:$0x1FC00] =	vst v12  }
0x27e: {  	vm3 =	vgt.f32 v7, $0.0e+00;
	vm0 =	vlt.f32 v30, $0.0e+00;
	v12 =	vld [tilespmem:s25+$0x8490];
	[tilespmem:s22+$0x104E0] =	vst v13;
	v13 =	vimm.s32 $0x0  }
0x27f: {  	vm0 =	vmor vm2, vm0;
	v13 =	vsel vm1, $0xFFFFFFFF, v13;
	vm1 =	vlt.f32 v7, $0.0e+00;
	v7 =	vld [tilespmem:s25+$0x84A0];
	[tilespmem:s22+$0x104F0] =	vst v14  }
0x280: {  	vm2 =	vgt.f32 v6, $0.0e+00;
	[tilespmem:$0x1FC10] =	vst v13;
	v13 =	vimm.s32 $0x0;
	vm1 =	vmor vm3, vm1  }
0x281: {  	v13 =	vsel vm0, $0xFFFFFFFF, v13;
	vm0 =	vlt.f32 v6, $0.0e+00;
	v6 =	vld [tilespmem:s25+$0x84B0];
	[tilespmem:s22+$0x10880] =	vst v11;
	v11 =	vimm.s32 $0x0  }
0x282: {  	v19 =	vsel vm8, $0x3F800000, v3;
	v20 =	vsel vm7, $0x3F800000, v3;
	[tilespmem:$0x1FC20] =	vst v13;
	v11 =	vsel vm1, $0xFFFFFFFF, v11  }
0x283: {  	v10 =	vsel vm10, $0x3F800000, v3;
	vm0 =	vmor vm2, vm0;
	[tilespmem:$0x1FC30] =	vst v11;
	v11 =	vimm.s32 $0x0  }
0x284: {  	vm3 =	vgt.f32 v5, $0.0e+00;
	vm1 =	vlt.f32 v5, $0.0e+00;
	v5 =	vld [tilespmem:s25+$0x84C0];
	[tilespmem:s22+$0x10890] =	vst v16;
	v11 =	vsel vm0, $0xFFFFFFFF, v11  }
0x285: {  	vm2 =	vgt.f32 v15, $0.0e+00;
	v13 =	vimm.s32 $0x0;
	vm1 =	vmor vm3, vm1;
	[tilespmem:$0x1FC40] =	vst v11  }
0x286: {  	vm3 =	vgt.f32 v12, $0.0e+00;
	vm0 =	vlt.f32 v15, $0.0e+00;
	v13 =	vsel vm1, $0xFFFFFFFF, v13;
	v11 =	vld [tilespmem:s25+$0x84D0];
	[tilespmem:s22+$0x108A0] =	vst v17  }
0x287: {  	vm1 =	vlt.f32 v12, $0.0e+00;
	vm0 =	vmor vm2, vm0;
	v12 =	vld [tilespmem:s25+$0x84E0];
	[tilespmem:s22+$0x108B0] =	vst v10;
	v10 =	vimm.s32 $0x0  }
0x288: {  	vm2 =	vgt.f32 v7, $0.0e+00;
	v10 =	vsel vm0, $0xFFFFFFFF, v10;
	vm0 =	vlt.f32 v7, $0.0e+00;
	v7 =	vld [tilespmem:s25+$0x84F0];
	[tilespmem:s22+$0x108C0] =	vst v19  }
0x289: {  	vm1 =	vmor vm3, vm1;
	vm3 =	vgt.f32 v6, $0.0e+00;
	[tilespmem:$0x1FC60] =	vst v10;
	v10 =	vimm.s32 $0x0  }
0x28a: {  	vm0 =	vmor vm2, vm0;
	v10 =	vsel vm1, $0xFFFFFFFF, v10;
	vm1 =	vlt.f32 v6, $0.0e+00;
	v6 =	vld [tilespmem:s25+$0x8880];
	[tilespmem:s22+$0x108D0] =	vst v20  }
0x28b: {  	vm2 =	vgt.f32 v5, $0.0e+00;
	[tilespmem:$0x1FC70] =	vst v10;
	v10 =	vimm.s32 $0x0;
	vm1 =	vmor vm3, vm1  }
0x28c: {  	v10 =	vsel vm0, $0xFFFFFFFF, v10;
	vm0 =	vlt.f32 v5, $0.0e+00;
	v5 =	vld [tilespmem:s25+$0x8890];
	[tilespmem:s22+$0x108E0] =	vst v9;
	v9 =	vimm.s32 $0x0  }
0x28d: {  	v22 =	vsel vm11, $0x3F800000, v3;
	v23 =	vsel vm9, $0x3F800000, v3;
	[tilespmem:$0x1FC80] =	vst v10;
	v9 =	vsel vm1, $0xFFFFFFFF, v9  }
0x28e: {  	v8 =	vsel vm13, $0x3F800000, v3;
	vm0 =	vmor vm2, vm0;
	v10 =	vimm.s32 $0x0;
	[tilespmem:$0x1FC90] =	vst v9  }
0x28f: {  	vm3 =	vgt.f32 v11, $0.0e+00;
	vm1 =	vlt.f32 v11, $0.0e+00;
	v9 =	vld [tilespmem:s25+$0x88A0];
	[tilespmem:s22+$0x108F0] =	vst v22;
	v10 =	vsel vm0, $0xFFFFFFFF, v10  }
0x290: {  	vm2 =	vgt.f32 v12, $0.0e+00;
	v11 =	vimm.s32 $0x0;
	vm1 =	vmor vm3, vm1;
	[tilespmem:$0x1FCA0] =	vst v10  }
0x291: {  	vm0 =	vlt.f32 v12, $0.0e+00;
	vm3 =	vgt.f32 v7, $0.0e+00;
	v10 =	vld [tilespmem:s25+$0x88B0];
	[tilespmem:s22+$0x10C80] =	vst v23;
	v11 =	vsel vm1, $0xFFFFFFFF, v11  }
0x292: {  	vm1 =	vlt.f32 v7, $0.0e+00;
	vm0 =	vmor vm2, vm0;
	v7 =	vld [tilespmem:s25+$0x88C0];
	[tilespmem:s22+$0x10C90] =	vst v8;
	v8 =	vimm.s32 $0x0  }
0x293: {  	v8 =	vsel vm0, $0xFFFFFFFF, v8  }
0x294: {  	vm1 =	vmor vm3, vm1;
	[tilespmem:$0x1FCB0] =	vst v8;
	v8 =	vimm.s32 $0x0  }
0x295: {  	vm2 =	vgt.f32 v6, $0.0e+00;
	vm0 =	vlt.f32 v6, $0.0e+00;
	v6 =	vld [tilespmem:s25+$0x88D0];
	[tilespmem:s22+$0x10CA0] =	vst v25;
	v8 =	vsel vm1, $0xFFFFFFFF, v8  }
0x296: {  	v26 =	vsel vm15, $0x3F800000, v3;
	vm0 =	vmor vm2, vm0;
	[tilespmem:$0x1FCC0] =	vst v8;
	v8 =	vimm.s32 $0x0  }
0x297: {  	vm5 =	vgt.f32 v5, $0.0e+00;
	vm1 =	vlt.f32 v5, $0.0e+00;
	v5 =	vld [tilespmem:s25+$0x88E0];
	[tilespmem:s22+$0x10CB0] =	vst v26;
	v8 =	vsel vm0, $0xFFFFFFFF, v8  }
0x298: {  	v28 =	vsel vm14, $0x3F800000, v3;
	vm2 =	vgt.f32 v9, $0.0e+00;
	vm12 =	vmor vm5, vm1;
	[tilespmem:$0x1FBD0] =	vst v8  }
0x299: {  	vm1 =	vlt.f32 v10, $0.0e+00;
	vm7 =	vgt.f32 v10, $0.0e+00;
	vm0 =	vlt.f32 v9, $0.0e+00;
	v8 =	vld [tilespmem:s25+$0x88F0];
	[tilespmem:s22+$0x10CC0] =	vst v28  }
0x29a: {  	vm10 =	vmor vm7, vm1;
	vm6 =	vmor vm2, vm0;
	vm0 =	vlt.f32 v7, $0.0e+00;
	v9 =	vld [tilespmem:s25+$0x8C80];
	[tilespmem:s22+$0x10CD0] =	vst v29  }
0x29b: {  	vm2 =	vgt.f32 v7, $0.0e+00;
	vm1 =	vlt.f32 v6, $0.0e+00;
	vm9 =	vgt.f32 v6, $0.0e+00;
	v7 =	vld [tilespmem:s25+$0x8C90];
	[tilespmem:s22+$0x10CE0] =	vst v4;
	s22 =	smov.u32 s25  }
0x29c: {  	vm8 =	vmor vm2, vm0;
	vm0 =	vlt.f32 v5, $0.0e+00;
	vm2 =	vgt.f32 v5, $0.0e+00;
	v4 =	vld [tilespmem:s22+$0x8CA0]  }
0x29d: {  	vm7 =	vmor vm9, vm1;
	v5 =	vld [tilespmem:s22+$0x8CB0];
	vm0 =	vmor vm2, vm0  }
0x29e: {  	vm1 =	vlt.f32 v8, $0.0e+00;
	vm11 =	vgt.f32 v8, $0.0e+00;
	v8 =	vimm.s32 $0x0  }
0x29f: {  	v6 =	vld [tilespmem:s22+$0x8CC0];
	v8 =	vsel vm0, $0xFFFFFFFF, v8;
	vm0 =	vlt.f32 v9, $0.0e+00;
	vm2 =	vgt.f32 v9, $0.0e+00  }
0x2a0: {  	vm11 =	vmor vm11, vm1;
	[tilespmem:$0x1FCD0] =	vst v8;
	v8 =	vld [tilespmem:s22+$0x8CD0];
	vm1 =	vlt.f32 v7, $0.0e+00;
	vm13 =	vgt.f32 v7, $0.0e+00  }
0x2a1: {  	vm9 =	vmor vm2, vm0;
	vm0 =	vlt.f32 v4, $0.0e+00;
	vm2 =	vgt.f32 v4, $0.0e+00;
	v4 =	vld [tilespmem:$0x1FBC0]  }
0x2a2: {  	vm13 =	vmor vm13, vm1;
	vm1 =	vlt.f32 v5, $0.0e+00;
	vm14 =	vgt.f32 v5, $0.0e+00;
	v5 =	vld [tilespmem:$0x1FBD0];
	_ =	sdelay $0x1  }
0x2a3: {  	vm3 =	vgt.f32 v6, $0.0e+00;
	vm0 =	vmor vm2, vm0;
	vm2 =	vlt.f32 v6, $0.0e+00  }
0x2a4: {  	vm15 =	vmor vm14, vm1;
	vm14 =	vmor vm3, vm2  }
0x2a5: {  	[tilespmem:$0x1FBE0] =	vst v11;
	v7 =	vld [tilespmem:s22+$0x8CE0];
	vm1 =	vlt.f32 v8, $0.0e+00;
	vm4 =	vgt.f32 v8, $0.0e+00;
	vm2 =	vnez.u8 v4  }
0x2a6: {  	v4 =	vsel vm2, $0x3F800000, v3;
	vm2 =	vmor vm4, vm1;
	vm4 =	vnez.u8 v5;
	v5 =	vld [tilespmem:$0x1FBE0]  }
0x2a7: {  	[tilespmem:s22+$0x10080] =	vst v4;
	v4 =	vld [tilespmem:$0x1FBF0];
	_ =	sdelay $0x2  }
0x2a8: {  	vm3 =	vlt.f32 v7, $0.0e+00;
	vm5 =	vgt.f32 v7, $0.0e+00  }
0x2a9: {  	vm1 =	vmor vm5, vm3  }
0x2aa: {  	vm5 =	vmmov vm12;
	vm3 =	vnez.u8 v5;
	v5 =	vld [tilespmem:$0x1FC00];
	vm12 =	vnez.u8 v4  }
0x2ab: {  	v6 =	vld [tilespmem:$0x1FC10];
	v4 =	vsel vm12, $0x3F800000, v3  }
0x2ac: {  	[tilespmem:s22+$0x10090] =	vst v4;
	v4 =	vld [tilespmem:$0x1FC20];
	_ =	sdelay $0x2  }
0x2ad: {  	vm12 =	vnez.u8 v5  }
0x2ae: {  	v5 =	vsel vm12, $0x3F800000, v3;
	vm12 =	vnez.u8 v6  }
0x2af: {  	v6 =	vsel vm12, $0x3F800000, v3;
	vm12 =	vnez.u8 v4;
	v4 =	vld [tilespmem:$0x1FC30];
	_ =	sdelay $0x4  }
0x2b0: {  	v12 =	vsel vm12, $0x3F800000, v3;
	vm12 =	vnez.u8 v4;
	v4 =	vld [tilespmem:$0x1FC40];
	_ =	sdelay $0x3  }
0x2b1: {  	[tilespmem:$0x1FC50] =	vst v13  }
0x2b2: {  	v11 =	vsel vm12, $0x3F800000, v3;
	vm12 =	vnez.u8 v4;
	v4 =	vld [tilespmem:$0x1FC50];
	_ =	sdelay $0x4  }
0x2b3: {  	v10 =	vsel vm12, $0x3F800000, v3;
	vm12 =	vnez.u8 v4;
	v4 =	vld [tilespmem:$0x1FC60];
	_ =	sdelay $0x4  }
0x2b4: {  	v9 =	vsel vm12, $0x3F800000, v3;
	vm12 =	vnez.u8 v4;
	v4 =	vld [tilespmem:$0x1FC70]  }
0x2b5: {  	[tilespmem:s22+$0x100A0] =	vst v5;
	v5 =	vld [tilespmem:$0x1FC80];
	_ =	sdelay $0x3  }
0x2b6: {  	v8 =	vsel vm12, $0x3F800000, v3;
	vm12 =	vnez.u8 v4  }
0x2b7: {  	v4 =	vsel vm12, $0x3F800000, v3;
	vm12 =	vnez.u8 v5;
	v5 =	vld [tilespmem:$0x1FC90];
	_ =	sdelay $0x4  }
0x2b8: {  	v7 =	vsel vm12, $0x3F800000, v3;
	vm12 =	vnez.u8 v5;
	v5 =	vld [tilespmem:$0x1FCA0]  }
0x2b9: {  	p0 =	sne.s32 s24, $0x3E00  }
.Ltmp2:
0x2ba: {  	_ = 	snop;
	(pc) =	sbr.rel @p0 .LBB2_6-.Ltmp2, $3  }
0x2bb: {  	_ =	sdelay $0x1  }
0x2bc: {  	s23 =	sadd.s32 $0x80, s23;
	[tilespmem:s22+$0x100B0] =	vst v6;
	v6 =	vsel vm12, $0x3F800000, v3;
	vm12 =	vnez.u8 v5  }
0x2bd: {  	s26 =	sand.u32 $0x380, s23;
	s25 =	sand.u32 $0x3000, s24;
	s24 =	sadd.s32 $0x200, s24;
	v5 =	vsel vm12, $0x3F800000, v3  }
0x2be: {  	v50 =	vld [tilespmem:$0x1FCB0]  }
0x2bf: {  	v51 =	vld [tilespmem:$0x1FCC0]  }
0x2c0: {  	s23 =	sor.u32 s26, s25;
	[tilespmem:s22+$0x100C0] =	vst v12;
	v58 =	vld [tilespmem:$0x1FCD0]  }
0x2c1: {  	v12 =	vld [tilespmem:s23+$0x8CF0];
	[tilespmem:s22+$0x100D0] =	vst v11  }
0x2c2: {  	v11 =	vld [tilespmem:s23+$0x8080];
	[tilespmem:s22+$0x100E0] =	vst v10  }
0x2c3: {  	v13 =	vsel vm3, $0x3F800000, v3;
	v10 =	vld [tilespmem:s23+$0x8090];
	[tilespmem:s22+$0x100F0] =	vst v9  }
0x2c4: {  	v52 =	vsel vm4, $0x3F800000, v3;
	v53 =	vsel vm5, $0x3F800000, v3;
	v54 =	vsel vm6, $0x3F800000, v3;
	v9 =	vld [tilespmem:s23+$0x80A0];
	[tilespmem:s22+$0x10480] =	vst v8  }
0x2c5: {  	v55 =	vsel vm10, $0x3F800000, v3;
	v56 =	vsel vm8, $0x3F800000, v3;
	v24 =	vsel vm11, $0x3F800000, v3;
	v8 =	vld [tilespmem:s23+$0x80B0];
	[tilespmem:s22+$0x10490] =	vst v4  }
0x2c6: {  	v59 =	vsel vm9, $0x3F800000, v3;
	v25 =	vsel vm13, $0x3F800000, v3;
	v26 =	vsel vm0, $0x3F800000, v3;
	v4 =	vld [tilespmem:s23+$0x80C0];
	[tilespmem:s22+$0x104A0] =	vst v7  }
0x2c7: {  	v28 =	vsel vm15, $0x3F800000, v3;
	v29 =	vsel vm14, $0x3F800000, v3;
	v30 =	vsel vm2, $0x3F800000, v3;
	v7 =	vld [tilespmem:s23+$0x80D0];
	[tilespmem:s22+$0x104B0] =	vst v6  }
0x2c8: {  	v60 =	vsel vm1, $0x3F800000, v3;
	vm12 =	vnez.u8 v50;
	vm10 =	vnez.u8 v58;
	v6 =	vld [tilespmem:s23+$0x80E0];
	[tilespmem:s22+$0x104C0] =	vst v5  }
0x2c9: {  	vm11 =	vlt.f32 v12, $0.0e+00;
	vm13 =	vlt.f32 v11, $0.0e+00;
	vm14 =	vgt.f32 v11, $0.0e+00;
	v5 =	vld [tilespmem:s23+$0x80F0]  }
0x2ca: {  	vm15 =	vlt.f32 v10, $0.0e+00;
	v14 =	vld [tilespmem:s23+$0x8480];
	[tilespmem:s22+$0x104D0] =	vst v13;
	v13 =	vsel vm12, $0x3F800000, v3;
	vm12 =	vnez.u8 v51  }
0x2cb: {  	vm8 =	vgt.f32 v10, $0.0e+00;
	vm9 =	vlt.f32 v9, $0.0e+00;
	v15 =	vld [tilespmem:s23+$0x8490];
	[tilespmem:s22+$0x104E0] =	vst v13;
	v13 =	vsel vm12, $0x3F800000, v3  }
0x2cc: {  	vm4 =	vmor vm8, vm15;
	vm12 =	vgt.f32 v12, $0.0e+00;
	v16 =	vld [tilespmem:s23+$0x84A0];
	[tilespmem:s22+$0x104F0] =	vst v13;
	v13 =	vsel vm10, $0x3F800000, v3  }
0x2cd: {  	vm0 =	vmor vm12, vm11;
	vm10 =	vgt.f32 v9, $0.0e+00;
	vm11 =	vlt.f32 v8, $0.0e+00  }
0x2ce: {  	vm12 =	vgt.f32 v8, $0.0e+00;
	v62 =	vsel vm0, $0x3F800000, v3;
	vm0 =	vmor vm14, vm13  }
0x2cf: {  	v17 =	vld [tilespmem:s23+$0x84B0];
	[tilespmem:s22+$0x10880] =	vst v52;
	vm2 =	vmor vm10, vm9;
	vm13 =	vlt.f32 v4, $0.0e+00;
	vm14 =	vgt.f32 v4, $0.0e+00  }
0x2d0: {  	vm5 =	vmor vm12, vm11;
	vm15 =	vlt.f32 v7, $0.0e+00;
	vm12 =	vgt.f32 v7, $0.0e+00;
	v18 =	vld [tilespmem:s23+$0x84C0];
	[tilespmem:s22+$0x10890] =	vst v53  }
0x2d1: {  	vm3 =	vmor vm14, vm13;
	vm13 =	vlt.f32 v6, $0.0e+00;
	vm14 =	vgt.f32 v6, $0.0e+00;
	[tilespmem:s23+$0x10CF0] =	vst v62  }
0x2d2: {  	vm9 =	vmor vm12, vm15;
	v19 =	vld [tilespmem:s23+$0x84D0];
	[tilespmem:s22+$0x108A0] =	vst v54;
	vm15 =	vlt.f32 v5, $0.0e+00;
	vm12 =	vgt.f32 v5, $0.0e+00  }
0x2d3: {  	vm8 =	vlt.f32 v14, $0.0e+00;
	vm11 =	vgt.f32 v14, $0.0e+00;
	v20 =	vld [tilespmem:s23+$0x84E0];
	[tilespmem:s22+$0x108B0] =	vst v55;
	vm10 =	vmor vm12, vm15  }
0x2d4: {  	vm1 =	vlt.f32 v15, $0.0e+00;
	vm12 =	vgt.f32 v15, $0.0e+00;
	v15 =	vsel vm0, $0x3F800000, v3;
	v21 =	vld [tilespmem:s23+$0x84F0];
	[tilespmem:s22+$0x108C0] =	vst v56  }
0x2d5: {  	v57 =	vsel vm7, $0x3F800000, v3;
	vm6 =	vmor vm14, vm13;
	vm7 =	vmor vm11, vm8;
	[tilespmem:s23+$0x10080] =	vst v15  }
0x2d6: {  	vm8 =	vlt.f32 v16, $0.0e+00;
	vm13 =	vgt.f32 v16, $0.0e+00;
	v16 =	vsel vm4, $0x3F800000, v3;
	v22 =	vld [tilespmem:s23+$0x8880];
	[tilespmem:s22+$0x108D0] =	vst v57  }
0x2d7: {  	vm11 =	vmor vm12, vm1;
	[tilespmem:s23+$0x10090] =	vst v16  }
0x2d8: {  	vm1 =	vlt.f32 v17, $0.0e+00;
	vm12 =	vgt.f32 v17, $0.0e+00;
	v17 =	vsel vm2, $0x3F800000, v3;
	v23 =	vld [tilespmem:s23+$0x8890];
	[tilespmem:s22+$0x108E0] =	vst v13  }
0x2d9: {  	vm8 =	vmor vm13, vm8;
	[tilespmem:s23+$0x100A0] =	vst v17  }
0x2da: {  	vm13 =	vlt.f32 v18, $0.0e+00;
	vm14 =	vgt.f32 v18, $0.0e+00;
	v18 =	vsel vm5, $0x3F800000, v3;
	v27 =	vld [tilespmem:s23+$0x88A0];
	[tilespmem:s22+$0x108F0] =	vst v24  }
0x2db: {  	vm1 =	vmor vm12, vm1;
	[tilespmem:s23+$0x100B0] =	vst v18  }
0x2dc: {  	vm15 =	vlt.f32 v19, $0.0e+00;
	vm12 =	vgt.f32 v19, $0.0e+00;
	v19 =	vsel vm3, $0x3F800000, v3;
	v61 =	vld [tilespmem:s23+$0x88B0];
	[tilespmem:s22+$0x10C80] =	vst v59  }
0x2dd: {  	v24 =	vsel vm10, $0x3F800000, v3;
	[tilespmem:s23+$0x100C0] =	vst v19  }
0x2de: {  	vm0 =	vmor vm14, vm13;
	[tilespmem:s23+$0x100F0] =	vst v24  }
0x2df: {  	vm13 =	vlt.f32 v20, $0.0e+00;
	vm14 =	vgt.f32 v20, $0.0e+00;
	v20 =	vsel vm9, $0x3F800000, v3;
	v63 =	vld [tilespmem:s23+$0x88C0];
	[tilespmem:s22+$0x10C90] =	vst v25  }
0x2e0: {  	vm2 =	vmor vm12, vm15;
	[tilespmem:s23+$0x100D0] =	vst v20  }
0x2e1: {  	vm15 =	vlt.f32 v21, $0.0e+00;
	vm12 =	vgt.f32 v21, $0.0e+00;
	v21 =	vsel vm6, $0x3F800000, v3;
	v13 =	vld [tilespmem:s23+$0x88D0];
	[tilespmem:s22+$0x10CA0] =	vst v26  }
0x2e2: {  	v25 =	vsel vm7, $0x3F800000, v3;
	[tilespmem:s23+$0x100E0] =	vst v21  }
0x2e3: {  	[tilespmem:s23+$0x10480] =	vst v25  }
0x2e4: {  	vm5 =	vmor vm14, vm13;
	v26 =	vsel vm11, $0x3F800000, v3;
	v4 =	vld [tilespmem:s23+$0x88E0];
	[tilespmem:s22+$0x10CB0] =	vst v28  }
0x2e5: {  	v31 =	vsel vm5, $0x3F800000, v3;
	[tilespmem:s23+$0x10490] =	vst v26  }
0x2e6: {  	vm3 =	vmor vm12, vm15;
	vm13 =	vlt.f32 v22, $0.0e+00;
	vm14 =	vgt.f32 v22, $0.0e+00;
	[tilespmem:s23+$0x104E0] =	vst v31  }
0x2e7: {  	vm4 =	vmor vm14, vm13;
	vm15 =	vlt.f32 v23, $0.0e+00;
	v28 =	vsel vm1, $0x3F800000, v3;
	v5 =	vld [tilespmem:s23+$0x88F0];
	[tilespmem:s22+$0x10CC0] =	vst v29  }
0x2e8: {  	vm12 =	vgt.f32 v23, $0.0e+00;
	v32 =	vsel vm3, $0x3F800000, v3;
	vm13 =	vlt.f32 v27, $0.0e+00;
	[tilespmem:s23+$0x104B0] =	vst v28  }
0x2e9: {  	vm6 =	vmor vm12, vm15;
	vm14 =	vgt.f32 v27, $0.0e+00;
	v27 =	vsel vm8, $0x3F800000, v3;
	[tilespmem:s23+$0x104F0] =	vst v32  }
0x2ea: {  	v29 =	vsel vm0, $0x3F800000, v3;
	v6 =	vld [tilespmem:s23+$0x8C80];
	[tilespmem:s22+$0x10CD0] =	vst v30;
	vm15 =	vlt.f32 v61, $0.0e+00;
	vm12 =	vgt.f32 v61, $0.0e+00  }
0x2eb: {  	[tilespmem:s23+$0x104A0] =	vst v27;
	vm7 =	vmor vm14, vm13;
	v30 =	vsel vm2, $0x3F800000, v3;
	v34 =	vsel vm6, $0x3F800000, v3  }
0x2ec: {  	[tilespmem:s23+$0x104C0] =	vst v29;
	vm1 =	vmor vm12, vm15;
	vm13 =	vlt.f32 v63, $0.0e+00;
	vm14 =	vgt.f32 v63, $0.0e+00  }
0x2ed: {  	v7 =	vld [tilespmem:s23+$0x8C90];
	[tilespmem:s22+$0x10CE0] =	vst v60;
	vm0 =	vmor vm14, vm13;
	vm15 =	vlt.f32 v13, $0.0e+00;
	vm8 =	vgt.f32 v13, $0.0e+00  }
0x2ee: {  	[tilespmem:s23+$0x104D0] =	vst v30;
	v36 =	vsel vm1, $0x3F800000, v3;
	vm9 =	vlt.f32 v4, $0.0e+00;
	vm2 =	vmor vm8, vm15  }
0x2ef: {  	[tilespmem:s23+$0x10890] =	vst v34;
	v33 =	vld [tilespmem:s23+$0x8CA0];
	vm10 =	vgt.f32 v4, $0.0e+00;
	v4 =	vsel vm4, $0x3F800000, v3;
	vm11 =	vlt.f32 v5, $0.0e+00  }
0x2f0: {  	v35 =	vld [tilespmem:s23+$0x8CC0];
	[tilespmem:s23+$0x108B0] =	vst v36;
	vm12 =	vgt.f32 v5, $0.0e+00;
	vm3 =	vmor vm10, vm9;
	v5 =	vsel vm7, $0x3F800000, v3  }
0x2f1: {  	[tilespmem:s23+$0x10880] =	vst v4;
	v4 =	vld [tilespmem:s23+$0x8CB0];
	vm4 =	vmor vm12, vm11;
	vm13 =	vlt.f32 v6, $0.0e+00;
	vm14 =	vgt.f32 v6, $0.0e+00  }
0x2f2: {  	[tilespmem:s23+$0x108A0] =	vst v5;
	v5 =	vsel vm0, $0x3F800000, v3;
	v37 =	vsel vm3, $0x3F800000, v3;
	vm1 =	vmor vm14, vm13  }
0x2f3: {  	v6 =	vld [tilespmem:s23+$0x8CD0];
	vm15 =	vlt.f32 v7, $0.0e+00;
	vm7 =	vgt.f32 v7, $0.0e+00;
	v7 =	vsel vm2, $0x3F800000, v3;
	[tilespmem:s23+$0x108C0] =	vst v5  }
0x2f4: {  	v5 =	vld [tilespmem:s23+$0x8CE0];
	[tilespmem:s23+$0x108E0] =	vst v37;
	vm8 =	vlt.f32 v33, $0.0e+00;
	vm0 =	vmor vm7, vm15;
	vm9 =	vgt.f32 v33, $0.0e+00  }
0x2f5: {  	[tilespmem:s23+$0x108D0] =	vst v7;
	v7 =	vsel vm4, $0x3F800000, v3;
	vm12 =	vlt.f32 v35, $0.0e+00;
	vm13 =	vgt.f32 v35, $0.0e+00  }
0x2f6: {  	vm2 =	vmor vm9, vm8;
	[tilespmem:s23+$0x108F0] =	vst v7;
	v7 =	vsel vm0, $0x3F800000, v3;
	vm10 =	vlt.f32 v4, $0.0e+00  }
0x2f7: {  	vm11 =	vgt.f32 v4, $0.0e+00;
	v4 =	vsel vm1, $0x3F800000, v3;
	[tilespmem:s23+$0x10C90] =	vst v7;
	vm1 =	vmor vm13, vm12  }
0x2f8: {  	vm3 =	vmor vm11, vm10;
	[tilespmem:s23+$0x10C80] =	vst v4;
	vm14 =	vlt.f32 v6, $0.0e+00;
	v4 =	vsel vm2, $0x3F800000, v3  }
0x2f9: {  	vm15 =	vgt.f32 v6, $0.0e+00;
	vm6 =	vlt.f32 v5, $0.0e+00;
	v6 =	vsel vm3, $0x3F800000, v3;
	[tilespmem:s23+$0x10CA0] =	vst v4  }
0x2fa: {  	vm7 =	vgt.f32 v5, $0.0e+00;
	vm0 =	vmor vm15, vm14;
	v4 =	vsel vm1, $0x3F800000, v3;
	[tilespmem:s23+$0x10CB0] =	vst v6  }
0x2fb: {  	vm8 =	vmor vm7, vm6;
	v5 =	vsel vm0, $0x3F800000, v3;
	[tilespmem:s23+$0x10CC0] =	vst v4  }
0x2fc: {  	v4 =	vsel vm8, $0x3F800000, v3;
	[tilespmem:s23+$0x10CD0] =	vst v5  }
0x2fd: {  	[tilespmem:s23+$0x10CE0] =	vst v4;
	s23 =	simm.s32 $0x0  }
0x2fe: {  	[hbm4b:s11+s23] =	stream.linear.scatter [tilespmem:s31], [sflag:$0x5], $0x4000, $0x38;
	[tilespmem:$0x18080] =	vst v63  }
0x2ff: {  	_ =	swait.ge [sflag:s18], $0x4000  }
0x300: {  	s24 =	sand.u32 $0x3000, s23;
	s28 =	sand.u32 $0x380, s23;
	[sflag:s18] =	ssyncset.done $0x0  }
0x301: {  	s22 =	sor.u32 s28, s24;
	[sflag:s18] =	ssyncadd.s32 $0xFFFFC000  }
0x302: {  	v4 =	vld [tilespmem:s22+$0xC8E0]  }
0x303: {  	v5 =	vld [tilespmem:s22+$0xC880]  }
0x304: {  	v6 =	vld [tilespmem:s22+$0xC0C0]  }
0x305: {  	v38 =	vld [tilespmem:s22+$0xC0B0]  }
0x306: {  	v40 =	vld [tilespmem:s22+$0xC080]  }
0x307: {  	v59 =	vld [tilespmem:s22+$0xC8F0];
	_ =	sdelay $0x1  }
0x308: {  	v44 =	vld [tilespmem:s22+$0xC490]  }
0x309: {  	v7 =	vld [tilespmem:s22+$0xC0D0];
	vm9 =	vlt.f32 v4, $0.0e+00;
	vm10 =	vgt.f32 v4, $0.0e+00;
	vm11 =	vlt.f32 v5, $0.0e+00  }
0x30a: {  	v47 =	vld [tilespmem:s22+$0xC4D0];
	vm12 =	vgt.f32 v5, $0.0e+00;
	vm13 =	vlt.f32 v38, $0.0e+00;
	vm14 =	vlt.f32 v40, $0.0e+00  }
0x30b: {  	v46 =	vld [tilespmem:s22+$0xC4B0];
	vm15 =	vgt.f32 v38, $0.0e+00;
	vm8 =	vgt.f32 v6, $0.0e+00;
	vm6 =	vlt.f32 v59, $0.0e+00  }
0x30c: {  	v49 =	vld [tilespmem:s22+$0xC4E0];
	vm0 =	vmor vm10, vm9;
	vm9 =	vgt.f32 v40, $0.0e+00;
	vm1 =	vmor vm15, vm13  }
0x30d: {  	v50 =	vld [tilespmem:s22+$0xC4F0];
	vm10 =	vlt.f32 v6, $0.0e+00;
	vm15 =	vlt.f32 v44, $0.0e+00;
	v41 =	vsel vm0, $0x3F800000, v3  }
0x30e: {  	v4 =	vld [tilespmem:s22+$0xC0E0];
	vm0 =	vmor vm12, vm11;
	vm11 =	vgt.f32 v7, $0.0e+00;
	vm2 =	vmor vm8, vm10  }
0x30f: {  	v45 =	vld [tilespmem:s22+$0xC4A0];
	v52 =	vsel vm1, $0x3F800000, v3;
	vm12 =	vlt.f32 v7, $0.0e+00;
	vm10 =	vgt.f32 v47, $0.0e+00  }
0x310: {  	v5 =	vld [tilespmem:s22+$0xC4C0];
	v48 =	vsel vm0, $0x3F800000, v3;
	vm0 =	vmor vm9, vm14;
	v53 =	vsel vm2, $0x3F800000, v3  }
0x311: {  	vm14 =	vgt.f32 v44, $0.0e+00;
	vm1 =	vmor vm11, vm12;
	vm11 =	vlt.f32 v46, $0.0e+00  }
0x312: {  	vm12 =	vlt.f32 v50, $0.0e+00;
	vm3 =	vmor vm14, vm15;
	vm14 =	vgt.f32 v50, $0.0e+00  }
0x313: {  	v39 =	vld [tilespmem:s22+$0xC090];
	[tilespmem:s22+$0x148E0] =	vst v41;
	vm15 =	vlt.f32 v49, $0.0e+00;
	vm13 =	vlt.f32 v4, $0.0e+00;
	vm8 =	vgt.f32 v4, $0.0e+00  }
0x314: {  	v7 =	vld [tilespmem:s22+$0xC8A0];
	[tilespmem:s22+$0x140B0] =	vst v52;
	v4 =	vsel vm1, $0x3F800000, v3;
	v55 =	vsel vm3, $0x3F800000, v3;
	vm5 =	vmor vm14, vm12  }
0x315: {  	[tilespmem:s22+$0x14880] =	vst v48;
	vm12 =	vgt.f32 v5, $0.0e+00;
	vm14 =	vgt.f32 v45, $0.0e+00;
	vm9 =	vmor vm8, vm13  }
0x316: {  	v42 =	vld [tilespmem:s22+$0xC0F0];
	[tilespmem:s22+$0x140C0] =	vst v53;
	vm13 =	vlt.f32 v47, $0.0e+00;
	vm8 =	vgt.f32 v46, $0.0e+00;
	v58 =	vsel vm5, $0x3F800000, v3  }
0x317: {  	v51 =	vld [tilespmem:s22+$0xC890];
	[tilespmem:s22+$0x140D0] =	vst v4;
	v57 =	vsel vm9, $0x3F800000, v3;
	vm2 =	vmor vm10, vm13;
	vm9 =	vgt.f32 v49, $0.0e+00  }
0x318: {  	v6 =	vld [tilespmem:s22+$0xC0A0];
	[tilespmem:s22+$0x14490] =	vst v55;
	vm1 =	vmor vm8, vm11;
	vm10 =	vlt.f32 v39, $0.0e+00;
	vm11 =	vlt.f32 v5, $0.0e+00  }
0x319: {  	vm13 =	vgt.f32 v39, $0.0e+00;
	[tilespmem:s22+$0x144F0] =	vst v58;
	vm8 =	vlt.f32 v7, $0.0e+00;
	vm4 =	vmor vm9, vm15  }
0x31a: {  	[tilespmem:s22+$0x140E0] =	vst v57;
	v60 =	vsel vm1, $0x3F800000, v3;
	vm1 =	vmor vm12, vm11;
	vm3 =	vmor vm13, vm10  }
0x31b: {  	vm15 =	vlt.f32 v45, $0.0e+00;
	vm9 =	vgt.f32 v7, $0.0e+00;
	v7 =	vsel vm0, $0x3F800000, v3;
	[tilespmem:s22+$0x144B0] =	vst v60  }
0x31c: {  	v43 =	vld [tilespmem:s22+$0xC480];
	vm10 =	vlt.f32 v42, $0.0e+00;
	vm11 =	vlt.f32 v51, $0.0e+00;
	v63 =	vsel vm2, $0x3F800000, v3;
	[tilespmem:s22+$0x14080] =	vst v7  }
0x31d: {  	v4 =	vld [tilespmem:s22+$0xC8D0];
	vm12 =	vgt.f32 v51, $0.0e+00;
	vm13 =	vlt.f32 v6, $0.0e+00;
	v61 =	vsel vm3, $0x3F800000, v3;
	[tilespmem:s22+$0x144D0] =	vst v63  }
0x31e: {  	v5 =	vsel vm4, $0x3F800000, v3;
	vm4 =	vmor vm14, vm15;
	vm3 =	vmor vm9, vm8;
	[tilespmem:s22+$0x14090] =	vst v61  }
0x31f: {  	v54 =	vld [tilespmem:s22+$0xC8B0];
	vm14 =	vgt.f32 v6, $0.0e+00;
	vm8 =	vgt.f32 v42, $0.0e+00;
	v62 =	vsel vm4, $0x3F800000, v3;
	[tilespmem:s22+$0x144E0] =	vst v5  }
0x320: {  	v56 =	vld [tilespmem:s22+$0xC8C0];
	v7 =	vsel vm3, $0x3F800000, v3;
	vm3 =	vmor vm12, vm11;
	vm2 =	vmor vm14, vm13;
	[tilespmem:s22+$0x144A0] =	vst v62  }
0x321: {  	vm0 =	vmor vm8, vm10;
	vm10 =	vlt.f32 v43, $0.0e+00;
	[tilespmem:s22+$0x148A0] =	vst v7;
	v6 =	vsel vm3, $0x3F800000, v3  }
0x322: {  	vm11 =	vgt.f32 v43, $0.0e+00;
	vm15 =	vgt.f32 v4, $0.0e+00;
	v7 =	vsel vm2, $0x3F800000, v3;
	[tilespmem:s22+$0x14890] =	vst v6  }
0x323: {  	vm9 =	vlt.f32 v4, $0.0e+00;
	vm2 =	vmor vm11, vm10;
	v5 =	vsel vm0, $0x3F800000, v3;
	[tilespmem:s22+$0x140A0] =	vst v7  }
0x324: {  	vm12 =	vgt.f32 v54, $0.0e+00;
	vm3 =	vmor vm15, vm9;
	[tilespmem:s22+$0x140F0] =	vst v5;
	v5 =	vsel vm2, $0x3F800000, v3  }
0x325: {  	vm14 =	vlt.f32 v56, $0.0e+00;
	vm15 =	vgt.f32 v56, $0.0e+00;
	v4 =	vsel vm3, $0x3F800000, v3;
	[tilespmem:s22+$0x14480] =	vst v5  }
0x326: {  	vm13 =	vlt.f32 v54, $0.0e+00;
	vm0 =	vmor vm15, vm14;
	[tilespmem:s22+$0x148D0] =	vst v4;
	v4 =	vsel vm1, $0x3F800000, v3  }
0x327: {  	vm7 =	vgt.f32 v59, $0.0e+00;
	vm3 =	vmor vm12, vm13;
	v5 =	vsel vm0, $0x3F800000, v3;
	[tilespmem:s22+$0x144C0] =	vst v4  }
0x328: {  	vm1 =	vmor vm7, vm6;
	v4 =	vsel vm3, $0x3F800000, v3;
	[tilespmem:s22+$0x148C0] =	vst v5  }
0x329: {  	s24 =	sor.u32 s24, s23;
	[tilespmem:s22+$0x148B0] =	vst v4;
	v4 =	vsel vm1, $0x3F800000, v3  }
0x32a: {  	s26 =	sor.u32 $0x4C00, s24;
	[tilespmem:s22+$0x148F0] =	vst v4  }
0x32b: {  	v4 =	vld [tilespmem:s26+$0x8080];
	_ =	sdelay $0x4  }
0x32c: {  	vm8 =	vlt.f32 v4, $0.0e+00;
	vm9 =	vgt.f32 v4, $0.0e+00  }
0x32d: {  	vm0 =	vmor vm9, vm8  }
0x32e: {  	v4 =	vsel vm0, $0x3F800000, v3  }
0x32f: {  	[tilespmem:s22+$0x14C80] =	vst v4  }
0x330: {  	v4 =	vld [tilespmem:s26+$0x8090];
	_ =	sdelay $0x4  }
0x331: {  	vm10 =	vlt.f32 v4, $0.0e+00;
	vm11 =	vgt.f32 v4, $0.0e+00  }
0x332: {  	vm0 =	vmor vm11, vm10  }
0x333: {  	v4 =	vsel vm0, $0x3F800000, v3  }
0x334: {  	[tilespmem:s22+$0x14C90] =	vst v4  }
0x335: {  	v4 =	vld [tilespmem:s26+$0x80A0];
	_ =	sdelay $0x4  }
0x336: {  	vm12 =	vlt.f32 v4, $0.0e+00;
	vm13 =	vgt.f32 v4, $0.0e+00  }
0x337: {  	vm0 =	vmor vm13, vm12  }
0x338: {  	v4 =	vsel vm0, $0x3F800000, v3  }
0x339: {  	[tilespmem:s22+$0x14CA0] =	vst v4  }
0x33a: {  	v4 =	vld [tilespmem:s26+$0x80B0];
	_ =	sdelay $0x4  }
0x33b: {  	vm14 =	vlt.f32 v4, $0.0e+00;
	vm15 =	vgt.f32 v4, $0.0e+00  }
0x33c: {  	vm0 =	vmor vm15, vm14  }
0x33d: {  	s24 =	simm.s32 $0x200;
	v4 =	vsel vm0, $0x3F800000, v3  }
.LBB2_8:
0x33e: {  	[tilespmem:s22+$0x14CB0] =	vst v4  }
0x33f: {  	v4 =	vld [tilespmem:s26+$0x80C0];
	_ =	sdelay $0x4  }
0x340: {  	vm0 =	vlt.f32 v4, $0.0e+00;
	vm1 =	vgt.f32 v4, $0.0e+00  }
0x341: {  	vm0 =	vmor vm1, vm0  }
0x342: {  	v4 =	vsel vm0, $0x3F800000, v3  }
0x343: {  	[tilespmem:s22+$0x14CC0] =	vst v4  }
0x344: {  	v4 =	vld [tilespmem:s26+$0x80D0];
	_ =	sdelay $0x4  }
0x345: {  	vm13 =	vlt.f32 v4, $0.0e+00;
	vm14 =	vgt.f32 v4, $0.0e+00  }
0x346: {  	vm0 =	vmor vm14, vm13  }
0x347: {  	s23 =	sadd.s32 $0x80, s23;
	s25 =	smov.u32 s24;
	v4 =	vsel vm0, $0x3F800000, v3  }
0x348: {  	s25 =	sand.u32 $0x3000, s25;
	s28 =	sand.u32 $0x380, s23;
	[tilespmem:s22+$0x14CD0] =	vst v4  }
0x349: {  	s28 =	sor.u32 s28, s25;
	v4 =	vld [tilespmem:s26+$0x80E0]  }
0x34a: {  	v5 =	vld [tilespmem:s28+$0xC8E0]  }
0x34b: {  	v6 =	vld [tilespmem:s28+$0xC880]  }
0x34c: {  	v7 =	vld [tilespmem:s28+$0xC0C0]  }
0x34d: {  	v8 =	vld [tilespmem:s28+$0xC0D0]  }
0x34e: {  	v9 =	vld [tilespmem:s28+$0xC0B0];
	vm15 =	vlt.f32 v4, $0.0e+00;
	vm4 =	vgt.f32 v4, $0.0e+00  }
0x34f: {  	v11 =	vld [tilespmem:s28+$0xC080];
	vm0 =	vmor vm4, vm15  }
0x350: {  	v10 =	vld [tilespmem:s28+$0xC090];
	v4 =	vsel vm0, $0x3F800000, v3  }
0x351: {  	vm5 =	vlt.f32 v5, $0.0e+00;
	vm2 =	vgt.f32 v5, $0.0e+00;
	v5 =	vld [tilespmem:s28+$0xC0E0];
	[tilespmem:s22+$0x14CE0] =	vst v4  }
0x352: {  	v16 =	vimm.s32 $0x0;
	vm1 =	vmor vm2, vm5;
	v12 =	vld [tilespmem:s26+$0x80F0]  }
0x353: {  	vm6 =	vlt.f32 v6, $0.0e+00;
	vm7 =	vgt.f32 v6, $0.0e+00;
	v6 =	vsel vm1, $0x3F800000, v3;
	v4 =	vld [tilespmem:s28+$0xC0F0]  }
0x354: {  	vm8 =	vlt.f32 v9, $0.0e+00;
	vm3 =	vgt.f32 v8, $0.0e+00;
	vm9 =	vlt.f32 v11, $0.0e+00;
	[tilespmem:s28+$0x148E0] =	vst v6;
	v6 =	vld [tilespmem:s28+$0xC480]  }
0x355: {  	vm10 =	vgt.f32 v9, $0.0e+00;
	vm4 =	vgt.f32 v7, $0.0e+00;
	vm5 =	vgt.f32 v11, $0.0e+00;
	v50 =	vld [tilespmem:s28+$0xC490]  }
0x356: {  	vm0 =	vmor vm7, vm6;
	vm1 =	vmor vm10, vm8;
	vm6 =	vlt.f32 v7, $0.0e+00;
	v7 =	vld [tilespmem:s28+$0xC4A0]  }
0x357: {  	vm2 =	vmor vm5, vm9;
	vm8 =	vlt.f32 v8, $0.0e+00;
	vm5 =	vgt.f32 v10, $0.0e+00;
	v14 =	vld [tilespmem:s28+$0xC4B0]  }
0x358: {  	v13 =	vsel vm0, $0x3F800000, v3;
	v51 =	vsel vm1, $0x3F800000, v3;
	vm11 =	vmor vm4, vm6;
	v52 =	vld [tilespmem:s28+$0xC4C0]  }
0x359: {  	vm4 =	vlt.f32 v10, $0.0e+00;
	v53 =	vld [tilespmem:s28+$0xC4D0];
	vm9 =	vlt.f32 v5, $0.0e+00;
	vm10 =	vgt.f32 v5, $0.0e+00  }
0x35a: {  	vm3 =	vmor vm3, vm8;
	v63 =	vsel vm2, $0x3F800000, v3;
	v54 =	vld [tilespmem:s28+$0xC4F0];
	vm15 =	vmor vm10, vm9  }
0x35b: {  	v15 =	vsel vm11, $0x3F800000, v3;
	v55 =	vld [tilespmem:s28+$0xC0A0];
	v56 =	vsel vm3, $0x3F800000, v3;
	v20 =	vsel vm15, $0x3F800000, v3  }
0x35c: {  	v5 =	vld [tilespmem:s28+$0xC4E0];
	vm12 =	vlt.f32 v4, $0.0e+00;
	vm7 =	vlt.f32 v12, $0.0e+00;
	vm14 =	vgt.f32 v12, $0.0e+00  }
0x35d: {  	v18 =	vld [tilespmem:s28+$0xC890];
	vm11 =	vgt.f32 v50, $0.0e+00;
	v16 =	vsel vm12, $0xFFFFFFFF, v16;
	vm7 =	vmor vm14, vm7  }
0x35e: {  	vm1 =	vlt.f32 v6, $0.0e+00;
	vm3 =	vgt.f32 v6, $0.0e+00;
	v6 =	vld [tilespmem:s28+$0xC8A0];
	[tilespmem:$0x1FBB0] =	vst v16;
	v19 =	vsel vm7, $0x3F800000, v3  }
0x35f: {  	vm6 =	vgt.f32 v7, $0.0e+00;
	vm8 =	vlt.f32 v7, $0.0e+00;
	v7 =	vld [tilespmem:s28+$0xC8B0];
	vm10 =	vlt.f32 v14, $0.0e+00;
	[tilespmem:s22+$0x14CF0] =	vst v19;
	s22 =	smov.u32 s28  }
0x360: {  	vm9 =	vlt.f32 v54, $0.0e+00;
	vm15 =	vlt.f32 v52, $0.0e+00;
	vm12 =	vlt.f32 v50, $0.0e+00;
	[tilespmem:s22+$0x14880] =	vst v13  }
0x361: {  	vm14 =	vgt.f32 v54, $0.0e+00;
	vm0 =	vgt.f32 v5, $0.0e+00;
	vm13 =	vmor vm11, vm12;
	[tilespmem:s22+$0x140D0] =	vst v56  }
0x362: {  	vm7 =	vgt.f32 v53, $0.0e+00;
	vm11 =	vlt.f32 v5, $0.0e+00;
	vm12 =	vgt.f32 v14, $0.0e+00;
	[tilespmem:s22+$0x140E0] =	vst v20  }
0x363: {  	vm14 =	vmor vm14, vm9;
	vm9 =	vgt.f32 v52, $0.0e+00;
	v17 =	vsel vm13, $0x3F800000, v3;
	[tilespmem:s22+$0x140C0] =	vst v15  }
0x364: {  	vm13 =	vlt.f32 v53, $0.0e+00;
	v59 =	vsel vm14, $0x3F800000, v3;
	vm12 =	vmor vm12, vm10;
	[tilespmem:s22+$0x140B0] =	vst v51  }
0x365: {  	vm0 =	vmor vm0, vm11;
	vm13 =	vmor vm7, vm13;
	v60 =	vsel vm12, $0x3F800000, v3;
	[tilespmem:s22+$0x144F0] =	vst v59  }
0x366: {  	vm7 =	vmor vm9, vm15;
	v61 =	vsel vm0, $0x3F800000, v3;
	vm15 =	vmor vm5, vm4;
	[tilespmem:s22+$0x14490] =	vst v17  }
0x367: {  	vm9 =	vmor vm6, vm8;
	vm0 =	vlt.f32 v55, $0.0e+00;
	[tilespmem:s22+$0x14080] =	vst v63;
	vm12 =	vlt.f32 v18, $0.0e+00  }
0x368: {  	v58 =	vld [tilespmem:s22+$0xC8D0];
	vm14 =	vlt.f32 v6, $0.0e+00;
	vm11 =	vgt.f32 v6, $0.0e+00;
	v6 =	vsel vm15, $0x3F800000, v3;
	[tilespmem:s22+$0x144B0] =	vst v60  }
0x369: {  	v5 =	vld [tilespmem:s22+$0xC8F0];
	v62 =	vsel vm9, $0x3F800000, v3;
	[tilespmem:s22+$0x144E0] =	vst v61;
	vm5 =	vmor vm11, vm14;
	vm14 =	vgt.f32 v18, $0.0e+00  }
0x36a: {  	vm4 =	vgt.f32 v7, $0.0e+00;
	[tilespmem:s22+$0x14090] =	vst v6;
	v6 =	vsel vm5, $0x3F800000, v3;
	vm9 =	vmor vm14, vm12  }
0x36b: {  	vm15 =	vgt.f32 v55, $0.0e+00;
	[tilespmem:s22+$0x148A0] =	vst v6;
	v6 =	vsel vm9, $0x3F800000, v3;
	vm9 =	vgt.f32 v4, $0.0e+00;
	v4 =	vld [tilespmem:$0x1FBB0]  }
0x36c: {  	vm2 =	vlt.f32 v7, $0.0e+00;
	v7 =	vsel vm13, $0x3F800000, v3;
	[tilespmem:s22+$0x144A0] =	vst v62;
	vm0 =	vmor vm15, vm0  }
0x36d: {  	vm1 =	vmor vm3, vm1;
	v57 =	vld [tilespmem:s22+$0xC8C0];
	[tilespmem:s22+$0x144D0] =	vst v7;
	v7 =	vsel vm0, $0x3F800000, v3  }
0x36e: {  	[tilespmem:s22+$0x140A0] =	vst v7;
	vm6 =	vgt.f32 v58, $0.0e+00;
	vm8 =	vlt.f32 v5, $0.0e+00;
	vm10 =	vlt.f32 v58, $0.0e+00  }
0x36f: {  	[tilespmem:s22+$0x14890] =	vst v6;
	vm12 =	vgt.f32 v5, $0.0e+00;
	v6 =	vsel vm1, $0x3F800000, v3;
	vm3 =	vmor vm6, vm10  }
0x370: {  	vm13 =	vmor vm12, vm8;
	[tilespmem:s22+$0x14480] =	vst v6;
	v5 =	vsel vm3, $0x3F800000, v3;
	vm11 =	vnez.u8 v4  }
0x371: {  	[tilespmem:s22+$0x148D0] =	vst v5;
	v5 =	vsel vm13, $0x3F800000, v3;
	vm0 =	vmor vm9, vm11  }
0x372: {  	vm14 =	vlt.f32 v57, $0.0e+00;
	[tilespmem:s22+$0x148F0] =	vst v5;
	v4 =	vsel vm0, $0x3F800000, v3  }
0x373: {  	vm15 =	vgt.f32 v57, $0.0e+00;
	vm6 =	vmor vm4, vm2;
	[tilespmem:s22+$0x140F0] =	vst v4;
	v4 =	vsel vm7, $0x3F800000, v3  }
0x374: {  	vm7 =	vmor vm15, vm14;
	[tilespmem:s22+$0x144C0] =	vst v4;
	v4 =	vsel vm6, $0x3F800000, v3  }
0x375: {  	s25 =	sor.u32 s25, s23;
	v7 =	vsel vm7, $0x3F800000, v3;
	[tilespmem:s22+$0x148B0] =	vst v4  }
0x376: {  	s26 =	sor.u32 $0x4C00, s25;
	[tilespmem:s22+$0x148C0] =	vst v7  }
0x377: {  	v4 =	vld [tilespmem:s26+$0x8080];
	_ =	sdelay $0x4  }
0x378: {  	vm8 =	vlt.f32 v4, $0.0e+00;
	vm9 =	vgt.f32 v4, $0.0e+00  }
0x379: {  	vm0 =	vmor vm9, vm8  }
0x37a: {  	v4 =	vsel vm0, $0x3F800000, v3  }
0x37b: {  	[tilespmem:s22+$0x14C80] =	vst v4  }
0x37c: {  	v4 =	vld [tilespmem:s26+$0x8090];
	_ =	sdelay $0x4  }
0x37d: {  	vm10 =	vlt.f32 v4, $0.0e+00;
	vm11 =	vgt.f32 v4, $0.0e+00  }
0x37e: {  	vm0 =	vmor vm11, vm10  }
0x37f: {  	v4 =	vsel vm0, $0x3F800000, v3  }
0x380: {  	[tilespmem:s22+$0x14C90] =	vst v4  }
0x381: {  	v4 =	vld [tilespmem:s26+$0x80A0];
	_ =	sdelay $0x4  }
0x382: {  	vm12 =	vlt.f32 v4, $0.0e+00;
	vm13 =	vgt.f32 v4, $0.0e+00  }
0x383: {  	vm0 =	vmor vm13, vm12  }
0x384: {  	v4 =	vsel vm0, $0x3F800000, v3  }
0x385: {  	[tilespmem:s22+$0x14CA0] =	vst v4  }
0x386: {  	v4 =	vld [tilespmem:s26+$0x80B0];
	_ =	sdelay $0x1  }
0x387: {  	p0 =	sne.s32 s24, $0x3E00  }
.Ltmp3:
0x388: {  	_ = 	snop;
	(pc) =	sbr.rel @p0 .LBB2_8-.Ltmp3, $4  }
0x389: {  	_ = 	snop  }
0x38a: {  	vm14 =	vlt.f32 v4, $0.0e+00;
	vm15 =	vgt.f32 v4, $0.0e+00  }
0x38b: {  	vm0 =	vmor vm15, vm14  }
0x38c: {  	s24 =	sadd.s32 $0x200, s24;
	v4 =	vsel vm0, $0x3F800000, v3  }
0x38d: {  	[tilespmem:s22+$0x14CB0] =	vst v4  }
0x38e: {  	v4 =	vld [tilespmem:s26+$0x80C0];
	_ =	sdelay $0x4  }
0x38f: {  	vm0 =	vlt.f32 v4, $0.0e+00;
	vm1 =	vgt.f32 v4, $0.0e+00  }
0x390: {  	vm0 =	vmor vm1, vm0  }
0x391: {  	v4 =	vsel vm0, $0x3F800000, v3  }
0x392: {  	[tilespmem:s22+$0x14CC0] =	vst v4  }
0x393: {  	v4 =	vld [tilespmem:s26+$0x80D0];
	_ =	sdelay $0x4  }
0x394: {  	vm10 =	vlt.f32 v4, $0.0e+00;
	vm11 =	vgt.f32 v4, $0.0e+00  }
0x395: {  	vm0 =	vmor vm11, vm10  }
0x396: {  	v4 =	vsel vm0, $0x3F800000, v3  }
0x397: {  	[tilespmem:s22+$0x14CD0] =	vst v4  }
0x398: {  	v4 =	vld [tilespmem:s26+$0x80E0];
	_ =	sdelay $0x4  }
0x399: {  	vm12 =	vlt.f32 v4, $0.0e+00;
	vm13 =	vgt.f32 v4, $0.0e+00  }
0x39a: {  	vm0 =	vmor vm13, vm12  }
0x39b: {  	v4 =	vsel vm0, $0x3F800000, v3  }
0x39c: {  	[tilespmem:s22+$0x14CE0] =	vst v4  }
0x39d: {  	v4 =	vld [tilespmem:s26+$0x80F0];
	_ =	sdelay $0x4  }
0x39e: {  	vm14 =	vlt.f32 v4, $0.0e+00;
	vm15 =	vgt.f32 v4, $0.0e+00  }
0x39f: {  	vm0 =	vmor vm15, vm14  }
0x3a0: {  	v4 =	vsel vm0, $0x3F800000, v3  }
0x3a1: {  	[tilespmem:s22+$0x14CF0] =	vst v4  }
0x3a2: {  	[hbm4b:s12+s2] =	stream.linear.scatter [tilespmem:s0], [sflag:$0x6], $0x4000, $0x38;
	[tilespmem:$0x18080] =	vst v63  }
0x3a3: {  	_ =	swait.ge [sflag:s19], $0x8000  }
0x3a4: {  	[sflag:s19] =	ssyncset.done $0x0  }
0x3a5: {  	[sflag:s19] =	ssyncadd.s32 $0xFFFF8000  }
0x3a6: {  	_ =	swait.ge [sflag:s20], $0x8000  }
0x3a7: {  	[sflag:s20] =	ssyncset.done $0x0  }
0x3a8: {  	s21 =	sadd.s32 $0x1, s21;
	[sflag:s20] =	ssyncadd.s32 $0xFFFF8000  }
0x3a9: {  	p0 =	sne.s32 s21, s13;
	_ =	swait.ge [sflag:s17], $0x4000  }
.Ltmp4:
0x3aa: {  	[sflag:s17] =	ssyncset.done $0x0;
	(pc) =	sbr.rel @p0 .LBB2_1-.Ltmp4, $4  }
0x3ab: {  	[sflag:s17] =	ssyncadd.s32 $0xFFFFC000  }
0x3ac: {  	_ =	swait.ge [sflag:s18], $0x4000  }
0x3ad: {  	[sflag:s18] =	ssyncset.done $0x0  }
0x3ae: {  	[sflag:s18] =	ssyncadd.s32 $0xFFFFC000  }
0x3af: {  	_ =	sfence.sel $0x180000  }
0x3b0: {  	[bflag:$0x0] =	sbarrier.arrive $0xFFFF  }
0x3b1: {  	_ =	strace $0x90000047  }
0x3b2: {  	s0 =	stileid.u32;
	[bflag:$0x2] =	sbarrier.arrive $0xFFFF  }
0x3b3: {  	p0 =	sne.s32 s0, $0x0;
	s0 =	rddreg [dreg:$0x3]  }
0x3b4: {  	s0 =	sadd.s32 @!p0 $0x100000, s0  }
0x3b5: {  	[sflag:s0] =	ssyncadd.tile.s32 @!p0 $0x1;
	_ =	shalt  }
.Lfunc_end2:
_tile_overlayer_lowered:
.L_overlay_start_2:
0x3b6: {  	(tag) =	ssettag $0x2  }
0x3b7: {  	s0 =	rddreg [dreg:$0x0];
	s2 =	stileid.u32  }
0x3b8: {  	s1 =	rddreg [dreg:$0x1];
	p0 =	sne.s32 s2, $0x0  }
0x3b9: {  	s3 =	rddreg [dreg:$0x2];
	[bflag:$0x3] =	sbarrier.arrive $0xFFFF;
	s2 =	simm.s32 @!p0 $0x1C07  }
0x3ba: {  	[timem:s3], [sflag:s2] =	dma.local @!p0 [hbm:s0], s1  }
0x3bb: {  	s0 =	simm.s32 @!p0 $0x7  }
0x3bc: {  	_ =	swait.ge @!p0 [sflag:s0], s1  }
0x3bd: {  	s1 =	ssub.s32 @!p0 $0x0, s1;
	[sflag:s0] =	ssyncset.done @!p0 $0x0  }
0x3be: {  	[sflag:s0] =	ssyncadd.s32 @!p0 s1  }
0x3bf: {  	[bflag:$0x3] =	sbarrier.arrive $0xFFFF  }
0x3c0: {  	_ =	shalt  }

</sc_bundles>
